<compile_context>
chip_gen: v7x
topology: tpu7x:2x2x1
jax: 0.10.2.dev20260603
libtpu: 0.0.44.dev20260713+nightly
codegen_flags: <defaults>
</compile_context>

<pallas_src>
import jax
import jax.numpy as jnp
from jax import lax
from jax.experimental import pallas as pl
from jax.experimental.pallas import tpu as pltpu
import jax.experimental.pallas.tpu_sc as plsc

B = 16384
D = 64
K = 20
NC, NS, L = 2, 16, 16
NW = NC * NS
BW = B // NW
C = 64
NCH = BW // C
NGR = C * K // 128
DW = 32
def _sc_body(pos_v_hbm, pos_u_hbm, neg_v_hbm, w_hbm, table_hbm,
             pos_out_hbm, neg_out_hbm, wexp_out_hbm,
             idxv, idxu, idxn, wbuf,
             rows_v, rows_u, rows_n,
             pos_o, neg_o, wexp_o, sem0, sem1, semi):
    wid = lax.axis_index("s") * NC + lax.axis_index("c")
    iota = lax.iota(jnp.int32, L)
    sems = (sem0, sem1)
    wbase = wid * BW

    with jax.named_scope("idx_stage"):
        pltpu.async_copy(pos_v_hbm.at[pl.ds(wbase, BW)], idxv, semi)
        pltpu.async_copy(pos_u_hbm.at[pl.ds(wbase, BW)], idxu, semi)
        pltpu.async_copy(neg_v_hbm.at[pl.ds(wbase * K, BW * K)], idxn, semi)
        cp_w = pltpu.async_copy(w_hbm.at[pl.ds(wbase, BW)], wbuf, semi)
        pltpu.make_async_copy(
            pos_v_hbm.at[pl.ds(0, BW)], idxv, semi).wait()
        pltpu.make_async_copy(
            pos_u_hbm.at[pl.ds(0, BW)], idxu, semi).wait()
        pltpu.make_async_copy(
            neg_v_hbm.at[pl.ds(0, BW * K)], idxn, semi).wait()
        cp_w.wait()

    def _permute(ref, n):
        def pbody(i, c):
            v = ref[pl.ds(i * L, L)]
            ref[pl.ds(i * L, L)] = ((v & -TW) + ((v & (TW // 4 - 1)) << 2)
                                    + ((v >> TWLOG) & 3))
            return c
        lax.fori_loop(0, n, pbody, 0)

    with jax.named_scope("idx_perm"):
        _permute(idxv, BW // L)
        _permute(idxu, BW // L)
        _permute(idxn, BW * K // L)

    def fire(c, p):
        co = c * C
        pltpu.async_copy(
            table_hbm.at[idxv.at[pl.ds(co, C)]], rows_v.at[p], sems[p])
        pltpu.async_copy(
            table_hbm.at[idxu.at[pl.ds(co, C)]], rows_u.at[p], sems[p])
        for r in range(NGR):
            pltpu.async_copy(
                table_hbm.at[idxn.at[pl.ds(co * K + r * 128, 128)]],
                rows_n.at[p].at[pl.ds(r * 128, 128)], sems[p])

    def drain(p):
        with jax.named_scope("drain"):
            pltpu.make_async_copy(
                table_hbm.at[pl.ds(0, C)], rows_v.at[p], sems[p]).wait()
            pltpu.make_async_copy(
                table_hbm.at[pl.ds(0, C)], rows_u.at[p], sems[p]).wait()
            pltpu.make_async_copy(
                table_hbm.at[pl.ds(0, C * K)], rows_n.at[p], sems[p]).wait()

    def compute(c, p):
        co = c * C
        rv, ru, rn = rows_v.at[p], rows_u.at[p], rows_n.at[p]

        JU = 4

        def _unp(word):
            return plsc.unpack(plsc.bitcast(word, jnp.bfloat16),
                               format=plsc.PackFormat.INTERLEAVED)

        def group_body(g, gcarry):
            gb = g * L
            row = gb + iota
            nrow0 = row * K

            def j_body(jj, accs):
                pos_acc, nacc = accs
                nacc = list(nacc)
                for jx in range(JU):
                    colj = (iota + (jj * JU + jx)) & (DW - 1)
                    va, vb = _unp(plsc.load_gather(rv, [row, colj]))
                    ua, ub = _unp(plsc.load_gather(ru, [row, colj]))
                    pos_acc = pos_acc + va * ua + vb * ub
                    for k in range(K):
                        na, nb = _unp(
                            plsc.load_gather(rn, [nrow0 + k, colj]))
                        nacc[k] = nacc[k] + na * va + nb * vb
                return pos_acc, tuple(nacc)

            pos_acc, nacc = lax.fori_loop(
                0, DW // JU, j_body,
                (jnp.zeros((L,), jnp.float32),
                 tuple(jnp.zeros((L,), jnp.float32) for _ in range(K))))
            wvec = wbuf[pl.ds(co + gb, L)]
            pos_o[pl.ds(co + gb, L)] = pos_acc
            onrow0 = co * K + nrow0
            for k in range(K):
                plsc.store_scatter(neg_o, [onrow0 + k], nacc[k])
                plsc.store_scatter(wexp_o, [onrow0 + k], wvec)
            return gcarry

        with jax.named_scope("dotprod"):
            lax.fori_loop(0, C // L, group_body, 0)

    fire(0, 0)

    def outer(cc, carry):
        c0 = cc * 2
        fire(c0 + 1, 1)
        drain(0)
        compute(c0, 0)

        @pl.when(c0 + 2 < NCH)
        def _():
            fire(c0 + 2, 0)

        drain(1)
        compute(c0 + 1, 1)
        return carry

    lax.fori_loop(0, NCH // 2, outer, 0)

    with jax.named_scope("out_copy"):
        pltpu.sync_copy(pos_o, pos_out_hbm.at[pl.ds(wbase, BW)])
        pltpu.sync_copy(neg_o, neg_out_hbm.at[pl.ds(wbase * K, BW * K)])
        pltpu.sync_copy(wexp_o, wexp_out_hbm.at[pl.ds(wbase * K, BW * K)])


def _sc_scores(pos_v, pos_u, neg_v2d, weights, table):
    mesh = plsc.VectorSubcoreMesh(core_axis_name="c", subcore_axis_name="s")
    f = pl.kernel(
        _sc_body,
        mesh=mesh,
        out_type=[
            jax.ShapeDtypeStruct((B,), jnp.float32),
            jax.ShapeDtypeStruct((B * K,), jnp.float32),
            jax.ShapeDtypeStruct((B * K,), jnp.float32),
        ],
        scratch_types=[
            pltpu.VMEM((BW,), jnp.int32),
            pltpu.VMEM((BW,), jnp.int32),
            pltpu.VMEM((BW * K,), jnp.int32),
            pltpu.VMEM((BW,), jnp.float32),
            pltpu.VMEM((2, C, DW), jnp.int32),
            pltpu.VMEM((2, C, DW), jnp.int32),
            pltpu.VMEM((2, C * K, DW), jnp.int32),
            pltpu.VMEM((BW,), jnp.float32),
            pltpu.VMEM((BW * K,), jnp.float32),
            pltpu.VMEM((BW * K,), jnp.float32),
            pltpu.SemaphoreType.DMA,
            pltpu.SemaphoreType.DMA,
            pltpu.SemaphoreType.DMA,
        ],
        compiler_params=pltpu.CompilerParams(
            needs_layout_passes=False, use_tc_tiling_on_sc=False),
    )
    return f(pos_v, pos_u, neg_v2d, weights, table)


TW = 16384
TWLOG = 12
TGRID = 62
VPAD = TGRID * TW


def _tr_body(in_ref, out_ref):
    x = in_ref[...].astype(jnp.bfloat16)
    eye = jnp.eye(64, dtype=jnp.bfloat16)
    y = jax.lax.dot_general(
        x, eye, dimension_numbers=(((0,), (0,)), ((), ())),
        preferred_element_type=jnp.float32)
    ilo = lax.bitcast_convert_type(y[:, :DW], jnp.int32)
    ihi = lax.bitcast_convert_type(y[:, DW:], jnp.int32)
    w = ((ilo >> 16) & 0xFFFF) | (ihi & -65536)
    q = TW // 4
    out_ref[...] = jnp.concatenate(
        [w[:q], w[q:2 * q], w[2 * q:3 * q], w[3 * q:]], axis=1)


def _tc_transpose(table_cm):
    return pl.pallas_call(
        _tr_body,
        grid=(TGRID,),
        in_specs=[pl.BlockSpec((64, TW), lambda g: (0, g))],
        out_specs=pl.BlockSpec((TW // 4, 128), lambda g: (g, 0)),
        out_shape=jax.ShapeDtypeStruct((VPAD // 4, 128), jnp.int32),
    )(table_cm)


def _log_sigmoid(x):
    return jnp.minimum(x, 0.0) - jnp.log1p(jnp.exp(-jnp.abs(x)))


def _tc_body(pos_ref, w_ref, neg_ref, wexp_ref, out_ref):
    g = pl.program_id(0)
    part = jnp.sum(wexp_ref[...] * _log_sigmoid(-neg_ref[...]))

    @pl.when(g == 0)
    def _():
        out_ref[...] = jnp.reshape(
            -jnp.sum(w_ref[...] * _log_sigmoid(pos_ref[...])), (1, 1))

    out_ref[...] = out_ref[...] - jnp.reshape(part, (1, 1))


def kernel(pos_v, pos_u, neg_v, weights, table):
    pos_v = pos_v.astype(jnp.int32)
    pos_u = pos_u.astype(jnp.int32)
    negflat = neg_v.astype(jnp.int32).reshape(B * K)
    table_rm = _tc_transpose(jnp.swapaxes(table, 0, 1))
    table_rm = table_rm.reshape(VPAD, DW)
    pos_s, neg_s, wexp = _sc_scores(pos_v, pos_u, negflat, weights, table_rm)
    nrows = B * K // 128
    res = pl.pallas_call(
        _tc_body,
        grid=(B * K // (128 * 128),),
        in_specs=[
            pl.BlockSpec((B // 128, 128), lambda g: (0, 0)),
            pl.BlockSpec((B // 128, 128), lambda g: (0, 0)),
            pl.BlockSpec((128, 128), lambda g: (g, 0)),
            pl.BlockSpec((128, 128), lambda g: (g, 0)),
        ],
        out_specs=pl.BlockSpec((1, 1), lambda g: (0, 0)),
        out_shape=jax.ShapeDtypeStruct((1, 1), jnp.float32),
    )(pos_s.reshape(B // 128, 128), weights.reshape(B // 128, 128),
      neg_s.reshape(nrows, 128), wexp.reshape(nrows, 128))
    return res[0, 0]

# --- scband reference (transcript-rebuilt; emitter-appended) ---
"""Pipeline reference for scband-line2nd-model-33973191311965 (READ-ONLY COPY).

The authoritative reference and input builder live on the scoring server;
editing this copy changes nothing except your own understanding.
"""

import jax, jax.numpy as jnp
import numpy as np

N_VERTICES = 1000000
N_DIM = 64
BATCH = 16384
NEG = 20

def setup_inputs(seed: int = 0) -> dict:
    key = jax.random.key(seed)
    k1, k2, k3, k4, k5 = jax.random.split(key, 5)
    table = jax.random.normal(k1, (N_VERTICES, N_DIM), dtype=jnp.float32) * 0.01
    pos_v = jax.random.randint(k2, (BATCH,), 0, N_VERTICES, dtype=jnp.int64 if jax.config.jax_enable_x64 else jnp.int32)
    pos_u = jax.random.randint(k3, (BATCH,), 0, N_VERTICES, dtype=jnp.int64 if jax.config.jax_enable_x64 else jnp.int32)
    neg_v = jax.random.randint(k4, (BATCH, NEG), 0, N_VERTICES, dtype=jnp.int64 if jax.config.jax_enable_x64 else jnp.int32)
    weights = jax.random.uniform(k5, (BATCH,), dtype=jnp.float32)
    return {"pos_v": pos_v, "pos_u": pos_u, "neg_v": neg_v, "weights": weights, "table": table}

def reference(pos_v, pos_u, neg_v, weights, table):
    emb_v = jnp.take(table, pos_v, axis=0)          # [B, d]
    emb_u = jnp.take(table, pos_u, axis=0)          # [B, d]
    emb_neg_v = jnp.take(table, neg_v, axis=0)      # [B, K, d]
    # bmm(emb_neg_v [B,K,d], emb_v [B,d,1]) -> [B,K]
    neg_score = jnp.einsum('bkd,bd->bk', emb_neg_v, emb_v)
    neg_score = jax.nn.log_sigmoid(-neg_score)
    neg_score = jnp.sum(neg_score, axis=1)          # [B]
    pos_score = jnp.sum(emb_v * emb_u, axis=1)      # [B]
    score = jax.nn.log_sigmoid(pos_score) + neg_score
    score = -jnp.sum(weights * score)
    return score

if __name__ == "__main__":
    import jax
    _d = setup_inputs()
    print(jax.jit(kernel)(*tuple(_d.values())))

</pallas_src>

<mosaic_0001>
#map = affine_map<(d0, d1) -> (0)>
#map1 = affine_map<(d0, d1) -> (0, 0)>
module attributes {stable_mosaic.version = 14 : i64} {
  func.func @_sc_body(%arg0: i32, %arg1: i32, %arg2: memref<16384xi32, #tpu.memory_space<hbm>>, %arg3: memref<16384xi32, #tpu.memory_space<hbm>>, %arg4: memref<327680xi32, #tpu.memory_space<hbm>>, %arg5: memref<16384xf32, #tpu.memory_space<hbm>>, %arg6: memref<1015808x32xi32, #tpu.memory_space<hbm>>, %arg7: memref<16384xf32, #tpu.memory_space<hbm>>, %arg8: memref<327680xf32, #tpu.memory_space<hbm>>, %arg9: memref<327680xf32, #tpu.memory_space<hbm>>, %arg10: memref<512xi32, #tpu.memory_space<vmem>>, %arg11: memref<512xi32, #tpu.memory_space<vmem>>, %arg12: memref<10240xi32, #tpu.memory_space<vmem>>, %arg13: memref<512xf32, #tpu.memory_space<vmem>>, %arg14: memref<2x64x32xi32, #tpu.memory_space<vmem>>, %arg15: memref<2x64x32xi32, #tpu.memory_space<vmem>>, %arg16: memref<2x1280x32xi32, #tpu.memory_space<vmem>>, %arg17: memref<512xf32, #tpu.memory_space<vmem>>, %arg18: memref<10240xf32, #tpu.memory_space<vmem>>, %arg19: memref<10240xf32, #tpu.memory_space<vmem>>, %arg20: memref<!tpu.dma_semaphore, #tpu.memory_space<semaphore_mem>>, %arg21: memref<!tpu.dma_semaphore, #tpu.memory_space<semaphore_mem>>, %arg22: memref<!tpu.dma_semaphore, #tpu.memory_space<semaphore_mem>>) attributes {dimension_semantics = [#tpu.dimension_semantics<core_parallel>, #tpu.dimension_semantics<subcore_parallel>], iteration_bounds = array<i64: 2, 16>, scalar_prefetch = 0 : i64, scratch_operands = 13 : i64, tpu.core_type = #tpu.core_type<sc_vector_subcore>, window_params = [{transform_indices = #map}, {transform_indices = #map}, {transform_indices = #map}, {transform_indices = #map}, {transform_indices = #map1}, {transform_indices = #map}, {transform_indices = #map}, {transform_indices = #map}]} {
    %mul3A = arith.constant 2 : i32
    %mul3A_0 = arith.muli %arg1, %mul3A : i32
    %add3A = arith.addi %mul3A_0, %arg0 : i32
    %iota3A = tpu.iota {dimensions = array<i32: 0>} : vector<16xi32>
    %mul3A_1 = arith.constant 512 : i32
    %mul3A_2 = arith.muli %add3A, %mul3A_1 : i32
    "tpu.trace_start"() <{level = 10 : i32, message = "idx_stage"}> : () -> ()
    %dma_start3A = tpu.memref_slice %arg2[%mul3A_2] : memref<16384xi32, #tpu.memory_space<hbm>> -> memref<512xi32, #tpu.memory_space<hbm>>
    %dma_start3A_3 = tpu.memref_slice %arg2[%mul3A_2] : memref<16384xi32, #tpu.memory_space<hbm>> -> memref<512xi32, #tpu.memory_space<hbm>>
    tpu.enqueue_dma source(%dma_start3A_3 : memref<512xi32, #tpu.memory_space<hbm>>) target(%arg10 : memref<512xi32, #tpu.memory_space<vmem>>) target_semaphore(%arg22 : memref<!tpu.dma_semaphore, #tpu.memory_space<semaphore_mem>>)
    %dma_start3A_4 = tpu.memref_slice %arg3[%mul3A_2] : memref<16384xi32, #tpu.memory_space<hbm>> -> memref<512xi32, #tpu.memory_space<hbm>>
    %dma_start3A_5 = tpu.memref_slice %arg3[%mul3A_2] : memref<16384xi32, #tpu.memory_space<hbm>> -> memref<512xi32, #tpu.memory_space<hbm>>
    tpu.enqueue_dma source(%dma_start3A_5 : memref<512xi32, #tpu.memory_space<hbm>>) target(%arg11 : memref<512xi32, #tpu.memory_space<vmem>>) target_semaphore(%arg22 : memref<!tpu.dma_semaphore, #tpu.memory_space<semaphore_mem>>)
    %mul3A_6 = arith.constant 20 : i32
    %mul3A_7 = arith.muli %mul3A_2, %mul3A_6 : i32
    %dma_start3A_8 = tpu.memref_slice %arg4[%mul3A_7] : memref<327680xi32, #tpu.memory_space<hbm>> -> memref<10240xi32, #tpu.memory_space<hbm>>
    %dma_start3A_9 = tpu.memref_slice %arg4[%mul3A_7] : memref<327680xi32, #tpu.memory_space<hbm>> -> memref<10240xi32, #tpu.memory_space<hbm>>
    tpu.enqueue_dma source(%dma_start3A_9 : memref<10240xi32, #tpu.memory_space<hbm>>) target(%arg12 : memref<10240xi32, #tpu.memory_space<vmem>>) target_semaphore(%arg22 : memref<!tpu.dma_semaphore, #tpu.memory_space<semaphore_mem>>)
    %dma_start3A_10 = tpu.memref_slice %arg5[%mul3A_2] : memref<16384xf32, #tpu.memory_space<hbm>> -> memref<512xf32, #tpu.memory_space<hbm>>
    %dma_start3A_11 = tpu.memref_slice %arg5[%mul3A_2] : memref<16384xf32, #tpu.memory_space<hbm>> -> memref<512xf32, #tpu.memory_space<hbm>>
    tpu.enqueue_dma source(%dma_start3A_11 : memref<512xf32, #tpu.memory_space<hbm>>) target(%arg13 : memref<512xf32, #tpu.memory_space<vmem>>) target_semaphore(%arg22 : memref<!tpu.dma_semaphore, #tpu.memory_space<semaphore_mem>>)
    %dma_wait3A = arith.constant 0 : i32
    %dma_wait3A_12 = tpu.memref_slice %arg2[%dma_wait3A] : memref<16384xi32, #tpu.memory_space<hbm>> -> memref<512xi32, #tpu.memory_space<hbm>>
    %dma_wait3A_13 = arith.constant 0 : i32
    %dma_wait3A_14 = tpu.memref_slice %arg2[%dma_wait3A_13] : memref<16384xi32, #tpu.memory_space<hbm>> -> memref<512xi32, #tpu.memory_space<hbm>>
    tpu.wait_dma2 semaphore(%arg22 : memref<!tpu.dma_semaphore, #tpu.memory_space<semaphore_mem>>) src(%dma_wait3A_14 : memref<512xi32, #tpu.memory_space<hbm>>) dst(%arg10 : memref<512xi32, #tpu.memory_space<vmem>>)
    %dma_wait3A_15 = arith.constant 0 : i32
    %dma_wait3A_16 = tpu.memref_slice %arg3[%dma_wait3A_15] : memref<16384xi32, #tpu.memory_space<hbm>> -> memref<512xi32, #tpu.memory_space<hbm>>
    %dma_wait3A_17 = arith.constant 0 : i32
    %dma_wait3A_18 = tpu.memref_slice %arg3[%dma_wait3A_17] : memref<16384xi32, #tpu.memory_space<hbm>> -> memref<512xi32, #tpu.memory_space<hbm>>
    tpu.wait_dma2 semaphore(%arg22 : memref<!tpu.dma_semaphore, #tpu.memory_space<semaphore_mem>>) src(%dma_wait3A_18 : memref<512xi32, #tpu.memory_space<hbm>>) dst(%arg11 : memref<512xi32, #tpu.memory_space<vmem>>)
    %dma_wait3A_19 = arith.constant 0 : i32
    %dma_wait3A_20 = tpu.memref_slice %arg4[%dma_wait3A_19] : memref<327680xi32, #tpu.memory_space<hbm>> -> memref<10240xi32, #tpu.memory_space<hbm>>
    %dma_wait3A_21 = arith.constant 0 : i32
    %dma_wait3A_22 = tpu.memref_slice %arg4[%dma_wait3A_21] : memref<327680xi32, #tpu.memory_space<hbm>> -> memref<10240xi32, #tpu.memory_space<hbm>>
    tpu.wait_dma2 semaphore(%arg22 : memref<!tpu.dma_semaphore, #tpu.memory_space<semaphore_mem>>) src(%dma_wait3A_22 : memref<10240xi32, #tpu.memory_space<hbm>>) dst(%arg12 : memref<10240xi32, #tpu.memory_space<vmem>>)
    %dma_wait3A_23 = tpu.memref_slice %arg5[%mul3A_2] : memref<16384xf32, #tpu.memory_space<hbm>> -> memref<512xf32, #tpu.memory_space<hbm>>
    %dma_wait3A_24 = tpu.memref_slice %arg5[%mul3A_2] : memref<16384xf32, #tpu.memory_space<hbm>> -> memref<512xf32, #tpu.memory_space<hbm>>
    tpu.wait_dma2 semaphore(%arg22 : memref<!tpu.dma_semaphore, #tpu.memory_space<semaphore_mem>>) src(%dma_wait3A_24 : memref<512xf32, #tpu.memory_space<hbm>>) dst(%arg13 : memref<512xf32, #tpu.memory_space<vmem>>)
    "tpu.trace_stop"() : () -> ()
    "tpu.trace_start"() <{level = 10 : i32, message = "idx_perm"}> : () -> ()
    %scan3A = arith.constant 0 : i32
    %scan3A_25 = arith.constant 0 : i32
    %scan3A_26 = arith.constant 32 : i32
    %scan3A_27 = arith.addi %scan3A_25, %scan3A_26 : i32
    %scan3A_28 = arith.constant 1 : i32
    scf.for %scan3A_202 = %scan3A_25 to %scan3A_27 step %scan3A_28  : i32 {
      %mul3A_203 = arith.constant 16 : i32
      %mul3A_204 = arith.muli %scan3A_202, %mul3A_203 : i32
      %get3A = arith.index_cast %mul3A_204 : i32 to index
      %get3A_205 = tpu.vector_load %arg10[%get3A] {strides = array<i32>} : memref<512xi32, #tpu.memory_space<vmem>>, vector<16xi32>,
      %and3A = arith.constant -16384 : i32
      %and3A_206 = vector.broadcast %and3A : i32 to vector<16xi32>
      %and3A_207 = arith.andi %get3A_205, %and3A_206 : vector<16xi32>
      %and3A_208 = arith.constant 4095 : i32
      %and3A_209 = vector.broadcast %and3A_208 : i32 to vector<16xi32>
      %and3A_210 = arith.andi %get3A_205, %and3A_209 : vector<16xi32>
      %shift_left3A = arith.constant 2 : i32
      %shift_left3A_211 = vector.broadcast %shift_left3A : i32 to vector<16xi32>
      %shift_left3A_212 = arith.shli %and3A_210, %shift_left3A_211 : vector<16xi32>
      %add3A_213 = arith.addi %and3A_207, %shift_left3A_212 : vector<16xi32>
      %shift_right_arithmetic3A = arith.constant 12 : i32
      %shift_right_arithmetic3A_214 = vector.broadcast %shift_right_arithmetic3A : i32 to vector<16xi32>
      %shift_right_arithmetic3A_215 = arith.shrsi %get3A_205, %shift_right_arithmetic3A_214 : vector<16xi32>
      %and3A_216 = arith.constant 3 : i32
      %and3A_217 = vector.broadcast %and3A_216 : i32 to vector<16xi32>
      %and3A_218 = arith.andi %shift_right_arithmetic3A_215, %and3A_217 : vector<16xi32>
      %add3A_219 = arith.addi %add3A_213, %and3A_218 : vector<16xi32>
      %mul3A_220 = arith.constant 16 : i32
      %mul3A_221 = arith.muli %scan3A_202, %mul3A_220 : i32
      %swap3A = arith.index_cast %mul3A_221 : i32 to index
      %swap3A_222 = tpu.vector_load %arg10[%swap3A] {strides = array<i32>} : memref<512xi32, #tpu.memory_space<vmem>>, vector<16xi32>,
      tpu.vector_store %arg10[%swap3A], %add3A_219 {strides = array<i32>} : memref<512xi32, #tpu.memory_space<vmem>>, vector<16xi32>,
    }
    %scan3A_29 = arith.constant 32 : i32
    %scan3A_30 = arith.constant 0 : i32
    %scan3A_31 = arith.constant 0 : i32
    %scan3A_32 = arith.constant 32 : i32
    %scan3A_33 = arith.addi %scan3A_31, %scan3A_32 : i32
    %scan3A_34 = arith.constant 1 : i32
    scf.for %scan3A_202 = %scan3A_31 to %scan3A_33 step %scan3A_34  : i32 {
      %mul3A_203 = arith.constant 16 : i32
      %mul3A_204 = arith.muli %scan3A_202, %mul3A_203 : i32
      %get3A = arith.index_cast %mul3A_204 : i32 to index
      %get3A_205 = tpu.vector_load %arg11[%get3A] {strides = array<i32>} : memref<512xi32, #tpu.memory_space<vmem>>, vector<16xi32>,
      %and3A = arith.constant -16384 : i32
      %and3A_206 = vector.broadcast %and3A : i32 to vector<16xi32>
      %and3A_207 = arith.andi %get3A_205, %and3A_206 : vector<16xi32>
      %and3A_208 = arith.constant 4095 : i32
      %and3A_209 = vector.broadcast %and3A_208 : i32 to vector<16xi32>
      %and3A_210 = arith.andi %get3A_205, %and3A_209 : vector<16xi32>
      %shift_left3A = arith.constant 2 : i32
      %shift_left3A_211 = vector.broadcast %shift_left3A : i32 to vector<16xi32>
      %shift_left3A_212 = arith.shli %and3A_210, %shift_left3A_211 : vector<16xi32>
      %add3A_213 = arith.addi %and3A_207, %shift_left3A_212 : vector<16xi32>
      %shift_right_arithmetic3A = arith.constant 12 : i32
      %shift_right_arithmetic3A_214 = vector.broadcast %shift_right_arithmetic3A : i32 to vector<16xi32>
      %shift_right_arithmetic3A_215 = arith.shrsi %get3A_205, %shift_right_arithmetic3A_214 : vector<16xi32>
      %and3A_216 = arith.constant 3 : i32
      %and3A_217 = vector.broadcast %and3A_216 : i32 to vector<16xi32>
      %and3A_218 = arith.andi %shift_right_arithmetic3A_215, %and3A_217 : vector<16xi32>
      %add3A_219 = arith.addi %add3A_213, %and3A_218 : vector<16xi32>
      %mul3A_220 = arith.constant 16 : i32
      %mul3A_221 = arith.muli %scan3A_202, %mul3A_220 : i32
      %swap3A = arith.index_cast %mul3A_221 : i32 to index
      %swap3A_222 = tpu.vector_load %arg11[%swap3A] {strides = array<i32>} : memref<512xi32, #tpu.memory_space<vmem>>, vector<16xi32>,
      tpu.vector_store %arg11[%swap3A], %add3A_219 {strides = array<i32>} : memref<512xi32, #tpu.memory_space<vmem>>, vector<16xi32>,
    }
    %scan3A_35 = arith.constant 32 : i32
    %scan3A_36 = arith.constant 0 : i32
    %scan3A_37 = arith.constant 0 : i32
    %scan3A_38 = arith.constant 640 : i32
    %scan3A_39 = arith.addi %scan3A_37, %scan3A_38 : i32
    %scan3A_40 = arith.constant 1 : i32
    scf.for %scan3A_202 = %scan3A_37 to %scan3A_39 step %scan3A_40  : i32 {
      %mul3A_203 = arith.constant 16 : i32
      %mul3A_204 = arith.muli %scan3A_202, %mul3A_203 : i32
      %get3A = arith.index_cast %mul3A_204 : i32 to index
      %get3A_205 = tpu.vector_load %arg12[%get3A] {strides = array<i32>} : memref<10240xi32, #tpu.memory_space<vmem>>, vector<16xi32>,
      %and3A = arith.constant -16384 : i32
      %and3A_206 = vector.broadcast %and3A : i32 to vector<16xi32>
      %and3A_207 = arith.andi %get3A_205, %and3A_206 : vector<16xi32>
      %and3A_208 = arith.constant 4095 : i32
      %and3A_209 = vector.broadcast %and3A_208 : i32 to vector<16xi32>
      %and3A_210 = arith.andi %get3A_205, %and3A_209 : vector<16xi32>
      %shift_left3A = arith.constant 2 : i32
      %shift_left3A_211 = vector.broadcast %shift_left3A : i32 to vector<16xi32>
      %shift_left3A_212 = arith.shli %and3A_210, %shift_left3A_211 : vector<16xi32>
      %add3A_213 = arith.addi %and3A_207, %shift_left3A_212 : vector<16xi32>
      %shift_right_arithmetic3A = arith.constant 12 : i32
      %shift_right_arithmetic3A_214 = vector.broadcast %shift_right_arithmetic3A : i32 to vector<16xi32>
      %shift_right_arithmetic3A_215 = arith.shrsi %get3A_205, %shift_right_arithmetic3A_214 : vector<16xi32>
      %and3A_216 = arith.constant 3 : i32
      %and3A_217 = vector.broadcast %and3A_216 : i32 to vector<16xi32>
      %and3A_218 = arith.andi %shift_right_arithmetic3A_215, %and3A_217 : vector<16xi32>
      %add3A_219 = arith.addi %add3A_213, %and3A_218 : vector<16xi32>
      %mul3A_220 = arith.constant 16 : i32
      %mul3A_221 = arith.muli %scan3A_202, %mul3A_220 : i32
      %swap3A = arith.index_cast %mul3A_221 : i32 to index
      %swap3A_222 = tpu.vector_load %arg12[%swap3A] {strides = array<i32>} : memref<10240xi32, #tpu.memory_space<vmem>>, vector<16xi32>,
      tpu.vector_store %arg12[%swap3A], %add3A_219 {strides = array<i32>} : memref<10240xi32, #tpu.memory_space<vmem>>, vector<16xi32>,
    }
    %scan3A_41 = arith.constant 640 : i32
    %dma_start3A_42 = arith.constant 0 : i32
    "tpu.trace_stop"() : () -> ()
    %dma_start3A_43 = arith.constant 0 : i32
    %dma_start3A_44 = arith.constant 0 : i32
    %dma_start3A_45 = tpu.memref_slice %arg14[%dma_start3A_42, %dma_start3A_43, %dma_start3A_44] : memref<2x64x32xi32, #tpu.memory_space<vmem>> -> memref<1x64x32xi32, #tpu.memory_space<vmem>>
    %dma_start3A_46 = tpu.memref_squeeze %dma_start3A_45 : memref<1x64x32xi32, #tpu.memory_space<vmem>> -> memref<64x32xi32, #tpu.memory_space<vmem>>
    %dma_start3A_47 = arith.constant 0 : i32
    %dma_start3A_48 = tpu.memref_slice %arg10[%dma_start3A_47] : memref<512xi32, #tpu.memory_space<vmem>> -> memref<64xi32, #tpu.memory_space<vmem>>
    %dma_start3A_49 = arith.constant 0 : i32
    %dma_start3A_50 = arith.constant 0 : i32
    %dma_start3A_51 = tpu.memref_slice %arg6[%dma_start3A_49, %dma_start3A_50] : memref<1015808x32xi32, #tpu.memory_space<hbm>> -> memref<1015808x32xi32, #tpu.memory_space<hbm>>
    tpu.enqueue_indirect_dma source(%dma_start3A_51 : memref<1015808x32xi32, #tpu.memory_space<hbm>>) target(%dma_start3A_46 : memref<64x32xi32, #tpu.memory_space<vmem>>) offsets(%dma_start3A_48 : memref<64xi32, #tpu.memory_space<vmem>>) semaphore(%arg20 : memref<!tpu.dma_semaphore, #tpu.memory_space<semaphore_mem>>)
    %dma_start3A_52 = arith.constant 0 : i32
    %dma_start3A_53 = arith.constant 0 : i32
    %dma_start3A_54 = arith.constant 0 : i32
    %dma_start3A_55 = tpu.memref_slice %arg15[%dma_start3A_52, %dma_start3A_53, %dma_start3A_54] : memref<2x64x32xi32, #tpu.memory_space<vmem>> -> memref<1x64x32xi32, #tpu.memory_space<vmem>>
    %dma_start3A_56 = tpu.memref_squeeze %dma_start3A_55 : memref<1x64x32xi32, #tpu.memory_space<vmem>> -> memref<64x32xi32, #tpu.memory_space<vmem>>
    %dma_start3A_57 = arith.constant 0 : i32
    %dma_start3A_58 = tpu.memref_slice %arg11[%dma_start3A_57] : memref<512xi32, #tpu.memory_space<vmem>> -> memref<64xi32, #tpu.memory_space<vmem>>
    %dma_start3A_59 = arith.constant 0 : i32
    %dma_start3A_60 = arith.constant 0 : i32
    %dma_start3A_61 = tpu.memref_slice %arg6[%dma_start3A_59, %dma_start3A_60] : memref<1015808x32xi32, #tpu.memory_space<hbm>> -> memref<1015808x32xi32, #tpu.memory_space<hbm>>
    tpu.enqueue_indirect_dma source(%dma_start3A_61 : memref<1015808x32xi32, #tpu.memory_space<hbm>>) target(%dma_start3A_56 : memref<64x32xi32, #tpu.memory_space<vmem>>) offsets(%dma_start3A_58 : memref<64xi32, #tpu.memory_space<vmem>>) semaphore(%arg20 : memref<!tpu.dma_semaphore, #tpu.memory_space<semaphore_mem>>)
    %dma_start3A_62 = arith.constant 0 : i32
    %dma_start3A_63 = arith.constant 0 : i32
    %dma_start3A_64 = arith.constant 0 : i32
    %dma_start3A_65 = tpu.memref_slice %arg16[%dma_start3A_62, %dma_start3A_63, %dma_start3A_64] : memref<2x1280x32xi32, #tpu.memory_space<vmem>> -> memref<1x1280x32xi32, #tpu.memory_space<vmem>>
    %dma_start3A_66 = tpu.memref_squeeze %dma_start3A_65 : memref<1x1280x32xi32, #tpu.memory_space<vmem>> -> memref<1280x32xi32, #tpu.memory_space<vmem>>
    %dma_start3A_67 = arith.constant 0 : i32
    %dma_start3A_68 = arith.constant 0 : i32
    %dma_start3A_69 = tpu.memref_slice %dma_start3A_66[%dma_start3A_67, %dma_start3A_68] : memref<1280x32xi32, #tpu.memory_space<vmem>> -> memref<128x32xi32, #tpu.memory_space<vmem>>
    %dma_start3A_70 = arith.constant 0 : i32
    %dma_start3A_71 = tpu.memref_slice %arg12[%dma_start3A_70] : memref<10240xi32, #tpu.memory_space<vmem>> -> memref<128xi32, #tpu.memory_space<vmem>>
    %dma_start3A_72 = arith.constant 0 : i32
    %dma_start3A_73 = arith.constant 0 : i32
    %dma_start3A_74 = tpu.memref_slice %arg6[%dma_start3A_72, %dma_start3A_73] : memref<1015808x32xi32, #tpu.memory_space<hbm>> -> memref<1015808x32xi32, #tpu.memory_space<hbm>>
    tpu.enqueue_indirect_dma source(%dma_start3A_74 : memref<1015808x32xi32, #tpu.memory_space<hbm>>) target(%dma_start3A_69 : memref<128x32xi32, #tpu.memory_space<vmem>>) offsets(%dma_start3A_71 : memref<128xi32, #tpu.memory_space<vmem>>) semaphore(%arg20 : memref<!tpu.dma_semaphore, #tpu.memory_space<semaphore_mem>>)
    %dma_start3A_75 = arith.constant 0 : i32
    %dma_start3A_76 = arith.constant 0 : i32
    %dma_start3A_77 = arith.constant 0 : i32
    %dma_start3A_78 = tpu.memref_slice %arg16[%dma_start3A_75, %dma_start3A_76, %dma_start3A_77] : memref<2x1280x32xi32, #tpu.memory_space<vmem>> -> memref<1x1280x32xi32, #tpu.memory_space<vmem>>
    %dma_start3A_79 = tpu.memref_squeeze %dma_start3A_78 : memref<1x1280x32xi32, #tpu.memory_space<vmem>> -> memref<1280x32xi32, #tpu.memory_space<vmem>>
    %dma_start3A_80 = arith.constant 128 : i32
    %dma_start3A_81 = arith.constant 0 : i32
    %dma_start3A_82 = tpu.memref_slice %dma_start3A_79[%dma_start3A_80, %dma_start3A_81] : memref<1280x32xi32, #tpu.memory_space<vmem>> -> memref<128x32xi32, #tpu.memory_space<vmem>>
    %dma_start3A_83 = arith.constant 128 : i32
    %dma_start3A_84 = tpu.memref_slice %arg12[%dma_start3A_83] : memref<10240xi32, #tpu.memory_space<vmem>> -> memref<128xi32, #tpu.memory_space<vmem>>
    %dma_start3A_85 = arith.constant 0 : i32
    %dma_start3A_86 = arith.constant 0 : i32
    %dma_start3A_87 = tpu.memref_slice %arg6[%dma_start3A_85, %dma_start3A_86] : memref<1015808x32xi32, #tpu.memory_space<hbm>> -> memref<1015808x32xi32, #tpu.memory_space<hbm>>
    tpu.enqueue_indirect_dma source(%dma_start3A_87 : memref<1015808x32xi32, #tpu.memory_space<hbm>>) target(%dma_start3A_82 : memref<128x32xi32, #tpu.memory_space<vmem>>) offsets(%dma_start3A_84 : memref<128xi32, #tpu.memory_space<vmem>>) semaphore(%arg20 : memref<!tpu.dma_semaphore, #tpu.memory_space<semaphore_mem>>)
    %dma_start3A_88 = arith.constant 0 : i32
    %dma_start3A_89 = arith.constant 0 : i32
    %dma_start3A_90 = arith.constant 0 : i32
    %dma_start3A_91 = tpu.memref_slice %arg16[%dma_start3A_88, %dma_start3A_89, %dma_start3A_90] : memref<2x1280x32xi32, #tpu.memory_space<vmem>> -> memref<1x1280x32xi32, #tpu.memory_space<vmem>>
    %dma_start3A_92 = tpu.memref_squeeze %dma_start3A_91 : memref<1x1280x32xi32, #tpu.memory_space<vmem>> -> memref<1280x32xi32, #tpu.memory_space<vmem>>
    %dma_start3A_93 = arith.constant 256 : i32
    %dma_start3A_94 = arith.constant 0 : i32
    %dma_start3A_95 = tpu.memref_slice %dma_start3A_92[%dma_start3A_93, %dma_start3A_94] : memref<1280x32xi32, #tpu.memory_space<vmem>> -> memref<128x32xi32, #tpu.memory_space<vmem>>
    %dma_start3A_96 = arith.constant 256 : i32
    %dma_start3A_97 = tpu.memref_slice %arg12[%dma_start3A_96] : memref<10240xi32, #tpu.memory_space<vmem>> -> memref<128xi32, #tpu.memory_space<vmem>>
    %dma_start3A_98 = arith.constant 0 : i32
    %dma_start3A_99 = arith.constant 0 : i32
    %dma_start3A_100 = tpu.memref_slice %arg6[%dma_start3A_98, %dma_start3A_99] : memref<1015808x32xi32, #tpu.memory_space<hbm>> -> memref<1015808x32xi32, #tpu.memory_space<hbm>>
    tpu.enqueue_indirect_dma source(%dma_start3A_100 : memref<1015808x32xi32, #tpu.memory_space<hbm>>) target(%dma_start3A_95 : memref<128x32xi32, #tpu.memory_space<vmem>>) offsets(%dma_start3A_97 : memref<128xi32, #tpu.memory_space<vmem>>) semaphore(%arg20 : memref<!tpu.dma_semaphore, #tpu.memory_space<semaphore_mem>>)
    %dma_start3A_101 = arith.constant 0 : i32
    %dma_start3A_102 = arith.constant 0 : i32
    %dma_start3A_103 = arith.constant 0 : i32
    %dma_start3A_104 = tpu.memref_slice %arg16[%dma_start3A_101, %dma_start3A_102, %dma_start3A_103] : memref<2x1280x32xi32, #tpu.memory_space<vmem>> -> memref<1x1280x32xi32, #tpu.memory_space<vmem>>
    %dma_start3A_105 = tpu.memref_squeeze %dma_start3A_104 : memref<1x1280x32xi32, #tpu.memory_space<vmem>> -> memref<1280x32xi32, #tpu.memory_space<vmem>>
    %dma_start3A_106 = arith.constant 384 : i32
    %dma_start3A_107 = arith.constant 0 : i32
    %dma_start3A_108 = tpu.memref_slice %dma_start3A_105[%dma_start3A_106, %dma_start3A_107] : memref<1280x32xi32, #tpu.memory_space<vmem>> -> memref<128x32xi32, #tpu.memory_space<vmem>>
    %dma_start3A_109 = arith.constant 384 : i32
    %dma_start3A_110 = tpu.memref_slice %arg12[%dma_start3A_109] : memref<10240xi32, #tpu.memory_space<vmem>> -> memref<128xi32, #tpu.memory_space<vmem>>
    %dma_start3A_111 = arith.constant 0 : i32
    %dma_start3A_112 = arith.constant 0 : i32
    %dma_start3A_113 = tpu.memref_slice %arg6[%dma_start3A_111, %dma_start3A_112] : memref<1015808x32xi32, #tpu.memory_space<hbm>> -> memref<1015808x32xi32, #tpu.memory_space<hbm>>
    tpu.enqueue_indirect_dma source(%dma_start3A_113 : memref<1015808x32xi32, #tpu.memory_space<hbm>>) target(%dma_start3A_108 : memref<128x32xi32, #tpu.memory_space<vmem>>) offsets(%dma_start3A_110 : memref<128xi32, #tpu.memory_space<vmem>>) semaphore(%arg20 : memref<!tpu.dma_semaphore, #tpu.memory_space<semaphore_mem>>)
    %dma_start3A_114 = arith.constant 0 : i32
    %dma_start3A_115 = arith.constant 0 : i32
    %dma_start3A_116 = arith.constant 0 : i32
    %dma_start3A_117 = tpu.memref_slice %arg16[%dma_start3A_114, %dma_start3A_115, %dma_start3A_116] : memref<2x1280x32xi32, #tpu.memory_space<vmem>> -> memref<1x1280x32xi32, #tpu.memory_space<vmem>>
    %dma_start3A_118 = tpu.memref_squeeze %dma_start3A_117 : memref<1x1280x32xi32, #tpu.memory_space<vmem>> -> memref<1280x32xi32, #tpu.memory_space<vmem>>
    %dma_start3A_119 = arith.constant 512 : i32
    %dma_start3A_120 = arith.constant 0 : i32
    %dma_start3A_121 = tpu.memref_slice %dma_start3A_118[%dma_start3A_119, %dma_start3A_120] : memref<1280x32xi32, #tpu.memory_space<vmem>> -> memref<128x32xi32, #tpu.memory_space<vmem>>
    %dma_start3A_122 = arith.constant 512 : i32
    %dma_start3A_123 = tpu.memref_slice %arg12[%dma_start3A_122] : memref<10240xi32, #tpu.memory_space<vmem>> -> memref<128xi32, #tpu.memory_space<vmem>>
    %dma_start3A_124 = arith.constant 0 : i32
    %dma_start3A_125 = arith.constant 0 : i32
    %dma_start3A_126 = tpu.memref_slice %arg6[%dma_start3A_124, %dma_start3A_125] : memref<1015808x32xi32, #tpu.memory_space<hbm>> -> memref<1015808x32xi32, #tpu.memory_space<hbm>>
    tpu.enqueue_indirect_dma source(%dma_start3A_126 : memref<1015808x32xi32, #tpu.memory_space<hbm>>) target(%dma_start3A_121 : memref<128x32xi32, #tpu.memory_space<vmem>>) offsets(%dma_start3A_123 : memref<128xi32, #tpu.memory_space<vmem>>) semaphore(%arg20 : memref<!tpu.dma_semaphore, #tpu.memory_space<semaphore_mem>>)
    %dma_start3A_127 = arith.constant 0 : i32
    %dma_start3A_128 = arith.constant 0 : i32
    %dma_start3A_129 = arith.constant 0 : i32
    %dma_start3A_130 = tpu.memref_slice %arg16[%dma_start3A_127, %dma_start3A_128, %dma_start3A_129] : memref<2x1280x32xi32, #tpu.memory_space<vmem>> -> memref<1x1280x32xi32, #tpu.memory_space<vmem>>
    %dma_start3A_131 = tpu.memref_squeeze %dma_start3A_130 : memref<1x1280x32xi32, #tpu.memory_space<vmem>> -> memref<1280x32xi32, #tpu.memory_space<vmem>>
    %dma_start3A_132 = arith.constant 640 : i32
    %dma_start3A_133 = arith.constant 0 : i32
    %dma_start3A_134 = tpu.memref_slice %dma_start3A_131[%dma_start3A_132, %dma_start3A_133] : memref<1280x32xi32, #tpu.memory_space<vmem>> -> memref<128x32xi32, #tpu.memory_space<vmem>>
    %dma_start3A_135 = arith.constant 640 : i32
    %dma_start3A_136 = tpu.memref_slice %arg12[%dma_start3A_135] : memref<10240xi32, #tpu.memory_space<vmem>> -> memref<128xi32, #tpu.memory_space<vmem>>
    %dma_start3A_137 = arith.constant 0 : i32
    %dma_start3A_138 = arith.constant 0 : i32
    %dma_start3A_139 = tpu.memref_slice %arg6[%dma_start3A_137, %dma_start3A_138] : memref<1015808x32xi32, #tpu.memory_space<hbm>> -> memref<1015808x32xi32, #tpu.memory_space<hbm>>
    tpu.enqueue_indirect_dma source(%dma_start3A_139 : memref<1015808x32xi32, #tpu.memory_space<hbm>>) target(%dma_start3A_134 : memref<128x32xi32, #tpu.memory_space<vmem>>) offsets(%dma_start3A_136 : memref<128xi32, #tpu.memory_space<vmem>>) semaphore(%arg20 : memref<!tpu.dma_semaphore, #tpu.memory_space<semaphore_mem>>)
    %dma_start3A_140 = arith.constant 0 : i32
    %dma_start3A_141 = arith.constant 0 : i32
    %dma_start3A_142 = arith.constant 0 : i32
    %dma_start3A_143 = tpu.memref_slice %arg16[%dma_start3A_140, %dma_start3A_141, %dma_start3A_142] : memref<2x1280x32xi32, #tpu.memory_space<vmem>> -> memref<1x1280x32xi32, #tpu.memory_space<vmem>>
    %dma_start3A_144 = tpu.memref_squeeze %dma_start3A_143 : memref<1x1280x32xi32, #tpu.memory_space<vmem>> -> memref<1280x32xi32, #tpu.memory_space<vmem>>
    %dma_start3A_145 = arith.constant 768 : i32
    %dma_start3A_146 = arith.constant 0 : i32
    %dma_start3A_147 = tpu.memref_slice %dma_start3A_144[%dma_start3A_145, %dma_start3A_146] : memref<1280x32xi32, #tpu.memory_space<vmem>> -> memref<128x32xi32, #tpu.memory_space<vmem>>
    %dma_start3A_148 = arith.constant 768 : i32
    %dma_start3A_149 = tpu.memref_slice %arg12[%dma_start3A_148] : memref<10240xi32, #tpu.memory_space<vmem>> -> memref<128xi32, #tpu.memory_space<vmem>>
    %dma_start3A_150 = arith.constant 0 : i32
    %dma_start3A_151 = arith.constant 0 : i32
    %dma_start3A_152 = tpu.memref_slice %arg6[%dma_start3A_150, %dma_start3A_151] : memref<1015808x32xi32, #tpu.memory_space<hbm>> -> memref<1015808x32xi32, #tpu.memory_space<hbm>>
    tpu.enqueue_indirect_dma source(%dma_start3A_152 : memref<1015808x32xi32, #tpu.memory_space<hbm>>) target(%dma_start3A_147 : memref<128x32xi32, #tpu.memory_space<vmem>>) offsets(%dma_start3A_149 : memref<128xi32, #tpu.memory_space<vmem>>) semaphore(%arg20 : memref<!tpu.dma_semaphore, #tpu.memory_space<semaphore_mem>>)
    %dma_start3A_153 = arith.constant 0 : i32
    %dma_start3A_154 = arith.constant 0 : i32
    %dma_start3A_155 = arith.constant 0 : i32
    %dma_start3A_156 = tpu.memref_slice %arg16[%dma_start3A_153, %dma_start3A_154, %dma_start3A_155] : memref<2x1280x32xi32, #tpu.memory_space<vmem>> -> memref<1x1280x32xi32, #tpu.memory_space<vmem>>
    %dma_start3A_157 = tpu.memref_squeeze %dma_start3A_156 : memref<1x1280x32xi32, #tpu.memory_space<vmem>> -> memref<1280x32xi32, #tpu.memory_space<vmem>>
    %dma_start3A_158 = arith.constant 896 : i32
    %dma_start3A_159 = arith.constant 0 : i32
    %dma_start3A_160 = tpu.memref_slice %dma_start3A_157[%dma_start3A_158, %dma_start3A_159] : memref<1280x32xi32, #tpu.memory_space<vmem>> -> memref<128x32xi32, #tpu.memory_space<vmem>>
    %dma_start3A_161 = arith.constant 896 : i32
    %dma_start3A_162 = tpu.memref_slice %arg12[%dma_start3A_161] : memref<10240xi32, #tpu.memory_space<vmem>> -> memref<128xi32, #tpu.memory_space<vmem>>
    %dma_start3A_163 = arith.constant 0 : i32
    %dma_start3A_164 = arith.constant 0 : i32
    %dma_start3A_165 = tpu.memref_slice %arg6[%dma_start3A_163, %dma_start3A_164] : memref<1015808x32xi32, #tpu.memory_space<hbm>> -> memref<1015808x32xi32, #tpu.memory_space<hbm>>
    tpu.enqueue_indirect_dma source(%dma_start3A_165 : memref<1015808x32xi32, #tpu.memory_space<hbm>>) target(%dma_start3A_160 : memref<128x32xi32, #tpu.memory_space<vmem>>) offsets(%dma_start3A_162 : memref<128xi32, #tpu.memory_space<vmem>>) semaphore(%arg20 : memref<!tpu.dma_semaphore, #tpu.memory_space<semaphore_mem>>)
    %dma_start3A_166 = arith.constant 0 : i32
    %dma_start3A_167 = arith.constant 0 : i32
    %dma_start3A_168 = arith.constant 0 : i32
    %dma_start3A_169 = tpu.memref_slice %arg16[%dma_start3A_166, %dma_start3A_167, %dma_start3A_168] : memref<2x1280x32xi32, #tpu.memory_space<vmem>> -> memref<1x1280x32xi32, #tpu.memory_space<vmem>>
    %dma_start3A_170 = tpu.memref_squeeze %dma_start3A_169 : memref<1x1280x32xi32, #tpu.memory_space<vmem>> -> memref<1280x32xi32, #tpu.memory_space<vmem>>
    %dma_start3A_171 = arith.constant 1024 : i32
    %dma_start3A_172 = arith.constant 0 : i32
    %dma_start3A_173 = tpu.memref_slice %dma_start3A_170[%dma_start3A_171, %dma_start3A_172] : memref<1280x32xi32, #tpu.memory_space<vmem>> -> memref<128x32xi32, #tpu.memory_space<vmem>>
    %dma_start3A_174 = arith.constant 1024 : i32
    %dma_start3A_175 = tpu.memref_slice %arg12[%dma_start3A_174] : memref<10240xi32, #tpu.memory_space<vmem>> -> memref<128xi32, #tpu.memory_space<vmem>>
    %dma_start3A_176 = arith.constant 0 : i32
    %dma_start3A_177 = arith.constant 0 : i32
    %dma_start3A_178 = tpu.memref_slice %arg6[%dma_start3A_176, %dma_start3A_177] : memref<1015808x32xi32, #tpu.memory_space<hbm>> -> memref<1015808x32xi32, #tpu.memory_space<hbm>>
    tpu.enqueue_indirect_dma source(%dma_start3A_178 : memref<1015808x32xi32, #tpu.memory_space<hbm>>) target(%dma_start3A_173 : memref<128x32xi32, #tpu.memory_space<vmem>>) offsets(%dma_start3A_175 : memref<128xi32, #tpu.memory_space<vmem>>) semaphore(%arg20 : memref<!tpu.dma_semaphore, #tpu.memory_space<semaphore_mem>>)
    %dma_start3A_179 = arith.constant 0 : i32
    %dma_start3A_180 = arith.constant 0 : i32
    %dma_start3A_181 = arith.constant 0 : i32
    %dma_start3A_182 = tpu.memref_slice %arg16[%dma_start3A_179, %dma_start3A_180, %dma_start3A_181] : memref<2x1280x32xi32, #tpu.memory_space<vmem>> -> memref<1x1280x32xi32, #tpu.memory_space<vmem>>
    %dma_start3A_183 = tpu.memref_squeeze %dma_start3A_182 : memref<1x1280x32xi32, #tpu.memory_space<vmem>> -> memref<1280x32xi32, #tpu.memory_space<vmem>>
    %dma_start3A_184 = arith.constant 1152 : i32
    %dma_start3A_185 = arith.constant 0 : i32
    %dma_start3A_186 = tpu.memref_slice %dma_start3A_183[%dma_start3A_184, %dma_start3A_185] : memref<1280x32xi32, #tpu.memory_space<vmem>> -> memref<128x32xi32, #tpu.memory_space<vmem>>
    %dma_start3A_187 = arith.constant 1152 : i32
    %dma_start3A_188 = tpu.memref_slice %arg12[%dma_start3A_187] : memref<10240xi32, #tpu.memory_space<vmem>> -> memref<128xi32, #tpu.memory_space<vmem>>
    %dma_start3A_189 = arith.constant 0 : i32
    %dma_start3A_190 = arith.constant 0 : i32
    %dma_start3A_191 = tpu.memref_slice %arg6[%dma_start3A_189, %dma_start3A_190] : memref<1015808x32xi32, #tpu.memory_space<hbm>> -> memref<1015808x32xi32, #tpu.memory_space<hbm>>
    tpu.enqueue_indirect_dma source(%dma_start3A_191 : memref<1015808x32xi32, #tpu.memory_space<hbm>>) target(%dma_start3A_186 : memref<128x32xi32, #tpu.memory_space<vmem>>) offsets(%dma_start3A_188 : memref<128xi32, #tpu.memory_space<vmem>>) semaphore(%arg20 : memref<!tpu.dma_semaphore, #tpu.memory_space<semaphore_mem>>)
    %scan3A_192 = arith.constant 0 : i32
    %scan3A_193 = arith.constant 0 : i32
    %scan3A_194 = arith.constant 4 : i32
    %scan3A_195 = arith.addi %scan3A_193, %scan3A_194 : i32
    %scan3A_196 = arith.constant 1 : i32
    scf.for %scan3A_202 = %scan3A_193 to %scan3A_195 step %scan3A_196  : i32 {
      %mul3A_203 = arith.constant 2 : i32
      %mul3A_204 = arith.muli %scan3A_202, %mul3A_203 : i32
      %add3A_205 = arith.constant 1 : i32
      %add3A_206 = arith.addi %mul3A_204, %add3A_205 : i32
      %mul3A_207 = arith.constant 64 : i32
      %mul3A_208 = arith.muli %add3A_206, %mul3A_207 : i32
      %dma_start3A_209 = arith.constant 1 : i32
      %dma_start3A_210 = arith.constant 0 : i32
      %dma_start3A_211 = arith.constant 0 : i32
      %dma_start3A_212 = tpu.memref_slice %arg14[%dma_start3A_209, %dma_start3A_210, %dma_start3A_211] : memref<2x64x32xi32, #tpu.memory_space<vmem>> -> memref<1x64x32xi32, #tpu.memory_space<vmem>>
      %dma_start3A_213 = tpu.memref_squeeze %dma_start3A_212 : memref<1x64x32xi32, #tpu.memory_space<vmem>> -> memref<64x32xi32, #tpu.memory_space<vmem>>
      %dma_start3A_214 = tpu.memref_slice %arg10[%mul3A_208] : memref<512xi32, #tpu.memory_space<vmem>> -> memref<64xi32, #tpu.memory_space<vmem>>
      %dma_start3A_215 = arith.constant 0 : i32
      %dma_start3A_216 = arith.constant 0 : i32
      %dma_start3A_217 = tpu.memref_slice %arg6[%dma_start3A_215, %dma_start3A_216] : memref<1015808x32xi32, #tpu.memory_space<hbm>> -> memref<1015808x32xi32, #tpu.memory_space<hbm>>
      tpu.enqueue_indirect_dma source(%dma_start3A_217 : memref<1015808x32xi32, #tpu.memory_space<hbm>>) target(%dma_start3A_213 : memref<64x32xi32, #tpu.memory_space<vmem>>) offsets(%dma_start3A_214 : memref<64xi32, #tpu.memory_space<vmem>>) semaphore(%arg21 : memref<!tpu.dma_semaphore, #tpu.memory_space<semaphore_mem>>)
      %dma_start3A_218 = arith.constant 1 : i32
      %dma_start3A_219 = arith.constant 0 : i32
      %dma_start3A_220 = arith.constant 0 : i32
      %dma_start3A_221 = tpu.memref_slice %arg15[%dma_start3A_218, %dma_start3A_219, %dma_start3A_220] : memref<2x64x32xi32, #tpu.memory_space<vmem>> -> memref<1x64x32xi32, #tpu.memory_space<vmem>>
      %dma_start3A_222 = tpu.memref_squeeze %dma_start3A_221 : memref<1x64x32xi32, #tpu.memory_space<vmem>> -> memref<64x32xi32, #tpu.memory_space<vmem>>
      %dma_start3A_223 = tpu.memref_slice %arg11[%mul3A_208] : memref<512xi32, #tpu.memory_space<vmem>> -> memref<64xi32, #tpu.memory_space<vmem>>
      %dma_start3A_224 = arith.constant 0 : i32
      %dma_start3A_225 = arith.constant 0 : i32
      %dma_start3A_226 = tpu.memref_slice %arg6[%dma_start3A_224, %dma_start3A_225] : memref<1015808x32xi32, #tpu.memory_space<hbm>> -> memref<1015808x32xi32, #tpu.memory_space<hbm>>
      tpu.enqueue_indirect_dma source(%dma_start3A_226 : memref<1015808x32xi32, #tpu.memory_space<hbm>>) target(%dma_start3A_222 : memref<64x32xi32, #tpu.memory_space<vmem>>) offsets(%dma_start3A_223 : memref<64xi32, #tpu.memory_space<vmem>>) semaphore(%arg21 : memref<!tpu.dma_semaphore, #tpu.memory_space<semaphore_mem>>)
      %mul3A_227 = arith.constant 20 : i32
      %mul3A_228 = arith.muli %mul3A_208, %mul3A_227 : i32
      %add3A_229 = arith.constant 0 : i32
      %add3A_230 = arith.addi %mul3A_228, %add3A_229 : i32
      %dma_start3A_231 = arith.constant 1 : i32
      %dma_start3A_232 = arith.constant 0 : i32
      %dma_start3A_233 = arith.constant 0 : i32
      %dma_start3A_234 = tpu.memref_slice %arg16[%dma_start3A_231, %dma_start3A_232, %dma_start3A_233] : memref<2x1280x32xi32, #tpu.memory_space<vmem>> -> memref<1x1280x32xi32, #tpu.memory_space<vmem>>
      %dma_start3A_235 = tpu.memref_squeeze %dma_start3A_234 : memref<1x1280x32xi32, #tpu.memory_space<vmem>> -> memref<1280x32xi32, #tpu.memory_space<vmem>>
      %dma_start3A_236 = arith.constant 0 : i32
      %dma_start3A_237 = arith.constant 0 : i32
      %dma_start3A_238 = tpu.memref_slice %dma_start3A_235[%dma_start3A_236, %dma_start3A_237] : memref<1280x32xi32, #tpu.memory_space<vmem>> -> memref<128x32xi32, #tpu.memory_space<vmem>>
      %dma_start3A_239 = tpu.memref_slice %arg12[%add3A_230] : memref<10240xi32, #tpu.memory_space<vmem>> -> memref<128xi32, #tpu.memory_space<vmem>>
      %dma_start3A_240 = arith.constant 0 : i32
      %dma_start3A_241 = arith.constant 0 : i32
      %dma_start3A_242 = tpu.memref_slice %arg6[%dma_start3A_240, %dma_start3A_241] : memref<1015808x32xi32, #tpu.memory_space<hbm>> -> memref<1015808x32xi32, #tpu.memory_space<hbm>>
      tpu.enqueue_indirect_dma source(%dma_start3A_242 : memref<1015808x32xi32, #tpu.memory_space<hbm>>) target(%dma_start3A_238 : memref<128x32xi32, #tpu.memory_space<vmem>>) offsets(%dma_start3A_239 : memref<128xi32, #tpu.memory_space<vmem>>) semaphore(%arg21 : memref<!tpu.dma_semaphore, #tpu.memory_space<semaphore_mem>>)
      %mul3A_243 = arith.constant 20 : i32
      %mul3A_244 = arith.muli %mul3A_208, %mul3A_243 : i32
      %add3A_245 = arith.constant 128 : i32
      %add3A_246 = arith.addi %mul3A_244, %add3A_245 : i32
      %dma_start3A_247 = arith.constant 1 : i32
      %dma_start3A_248 = arith.constant 0 : i32
      %dma_start3A_249 = arith.constant 0 : i32
      %dma_start3A_250 = tpu.memref_slice %arg16[%dma_start3A_247, %dma_start3A_248, %dma_start3A_249] : memref<2x1280x32xi32, #tpu.memory_space<vmem>> -> memref<1x1280x32xi32, #tpu.memory_space<vmem>>
      %dma_start3A_251 = tpu.memref_squeeze %dma_start3A_250 : memref<1x1280x32xi32, #tpu.memory_space<vmem>> -> memref<1280x32xi32, #tpu.memory_space<vmem>>
      %dma_start3A_252 = arith.constant 128 : i32
      %dma_start3A_253 = arith.constant 0 : i32
      %dma_start3A_254 = tpu.memref_slice %dma_start3A_251[%dma_start3A_252, %dma_start3A_253] : memref<1280x32xi32, #tpu.memory_space<vmem>> -> memref<128x32xi32, #tpu.memory_space<vmem>>
      %dma_start3A_255 = tpu.memref_slice %arg12[%add3A_246] : memref<10240xi32, #tpu.memory_space<vmem>> -> memref<128xi32, #tpu.memory_space<vmem>>
      %dma_start3A_256 = arith.constant 0 : i32
      %dma_start3A_257 = arith.constant 0 : i32
      %dma_start3A_258 = tpu.memref_slice %arg6[%dma_start3A_256, %dma_start3A_257] : memref<1015808x32xi32, #tpu.memory_space<hbm>> -> memref<1015808x32xi32, #tpu.memory_space<hbm>>
      tpu.enqueue_indirect_dma source(%dma_start3A_258 : memref<1015808x32xi32, #tpu.memory_space<hbm>>) target(%dma_start3A_254 : memref<128x32xi32, #tpu.memory_space<vmem>>) offsets(%dma_start3A_255 : memref<128xi32, #tpu.memory_space<vmem>>) semaphore(%arg21 : memref<!tpu.dma_semaphore, #tpu.memory_space<semaphore_mem>>)
      %mul3A_259 = arith.constant 20 : i32
      %mul3A_260 = arith.muli %mul3A_208, %mul3A_259 : i32
      %add3A_261 = arith.constant 256 : i32
      %add3A_262 = arith.addi %mul3A_260, %add3A_261 : i32
      %dma_start3A_263 = arith.constant 1 : i32
      %dma_start3A_264 = arith.constant 0 : i32
      %dma_start3A_265 = arith.constant 0 : i32
      %dma_start3A_266 = tpu.memref_slice %arg16[%dma_start3A_263, %dma_start3A_264, %dma_start3A_265] : memref<2x1280x32xi32, #tpu.memory_space<vmem>> -> memref<1x1280x32xi32, #tpu.memory_space<vmem>>
      %dma_start3A_267 = tpu.memref_squeeze %dma_start3A_266 : memref<1x1280x32xi32, #tpu.memory_space<vmem>> -> memref<1280x32xi32, #tpu.memory_space<vmem>>
      %dma_start3A_268 = arith.constant 256 : i32
      %dma_start3A_269 = arith.constant 0 : i32
      %dma_start3A_270 = tpu.memref_slice %dma_start3A_267[%dma_start3A_268, %dma_start3A_269] : memref<1280x32xi32, #tpu.memory_space<vmem>> -> memref<128x32xi32, #tpu.memory_space<vmem>>
      %dma_start3A_271 = tpu.memref_slice %arg12[%add3A_262] : memref<10240xi32, #tpu.memory_space<vmem>> -> memref<128xi32, #tpu.memory_space<vmem>>
      %dma_start3A_272 = arith.constant 0 : i32
      %dma_start3A_273 = arith.constant 0 : i32
      %dma_start3A_274 = tpu.memref_slice %arg6[%dma_start3A_272, %dma_start3A_273] : memref<1015808x32xi32, #tpu.memory_space<hbm>> -> memref<1015808x32xi32, #tpu.memory_space<hbm>>
      tpu.enqueue_indirect_dma source(%dma_start3A_274 : memref<1015808x32xi32, #tpu.memory_space<hbm>>) target(%dma_start3A_270 : memref<128x32xi32, #tpu.memory_space<vmem>>) offsets(%dma_start3A_271 : memref<128xi32, #tpu.memory_space<vmem>>) semaphore(%arg21 : memref<!tpu.dma_semaphore, #tpu.memory_space<semaphore_mem>>)
      %mul3A_275 = arith.constant 20 : i32
      %mul3A_276 = arith.muli %mul3A_208, %mul3A_275 : i32
      %add3A_277 = arith.constant 384 : i32
      %add3A_278 = arith.addi %mul3A_276, %add3A_277 : i32
      %dma_start3A_279 = arith.constant 1 : i32
      %dma_start3A_280 = arith.constant 0 : i32
      %dma_start3A_281 = arith.constant 0 : i32
      %dma_start3A_282 = tpu.memref_slice %arg16[%dma_start3A_279, %dma_start3A_280, %dma_start3A_281] : memref<2x1280x32xi32, #tpu.memory_space<vmem>> -> memref<1x1280x32xi32, #tpu.memory_space<vmem>>
      %dma_start3A_283 = tpu.memref_squeeze %dma_start3A_282 : memref<1x1280x32xi32, #tpu.memory_space<vmem>> -> memref<1280x32xi32, #tpu.memory_space<vmem>>
      %dma_start3A_284 = arith.constant 384 : i32
      %dma_start3A_285 = arith.constant 0 : i32
      %dma_start3A_286 = tpu.memref_slice %dma_start3A_283[%dma_start3A_284, %dma_start3A_285] : memref<1280x32xi32, #tpu.memory_space<vmem>> -> memref<128x32xi32, #tpu.memory_space<vmem>>
      %dma_start3A_287 = tpu.memref_slice %arg12[%add3A_278] : memref<10240xi32, #tpu.memory_space<vmem>> -> memref<128xi32, #tpu.memory_space<vmem>>
      %dma_start3A_288 = arith.constant 0 : i32
      %dma_start3A_289 = arith.constant 0 : i32
      %dma_start3A_290 = tpu.memref_slice %arg6[%dma_start3A_288, %dma_start3A_289] : memref<1015808x32xi32, #tpu.memory_space<hbm>> -> memref<1015808x32xi32, #tpu.memory_space<hbm>>
      tpu.enqueue_indirect_dma source(%dma_start3A_290 : memref<1015808x32xi32, #tpu.memory_space<hbm>>) target(%dma_start3A_286 : memref<128x32xi32, #tpu.memory_space<vmem>>) offsets(%dma_start3A_287 : memref<128xi32, #tpu.memory_space<vmem>>) semaphore(%arg21 : memref<!tpu.dma_semaphore, #tpu.memory_space<semaphore_mem>>)
      %mul3A_291 = arith.constant 20 : i32
      %mul3A_292 = arith.muli %mul3A_208, %mul3A_291 : i32
      %add3A_293 = arith.constant 512 : i32
      %add3A_294 = arith.addi %mul3A_292, %add3A_293 : i32
      %dma_start3A_295 = arith.constant 1 : i32
      %dma_start3A_296 = arith.constant 0 : i32
      %dma_start3A_297 = arith.constant 0 : i32
      %dma_start3A_298 = tpu.memref_slice %arg16[%dma_start3A_295, %dma_start3A_296, %dma_start3A_297] : memref<2x1280x32xi32, #tpu.memory_space<vmem>> -> memref<1x1280x32xi32, #tpu.memory_space<vmem>>
      %dma_start3A_299 = tpu.memref_squeeze %dma_start3A_298 : memref<1x1280x32xi32, #tpu.memory_space<vmem>> -> memref<1280x32xi32, #tpu.memory_space<vmem>>
      %dma_start3A_300 = arith.constant 512 : i32
      %dma_start3A_301 = arith.constant 0 : i32
      %dma_start3A_302 = tpu.memref_slice %dma_start3A_299[%dma_start3A_300, %dma_start3A_301] : memref<1280x32xi32, #tpu.memory_space<vmem>> -> memref<128x32xi32, #tpu.memory_space<vmem>>
      %dma_start3A_303 = tpu.memref_slice %arg12[%add3A_294] : memref<10240xi32, #tpu.memory_space<vmem>> -> memref<128xi32, #tpu.memory_space<vmem>>
      %dma_start3A_304 = arith.constant 0 : i32
      %dma_start3A_305 = arith.constant 0 : i32
      %dma_start3A_306 = tpu.memref_slice %arg6[%dma_start3A_304, %dma_start3A_305] : memref<1015808x32xi32, #tpu.memory_space<hbm>> -> memref<1015808x32xi32, #tpu.memory_space<hbm>>
      tpu.enqueue_indirect_dma source(%dma_start3A_306 : memref<1015808x32xi32, #tpu.memory_space<hbm>>) target(%dma_start3A_302 : memref<128x32xi32, #tpu.memory_space<vmem>>) offsets(%dma_start3A_303 : memref<128xi32, #tpu.memory_space<vmem>>) semaphore(%arg21 : memref<!tpu.dma_semaphore, #tpu.memory_space<semaphore_mem>>)
      %mul3A_307 = arith.constant 20 : i32
      %mul3A_308 = arith.muli %mul3A_208, %mul3A_307 : i32
      %add3A_309 = arith.constant 640 : i32
      %add3A_310 = arith.addi %mul3A_308, %add3A_309 : i32
      %dma_start3A_311 = arith.constant 1 : i32
      %dma_start3A_312 = arith.constant 0 : i32
      %dma_start3A_313 = arith.constant 0 : i32
      %dma_start3A_314 = tpu.memref_slice %arg16[%dma_start3A_311, %dma_start3A_312, %dma_start3A_313] : memref<2x1280x32xi32, #tpu.memory_space<vmem>> -> memref<1x1280x32xi32, #tpu.memory_space<vmem>>
      %dma_start3A_315 = tpu.memref_squeeze %dma_start3A_314 : memref<1x1280x32xi32, #tpu.memory_space<vmem>> -> memref<1280x32xi32, #tpu.memory_space<vmem>>
      %dma_start3A_316 = arith.constant 640 : i32
      %dma_start3A_317 = arith.constant 0 : i32
      %dma_start3A_318 = tpu.memref_slice %dma_start3A_315[%dma_start3A_316, %dma_start3A_317] : memref<1280x32xi32, #tpu.memory_space<vmem>> -> memref<128x32xi32, #tpu.memory_space<vmem>>
      %dma_start3A_319 = tpu.memref_slice %arg12[%add3A_310] : memref<10240xi32, #tpu.memory_space<vmem>> -> memref<128xi32, #tpu.memory_space<vmem>>
      %dma_start3A_320 = arith.constant 0 : i32
      %dma_start3A_321 = arith.constant 0 : i32
      %dma_start3A_322 = tpu.memref_slice %arg6[%dma_start3A_320, %dma_start3A_321] : memref<1015808x32xi32, #tpu.memory_space<hbm>> -> memref<1015808x32xi32, #tpu.memory_space<hbm>>
      tpu.enqueue_indirect_dma source(%dma_start3A_322 : memref<1015808x32xi32, #tpu.memory_space<hbm>>) target(%dma_start3A_318 : memref<128x32xi32, #tpu.memory_space<vmem>>) offsets(%dma_start3A_319 : memref<128xi32, #tpu.memory_space<vmem>>) semaphore(%arg21 : memref<!tpu.dma_semaphore, #tpu.memory_space<semaphore_mem>>)
      %mul3A_323 = arith.constant 20 : i32
      %mul3A_324 = arith.muli %mul3A_208, %mul3A_323 : i32
      %add3A_325 = arith.constant 768 : i32
      %add3A_326 = arith.addi %mul3A_324, %add3A_325 : i32
      %dma_start3A_327 = arith.constant 1 : i32
      %dma_start3A_328 = arith.constant 0 : i32
      %dma_start3A_329 = arith.constant 0 : i32
      %dma_start3A_330 = tpu.memref_slice %arg16[%dma_start3A_327, %dma_start3A_328, %dma_start3A_329] : memref<2x1280x32xi32, #tpu.memory_space<vmem>> -> memref<1x1280x32xi32, #tpu.memory_space<vmem>>
      %dma_start3A_331 = tpu.memref_squeeze %dma_start3A_330 : memref<1x1280x32xi32, #tpu.memory_space<vmem>> -> memref<1280x32xi32, #tpu.memory_space<vmem>>
      %dma_start3A_332 = arith.constant 768 : i32
      %dma_start3A_333 = arith.constant 0 : i32
      %dma_start3A_334 = tpu.memref_slice %dma_start3A_331[%dma_start3A_332, %dma_start3A_333] : memref<1280x32xi32, #tpu.memory_space<vmem>> -> memref<128x32xi32, #tpu.memory_space<vmem>>
      %dma_start3A_335 = tpu.memref_slice %arg12[%add3A_326] : memref<10240xi32, #tpu.memory_space<vmem>> -> memref<128xi32, #tpu.memory_space<vmem>>
      %dma_start3A_336 = arith.constant 0 : i32
      %dma_start3A_337 = arith.constant 0 : i32
      %dma_start3A_338 = tpu.memref_slice %arg6[%dma_start3A_336, %dma_start3A_337] : memref<1015808x32xi32, #tpu.memory_space<hbm>> -> memref<1015808x32xi32, #tpu.memory_space<hbm>>
      tpu.enqueue_indirect_dma source(%dma_start3A_338 : memref<1015808x32xi32, #tpu.memory_space<hbm>>) target(%dma_start3A_334 : memref<128x32xi32, #tpu.memory_space<vmem>>) offsets(%dma_start3A_335 : memref<128xi32, #tpu.memory_space<vmem>>) semaphore(%arg21 : memref<!tpu.dma_semaphore, #tpu.memory_space<semaphore_mem>>)
      %mul3A_339 = arith.constant 20 : i32
      %mul3A_340 = arith.muli %mul3A_208, %mul3A_339 : i32
      %add3A_341 = arith.constant 896 : i32
      %add3A_342 = arith.addi %mul3A_340, %add3A_341 : i32
      %dma_start3A_343 = arith.constant 1 : i32
      %dma_start3A_344 = arith.constant 0 : i32
      %dma_start3A_345 = arith.constant 0 : i32
      %dma_start3A_346 = tpu.memref_slice %arg16[%dma_start3A_343, %dma_start3A_344, %dma_start3A_345] : memref<2x1280x32xi32, #tpu.memory_space<vmem>> -> memref<1x1280x32xi32, #tpu.memory_space<vmem>>
      %dma_start3A_347 = tpu.memref_squeeze %dma_start3A_346 : memref<1x1280x32xi32, #tpu.memory_space<vmem>> -> memref<1280x32xi32, #tpu.memory_space<vmem>>
      %dma_start3A_348 = arith.constant 896 : i32
      %dma_start3A_349 = arith.constant 0 : i32
      %dma_start3A_350 = tpu.memref_slice %dma_start3A_347[%dma_start3A_348, %dma_start3A_349] : memref<1280x32xi32, #tpu.memory_space<vmem>> -> memref<128x32xi32, #tpu.memory_space<vmem>>
      %dma_start3A_351 = tpu.memref_slice %arg12[%add3A_342] : memref<10240xi32, #tpu.memory_space<vmem>> -> memref<128xi32, #tpu.memory_space<vmem>>
      %dma_start3A_352 = arith.constant 0 : i32
      %dma_start3A_353 = arith.constant 0 : i32
      %dma_start3A_354 = tpu.memref_slice %arg6[%dma_start3A_352, %dma_start3A_353] : memref<1015808x32xi32, #tpu.memory_space<hbm>> -> memref<1015808x32xi32, #tpu.memory_space<hbm>>
      tpu.enqueue_indirect_dma source(%dma_start3A_354 : memref<1015808x32xi32, #tpu.memory_space<hbm>>) target(%dma_start3A_350 : memref<128x32xi32, #tpu.memory_space<vmem>>) offsets(%dma_start3A_351 : memref<128xi32, #tpu.memory_space<vmem>>) semaphore(%arg21 : memref<!tpu.dma_semaphore, #tpu.memory_space<semaphore_mem>>)
      %mul3A_355 = arith.constant 20 : i32
      %mul3A_356 = arith.muli %mul3A_208, %mul3A_355 : i32
      %add3A_357 = arith.constant 1024 : i32
      %add3A_358 = arith.addi %mul3A_356, %add3A_357 : i32
      %dma_start3A_359 = arith.constant 1 : i32
      %dma_start3A_360 = arith.constant 0 : i32
      %dma_start3A_361 = arith.constant 0 : i32
      %dma_start3A_362 = tpu.memref_slice %arg16[%dma_start3A_359, %dma_start3A_360, %dma_start3A_361] : memref<2x1280x32xi32, #tpu.memory_space<vmem>> -> memref<1x1280x32xi32, #tpu.memory_space<vmem>>
      %dma_start3A_363 = tpu.memref_squeeze %dma_start3A_362 : memref<1x1280x32xi32, #tpu.memory_space<vmem>> -> memref<1280x32xi32, #tpu.memory_space<vmem>>
      %dma_start3A_364 = arith.constant 1024 : i32
      %dma_start3A_365 = arith.constant 0 : i32
      %dma_start3A_366 = tpu.memref_slice %dma_start3A_363[%dma_start3A_364, %dma_start3A_365] : memref<1280x32xi32, #tpu.memory_space<vmem>> -> memref<128x32xi32, #tpu.memory_space<vmem>>
      %dma_start3A_367 = tpu.memref_slice %arg12[%add3A_358] : memref<10240xi32, #tpu.memory_space<vmem>> -> memref<128xi32, #tpu.memory_space<vmem>>
      %dma_start3A_368 = arith.constant 0 : i32
      %dma_start3A_369 = arith.constant 0 : i32
      %dma_start3A_370 = tpu.memref_slice %arg6[%dma_start3A_368, %dma_start3A_369] : memref<1015808x32xi32, #tpu.memory_space<hbm>> -> memref<1015808x32xi32, #tpu.memory_space<hbm>>
      tpu.enqueue_indirect_dma source(%dma_start3A_370 : memref<1015808x32xi32, #tpu.memory_space<hbm>>) target(%dma_start3A_366 : memref<128x32xi32, #tpu.memory_space<vmem>>) offsets(%dma_start3A_367 : memref<128xi32, #tpu.memory_space<vmem>>) semaphore(%arg21 : memref<!tpu.dma_semaphore, #tpu.memory_space<semaphore_mem>>)
      %mul3A_371 = arith.constant 20 : i32
      %mul3A_372 = arith.muli %mul3A_208, %mul3A_371 : i32
      %add3A_373 = arith.constant 1152 : i32
      %add3A_374 = arith.addi %mul3A_372, %add3A_373 : i32
      %dma_start3A_375 = arith.constant 1 : i32
      %dma_start3A_376 = arith.constant 0 : i32
      %dma_start3A_377 = arith.constant 0 : i32
      %dma_start3A_378 = tpu.memref_slice %arg16[%dma_start3A_375, %dma_start3A_376, %dma_start3A_377] : memref<2x1280x32xi32, #tpu.memory_space<vmem>> -> memref<1x1280x32xi32, #tpu.memory_space<vmem>>
      %dma_start3A_379 = tpu.memref_squeeze %dma_start3A_378 : memref<1x1280x32xi32, #tpu.memory_space<vmem>> -> memref<1280x32xi32, #tpu.memory_space<vmem>>
      %dma_start3A_380 = arith.constant 1152 : i32
      %dma_start3A_381 = arith.constant 0 : i32
      %dma_start3A_382 = tpu.memref_slice %dma_start3A_379[%dma_start3A_380, %dma_start3A_381] : memref<1280x32xi32, #tpu.memory_space<vmem>> -> memref<128x32xi32, #tpu.memory_space<vmem>>
      %dma_start3A_383 = tpu.memref_slice %arg12[%add3A_374] : memref<10240xi32, #tpu.memory_space<vmem>> -> memref<128xi32, #tpu.memory_space<vmem>>
      %dma_start3A_384 = arith.constant 0 : i32
      %dma_start3A_385 = arith.constant 0 : i32
      %dma_start3A_386 = tpu.memref_slice %arg6[%dma_start3A_384, %dma_start3A_385] : memref<1015808x32xi32, #tpu.memory_space<hbm>> -> memref<1015808x32xi32, #tpu.memory_space<hbm>>
      tpu.enqueue_indirect_dma source(%dma_start3A_386 : memref<1015808x32xi32, #tpu.memory_space<hbm>>) target(%dma_start3A_382 : memref<128x32xi32, #tpu.memory_space<vmem>>) offsets(%dma_start3A_383 : memref<128xi32, #tpu.memory_space<vmem>>) semaphore(%arg21 : memref<!tpu.dma_semaphore, #tpu.memory_space<semaphore_mem>>)
      %dma_wait3A_387 = arith.constant 0 : i32
      "tpu.trace_start"() <{level = 10 : i32, message = "drain"}> : () -> ()
      %dma_wait3A_388 = arith.constant 0 : i32
      %dma_wait3A_389 = arith.constant 0 : i32
      %dma_wait3A_390 = tpu.memref_slice %arg14[%dma_wait3A_387, %dma_wait3A_388, %dma_wait3A_389] : memref<2x64x32xi32, #tpu.memory_space<vmem>> -> memref<1x64x32xi32, #tpu.memory_space<vmem>>
      %dma_wait3A_391 = tpu.memref_squeeze %dma_wait3A_390 : memref<1x64x32xi32, #tpu.memory_space<vmem>> -> memref<64x32xi32, #tpu.memory_space<vmem>>
      %dma_wait3A_392 = arith.constant 0 : i32
      %dma_wait3A_393 = arith.constant 0 : i32
      %dma_wait3A_394 = tpu.memref_slice %arg6[%dma_wait3A_392, %dma_wait3A_393] : memref<1015808x32xi32, #tpu.memory_space<hbm>> -> memref<64x32xi32, #tpu.memory_space<hbm>>
      %dma_wait3A_395 = arith.constant 0 : i32
      %dma_wait3A_396 = arith.constant 0 : i32
      %dma_wait3A_397 = tpu.memref_slice %arg14[%dma_wait3A_387, %dma_wait3A_395, %dma_wait3A_396] : memref<2x64x32xi32, #tpu.memory_space<vmem>> -> memref<1x64x32xi32, #tpu.memory_space<vmem>>
      %dma_wait3A_398 = tpu.memref_squeeze %dma_wait3A_397 : memref<1x64x32xi32, #tpu.memory_space<vmem>> -> memref<64x32xi32, #tpu.memory_space<vmem>>
      %dma_wait3A_399 = arith.constant 0 : i32
      %dma_wait3A_400 = arith.constant 0 : i32
      %dma_wait3A_401 = tpu.memref_slice %arg6[%dma_wait3A_399, %dma_wait3A_400] : memref<1015808x32xi32, #tpu.memory_space<hbm>> -> memref<64x32xi32, #tpu.memory_space<hbm>>
      tpu.wait_dma2 semaphore(%arg20 : memref<!tpu.dma_semaphore, #tpu.memory_space<semaphore_mem>>) src(%dma_wait3A_401 : memref<64x32xi32, #tpu.memory_space<hbm>>) dst(%dma_wait3A_398 : memref<64x32xi32, #tpu.memory_space<vmem>>)
      %dma_wait3A_402 = arith.constant 0 : i32
      %dma_wait3A_403 = arith.constant 0 : i32
      %dma_wait3A_404 = arith.constant 0 : i32
      %dma_wait3A_405 = tpu.memref_slice %arg15[%dma_wait3A_402, %dma_wait3A_403, %dma_wait3A_404] : memref<2x64x32xi32, #tpu.memory_space<vmem>> -> memref<1x64x32xi32, #tpu.memory_space<vmem>>
      %dma_wait3A_406 = tpu.memref_squeeze %dma_wait3A_405 : memref<1x64x32xi32, #tpu.memory_space<vmem>> -> memref<64x32xi32, #tpu.memory_space<vmem>>
      %dma_wait3A_407 = arith.constant 0 : i32
      %dma_wait3A_408 = arith.constant 0 : i32
      %dma_wait3A_409 = tpu.memref_slice %arg6[%dma_wait3A_407, %dma_wait3A_408] : memref<1015808x32xi32, #tpu.memory_space<hbm>> -> memref<64x32xi32, #tpu.memory_space<hbm>>
      %dma_wait3A_410 = arith.constant 0 : i32
      %dma_wait3A_411 = arith.constant 0 : i32
      %dma_wait3A_412 = tpu.memref_slice %arg15[%dma_wait3A_402, %dma_wait3A_410, %dma_wait3A_411] : memref<2x64x32xi32, #tpu.memory_space<vmem>> -> memref<1x64x32xi32, #tpu.memory_space<vmem>>
      %dma_wait3A_413 = tpu.memref_squeeze %dma_wait3A_412 : memref<1x64x32xi32, #tpu.memory_space<vmem>> -> memref<64x32xi32, #tpu.memory_space<vmem>>
      %dma_wait3A_414 = arith.constant 0 : i32
      %dma_wait3A_415 = arith.constant 0 : i32
      %dma_wait3A_416 = tpu.memref_slice %arg6[%dma_wait3A_414, %dma_wait3A_415] : memref<1015808x32xi32, #tpu.memory_space<hbm>> -> memref<64x32xi32, #tpu.memory_space<hbm>>
      tpu.wait_dma2 semaphore(%arg20 : memref<!tpu.dma_semaphore, #tpu.memory_space<semaphore_mem>>) src(%dma_wait3A_416 : memref<64x32xi32, #tpu.memory_space<hbm>>) dst(%dma_wait3A_413 : memref<64x32xi32, #tpu.memory_space<vmem>>)
      %dma_wait3A_417 = arith.constant 0 : i32
      %dma_wait3A_418 = arith.constant 0 : i32
      %dma_wait3A_419 = arith.constant 0 : i32
      %dma_wait3A_420 = tpu.memref_slice %arg16[%dma_wait3A_417, %dma_wait3A_418, %dma_wait3A_419] : memref<2x1280x32xi32, #tpu.memory_space<vmem>> -> memref<1x1280x32xi32, #tpu.memory_space<vmem>>
      %dma_wait3A_421 = tpu.memref_squeeze %dma_wait3A_420 : memref<1x1280x32xi32, #tpu.memory_space<vmem>> -> memref<1280x32xi32, #tpu.memory_space<vmem>>
      %dma_wait3A_422 = arith.constant 0 : i32
      %dma_wait3A_423 = arith.constant 0 : i32
      %dma_wait3A_424 = tpu.memref_slice %arg6[%dma_wait3A_422, %dma_wait3A_423] : memref<1015808x32xi32, #tpu.memory_space<hbm>> -> memref<1280x32xi32, #tpu.memory_space<hbm>>
      %dma_wait3A_425 = arith.constant 0 : i32
      %dma_wait3A_426 = arith.constant 0 : i32
      %dma_wait3A_427 = tpu.memref_slice %arg16[%dma_wait3A_417, %dma_wait3A_425, %dma_wait3A_426] : memref<2x1280x32xi32, #tpu.memory_space<vmem>> -> memref<1x1280x32xi32, #tpu.memory_space<vmem>>
      %dma_wait3A_428 = tpu.memref_squeeze %dma_wait3A_427 : memref<1x1280x32xi32, #tpu.memory_space<vmem>> -> memref<1280x32xi32, #tpu.memory_space<vmem>>
      %dma_wait3A_429 = arith.constant 0 : i32
      %dma_wait3A_430 = arith.constant 0 : i32
      %dma_wait3A_431 = tpu.memref_slice %arg6[%dma_wait3A_429, %dma_wait3A_430] : memref<1015808x32xi32, #tpu.memory_space<hbm>> -> memref<1280x32xi32, #tpu.memory_space<hbm>>
      tpu.wait_dma2 semaphore(%arg20 : memref<!tpu.dma_semaphore, #tpu.memory_space<semaphore_mem>>) src(%dma_wait3A_431 : memref<1280x32xi32, #tpu.memory_space<hbm>>) dst(%dma_wait3A_428 : memref<1280x32xi32, #tpu.memory_space<vmem>>)
      "tpu.trace_stop"() : () -> ()
      %mul3A_432 = arith.constant 64 : i32
      %mul3A_433 = arith.muli %mul3A_204, %mul3A_432 : i32
      "tpu.trace_start"() <{level = 10 : i32, message = "dotprod"}> : () -> ()
      %scan3A_434 = arith.constant 0 : i32
      %scan3A_435 = arith.constant 0 : i32
      %scan3A_436 = arith.constant 0 : i32
      %scan3A_437 = arith.constant 0 : i32
      %scan3A_438 = arith.constant 0 : i32
      %scan3A_439 = arith.constant 4 : i32
      %scan3A_440 = arith.addi %scan3A_438, %scan3A_439 : i32
      %scan3A_441 = arith.constant 1 : i32
      scf.for %scan3A_505 = %scan3A_438 to %scan3A_440 step %scan3A_441  : i32 {
        %mul3A_506 = arith.constant 16 : i32
        %mul3A_507 = arith.muli %scan3A_505, %mul3A_506 : i32
        %add3A_508 = vector.broadcast %mul3A_507 : i32 to vector<16xi32>
        %add3A_509 = arith.addi %add3A_508, %iota3A : vector<16xi32>
        %mul3A_510 = arith.constant 20 : i32
        %mul3A_511 = vector.broadcast %mul3A_510 : i32 to vector<16xi32>
        %mul3A_512 = arith.muli %add3A_509, %mul3A_511 : vector<16xi32>
        %broadcast_in_dim3A = arith.constant 0.000000e+00 : f32
        %broadcast_in_dim3A_513 = vector.broadcast %broadcast_in_dim3A : f32 to vector<16xf32>
        %broadcast_in_dim3A_514 = arith.constant 0.000000e+00 : f32
        %broadcast_in_dim3A_515 = vector.broadcast %broadcast_in_dim3A_514 : f32 to vector<16xf32>
        %broadcast_in_dim3A_516 = arith.constant 0.000000e+00 : f32
        %broadcast_in_dim3A_517 = vector.broadcast %broadcast_in_dim3A_516 : f32 to vector<16xf32>
        %broadcast_in_dim3A_518 = arith.constant 0.000000e+00 : f32
        %broadcast_in_dim3A_519 = vector.broadcast %broadcast_in_dim3A_518 : f32 to vector<16xf32>
        %broadcast_in_dim3A_520 = arith.constant 0.000000e+00 : f32
        %broadcast_in_dim3A_521 = vector.broadcast %broadcast_in_dim3A_520 : f32 to vector<16xf32>
        %broadcast_in_dim3A_522 = arith.constant 0.000000e+00 : f32
        %broadcast_in_dim3A_523 = vector.broadcast %broadcast_in_dim3A_522 : f32 to vector<16xf32>
        %broadcast_in_dim3A_524 = arith.constant 0.000000e+00 : f32
        %broadcast_in_dim3A_525 = vector.broadcast %broadcast_in_dim3A_524 : f32 to vector<16xf32>
        %broadcast_in_dim3A_526 = arith.constant 0.000000e+00 : f32
        %broadcast_in_dim3A_527 = vector.broadcast %broadcast_in_dim3A_526 : f32 to vector<16xf32>
        %broadcast_in_dim3A_528 = arith.constant 0.000000e+00 : f32
        %broadcast_in_dim3A_529 = vector.broadcast %broadcast_in_dim3A_528 : f32 to vector<16xf32>
        %broadcast_in_dim3A_530 = arith.constant 0.000000e+00 : f32
        %broadcast_in_dim3A_531 = vector.broadcast %broadcast_in_dim3A_530 : f32 to vector<16xf32>
        %broadcast_in_dim3A_532 = arith.constant 0.000000e+00 : f32
        %broadcast_in_dim3A_533 = vector.broadcast %broadcast_in_dim3A_532 : f32 to vector<16xf32>
        %broadcast_in_dim3A_534 = arith.constant 0.000000e+00 : f32
        %broadcast_in_dim3A_535 = vector.broadcast %broadcast_in_dim3A_534 : f32 to vector<16xf32>
        %broadcast_in_dim3A_536 = arith.constant 0.000000e+00 : f32
        %broadcast_in_dim3A_537 = vector.broadcast %broadcast_in_dim3A_536 : f32 to vector<16xf32>
        %broadcast_in_dim3A_538 = arith.constant 0.000000e+00 : f32
        %broadcast_in_dim3A_539 = vector.broadcast %broadcast_in_dim3A_538 : f32 to vector<16xf32>
        %broadcast_in_dim3A_540 = arith.constant 0.000000e+00 : f32
        %broadcast_in_dim3A_541 = vector.broadcast %broadcast_in_dim3A_540 : f32 to vector<16xf32>
        %broadcast_in_dim3A_542 = arith.constant 0.000000e+00 : f32
        %broadcast_in_dim3A_543 = vector.broadcast %broadcast_in_dim3A_542 : f32 to vector<16xf32>
        %broadcast_in_dim3A_544 = arith.constant 0.000000e+00 : f32
        %broadcast_in_dim3A_545 = vector.broadcast %broadcast_in_dim3A_544 : f32 to vector<16xf32>
        %broadcast_in_dim3A_546 = arith.constant 0.000000e+00 : f32
        %broadcast_in_dim3A_547 = vector.broadcast %broadcast_in_dim3A_546 : f32 to vector<16xf32>
        %broadcast_in_dim3A_548 = arith.constant 0.000000e+00 : f32
        %broadcast_in_dim3A_549 = vector.broadcast %broadcast_in_dim3A_548 : f32 to vector<16xf32>
        %broadcast_in_dim3A_550 = arith.constant 0.000000e+00 : f32
        %broadcast_in_dim3A_551 = vector.broadcast %broadcast_in_dim3A_550 : f32 to vector<16xf32>
        %broadcast_in_dim3A_552 = arith.constant 0.000000e+00 : f32
        %broadcast_in_dim3A_553 = vector.broadcast %broadcast_in_dim3A_552 : f32 to vector<16xf32>
        %scan3A_554 = arith.constant 0 : i32
        %scan3A_555 = arith.constant 8 : i32
        %scan3A_556 = arith.addi %scan3A_554, %scan3A_555 : i32
        %scan3A_557 = arith.constant 1 : i32
        %scan3A_558:21 = scf.for %scan3A_688 = %scan3A_554 to %scan3A_556 step %scan3A_557 iter_args(%scan3A_689 = %broadcast_in_dim3A_513, %scan3A_690 = %broadcast_in_dim3A_515, %scan3A_691 = %broadcast_in_dim3A_517, %scan3A_692 = %broadcast_in_dim3A_519, %scan3A_693 = %broadcast_in_dim3A_521, %scan3A_694 = %broadcast_in_dim3A_523, %scan3A_695 = %broadcast_in_dim3A_525, %scan3A_696 = %broadcast_in_dim3A_527, %scan3A_697 = %broadcast_in_dim3A_529, %scan3A_698 = %broadcast_in_dim3A_531, %scan3A_699 = %broadcast_in_dim3A_533, %scan3A_700 = %broadcast_in_dim3A_535, %scan3A_701 = %broadcast_in_dim3A_537, %scan3A_702 = %broadcast_in_dim3A_539, %scan3A_703 = %broadcast_in_dim3A_541, %scan3A_704 = %broadcast_in_dim3A_543, %scan3A_705 = %broadcast_in_dim3A_545, %scan3A_706 = %broadcast_in_dim3A_547, %scan3A_707 = %broadcast_in_dim3A_549, %scan3A_708 = %broadcast_in_dim3A_551, %scan3A_709 = %broadcast_in_dim3A_553) -> (vector<16xf32>, vector<16xf32>, vector<16xf32>, vector<16xf32>, vector<16xf32>, vector<16xf32>, vector<16xf32>, vector<16xf32>, vector<16xf32>, vector<16xf32>, vector<16xf32>, vector<16xf32>, vector<16xf32>, vector<16xf32>, vector<16xf32>, vector<16xf32>, vector<16xf32>, vector<16xf32>, vector<16xf32>, vector<16xf32>, vector<16xf32>)  : i32 {
          %mul3A_710 = arith.constant 4 : i32
          %mul3A_711 = arith.muli %scan3A_688, %mul3A_710 : i32
          %add3A_712 = arith.constant 0 : i32
          %add3A_713 = arith.addi %mul3A_711, %add3A_712 : i32
          %add3A_714 = vector.broadcast %add3A_713 : i32 to vector<16xi32>
          %add3A_715 = arith.addi %iota3A, %add3A_714 : vector<16xi32>
          %and3A = arith.constant 31 : i32
          %and3A_716 = vector.broadcast %and3A : i32 to vector<16xi32>
          %and3A_717 = arith.andi %add3A_715, %and3A_716 : vector<16xi32>
          %gather3A = arith.constant 0 : i32
          %gather3A_718 = arith.constant 0 : i32
          %gather3A_719 = tpu.memref_slice %arg14[%scan3A_435, %gather3A, %gather3A_718] : memref<2x64x32xi32, #tpu.memory_space<vmem>> -> memref<1x64x32xi32, #tpu.memory_space<vmem>>
          %gather3A_720 = tpu.memref_squeeze %gather3A_719 : memref<1x64x32xi32, #tpu.memory_space<vmem>> -> memref<64x32xi32, #tpu.memory_space<vmem>>
          %gather3A_721 = tpu.vector_load_idx %gather3A_720[%add3A_509, %and3A_717] : memref<64x32xi32, #tpu.memory_space<vmem>>[vector<16xi32>, vector<16xi32>], vector<16xi32>,
          %bitcast3A = vector.bitcast %gather3A_721 : vector<16xi32> to vector<32xbf16>
          %unpack3A = tpu.unpack_subelements %bitcast3A, 0 {pack_format = #tpu.pack_format<interleaved>} : vector<32xbf16> -> vector<16xf32>
          %unpack3A_722 = tpu.unpack_subelements %bitcast3A, 1 {pack_format = #tpu.pack_format<interleaved>} : vector<32xbf16> -> vector<16xf32>
          %gather3A_723 = arith.constant 0 : i32
          %gather3A_724 = arith.constant 0 : i32
          %gather3A_725 = tpu.memref_slice %arg15[%scan3A_436, %gather3A_723, %gather3A_724] : memref<2x64x32xi32, #tpu.memory_space<vmem>> -> memref<1x64x32xi32, #tpu.memory_space<vmem>>
          %gather3A_726 = tpu.memref_squeeze %gather3A_725 : memref<1x64x32xi32, #tpu.memory_space<vmem>> -> memref<64x32xi32, #tpu.memory_space<vmem>>
          %gather3A_727 = tpu.vector_load_idx %gather3A_726[%add3A_509, %and3A_717] : memref<64x32xi32, #tpu.memory_space<vmem>>[vector<16xi32>, vector<16xi32>], vector<16xi32>,
          %bitcast3A_728 = vector.bitcast %gather3A_727 : vector<16xi32> to vector<32xbf16>
          %unpack3A_729 = tpu.unpack_subelements %bitcast3A_728, 0 {pack_format = #tpu.pack_format<interleaved>} : vector<32xbf16> -> vector<16xf32>
          %unpack3A_730 = tpu.unpack_subelements %bitcast3A_728, 1 {pack_format = #tpu.pack_format<interleaved>} : vector<32xbf16> -> vector<16xf32>
          %mul3A_731 = arith.mulf %unpack3A, %unpack3A_729 : vector<16xf32>
          %add3A_732 = arith.addf %scan3A_689, %mul3A_731 : vector<16xf32>
          %mul3A_733 = arith.mulf %unpack3A_722, %unpack3A_730 : vector<16xf32>
          %add3A_734 = arith.addf %add3A_732, %mul3A_733 : vector<16xf32>
          %add3A_735 = arith.constant 0 : i32
          %add3A_736 = vector.broadcast %add3A_735 : i32 to vector<16xi32>
          %add3A_737 = arith.addi %mul3A_512, %add3A_736 : vector<16xi32>
          %gather3A_738 = arith.constant 0 : i32
          %gather3A_739 = arith.constant 0 : i32
          %gather3A_740 = tpu.memref_slice %arg16[%scan3A_437, %gather3A_738, %gather3A_739] : memref<2x1280x32xi32, #tpu.memory_space<vmem>> -> memref<1x1280x32xi32, #tpu.memory_space<vmem>>
          %gather3A_741 = tpu.memref_squeeze %gather3A_740 : memref<1x1280x32xi32, #tpu.memory_space<vmem>> -> memref<1280x32xi32, #tpu.memory_space<vmem>>
          %gather3A_742 = tpu.vector_load_idx %gather3A_741[%add3A_737, %and3A_717] : memref<1280x32xi32, #tpu.memory_space<vmem>>[vector<16xi32>, vector<16xi32>], vector<16xi32>,
          %bitcast3A_743 = vector.bitcast %gather3A_742 : vector<16xi32> to vector<32xbf16>
          %unpack3A_744 = tpu.unpack_subelements %bitcast3A_743, 0 {pack_format = #tpu.pack_format<interleaved>} : vector<32xbf16> -> vector<16xf32>
          %unpack3A_745 = tpu.unpack_subelements %bitcast3A_743, 1 {pack_format = #tpu.pack_format<interleaved>} : vector<32xbf16> -> vector<16xf32>
          %mul3A_746 = arith.mulf %unpack3A_744, %unpack3A : vector<16xf32>
          %add3A_747 = arith.addf %scan3A_690, %mul3A_746 : vector<16xf32>
          %mul3A_748 = arith.mulf %unpack3A_745, %unpack3A_722 : vector<16xf32>
          %add3A_749 = arith.addf %add3A_747, %mul3A_748 : vector<16xf32>
          %add3A_750 = arith.constant 1 : i32
          %add3A_751 = vector.broadcast %add3A_750 : i32 to vector<16xi32>
          %add3A_752 = arith.addi %mul3A_512, %add3A_751 : vector<16xi32>
          %gather3A_753 = arith.constant 0 : i32
          %gather3A_754 = arith.constant 0 : i32
          %gather3A_755 = tpu.memref_slice %arg16[%scan3A_437, %gather3A_753, %gather3A_754] : memref<2x1280x32xi32, #tpu.memory_space<vmem>> -> memref<1x1280x32xi32, #tpu.memory_space<vmem>>
          %gather3A_756 = tpu.memref_squeeze %gather3A_755 : memref<1x1280x32xi32, #tpu.memory_space<vmem>> -> memref<1280x32xi32, #tpu.memory_space<vmem>>
          %gather3A_757 = tpu.vector_load_idx %gather3A_756[%add3A_752, %and3A_717] : memref<1280x32xi32, #tpu.memory_space<vmem>>[vector<16xi32>, vector<16xi32>], vector<16xi32>,
          %bitcast3A_758 = vector.bitcast %gather3A_757 : vector<16xi32> to vector<32xbf16>
          %unpack3A_759 = tpu.unpack_subelements %bitcast3A_758, 0 {pack_format = #tpu.pack_format<interleaved>} : vector<32xbf16> -> vector<16xf32>
          %unpack3A_760 = tpu.unpack_subelements %bitcast3A_758, 1 {pack_format = #tpu.pack_format<interleaved>} : vector<32xbf16> -> vector<16xf32>
          %mul3A_761 = arith.mulf %unpack3A_759, %unpack3A : vector<16xf32>
          %add3A_762 = arith.addf %scan3A_691, %mul3A_761 : vector<16xf32>
          %mul3A_763 = arith.mulf %unpack3A_760, %unpack3A_722 : vector<16xf32>
          %add3A_764 = arith.addf %add3A_762, %mul3A_763 : vector<16xf32>
          %add3A_765 = arith.constant 2 : i32
          %add3A_766 = vector.broadcast %add3A_765 : i32 to vector<16xi32>
          %add3A_767 = arith.addi %mul3A_512, %add3A_766 : vector<16xi32>
          %gather3A_768 = arith.constant 0 : i32
          %gather3A_769 = arith.constant 0 : i32
          %gather3A_770 = tpu.memref_slice %arg16[%scan3A_437, %gather3A_768, %gather3A_769] : memref<2x1280x32xi32, #tpu.memory_space<vmem>> -> memref<1x1280x32xi32, #tpu.memory_space<vmem>>
          %gather3A_771 = tpu.memref_squeeze %gather3A_770 : memref<1x1280x32xi32, #tpu.memory_space<vmem>> -> memref<1280x32xi32, #tpu.memory_space<vmem>>
          %gather3A_772 = tpu.vector_load_idx %gather3A_771[%add3A_767, %and3A_717] : memref<1280x32xi32, #tpu.memory_space<vmem>>[vector<16xi32>, vector<16xi32>], vector<16xi32>,
          %bitcast3A_773 = vector.bitcast %gather3A_772 : vector<16xi32> to vector<32xbf16>
          %unpack3A_774 = tpu.unpack_subelements %bitcast3A_773, 0 {pack_format = #tpu.pack_format<interleaved>} : vector<32xbf16> -> vector<16xf32>
          %unpack3A_775 = tpu.unpack_subelements %bitcast3A_773, 1 {pack_format = #tpu.pack_format<interleaved>} : vector<32xbf16> -> vector<16xf32>
          %mul3A_776 = arith.mulf %unpack3A_774, %unpack3A : vector<16xf32>
          %add3A_777 = arith.addf %scan3A_692, %mul3A_776 : vector<16xf32>
          %mul3A_778 = arith.mulf %unpack3A_775, %unpack3A_722 : vector<16xf32>
          %add3A_779 = arith.addf %add3A_777, %mul3A_778 : vector<16xf32>
          %add3A_780 = arith.constant 3 : i32
          %add3A_781 = vector.broadcast %add3A_780 : i32 to vector<16xi32>
          %add3A_782 = arith.addi %mul3A_512, %add3A_781 : vector<16xi32>
          %gather3A_783 = arith.constant 0 : i32
          %gather3A_784 = arith.constant 0 : i32
          %gather3A_785 = tpu.memref_slice %arg16[%scan3A_437, %gather3A_783, %gather3A_784] : memref<2x1280x32xi32, #tpu.memory_space<vmem>> -> memref<1x1280x32xi32, #tpu.memory_space<vmem>>
          %gather3A_786 = tpu.memref_squeeze %gather3A_785 : memref<1x1280x32xi32, #tpu.memory_space<vmem>> -> memref<1280x32xi32, #tpu.memory_space<vmem>>
          %gather3A_787 = tpu.vector_load_idx %gather3A_786[%add3A_782, %and3A_717] : memref<1280x32xi32, #tpu.memory_space<vmem>>[vector<16xi32>, vector<16xi32>], vector<16xi32>,
          %bitcast3A_788 = vector.bitcast %gather3A_787 : vector<16xi32> to vector<32xbf16>
          %unpack3A_789 = tpu.unpack_subelements %bitcast3A_788, 0 {pack_format = #tpu.pack_format<interleaved>} : vector<32xbf16> -> vector<16xf32>
          %unpack3A_790 = tpu.unpack_subelements %bitcast3A_788, 1 {pack_format = #tpu.pack_format<interleaved>} : vector<32xbf16> -> vector<16xf32>
          %mul3A_791 = arith.mulf %unpack3A_789, %unpack3A : vector<16xf32>
          %add3A_792 = arith.addf %scan3A_693, %mul3A_791 : vector<16xf32>
          %mul3A_793 = arith.mulf %unpack3A_790, %unpack3A_722 : vector<16xf32>
          %add3A_794 = arith.addf %add3A_792, %mul3A_793 : vector<16xf32>
          %add3A_795 = arith.constant 4 : i32
          %add3A_796 = vector.broadcast %add3A_795 : i32 to vector<16xi32>
          %add3A_797 = arith.addi %mul3A_512, %add3A_796 : vector<16xi32>
          %gather3A_798 = arith.constant 0 : i32
          %gather3A_799 = arith.constant 0 : i32
          %gather3A_800 = tpu.memref_slice %arg16[%scan3A_437, %gather3A_798, %gather3A_799] : memref<2x1280x32xi32, #tpu.memory_space<vmem>> -> memref<1x1280x32xi32, #tpu.memory_space<vmem>>
          %gather3A_801 = tpu.memref_squeeze %gather3A_800 : memref<1x1280x32xi32, #tpu.memory_space<vmem>> -> memref<1280x32xi32, #tpu.memory_space<vmem>>
          %gather3A_802 = tpu.vector_load_idx %gather3A_801[%add3A_797, %and3A_717] : memref<1280x32xi32, #tpu.memory_space<vmem>>[vector<16xi32>, vector<16xi32>], vector<16xi32>,
          %bitcast3A_803 = vector.bitcast %gather3A_802 : vector<16xi32> to vector<32xbf16>
          %unpack3A_804 = tpu.unpack_subelements %bitcast3A_803, 0 {pack_format = #tpu.pack_format<interleaved>} : vector<32xbf16> -> vector<16xf32>
          %unpack3A_805 = tpu.unpack_subelements %bitcast3A_803, 1 {pack_format = #tpu.pack_format<interleaved>} : vector<32xbf16> -> vector<16xf32>
          %mul3A_806 = arith.mulf %unpack3A_804, %unpack3A : vector<16xf32>
          %add3A_807 = arith.addf %scan3A_694, %mul3A_806 : vector<16xf32>
          %mul3A_808 = arith.mulf %unpack3A_805, %unpack3A_722 : vector<16xf32>
          %add3A_809 = arith.addf %add3A_807, %mul3A_808 : vector<16xf32>
          %add3A_810 = arith.constant 5 : i32
          %add3A_811 = vector.broadcast %add3A_810 : i32 to vector<16xi32>
          %add3A_812 = arith.addi %mul3A_512, %add3A_811 : vector<16xi32>
          %gather3A_813 = arith.constant 0 : i32
          %gather3A_814 = arith.constant 0 : i32
          %gather3A_815 = tpu.memref_slice %arg16[%scan3A_437, %gather3A_813, %gather3A_814] : memref<2x1280x32xi32, #tpu.memory_space<vmem>> -> memref<1x1280x32xi32, #tpu.memory_space<vmem>>
          %gather3A_816 = tpu.memref_squeeze %gather3A_815 : memref<1x1280x32xi32, #tpu.memory_space<vmem>> -> memref<1280x32xi32, #tpu.memory_space<vmem>>
          %gather3A_817 = tpu.vector_load_idx %gather3A_816[%add3A_812, %and3A_717] : memref<1280x32xi32, #tpu.memory_space<vmem>>[vector<16xi32>, vector<16xi32>], vector<16xi32>,
          %bitcast3A_818 = vector.bitcast %gather3A_817 : vector<16xi32> to vector<32xbf16>
          %unpack3A_819 = tpu.unpack_subelements %bitcast3A_818, 0 {pack_format = #tpu.pack_format<interleaved>} : vector<32xbf16> -> vector<16xf32>
          %unpack3A_820 = tpu.unpack_subelements %bitcast3A_818, 1 {pack_format = #tpu.pack_format<interleaved>} : vector<32xbf16> -> vector<16xf32>
          %mul3A_821 = arith.mulf %unpack3A_819, %unpack3A : vector<16xf32>
          %add3A_822 = arith.addf %scan3A_695, %mul3A_821 : vector<16xf32>
          %mul3A_823 = arith.mulf %unpack3A_820, %unpack3A_722 : vector<16xf32>
          %add3A_824 = arith.addf %add3A_822, %mul3A_823 : vector<16xf32>
          %add3A_825 = arith.constant 6 : i32
          %add3A_826 = vector.broadcast %add3A_825 : i32 to vector<16xi32>
          %add3A_827 = arith.addi %mul3A_512, %add3A_826 : vector<16xi32>
          %gather3A_828 = arith.constant 0 : i32
          %gather3A_829 = arith.constant 0 : i32
          %gather3A_830 = tpu.memref_slice %arg16[%scan3A_437, %gather3A_828, %gather3A_829] : memref<2x1280x32xi32, #tpu.memory_space<vmem>> -> memref<1x1280x32xi32, #tpu.memory_space<vmem>>
          %gather3A_831 = tpu.memref_squeeze %gather3A_830 : memref<1x1280x32xi32, #tpu.memory_space<vmem>> -> memref<1280x32xi32, #tpu.memory_space<vmem>>
          %gather3A_832 = tpu.vector_load_idx %gather3A_831[%add3A_827, %and3A_717] : memref<1280x32xi32, #tpu.memory_space<vmem>>[vector<16xi32>, vector<16xi32>], vector<16xi32>,
          %bitcast3A_833 = vector.bitcast %gather3A_832 : vector<16xi32> to vector<32xbf16>
          %unpack3A_834 = tpu.unpack_subelements %bitcast3A_833, 0 {pack_format = #tpu.pack_format<interleaved>} : vector<32xbf16> -> vector<16xf32>
          %unpack3A_835 = tpu.unpack_subelements %bitcast3A_833, 1 {pack_format = #tpu.pack_format<interleaved>} : vector<32xbf16> -> vector<16xf32>
          %mul3A_836 = arith.mulf %unpack3A_834, %unpack3A : vector<16xf32>
          %add3A_837 = arith.addf %scan3A_696, %mul3A_836 : vector<16xf32>
          %mul3A_838 = arith.mulf %unpack3A_835, %unpack3A_722 : vector<16xf32>
          %add3A_839 = arith.addf %add3A_837, %mul3A_838 : vector<16xf32>
          %add3A_840 = arith.constant 7 : i32
          %add3A_841 = vector.broadcast %add3A_840 : i32 to vector<16xi32>
          %add3A_842 = arith.addi %mul3A_512, %add3A_841 : vector<16xi32>
          %gather3A_843 = arith.constant 0 : i32
          %gather3A_844 = arith.constant 0 : i32
          %gather3A_845 = tpu.memref_slice %arg16[%scan3A_437, %gather3A_843, %gather3A_844] : memref<2x1280x32xi32, #tpu.memory_space<vmem>> -> memref<1x1280x32xi32, #tpu.memory_space<vmem>>
          %gather3A_846 = tpu.memref_squeeze %gather3A_845 : memref<1x1280x32xi32, #tpu.memory_space<vmem>> -> memref<1280x32xi32, #tpu.memory_space<vmem>>
          %gather3A_847 = tpu.vector_load_idx %gather3A_846[%add3A_842, %and3A_717] : memref<1280x32xi32, #tpu.memory_space<vmem>>[vector<16xi32>, vector<16xi32>], vector<16xi32>,
          %bitcast3A_848 = vector.bitcast %gather3A_847 : vector<16xi32> to vector<32xbf16>
          %unpack3A_849 = tpu.unpack_subelements %bitcast3A_848, 0 {pack_format = #tpu.pack_format<interleaved>} : vector<32xbf16> -> vector<16xf32>
          %unpack3A_850 = tpu.unpack_subelements %bitcast3A_848, 1 {pack_format = #tpu.pack_format<interleaved>} : vector<32xbf16> -> vector<16xf32>
          %mul3A_851 = arith.mulf %unpack3A_849, %unpack3A : vector<16xf32>
          %add3A_852 = arith.addf %scan3A_697, %mul3A_851 : vector<16xf32>
          %mul3A_853 = arith.mulf %unpack3A_850, %unpack3A_722 : vector<16xf32>
          %add3A_854 = arith.addf %add3A_852, %mul3A_853 : vector<16xf32>
          %add3A_855 = arith.constant 8 : i32
          %add3A_856 = vector.broadcast %add3A_855 : i32 to vector<16xi32>
          %add3A_857 = arith.addi %mul3A_512, %add3A_856 : vector<16xi32>
          %gather3A_858 = arith.constant 0 : i32
          %gather3A_859 = arith.constant 0 : i32
          %gather3A_860 = tpu.memref_slice %arg16[%scan3A_437, %gather3A_858, %gather3A_859] : memref<2x1280x32xi32, #tpu.memory_space<vmem>> -> memref<1x1280x32xi32, #tpu.memory_space<vmem>>
          %gather3A_861 = tpu.memref_squeeze %gather3A_860 : memref<1x1280x32xi32, #tpu.memory_space<vmem>> -> memref<1280x32xi32, #tpu.memory_space<vmem>>
          %gather3A_862 = tpu.vector_load_idx %gather3A_861[%add3A_857, %and3A_717] : memref<1280x32xi32, #tpu.memory_space<vmem>>[vector<16xi32>, vector<16xi32>], vector<16xi32>,
          %bitcast3A_863 = vector.bitcast %gather3A_862 : vector<16xi32> to vector<32xbf16>
          %unpack3A_864 = tpu.unpack_subelements %bitcast3A_863, 0 {pack_format = #tpu.pack_format<interleaved>} : vector<32xbf16> -> vector<16xf32>
          %unpack3A_865 = tpu.unpack_subelements %bitcast3A_863, 1 {pack_format = #tpu.pack_format<interleaved>} : vector<32xbf16> -> vector<16xf32>
          %mul3A_866 = arith.mulf %unpack3A_864, %unpack3A : vector<16xf32>
          %add3A_867 = arith.addf %scan3A_698, %mul3A_866 : vector<16xf32>
          %mul3A_868 = arith.mulf %unpack3A_865, %unpack3A_722 : vector<16xf32>
          %add3A_869 = arith.addf %add3A_867, %mul3A_868 : vector<16xf32>
          %add3A_870 = arith.constant 9 : i32
          %add3A_871 = vector.broadcast %add3A_870 : i32 to vector<16xi32>
          %add3A_872 = arith.addi %mul3A_512, %add3A_871 : vector<16xi32>
          %gather3A_873 = arith.constant 0 : i32
          %gather3A_874 = arith.constant 0 : i32
          %gather3A_875 = tpu.memref_slice %arg16[%scan3A_437, %gather3A_873, %gather3A_874] : memref<2x1280x32xi32, #tpu.memory_space<vmem>> -> memref<1x1280x32xi32, #tpu.memory_space<vmem>>
          %gather3A_876 = tpu.memref_squeeze %gather3A_875 : memref<1x1280x32xi32, #tpu.memory_space<vmem>> -> memref<1280x32xi32, #tpu.memory_space<vmem>>
          %gather3A_877 = tpu.vector_load_idx %gather3A_876[%add3A_872, %and3A_717] : memref<1280x32xi32, #tpu.memory_space<vmem>>[vector<16xi32>, vector<16xi32>], vector<16xi32>,
          %bitcast3A_878 = vector.bitcast %gather3A_877 : vector<16xi32> to vector<32xbf16>
          %unpack3A_879 = tpu.unpack_subelements %bitcast3A_878, 0 {pack_format = #tpu.pack_format<interleaved>} : vector<32xbf16> -> vector<16xf32>
          %unpack3A_880 = tpu.unpack_subelements %bitcast3A_878, 1 {pack_format = #tpu.pack_format<interleaved>} : vector<32xbf16> -> vector<16xf32>
          %mul3A_881 = arith.mulf %unpack3A_879, %unpack3A : vector<16xf32>
          %add3A_882 = arith.addf %scan3A_699, %mul3A_881 : vector<16xf32>
          %mul3A_883 = arith.mulf %unpack3A_880, %unpack3A_722 : vector<16xf32>
          %add3A_884 = arith.addf %add3A_882, %mul3A_883 : vector<16xf32>
          %add3A_885 = arith.constant 10 : i32
          %add3A_886 = vector.broadcast %add3A_885 : i32 to vector<16xi32>
          %add3A_887 = arith.addi %mul3A_512, %add3A_886 : vector<16xi32>
          %gather3A_888 = arith.constant 0 : i32
          %gather3A_889 = arith.constant 0 : i32
          %gather3A_890 = tpu.memref_slice %arg16[%scan3A_437, %gather3A_888, %gather3A_889] : memref<2x1280x32xi32, #tpu.memory_space<vmem>> -> memref<1x1280x32xi32, #tpu.memory_space<vmem>>
          %gather3A_891 = tpu.memref_squeeze %gather3A_890 : memref<1x1280x32xi32, #tpu.memory_space<vmem>> -> memref<1280x32xi32, #tpu.memory_space<vmem>>
          %gather3A_892 = tpu.vector_load_idx %gather3A_891[%add3A_887, %and3A_717] : memref<1280x32xi32, #tpu.memory_space<vmem>>[vector<16xi32>, vector<16xi32>], vector<16xi32>,
          %bitcast3A_893 = vector.bitcast %gather3A_892 : vector<16xi32> to vector<32xbf16>
          %unpack3A_894 = tpu.unpack_subelements %bitcast3A_893, 0 {pack_format = #tpu.pack_format<interleaved>} : vector<32xbf16> -> vector<16xf32>
          %unpack3A_895 = tpu.unpack_subelements %bitcast3A_893, 1 {pack_format = #tpu.pack_format<interleaved>} : vector<32xbf16> -> vector<16xf32>
          %mul3A_896 = arith.mulf %unpack3A_894, %unpack3A : vector<16xf32>
          %add3A_897 = arith.addf %scan3A_700, %mul3A_896 : vector<16xf32>
          %mul3A_898 = arith.mulf %unpack3A_895, %unpack3A_722 : vector<16xf32>
          %add3A_899 = arith.addf %add3A_897, %mul3A_898 : vector<16xf32>
          %add3A_900 = arith.constant 11 : i32
          %add3A_901 = vector.broadcast %add3A_900 : i32 to vector<16xi32>
          %add3A_902 = arith.addi %mul3A_512, %add3A_901 : vector<16xi32>
          %gather3A_903 = arith.constant 0 : i32
          %gather3A_904 = arith.constant 0 : i32
          %gather3A_905 = tpu.memref_slice %arg16[%scan3A_437, %gather3A_903, %gather3A_904] : memref<2x1280x32xi32, #tpu.memory_space<vmem>> -> memref<1x1280x32xi32, #tpu.memory_space<vmem>>
          %gather3A_906 = tpu.memref_squeeze %gather3A_905 : memref<1x1280x32xi32, #tpu.memory_space<vmem>> -> memref<1280x32xi32, #tpu.memory_space<vmem>>
          %gather3A_907 = tpu.vector_load_idx %gather3A_906[%add3A_902, %and3A_717] : memref<1280x32xi32, #tpu.memory_space<vmem>>[vector<16xi32>, vector<16xi32>], vector<16xi32>,
          %bitcast3A_908 = vector.bitcast %gather3A_907 : vector<16xi32> to vector<32xbf16>
          %unpack3A_909 = tpu.unpack_subelements %bitcast3A_908, 0 {pack_format = #tpu.pack_format<interleaved>} : vector<32xbf16> -> vector<16xf32>
          %unpack3A_910 = tpu.unpack_subelements %bitcast3A_908, 1 {pack_format = #tpu.pack_format<interleaved>} : vector<32xbf16> -> vector<16xf32>
          %mul3A_911 = arith.mulf %unpack3A_909, %unpack3A : vector<16xf32>
          %add3A_912 = arith.addf %scan3A_701, %mul3A_911 : vector<16xf32>
          %mul3A_913 = arith.mulf %unpack3A_910, %unpack3A_722 : vector<16xf32>
          %add3A_914 = arith.addf %add3A_912, %mul3A_913 : vector<16xf32>
          %add3A_915 = arith.constant 12 : i32
          %add3A_916 = vector.broadcast %add3A_915 : i32 to vector<16xi32>
          %add3A_917 = arith.addi %mul3A_512, %add3A_916 : vector<16xi32>
          %gather3A_918 = arith.constant 0 : i32
          %gather3A_919 = arith.constant 0 : i32
          %gather3A_920 = tpu.memref_slice %arg16[%scan3A_437, %gather3A_918, %gather3A_919] : memref<2x1280x32xi32, #tpu.memory_space<vmem>> -> memref<1x1280x32xi32, #tpu.memory_space<vmem>>
          %gather3A_921 = tpu.memref_squeeze %gather3A_920 : memref<1x1280x32xi32, #tpu.memory_space<vmem>> -> memref<1280x32xi32, #tpu.memory_space<vmem>>
          %gather3A_922 = tpu.vector_load_idx %gather3A_921[%add3A_917, %and3A_717] : memref<1280x32xi32, #tpu.memory_space<vmem>>[vector<16xi32>, vector<16xi32>], vector<16xi32>,
          %bitcast3A_923 = vector.bitcast %gather3A_922 : vector<16xi32> to vector<32xbf16>
          %unpack3A_924 = tpu.unpack_subelements %bitcast3A_923, 0 {pack_format = #tpu.pack_format<interleaved>} : vector<32xbf16> -> vector<16xf32>
          %unpack3A_925 = tpu.unpack_subelements %bitcast3A_923, 1 {pack_format = #tpu.pack_format<interleaved>} : vector<32xbf16> -> vector<16xf32>
          %mul3A_926 = arith.mulf %unpack3A_924, %unpack3A : vector<16xf32>
          %add3A_927 = arith.addf %scan3A_702, %mul3A_926 : vector<16xf32>
          %mul3A_928 = arith.mulf %unpack3A_925, %unpack3A_722 : vector<16xf32>
          %add3A_929 = arith.addf %add3A_927, %mul3A_928 : vector<16xf32>
          %add3A_930 = arith.constant 13 : i32
          %add3A_931 = vector.broadcast %add3A_930 : i32 to vector<16xi32>
          %add3A_932 = arith.addi %mul3A_512, %add3A_931 : vector<16xi32>
          %gather3A_933 = arith.constant 0 : i32
          %gather3A_934 = arith.constant 0 : i32
          %gather3A_935 = tpu.memref_slice %arg16[%scan3A_437, %gather3A_933, %gather3A_934] : memref<2x1280x32xi32, #tpu.memory_space<vmem>> -> memref<1x1280x32xi32, #tpu.memory_space<vmem>>
          %gather3A_936 = tpu.memref_squeeze %gather3A_935 : memref<1x1280x32xi32, #tpu.memory_space<vmem>> -> memref<1280x32xi32, #tpu.memory_space<vmem>>
          %gather3A_937 = tpu.vector_load_idx %gather3A_936[%add3A_932, %and3A_717] : memref<1280x32xi32, #tpu.memory_space<vmem>>[vector<16xi32>, vector<16xi32>], vector<16xi32>,
          %bitcast3A_938 = vector.bitcast %gather3A_937 : vector<16xi32> to vector<32xbf16>
          %unpack3A_939 = tpu.unpack_subelements %bitcast3A_938, 0 {pack_format = #tpu.pack_format<interleaved>} : vector<32xbf16> -> vector<16xf32>
          %unpack3A_940 = tpu.unpack_subelements %bitcast3A_938, 1 {pack_format = #tpu.pack_format<interleaved>} : vector<32xbf16> -> vector<16xf32>
          %mul3A_941 = arith.mulf %unpack3A_939, %unpack3A : vector<16xf32>
          %add3A_942 = arith.addf %scan3A_703, %mul3A_941 : vector<16xf32>
          %mul3A_943 = arith.mulf %unpack3A_940, %unpack3A_722 : vector<16xf32>
          %add3A_944 = arith.addf %add3A_942, %mul3A_943 : vector<16xf32>
          %add3A_945 = arith.constant 14 : i32
          %add3A_946 = vector.broadcast %add3A_945 : i32 to vector<16xi32>
          %add3A_947 = arith.addi %mul3A_512, %add3A_946 : vector<16xi32>
          %gather3A_948 = arith.constant 0 : i32
          %gather3A_949 = arith.constant 0 : i32
          %gather3A_950 = tpu.memref_slice %arg16[%scan3A_437, %gather3A_948, %gather3A_949] : memref<2x1280x32xi32, #tpu.memory_space<vmem>> -> memref<1x1280x32xi32, #tpu.memory_space<vmem>>
          %gather3A_951 = tpu.memref_squeeze %gather3A_950 : memref<1x1280x32xi32, #tpu.memory_space<vmem>> -> memref<1280x32xi32, #tpu.memory_space<vmem>>
          %gather3A_952 = tpu.vector_load_idx %gather3A_951[%add3A_947, %and3A_717] : memref<1280x32xi32, #tpu.memory_space<vmem>>[vector<16xi32>, vector<16xi32>], vector<16xi32>,
          %bitcast3A_953 = vector.bitcast %gather3A_952 : vector<16xi32> to vector<32xbf16>
          %unpack3A_954 = tpu.unpack_subelements %bitcast3A_953, 0 {pack_format = #tpu.pack_format<interleaved>} : vector<32xbf16> -> vector<16xf32>
          %unpack3A_955 = tpu.unpack_subelements %bitcast3A_953, 1 {pack_format = #tpu.pack_format<interleaved>} : vector<32xbf16> -> vector<16xf32>
          %mul3A_956 = arith.mulf %unpack3A_954, %unpack3A : vector<16xf32>
          %add3A_957 = arith.addf %scan3A_704, %mul3A_956 : vector<16xf32>
          %mul3A_958 = arith.mulf %unpack3A_955, %unpack3A_722 : vector<16xf32>
          %add3A_959 = arith.addf %add3A_957, %mul3A_958 : vector<16xf32>
          %add3A_960 = arith.constant 15 : i32
          %add3A_961 = vector.broadcast %add3A_960 : i32 to vector<16xi32>
          %add3A_962 = arith.addi %mul3A_512, %add3A_961 : vector<16xi32>
          %gather3A_963 = arith.constant 0 : i32
          %gather3A_964 = arith.constant 0 : i32
          %gather3A_965 = tpu.memref_slice %arg16[%scan3A_437, %gather3A_963, %gather3A_964] : memref<2x1280x32xi32, #tpu.memory_space<vmem>> -> memref<1x1280x32xi32, #tpu.memory_space<vmem>>
          %gather3A_966 = tpu.memref_squeeze %gather3A_965 : memref<1x1280x32xi32, #tpu.memory_space<vmem>> -> memref<1280x32xi32, #tpu.memory_space<vmem>>
          %gather3A_967 = tpu.vector_load_idx %gather3A_966[%add3A_962, %and3A_717] : memref<1280x32xi32, #tpu.memory_space<vmem>>[vector<16xi32>, vector<16xi32>], vector<16xi32>,
          %bitcast3A_968 = vector.bitcast %gather3A_967 : vector<16xi32> to vector<32xbf16>
          %unpack3A_969 = tpu.unpack_subelements %bitcast3A_968, 0 {pack_format = #tpu.pack_format<interleaved>} : vector<32xbf16> -> vector<16xf32>
          %unpack3A_970 = tpu.unpack_subelements %bitcast3A_968, 1 {pack_format = #tpu.pack_format<interleaved>} : vector<32xbf16> -> vector<16xf32>
          %mul3A_971 = arith.mulf %unpack3A_969, %unpack3A : vector<16xf32>
          %add3A_972 = arith.addf %scan3A_705, %mul3A_971 : vector<16xf32>
          %mul3A_973 = arith.mulf %unpack3A_970, %unpack3A_722 : vector<16xf32>
          %add3A_974 = arith.addf %add3A_972, %mul3A_973 : vector<16xf32>
          %add3A_975 = arith.constant 16 : i32
          %add3A_976 = vector.broadcast %add3A_975 : i32 to vector<16xi32>
          %add3A_977 = arith.addi %mul3A_512, %add3A_976 : vector<16xi32>
          %gather3A_978 = arith.constant 0 : i32
          %gather3A_979 = arith.constant 0 : i32
          %gather3A_980 = tpu.memref_slice %arg16[%scan3A_437, %gather3A_978, %gather3A_979] : memref<2x1280x32xi32, #tpu.memory_space<vmem>> -> memref<1x1280x32xi32, #tpu.memory_space<vmem>>
          %gather3A_981 = tpu.memref_squeeze %gather3A_980 : memref<1x1280x32xi32, #tpu.memory_space<vmem>> -> memref<1280x32xi32, #tpu.memory_space<vmem>>
          %gather3A_982 = tpu.vector_load_idx %gather3A_981[%add3A_977, %and3A_717] : memref<1280x32xi32, #tpu.memory_space<vmem>>[vector<16xi32>, vector<16xi32>], vector<16xi32>,
          %bitcast3A_983 = vector.bitcast %gather3A_982 : vector<16xi32> to vector<32xbf16>
          %unpack3A_984 = tpu.unpack_subelements %bitcast3A_983, 0 {pack_format = #tpu.pack_format<interleaved>} : vector<32xbf16> -> vector<16xf32>
          %unpack3A_985 = tpu.unpack_subelements %bitcast3A_983, 1 {pack_format = #tpu.pack_format<interleaved>} : vector<32xbf16> -> vector<16xf32>
          %mul3A_986 = arith.mulf %unpack3A_984, %unpack3A : vector<16xf32>
          %add3A_987 = arith.addf %scan3A_706, %mul3A_986 : vector<16xf32>
          %mul3A_988 = arith.mulf %unpack3A_985, %unpack3A_722 : vector<16xf32>
          %add3A_989 = arith.addf %add3A_987, %mul3A_988 : vector<16xf32>
          %add3A_990 = arith.constant 17 : i32
          %add3A_991 = vector.broadcast %add3A_990 : i32 to vector<16xi32>
          %add3A_992 = arith.addi %mul3A_512, %add3A_991 : vector<16xi32>
          %gather3A_993 = arith.constant 0 : i32
          %gather3A_994 = arith.constant 0 : i32
          %gather3A_995 = tpu.memref_slice %arg16[%scan3A_437, %gather3A_993, %gather3A_994] : memref<2x1280x32xi32, #tpu.memory_space<vmem>> -> memref<1x1280x32xi32, #tpu.memory_space<vmem>>
          %gather3A_996 = tpu.memref_squeeze %gather3A_995 : memref<1x1280x32xi32, #tpu.memory_space<vmem>> -> memref<1280x32xi32, #tpu.memory_space<vmem>>
          %gather3A_997 = tpu.vector_load_idx %gather3A_996[%add3A_992, %and3A_717] : memref<1280x32xi32, #tpu.memory_space<vmem>>[vector<16xi32>, vector<16xi32>], vector<16xi32>,
          %bitcast3A_998 = vector.bitcast %gather3A_997 : vector<16xi32> to vector<32xbf16>
          %unpack3A_999 = tpu.unpack_subelements %bitcast3A_998, 0 {pack_format = #tpu.pack_format<interleaved>} : vector<32xbf16> -> vector<16xf32>
          %unpack3A_1000 = tpu.unpack_subelements %bitcast3A_998, 1 {pack_format = #tpu.pack_format<interleaved>} : vector<32xbf16> -> vector<16xf32>
          %mul3A_1001 = arith.mulf %unpack3A_999, %unpack3A : vector<16xf32>
          %add3A_1002 = arith.addf %scan3A_707, %mul3A_1001 : vector<16xf32>
          %mul3A_1003 = arith.mulf %unpack3A_1000, %unpack3A_722 : vector<16xf32>
          %add3A_1004 = arith.addf %add3A_1002, %mul3A_1003 : vector<16xf32>
          %add3A_1005 = arith.constant 18 : i32
          %add3A_1006 = vector.broadcast %add3A_1005 : i32 to vector<16xi32>
          %add3A_1007 = arith.addi %mul3A_512, %add3A_1006 : vector<16xi32>
          %gather3A_1008 = arith.constant 0 : i32
          %gather3A_1009 = arith.constant 0 : i32
          %gather3A_1010 = tpu.memref_slice %arg16[%scan3A_437, %gather3A_1008, %gather3A_1009] : memref<2x1280x32xi32, #tpu.memory_space<vmem>> -> memref<1x1280x32xi32, #tpu.memory_space<vmem>>
          %gather3A_1011 = tpu.memref_squeeze %gather3A_1010 : memref<1x1280x32xi32, #tpu.memory_space<vmem>> -> memref<1280x32xi32, #tpu.memory_space<vmem>>
          %gather3A_1012 = tpu.vector_load_idx %gather3A_1011[%add3A_1007, %and3A_717] : memref<1280x32xi32, #tpu.memory_space<vmem>>[vector<16xi32>, vector<16xi32>], vector<16xi32>,
          %bitcast3A_1013 = vector.bitcast %gather3A_1012 : vector<16xi32> to vector<32xbf16>
          %unpack3A_1014 = tpu.unpack_subelements %bitcast3A_1013, 0 {pack_format = #tpu.pack_format<interleaved>} : vector<32xbf16> -> vector<16xf32>
          %unpack3A_1015 = tpu.unpack_subelements %bitcast3A_1013, 1 {pack_format = #tpu.pack_format<interleaved>} : vector<32xbf16> -> vector<16xf32>
          %mul3A_1016 = arith.mulf %unpack3A_1014, %unpack3A : vector<16xf32>
          %add3A_1017 = arith.addf %scan3A_708, %mul3A_1016 : vector<16xf32>
          %mul3A_1018 = arith.mulf %unpack3A_1015, %unpack3A_722 : vector<16xf32>
          %add3A_1019 = arith.addf %add3A_1017, %mul3A_1018 : vector<16xf32>
          %add3A_1020 = arith.constant 19 : i32
          %add3A_1021 = vector.broadcast %add3A_1020 : i32 to vector<16xi32>
          %add3A_1022 = arith.addi %mul3A_512, %add3A_1021 : vector<16xi32>
          %gather3A_1023 = arith.constant 0 : i32
          %gather3A_1024 = arith.constant 0 : i32
          %gather3A_1025 = tpu.memref_slice %arg16[%scan3A_437, %gather3A_1023, %gather3A_1024] : memref<2x1280x32xi32, #tpu.memory_space<vmem>> -> memref<1x1280x32xi32, #tpu.memory_space<vmem>>
          %gather3A_1026 = tpu.memref_squeeze %gather3A_1025 : memref<1x1280x32xi32, #tpu.memory_space<vmem>> -> memref<1280x32xi32, #tpu.memory_space<vmem>>
          %gather3A_1027 = tpu.vector_load_idx %gather3A_1026[%add3A_1022, %and3A_717] : memref<1280x32xi32, #tpu.memory_space<vmem>>[vector<16xi32>, vector<16xi32>], vector<16xi32>,
          %bitcast3A_1028 = vector.bitcast %gather3A_1027 : vector<16xi32> to vector<32xbf16>
          %unpack3A_1029 = tpu.unpack_subelements %bitcast3A_1028, 0 {pack_format = #tpu.pack_format<interleaved>} : vector<32xbf16> -> vector<16xf32>
          %unpack3A_1030 = tpu.unpack_subelements %bitcast3A_1028, 1 {pack_format = #tpu.pack_format<interleaved>} : vector<32xbf16> -> vector<16xf32>
          %mul3A_1031 = arith.mulf %unpack3A_1029, %unpack3A : vector<16xf32>
          %add3A_1032 = arith.addf %scan3A_709, %mul3A_1031 : vector<16xf32>
          %mul3A_1033 = arith.mulf %unpack3A_1030, %unpack3A_722 : vector<16xf32>
          %add3A_1034 = arith.addf %add3A_1032, %mul3A_1033 : vector<16xf32>
          %mul3A_1035 = arith.constant 4 : i32
          %mul3A_1036 = arith.muli %scan3A_688, %mul3A_1035 : i32
          %add3A_1037 = arith.constant 1 : i32
          %add3A_1038 = arith.addi %mul3A_1036, %add3A_1037 : i32
          %add3A_1039 = vector.broadcast %add3A_1038 : i32 to vector<16xi32>
          %add3A_1040 = arith.addi %iota3A, %add3A_1039 : vector<16xi32>
          %and3A_1041 = arith.constant 31 : i32
          %and3A_1042 = vector.broadcast %and3A_1041 : i32 to vector<16xi32>
          %and3A_1043 = arith.andi %add3A_1040, %and3A_1042 : vector<16xi32>
          %gather3A_1044 = arith.constant 0 : i32
          %gather3A_1045 = arith.constant 0 : i32
          %gather3A_1046 = tpu.memref_slice %arg14[%scan3A_435, %gather3A_1044, %gather3A_1045] : memref<2x64x32xi32, #tpu.memory_space<vmem>> -> memref<1x64x32xi32, #tpu.memory_space<vmem>>
          %gather3A_1047 = tpu.memref_squeeze %gather3A_1046 : memref<1x64x32xi32, #tpu.memory_space<vmem>> -> memref<64x32xi32, #tpu.memory_space<vmem>>
          %gather3A_1048 = tpu.vector_load_idx %gather3A_1047[%add3A_509, %and3A_1043] : memref<64x32xi32, #tpu.memory_space<vmem>>[vector<16xi32>, vector<16xi32>], vector<16xi32>,
          %bitcast3A_1049 = vector.bitcast %gather3A_1048 : vector<16xi32> to vector<32xbf16>
          %unpack3A_1050 = tpu.unpack_subelements %bitcast3A_1049, 0 {pack_format = #tpu.pack_format<interleaved>} : vector<32xbf16> -> vector<16xf32>
          %unpack3A_1051 = tpu.unpack_subelements %bitcast3A_1049, 1 {pack_format = #tpu.pack_format<interleaved>} : vector<32xbf16> -> vector<16xf32>
          %gather3A_1052 = arith.constant 0 : i32
          %gather3A_1053 = arith.constant 0 : i32
          %gather3A_1054 = tpu.memref_slice %arg15[%scan3A_436, %gather3A_1052, %gather3A_1053] : memref<2x64x32xi32, #tpu.memory_space<vmem>> -> memref<1x64x32xi32, #tpu.memory_space<vmem>>
          %gather3A_1055 = tpu.memref_squeeze %gather3A_1054 : memref<1x64x32xi32, #tpu.memory_space<vmem>> -> memref<64x32xi32, #tpu.memory_space<vmem>>
          %gather3A_1056 = tpu.vector_load_idx %gather3A_1055[%add3A_509, %and3A_1043] : memref<64x32xi32, #tpu.memory_space<vmem>>[vector<16xi32>, vector<16xi32>], vector<16xi32>,
          %bitcast3A_1057 = vector.bitcast %gather3A_1056 : vector<16xi32> to vector<32xbf16>
          %unpack3A_1058 = tpu.unpack_subelements %bitcast3A_1057, 0 {pack_format = #tpu.pack_format<interleaved>} : vector<32xbf16> -> vector<16xf32>
          %unpack3A_1059 = tpu.unpack_subelements %bitcast3A_1057, 1 {pack_format = #tpu.pack_format<interleaved>} : vector<32xbf16> -> vector<16xf32>
          %mul3A_1060 = arith.mulf %unpack3A_1050, %unpack3A_1058 : vector<16xf32>
          %add3A_1061 = arith.addf %add3A_734, %mul3A_1060 : vector<16xf32>
          %mul3A_1062 = arith.mulf %unpack3A_1051, %unpack3A_1059 : vector<16xf32>
          %add3A_1063 = arith.addf %add3A_1061, %mul3A_1062 : vector<16xf32>
          %add3A_1064 = arith.constant 0 : i32
          %add3A_1065 = vector.broadcast %add3A_1064 : i32 to vector<16xi32>
          %add3A_1066 = arith.addi %mul3A_512, %add3A_1065 : vector<16xi32>
          %gather3A_1067 = arith.constant 0 : i32
          %gather3A_1068 = arith.constant 0 : i32
          %gather3A_1069 = tpu.memref_slice %arg16[%scan3A_437, %gather3A_1067, %gather3A_1068] : memref<2x1280x32xi32, #tpu.memory_space<vmem>> -> memref<1x1280x32xi32, #tpu.memory_space<vmem>>
          %gather3A_1070 = tpu.memref_squeeze %gather3A_1069 : memref<1x1280x32xi32, #tpu.memory_space<vmem>> -> memref<1280x32xi32, #tpu.memory_space<vmem>>
          %gather3A_1071 = tpu.vector_load_idx %gather3A_1070[%add3A_1066, %and3A_1043] : memref<1280x32xi32, #tpu.memory_space<vmem>>[vector<16xi32>, vector<16xi32>], vector<16xi32>,
          %bitcast3A_1072 = vector.bitcast %gather3A_1071 : vector<16xi32> to vector<32xbf16>
          %unpack3A_1073 = tpu.unpack_subelements %bitcast3A_1072, 0 {pack_format = #tpu.pack_format<interleaved>} : vector<32xbf16> -> vector<16xf32>
          %unpack3A_1074 = tpu.unpack_subelements %bitcast3A_1072, 1 {pack_format = #tpu.pack_format<interleaved>} : vector<32xbf16> -> vector<16xf32>
          %mul3A_1075 = arith.mulf %unpack3A_1073, %unpack3A_1050 : vector<16xf32>
          %add3A_1076 = arith.addf %add3A_749, %mul3A_1075 : vector<16xf32>
          %mul3A_1077 = arith.mulf %unpack3A_1074, %unpack3A_1051 : vector<16xf32>
          %add3A_1078 = arith.addf %add3A_1076, %mul3A_1077 : vector<16xf32>
          %add3A_1079 = arith.constant 1 : i32
          %add3A_1080 = vector.broadcast %add3A_1079 : i32 to vector<16xi32>
          %add3A_1081 = arith.addi %mul3A_512, %add3A_1080 : vector<16xi32>
          %gather3A_1082 = arith.constant 0 : i32
          %gather3A_1083 = arith.constant 0 : i32
          %gather3A_1084 = tpu.memref_slice %arg16[%scan3A_437, %gather3A_1082, %gather3A_1083] : memref<2x1280x32xi32, #tpu.memory_space<vmem>> -> memref<1x1280x32xi32, #tpu.memory_space<vmem>>
          %gather3A_1085 = tpu.memref_squeeze %gather3A_1084 : memref<1x1280x32xi32, #tpu.memory_space<vmem>> -> memref<1280x32xi32, #tpu.memory_space<vmem>>
          %gather3A_1086 = tpu.vector_load_idx %gather3A_1085[%add3A_1081, %and3A_1043] : memref<1280x32xi32, #tpu.memory_space<vmem>>[vector<16xi32>, vector<16xi32>], vector<16xi32>,
          %bitcast3A_1087 = vector.bitcast %gather3A_1086 : vector<16xi32> to vector<32xbf16>
          %unpack3A_1088 = tpu.unpack_subelements %bitcast3A_1087, 0 {pack_format = #tpu.pack_format<interleaved>} : vector<32xbf16> -> vector<16xf32>
          %unpack3A_1089 = tpu.unpack_subelements %bitcast3A_1087, 1 {pack_format = #tpu.pack_format<interleaved>} : vector<32xbf16> -> vector<16xf32>
          %mul3A_1090 = arith.mulf %unpack3A_1088, %unpack3A_1050 : vector<16xf32>
          %add3A_1091 = arith.addf %add3A_764, %mul3A_1090 : vector<16xf32>
          %mul3A_1092 = arith.mulf %unpack3A_1089, %unpack3A_1051 : vector<16xf32>
          %add3A_1093 = arith.addf %add3A_1091, %mul3A_1092 : vector<16xf32>
          %add3A_1094 = arith.constant 2 : i32
          %add3A_1095 = vector.broadcast %add3A_1094 : i32 to vector<16xi32>
          %add3A_1096 = arith.addi %mul3A_512, %add3A_1095 : vector<16xi32>
          %gather3A_1097 = arith.constant 0 : i32
          %gather3A_1098 = arith.constant 0 : i32
          %gather3A_1099 = tpu.memref_slice %arg16[%scan3A_437, %gather3A_1097, %gather3A_1098] : memref<2x1280x32xi32, #tpu.memory_space<vmem>> -> memref<1x1280x32xi32, #tpu.memory_space<vmem>>
          %gather3A_1100 = tpu.memref_squeeze %gather3A_1099 : memref<1x1280x32xi32, #tpu.memory_space<vmem>> -> memref<1280x32xi32, #tpu.memory_space<vmem>>
          %gather3A_1101 = tpu.vector_load_idx %gather3A_1100[%add3A_1096, %and3A_1043] : memref<1280x32xi32, #tpu.memory_space<vmem>>[vector<16xi32>, vector<16xi32>], vector<16xi32>,
          %bitcast3A_1102 = vector.bitcast %gather3A_1101 : vector<16xi32> to vector<32xbf16>
          %unpack3A_1103 = tpu.unpack_subelements %bitcast3A_1102, 0 {pack_format = #tpu.pack_format<interleaved>} : vector<32xbf16> -> vector<16xf32>
          %unpack3A_1104 = tpu.unpack_subelements %bitcast3A_1102, 1 {pack_format = #tpu.pack_format<interleaved>} : vector<32xbf16> -> vector<16xf32>
          %mul3A_1105 = arith.mulf %unpack3A_1103, %unpack3A_1050 : vector<16xf32>
          %add3A_1106 = arith.addf %add3A_779, %mul3A_1105 : vector<16xf32>
          %mul3A_1107 = arith.mulf %unpack3A_1104, %unpack3A_1051 : vector<16xf32>
          %add3A_1108 = arith.addf %add3A_1106, %mul3A_1107 : vector<16xf32>
          %add3A_1109 = arith.constant 3 : i32
          %add3A_1110 = vector.broadcast %add3A_1109 : i32 to vector<16xi32>
          %add3A_1111 = arith.addi %mul3A_512, %add3A_1110 : vector<16xi32>
          %gather3A_1112 = arith.constant 0 : i32
          %gather3A_1113 = arith.constant 0 : i32
          %gather3A_1114 = tpu.memref_slice %arg16[%scan3A_437, %gather3A_1112, %gather3A_1113] : memref<2x1280x32xi32, #tpu.memory_space<vmem>> -> memref<1x1280x32xi32, #tpu.memory_space<vmem>>
          %gather3A_1115 = tpu.memref_squeeze %gather3A_1114 : memref<1x1280x32xi32, #tpu.memory_space<vmem>> -> memref<1280x32xi32, #tpu.memory_space<vmem>>
          %gather3A_1116 = tpu.vector_load_idx %gather3A_1115[%add3A_1111, %and3A_1043] : memref<1280x32xi32, #tpu.memory_space<vmem>>[vector<16xi32>, vector<16xi32>], vector<16xi32>,
          %bitcast3A_1117 = vector.bitcast %gather3A_1116 : vector<16xi32> to vector<32xbf16>
          %unpack3A_1118 = tpu.unpack_subelements %bitcast3A_1117, 0 {pack_format = #tpu.pack_format<interleaved>} : vector<32xbf16> -> vector<16xf32>
          %unpack3A_1119 = tpu.unpack_subelements %bitcast3A_1117, 1 {pack_format = #tpu.pack_format<interleaved>} : vector<32xbf16> -> vector<16xf32>
          %mul3A_1120 = arith.mulf %unpack3A_1118, %unpack3A_1050 : vector<16xf32>
          %add3A_1121 = arith.addf %add3A_794, %mul3A_1120 : vector<16xf32>
          %mul3A_1122 = arith.mulf %unpack3A_1119, %unpack3A_1051 : vector<16xf32>
          %add3A_1123 = arith.addf %add3A_1121, %mul3A_1122 : vector<16xf32>
          %add3A_1124 = arith.constant 4 : i32
          %add3A_1125 = vector.broadcast %add3A_1124 : i32 to vector<16xi32>
          %add3A_1126 = arith.addi %mul3A_512, %add3A_1125 : vector<16xi32>
          %gather3A_1127 = arith.constant 0 : i32
          %gather3A_1128 = arith.constant 0 : i32
          %gather3A_1129 = tpu.memref_slice %arg16[%scan3A_437, %gather3A_1127, %gather3A_1128] : memref<2x1280x32xi32, #tpu.memory_space<vmem>> -> memref<1x1280x32xi32, #tpu.memory_space<vmem>>
          %gather3A_1130 = tpu.memref_squeeze %gather3A_1129 : memref<1x1280x32xi32, #tpu.memory_space<vmem>> -> memref<1280x32xi32, #tpu.memory_space<vmem>>
          %gather3A_1131 = tpu.vector_load_idx %gather3A_1130[%add3A_1126, %and3A_1043] : memref<1280x32xi32, #tpu.memory_space<vmem>>[vector<16xi32>, vector<16xi32>], vector<16xi32>,
          %bitcast3A_1132 = vector.bitcast %gather3A_1131 : vector<16xi32> to vector<32xbf16>
          %unpack3A_1133 = tpu.unpack_subelements %bitcast3A_1132, 0 {pack_format = #tpu.pack_format<interleaved>} : vector<32xbf16> -> vector<16xf32>
          %unpack3A_1134 = tpu.unpack_subelements %bitcast3A_1132, 1 {pack_format = #tpu.pack_format<interleaved>} : vector<32xbf16> -> vector<16xf32>
          %mul3A_1135 = arith.mulf %unpack3A_1133, %unpack3A_1050 : vector<16xf32>
          %add3A_1136 = arith.addf %add3A_809, %mul3A_1135 : vector<16xf32>
          %mul3A_1137 = arith.mulf %unpack3A_1134, %unpack3A_1051 : vector<16xf32>
          %add3A_1138 = arith.addf %add3A_1136, %mul3A_1137 : vector<16xf32>
          %add3A_1139 = arith.constant 5 : i32
          %add3A_1140 = vector.broadcast %add3A_1139 : i32 to vector<16xi32>
          %add3A_1141 = arith.addi %mul3A_512, %add3A_1140 : vector<16xi32>
          %gather3A_1142 = arith.constant 0 : i32
          %gather3A_1143 = arith.constant 0 : i32
          %gather3A_1144 = tpu.memref_slice %arg16[%scan3A_437, %gather3A_1142, %gather3A_1143] : memref<2x1280x32xi32, #tpu.memory_space<vmem>> -> memref<1x1280x32xi32, #tpu.memory_space<vmem>>
          %gather3A_1145 = tpu.memref_squeeze %gather3A_1144 : memref<1x1280x32xi32, #tpu.memory_space<vmem>> -> memref<1280x32xi32, #tpu.memory_space<vmem>>
          %gather3A_1146 = tpu.vector_load_idx %gather3A_1145[%add3A_1141, %and3A_1043] : memref<1280x32xi32, #tpu.memory_space<vmem>>[vector<16xi32>, vector<16xi32>], vector<16xi32>,
          %bitcast3A_1147 = vector.bitcast %gather3A_1146 : vector<16xi32> to vector<32xbf16>
          %unpack3A_1148 = tpu.unpack_subelements %bitcast3A_1147, 0 {pack_format = #tpu.pack_format<interleaved>} : vector<32xbf16> -> vector<16xf32>
          %unpack3A_1149 = tpu.unpack_subelements %bitcast3A_1147, 1 {pack_format = #tpu.pack_format<interleaved>} : vector<32xbf16> -> vector<16xf32>
          %mul3A_1150 = arith.mulf %unpack3A_1148, %unpack3A_1050 : vector<16xf32>
          %add3A_1151 = arith.addf %add3A_824, %mul3A_1150 : vector<16xf32>
          %mul3A_1152 = arith.mulf %unpack3A_1149, %unpack3A_1051 : vector<16xf32>
          %add3A_1153 = arith.addf %add3A_1151, %mul3A_1152 : vector<16xf32>
          %add3A_1154 = arith.constant 6 : i32
          %add3A_1155 = vector.broadcast %add3A_1154 : i32 to vector<16xi32>
          %add3A_1156 = arith.addi %mul3A_512, %add3A_1155 : vector<16xi32>
          %gather3A_1157 = arith.constant 0 : i32
          %gather3A_1158 = arith.constant 0 : i32
          %gather3A_1159 = tpu.memref_slice %arg16[%scan3A_437, %gather3A_1157, %gather3A_1158] : memref<2x1280x32xi32, #tpu.memory_space<vmem>> -> memref<1x1280x32xi32, #tpu.memory_space<vmem>>
          %gather3A_1160 = tpu.memref_squeeze %gather3A_1159 : memref<1x1280x32xi32, #tpu.memory_space<vmem>> -> memref<1280x32xi32, #tpu.memory_space<vmem>>
          %gather3A_1161 = tpu.vector_load_idx %gather3A_1160[%add3A_1156, %and3A_1043] : memref<1280x32xi32, #tpu.memory_space<vmem>>[vector<16xi32>, vector<16xi32>], vector<16xi32>,
          %bitcast3A_1162 = vector.bitcast %gather3A_1161 : vector<16xi32> to vector<32xbf16>
          %unpack3A_1163 = tpu.unpack_subelements %bitcast3A_1162, 0 {pack_format = #tpu.pack_format<interleaved>} : vector<32xbf16> -> vector<16xf32>
          %unpack3A_1164 = tpu.unpack_subelements %bitcast3A_1162, 1 {pack_format = #tpu.pack_format<interleaved>} : vector<32xbf16> -> vector<16xf32>
          %mul3A_1165 = arith.mulf %unpack3A_1163, %unpack3A_1050 : vector<16xf32>
          %add3A_1166 = arith.addf %add3A_839, %mul3A_1165 : vector<16xf32>
          %mul3A_1167 = arith.mulf %unpack3A_1164, %unpack3A_1051 : vector<16xf32>
          %add3A_1168 = arith.addf %add3A_1166, %mul3A_1167 : vector<16xf32>
          %add3A_1169 = arith.constant 7 : i32
          %add3A_1170 = vector.broadcast %add3A_1169 : i32 to vector<16xi32>
          %add3A_1171 = arith.addi %mul3A_512, %add3A_1170 : vector<16xi32>
          %gather3A_1172 = arith.constant 0 : i32
          %gather3A_1173 = arith.constant 0 : i32
          %gather3A_1174 = tpu.memref_slice %arg16[%scan3A_437, %gather3A_1172, %gather3A_1173] : memref<2x1280x32xi32, #tpu.memory_space<vmem>> -> memref<1x1280x32xi32, #tpu.memory_space<vmem>>
          %gather3A_1175 = tpu.memref_squeeze %gather3A_1174 : memref<1x1280x32xi32, #tpu.memory_space<vmem>> -> memref<1280x32xi32, #tpu.memory_space<vmem>>
          %gather3A_1176 = tpu.vector_load_idx %gather3A_1175[%add3A_1171, %and3A_1043] : memref<1280x32xi32, #tpu.memory_space<vmem>>[vector<16xi32>, vector<16xi32>], vector<16xi32>,
          %bitcast3A_1177 = vector.bitcast %gather3A_1176 : vector<16xi32> to vector<32xbf16>
          %unpack3A_1178 = tpu.unpack_subelements %bitcast3A_1177, 0 {pack_format = #tpu.pack_format<interleaved>} : vector<32xbf16> -> vector<16xf32>
          %unpack3A_1179 = tpu.unpack_subelements %bitcast3A_1177, 1 {pack_format = #tpu.pack_format<interleaved>} : vector<32xbf16> -> vector<16xf32>
          %mul3A_1180 = arith.mulf %unpack3A_1178, %unpack3A_1050 : vector<16xf32>
          %add3A_1181 = arith.addf %add3A_854, %mul3A_1180 : vector<16xf32>
          %mul3A_1182 = arith.mulf %unpack3A_1179, %unpack3A_1051 : vector<16xf32>
          %add3A_1183 = arith.addf %add3A_1181, %mul3A_1182 : vector<16xf32>
          %add3A_1184 = arith.constant 8 : i32
          %add3A_1185 = vector.broadcast %add3A_1184 : i32 to vector<16xi32>
          %add3A_1186 = arith.addi %mul3A_512, %add3A_1185 : vector<16xi32>
          %gather3A_1187 = arith.constant 0 : i32
          %gather3A_1188 = arith.constant 0 : i32
          %gather3A_1189 = tpu.memref_slice %arg16[%scan3A_437, %gather3A_1187, %gather3A_1188] : memref<2x1280x32xi32, #tpu.memory_space<vmem>> -> memref<1x1280x32xi32, #tpu.memory_space<vmem>>
          %gather3A_1190 = tpu.memref_squeeze %gather3A_1189 : memref<1x1280x32xi32, #tpu.memory_space<vmem>> -> memref<1280x32xi32, #tpu.memory_space<vmem>>
          %gather3A_1191 = tpu.vector_load_idx %gather3A_1190[%add3A_1186, %and3A_1043] : memref<1280x32xi32, #tpu.memory_space<vmem>>[vector<16xi32>, vector<16xi32>], vector<16xi32>,
          %bitcast3A_1192 = vector.bitcast %gather3A_1191 : vector<16xi32> to vector<32xbf16>
          %unpack3A_1193 = tpu.unpack_subelements %bitcast3A_1192, 0 {pack_format = #tpu.pack_format<interleaved>} : vector<32xbf16> -> vector<16xf32>
          %unpack3A_1194 = tpu.unpack_subelements %bitcast3A_1192, 1 {pack_format = #tpu.pack_format<interleaved>} : vector<32xbf16> -> vector<16xf32>
          %mul3A_1195 = arith.mulf %unpack3A_1193, %unpack3A_1050 : vector<16xf32>
          %add3A_1196 = arith.addf %add3A_869, %mul3A_1195 : vector<16xf32>
          %mul3A_1197 = arith.mulf %unpack3A_1194, %unpack3A_1051 : vector<16xf32>
          %add3A_1198 = arith.addf %add3A_1196, %mul3A_1197 : vector<16xf32>
          %add3A_1199 = arith.constant 9 : i32
          %add3A_1200 = vector.broadcast %add3A_1199 : i32 to vector<16xi32>
          %add3A_1201 = arith.addi %mul3A_512, %add3A_1200 : vector<16xi32>
          %gather3A_1202 = arith.constant 0 : i32
          %gather3A_1203 = arith.constant 0 : i32
          %gather3A_1204 = tpu.memref_slice %arg16[%scan3A_437, %gather3A_1202, %gather3A_1203] : memref<2x1280x32xi32, #tpu.memory_space<vmem>> -> memref<1x1280x32xi32, #tpu.memory_space<vmem>>
          %gather3A_1205 = tpu.memref_squeeze %gather3A_1204 : memref<1x1280x32xi32, #tpu.memory_space<vmem>> -> memref<1280x32xi32, #tpu.memory_space<vmem>>
          %gather3A_1206 = tpu.vector_load_idx %gather3A_1205[%add3A_1201, %and3A_1043] : memref<1280x32xi32, #tpu.memory_space<vmem>>[vector<16xi32>, vector<16xi32>], vector<16xi32>,
          %bitcast3A_1207 = vector.bitcast %gather3A_1206 : vector<16xi32> to vector<32xbf16>
          %unpack3A_1208 = tpu.unpack_subelements %bitcast3A_1207, 0 {pack_format = #tpu.pack_format<interleaved>} : vector<32xbf16> -> vector<16xf32>
          %unpack3A_1209 = tpu.unpack_subelements %bitcast3A_1207, 1 {pack_format = #tpu.pack_format<interleaved>} : vector<32xbf16> -> vector<16xf32>
          %mul3A_1210 = arith.mulf %unpack3A_1208, %unpack3A_1050 : vector<16xf32>
          %add3A_1211 = arith.addf %add3A_884, %mul3A_1210 : vector<16xf32>
          %mul3A_1212 = arith.mulf %unpack3A_1209, %unpack3A_1051 : vector<16xf32>
          %add3A_1213 = arith.addf %add3A_1211, %mul3A_1212 : vector<16xf32>
          %add3A_1214 = arith.constant 10 : i32
          %add3A_1215 = vector.broadcast %add3A_1214 : i32 to vector<16xi32>
          %add3A_1216 = arith.addi %mul3A_512, %add3A_1215 : vector<16xi32>
          %gather3A_1217 = arith.constant 0 : i32
          %gather3A_1218 = arith.constant 0 : i32
          %gather3A_1219 = tpu.memref_slice %arg16[%scan3A_437, %gather3A_1217, %gather3A_1218] : memref<2x1280x32xi32, #tpu.memory_space<vmem>> -> memref<1x1280x32xi32, #tpu.memory_space<vmem>>
          %gather3A_1220 = tpu.memref_squeeze %gather3A_1219 : memref<1x1280x32xi32, #tpu.memory_space<vmem>> -> memref<1280x32xi32, #tpu.memory_space<vmem>>
          %gather3A_1221 = tpu.vector_load_idx %gather3A_1220[%add3A_1216, %and3A_1043] : memref<1280x32xi32, #tpu.memory_space<vmem>>[vector<16xi32>, vector<16xi32>], vector<16xi32>,
          %bitcast3A_1222 = vector.bitcast %gather3A_1221 : vector<16xi32> to vector<32xbf16>
          %unpack3A_1223 = tpu.unpack_subelements %bitcast3A_1222, 0 {pack_format = #tpu.pack_format<interleaved>} : vector<32xbf16> -> vector<16xf32>
          %unpack3A_1224 = tpu.unpack_subelements %bitcast3A_1222, 1 {pack_format = #tpu.pack_format<interleaved>} : vector<32xbf16> -> vector<16xf32>
          %mul3A_1225 = arith.mulf %unpack3A_1223, %unpack3A_1050 : vector<16xf32>
          %add3A_1226 = arith.addf %add3A_899, %mul3A_1225 : vector<16xf32>
          %mul3A_1227 = arith.mulf %unpack3A_1224, %unpack3A_1051 : vector<16xf32>
          %add3A_1228 = arith.addf %add3A_1226, %mul3A_1227 : vector<16xf32>
          %add3A_1229 = arith.constant 11 : i32
          %add3A_1230 = vector.broadcast %add3A_1229 : i32 to vector<16xi32>
          %add3A_1231 = arith.addi %mul3A_512, %add3A_1230 : vector<16xi32>
          %gather3A_1232 = arith.constant 0 : i32
          %gather3A_1233 = arith.constant 0 : i32
          %gather3A_1234 = tpu.memref_slice %arg16[%scan3A_437, %gather3A_1232, %gather3A_1233] : memref<2x1280x32xi32, #tpu.memory_space<vmem>> -> memref<1x1280x32xi32, #tpu.memory_space<vmem>>
          %gather3A_1235 = tpu.memref_squeeze %gather3A_1234 : memref<1x1280x32xi32, #tpu.memory_space<vmem>> -> memref<1280x32xi32, #tpu.memory_space<vmem>>
          %gather3A_1236 = tpu.vector_load_idx %gather3A_1235[%add3A_1231, %and3A_1043] : memref<1280x32xi32, #tpu.memory_space<vmem>>[vector<16xi32>, vector<16xi32>], vector<16xi32>,
          %bitcast3A_1237 = vector.bitcast %gather3A_1236 : vector<16xi32> to vector<32xbf16>
          %unpack3A_1238 = tpu.unpack_subelements %bitcast3A_1237, 0 {pack_format = #tpu.pack_format<interleaved>} : vector<32xbf16> -> vector<16xf32>
          %unpack3A_1239 = tpu.unpack_subelements %bitcast3A_1237, 1 {pack_format = #tpu.pack_format<interleaved>} : vector<32xbf16> -> vector<16xf32>
          %mul3A_1240 = arith.mulf %unpack3A_1238, %unpack3A_1050 : vector<16xf32>
          %add3A_1241 = arith.addf %add3A_914, %mul3A_1240 : vector<16xf32>
          %mul3A_1242 = arith.mulf %unpack3A_1239, %unpack3A_1051 : vector<16xf32>
          %add3A_1243 = arith.addf %add3A_1241, %mul3A_1242 : vector<16xf32>
          %add3A_1244 = arith.constant 12 : i32
          %add3A_1245 = vector.broadcast %add3A_1244 : i32 to vector<16xi32>
          %add3A_1246 = arith.addi %mul3A_512, %add3A_1245 : vector<16xi32>
          %gather3A_1247 = arith.constant 0 : i32
          %gather3A_1248 = arith.constant 0 : i32
          %gather3A_1249 = tpu.memref_slice %arg16[%scan3A_437, %gather3A_1247, %gather3A_1248] : memref<2x1280x32xi32, #tpu.memory_space<vmem>> -> memref<1x1280x32xi32, #tpu.memory_space<vmem>>
          %gather3A_1250 = tpu.memref_squeeze %gather3A_1249 : memref<1x1280x32xi32, #tpu.memory_space<vmem>> -> memref<1280x32xi32, #tpu.memory_space<vmem>>
          %gather3A_1251 = tpu.vector_load_idx %gather3A_1250[%add3A_1246, %and3A_1043] : memref<1280x32xi32, #tpu.memory_space<vmem>>[vector<16xi32>, vector<16xi32>], vector<16xi32>,
          %bitcast3A_1252 = vector.bitcast %gather3A_1251 : vector<16xi32> to vector<32xbf16>
          %unpack3A_1253 = tpu.unpack_subelements %bitcast3A_1252, 0 {pack_format = #tpu.pack_format<interleaved>} : vector<32xbf16> -> vector<16xf32>
          %unpack3A_1254 = tpu.unpack_subelements %bitcast3A_1252, 1 {pack_format = #tpu.pack_format<interleaved>} : vector<32xbf16> -> vector<16xf32>
          %mul3A_1255 = arith.mulf %unpack3A_1253, %unpack3A_1050 : vector<16xf32>
          %add3A_1256 = arith.addf %add3A_929, %mul3A_1255 : vector<16xf32>
          %mul3A_1257 = arith.mulf %unpack3A_1254, %unpack3A_1051 : vector<16xf32>
          %add3A_1258 = arith.addf %add3A_1256, %mul3A_1257 : vector<16xf32>
          %add3A_1259 = arith.constant 13 : i32
          %add3A_1260 = vector.broadcast %add3A_1259 : i32 to vector<16xi32>
          %add3A_1261 = arith.addi %mul3A_512, %add3A_1260 : vector<16xi32>
          %gather3A_1262 = arith.constant 0 : i32
          %gather3A_1263 = arith.constant 0 : i32
          %gather3A_1264 = tpu.memref_slice %arg16[%scan3A_437, %gather3A_1262, %gather3A_1263] : memref<2x1280x32xi32, #tpu.memory_space<vmem>> -> memref<1x1280x32xi32, #tpu.memory_space<vmem>>
          %gather3A_1265 = tpu.memref_squeeze %gather3A_1264 : memref<1x1280x32xi32, #tpu.memory_space<vmem>> -> memref<1280x32xi32, #tpu.memory_space<vmem>>
          %gather3A_1266 = tpu.vector_load_idx %gather3A_1265[%add3A_1261, %and3A_1043] : memref<1280x32xi32, #tpu.memory_space<vmem>>[vector<16xi32>, vector<16xi32>], vector<16xi32>,
          %bitcast3A_1267 = vector.bitcast %gather3A_1266 : vector<16xi32> to vector<32xbf16>
          %unpack3A_1268 = tpu.unpack_subelements %bitcast3A_1267, 0 {pack_format = #tpu.pack_format<interleaved>} : vector<32xbf16> -> vector<16xf32>
          %unpack3A_1269 = tpu.unpack_subelements %bitcast3A_1267, 1 {pack_format = #tpu.pack_format<interleaved>} : vector<32xbf16> -> vector<16xf32>
          %mul3A_1270 = arith.mulf %unpack3A_1268, %unpack3A_1050 : vector<16xf32>
          %add3A_1271 = arith.addf %add3A_944, %mul3A_1270 : vector<16xf32>
          %mul3A_1272 = arith.mulf %unpack3A_1269, %unpack3A_1051 : vector<16xf32>
          %add3A_1273 = arith.addf %add3A_1271, %mul3A_1272 : vector<16xf32>
          %add3A_1274 = arith.constant 14 : i32
          %add3A_1275 = vector.broadcast %add3A_1274 : i32 to vector<16xi32>
          %add3A_1276 = arith.addi %mul3A_512, %add3A_1275 : vector<16xi32>
          %gather3A_1277 = arith.constant 0 : i32
          %gather3A_1278 = arith.constant 0 : i32
          %gather3A_1279 = tpu.memref_slice %arg16[%scan3A_437, %gather3A_1277, %gather3A_1278] : memref<2x1280x32xi32, #tpu.memory_space<vmem>> -> memref<1x1280x32xi32, #tpu.memory_space<vmem>>
          %gather3A_1280 = tpu.memref_squeeze %gather3A_1279 : memref<1x1280x32xi32, #tpu.memory_space<vmem>> -> memref<1280x32xi32, #tpu.memory_space<vmem>>
          %gather3A_1281 = tpu.vector_load_idx %gather3A_1280[%add3A_1276, %and3A_1043] : memref<1280x32xi32, #tpu.memory_space<vmem>>[vector<16xi32>, vector<16xi32>], vector<16xi32>,
          %bitcast3A_1282 = vector.bitcast %gather3A_1281 : vector<16xi32> to vector<32xbf16>
          %unpack3A_1283 = tpu.unpack_subelements %bitcast3A_1282, 0 {pack_format = #tpu.pack_format<interleaved>} : vector<32xbf16> -> vector<16xf32>
          %unpack3A_1284 = tpu.unpack_subelements %bitcast3A_1282, 1 {pack_format = #tpu.pack_format<interleaved>} : vector<32xbf16> -> vector<16xf32>
          %mul3A_1285 = arith.mulf %unpack3A_1283, %unpack3A_1050 : vector<16xf32>
          %add3A_1286 = arith.addf %add3A_959, %mul3A_1285 : vector<16xf32>
          %mul3A_1287 = arith.mulf %unpack3A_1284, %unpack3A_1051 : vector<16xf32>
          %add3A_1288 = arith.addf %add3A_1286, %mul3A_1287 : vector<16xf32>
          %add3A_1289 = arith.constant 15 : i32
          %add3A_1290 = vector.broadcast %add3A_1289 : i32 to vector<16xi32>
          %add3A_1291 = arith.addi %mul3A_512, %add3A_1290 : vector<16xi32>
          %gather3A_1292 = arith.constant 0 : i32
          %gather3A_1293 = arith.constant 0 : i32
          %gather3A_1294 = tpu.memref_slice %arg16[%scan3A_437, %gather3A_1292, %gather3A_1293] : memref<2x1280x32xi32, #tpu.memory_space<vmem>> -> memref<1x1280x32xi32, #tpu.memory_space<vmem>>
          %gather3A_1295 = tpu.memref_squeeze %gather3A_1294 : memref<1x1280x32xi32, #tpu.memory_space<vmem>> -> memref<1280x32xi32, #tpu.memory_space<vmem>>
          %gather3A_1296 = tpu.vector_load_idx %gather3A_1295[%add3A_1291, %and3A_1043] : memref<1280x32xi32, #tpu.memory_space<vmem>>[vector<16xi32>, vector<16xi32>], vector<16xi32>,
          %bitcast3A_1297 = vector.bitcast %gather3A_1296 : vector<16xi32> to vector<32xbf16>
          %unpack3A_1298 = tpu.unpack_subelements %bitcast3A_1297, 0 {pack_format = #tpu.pack_format<interleaved>} : vector<32xbf16> -> vector<16xf32>
          %unpack3A_1299 = tpu.unpack_subelements %bitcast3A_1297, 1 {pack_format = #tpu.pack_format<interleaved>} : vector<32xbf16> -> vector<16xf32>
          %mul3A_1300 = arith.mulf %unpack3A_1298, %unpack3A_1050 : vector<16xf32>
          %add3A_1301 = arith.addf %add3A_974, %mul3A_1300 : vector<16xf32>
          %mul3A_1302 = arith.mulf %unpack3A_1299, %unpack3A_1051 : vector<16xf32>
          %add3A_1303 = arith.addf %add3A_1301, %mul3A_1302 : vector<16xf32>
          %add3A_1304 = arith.constant 16 : i32
          %add3A_1305 = vector.broadcast %add3A_1304 : i32 to vector<16xi32>
          %add3A_1306 = arith.addi %mul3A_512, %add3A_1305 : vector<16xi32>
          %gather3A_1307 = arith.constant 0 : i32
          %gather3A_1308 = arith.constant 0 : i32
          %gather3A_1309 = tpu.memref_slice %arg16[%scan3A_437, %gather3A_1307, %gather3A_1308] : memref<2x1280x32xi32, #tpu.memory_space<vmem>> -> memref<1x1280x32xi32, #tpu.memory_space<vmem>>
          %gather3A_1310 = tpu.memref_squeeze %gather3A_1309 : memref<1x1280x32xi32, #tpu.memory_space<vmem>> -> memref<1280x32xi32, #tpu.memory_space<vmem>>
          %gather3A_1311 = tpu.vector_load_idx %gather3A_1310[%add3A_1306, %and3A_1043] : memref<1280x32xi32, #tpu.memory_space<vmem>>[vector<16xi32>, vector<16xi32>], vector<16xi32>,
          %bitcast3A_1312 = vector.bitcast %gather3A_1311 : vector<16xi32> to vector<32xbf16>
          %unpack3A_1313 = tpu.unpack_subelements %bitcast3A_1312, 0 {pack_format = #tpu.pack_format<interleaved>} : vector<32xbf16> -> vector<16xf32>
          %unpack3A_1314 = tpu.unpack_subelements %bitcast3A_1312, 1 {pack_format = #tpu.pack_format<interleaved>} : vector<32xbf16> -> vector<16xf32>
          %mul3A_1315 = arith.mulf %unpack3A_1313, %unpack3A_1050 : vector<16xf32>
          %add3A_1316 = arith.addf %add3A_989, %mul3A_1315 : vector<16xf32>
          %mul3A_1317 = arith.mulf %unpack3A_1314, %unpack3A_1051 : vector<16xf32>
          %add3A_1318 = arith.addf %add3A_1316, %mul3A_1317 : vector<16xf32>
          %add3A_1319 = arith.constant 17 : i32
          %add3A_1320 = vector.broadcast %add3A_1319 : i32 to vector<16xi32>
          %add3A_1321 = arith.addi %mul3A_512, %add3A_1320 : vector<16xi32>
          %gather3A_1322 = arith.constant 0 : i32
          %gather3A_1323 = arith.constant 0 : i32
          %gather3A_1324 = tpu.memref_slice %arg16[%scan3A_437, %gather3A_1322, %gather3A_1323] : memref<2x1280x32xi32, #tpu.memory_space<vmem>> -> memref<1x1280x32xi32, #tpu.memory_space<vmem>>
          %gather3A_1325 = tpu.memref_squeeze %gather3A_1324 : memref<1x1280x32xi32, #tpu.memory_space<vmem>> -> memref<1280x32xi32, #tpu.memory_space<vmem>>
          %gather3A_1326 = tpu.vector_load_idx %gather3A_1325[%add3A_1321, %and3A_1043] : memref<1280x32xi32, #tpu.memory_space<vmem>>[vector<16xi32>, vector<16xi32>], vector<16xi32>,
          %bitcast3A_1327 = vector.bitcast %gather3A_1326 : vector<16xi32> to vector<32xbf16>
          %unpack3A_1328 = tpu.unpack_subelements %bitcast3A_1327, 0 {pack_format = #tpu.pack_format<interleaved>} : vector<32xbf16> -> vector<16xf32>
          %unpack3A_1329 = tpu.unpack_subelements %bitcast3A_1327, 1 {pack_format = #tpu.pack_format<interleaved>} : vector<32xbf16> -> vector<16xf32>
          %mul3A_1330 = arith.mulf %unpack3A_1328, %unpack3A_1050 : vector<16xf32>
          %add3A_1331 = arith.addf %add3A_1004, %mul3A_1330 : vector<16xf32>
          %mul3A_1332 = arith.mulf %unpack3A_1329, %unpack3A_1051 : vector<16xf32>
          %add3A_1333 = arith.addf %add3A_1331, %mul3A_1332 : vector<16xf32>
          %add3A_1334 = arith.constant 18 : i32
          %add3A_1335 = vector.broadcast %add3A_1334 : i32 to vector<16xi32>
          %add3A_1336 = arith.addi %mul3A_512, %add3A_1335 : vector<16xi32>
          %gather3A_1337 = arith.constant 0 : i32
          %gather3A_1338 = arith.constant 0 : i32
          %gather3A_1339 = tpu.memref_slice %arg16[%scan3A_437, %gather3A_1337, %gather3A_1338] : memref<2x1280x32xi32, #tpu.memory_space<vmem>> -> memref<1x1280x32xi32, #tpu.memory_space<vmem>>
          %gather3A_1340 = tpu.memref_squeeze %gather3A_1339 : memref<1x1280x32xi32, #tpu.memory_space<vmem>> -> memref<1280x32xi32, #tpu.memory_space<vmem>>
          %gather3A_1341 = tpu.vector_load_idx %gather3A_1340[%add3A_1336, %and3A_1043] : memref<1280x32xi32, #tpu.memory_space<vmem>>[vector<16xi32>, vector<16xi32>], vector<16xi32>,
          %bitcast3A_1342 = vector.bitcast %gather3A_1341 : vector<16xi32> to vector<32xbf16>
          %unpack3A_1343 = tpu.unpack_subelements %bitcast3A_1342, 0 {pack_format = #tpu.pack_format<interleaved>} : vector<32xbf16> -> vector<16xf32>
          %unpack3A_1344 = tpu.unpack_subelements %bitcast3A_1342, 1 {pack_format = #tpu.pack_format<interleaved>} : vector<32xbf16> -> vector<16xf32>
          %mul3A_1345 = arith.mulf %unpack3A_1343, %unpack3A_1050 : vector<16xf32>
          %add3A_1346 = arith.addf %add3A_1019, %mul3A_1345 : vector<16xf32>
          %mul3A_1347 = arith.mulf %unpack3A_1344, %unpack3A_1051 : vector<16xf32>
          %add3A_1348 = arith.addf %add3A_1346, %mul3A_1347 : vector<16xf32>
          %add3A_1349 = arith.constant 19 : i32
          %add3A_1350 = vector.broadcast %add3A_1349 : i32 to vector<16xi32>
          %add3A_1351 = arith.addi %mul3A_512, %add3A_1350 : vector<16xi32>
          %gather3A_1352 = arith.constant 0 : i32
          %gather3A_1353 = arith.constant 0 : i32
          %gather3A_1354 = tpu.memref_slice %arg16[%scan3A_437, %gather3A_1352, %gather3A_1353] : memref<2x1280x32xi32, #tpu.memory_space<vmem>> -> memref<1x1280x32xi32, #tpu.memory_space<vmem>>
          %gather3A_1355 = tpu.memref_squeeze %gather3A_1354 : memref<1x1280x32xi32, #tpu.memory_space<vmem>> -> memref<1280x32xi32, #tpu.memory_space<vmem>>
          %gather3A_1356 = tpu.vector_load_idx %gather3A_1355[%add3A_1351, %and3A_1043] : memref<1280x32xi32, #tpu.memory_space<vmem>>[vector<16xi32>, vector<16xi32>], vector<16xi32>,
          %bitcast3A_1357 = vector.bitcast %gather3A_1356 : vector<16xi32> to vector<32xbf16>
          %unpack3A_1358 = tpu.unpack_subelements %bitcast3A_1357, 0 {pack_format = #tpu.pack_format<interleaved>} : vector<32xbf16> -> vector<16xf32>
          %unpack3A_1359 = tpu.unpack_subelements %bitcast3A_1357, 1 {pack_format = #tpu.pack_format<interleaved>} : vector<32xbf16> -> vector<16xf32>
          %mul3A_1360 = arith.mulf %unpack3A_1358, %unpack3A_1050 : vector<16xf32>
          %add3A_1361 = arith.addf %add3A_1034, %mul3A_1360 : vector<16xf32>
          %mul3A_1362 = arith.mulf %unpack3A_1359, %unpack3A_1051 : vector<16xf32>
          %add3A_1363 = arith.addf %add3A_1361, %mul3A_1362 : vector<16xf32>
          %mul3A_1364 = arith.constant 4 : i32
          %mul3A_1365 = arith.muli %scan3A_688, %mul3A_1364 : i32
          %add3A_1366 = arith.constant 2 : i32
          %add3A_1367 = arith.addi %mul3A_1365, %add3A_1366 : i32
          %add3A_1368 = vector.broadcast %add3A_1367 : i32 to vector<16xi32>
          %add3A_1369 = arith.addi %iota3A, %add3A_1368 : vector<16xi32>
          %and3A_1370 = arith.constant 31 : i32
          %and3A_1371 = vector.broadcast %and3A_1370 : i32 to vector<16xi32>
          %and3A_1372 = arith.andi %add3A_1369, %and3A_1371 : vector<16xi32>
          %gather3A_1373 = arith.constant 0 : i32
          %gather3A_1374 = arith.constant 0 : i32
          %gather3A_1375 = tpu.memref_slice %arg14[%scan3A_435, %gather3A_1373, %gather3A_1374] : memref<2x64x32xi32, #tpu.memory_space<vmem>> -> memref<1x64x32xi32, #tpu.memory_space<vmem>>
          %gather3A_1376 = tpu.memref_squeeze %gather3A_1375 : memref<1x64x32xi32, #tpu.memory_space<vmem>> -> memref<64x32xi32, #tpu.memory_space<vmem>>
          %gather3A_1377 = tpu.vector_load_idx %gather3A_1376[%add3A_509, %and3A_1372] : memref<64x32xi32, #tpu.memory_space<vmem>>[vector<16xi32>, vector<16xi32>], vector<16xi32>,
          %bitcast3A_1378 = vector.bitcast %gather3A_1377 : vector<16xi32> to vector<32xbf16>
          %unpack3A_1379 = tpu.unpack_subelements %bitcast3A_1378, 0 {pack_format = #tpu.pack_format<interleaved>} : vector<32xbf16> -> vector<16xf32>
          %unpack3A_1380 = tpu.unpack_subelements %bitcast3A_1378, 1 {pack_format = #tpu.pack_format<interleaved>} : vector<32xbf16> -> vector<16xf32>
          %gather3A_1381 = arith.constant 0 : i32
          %gather3A_1382 = arith.constant 0 : i32
          %gather3A_1383 = tpu.memref_slice %arg15[%scan3A_436, %gather3A_1381, %gather3A_1382] : memref<2x64x32xi32, #tpu.memory_space<vmem>> -> memref<1x64x32xi32, #tpu.memory_space<vmem>>
          %gather3A_1384 = tpu.memref_squeeze %gather3A_1383 : memref<1x64x32xi32, #tpu.memory_space<vmem>> -> memref<64x32xi32, #tpu.memory_space<vmem>>
          %gather3A_1385 = tpu.vector_load_idx %gather3A_1384[%add3A_509, %and3A_1372] : memref<64x32xi32, #tpu.memory_space<vmem>>[vector<16xi32>, vector<16xi32>], vector<16xi32>,
          %bitcast3A_1386 = vector.bitcast %gather3A_1385 : vector<16xi32> to vector<32xbf16>
          %unpack3A_1387 = tpu.unpack_subelements %bitcast3A_1386, 0 {pack_format = #tpu.pack_format<interleaved>} : vector<32xbf16> -> vector<16xf32>
          %unpack3A_1388 = tpu.unpack_subelements %bitcast3A_1386, 1 {pack_format = #tpu.pack_format<interleaved>} : vector<32xbf16> -> vector<16xf32>
          %mul3A_1389 = arith.mulf %unpack3A_1379, %unpack3A_1387 : vector<16xf32>
          %add3A_1390 = arith.addf %add3A_1063, %mul3A_1389 : vector<16xf32>
          %mul3A_1391 = arith.mulf %unpack3A_1380, %unpack3A_1388 : vector<16xf32>
          %add3A_1392 = arith.addf %add3A_1390, %mul3A_1391 : vector<16xf32>
          %add3A_1393 = arith.constant 0 : i32
          %add3A_1394 = vector.broadcast %add3A_1393 : i32 to vector<16xi32>
          %add3A_1395 = arith.addi %mul3A_512, %add3A_1394 : vector<16xi32>
          %gather3A_1396 = arith.constant 0 : i32
          %gather3A_1397 = arith.constant 0 : i32
          %gather3A_1398 = tpu.memref_slice %arg16[%scan3A_437, %gather3A_1396, %gather3A_1397] : memref<2x1280x32xi32, #tpu.memory_space<vmem>> -> memref<1x1280x32xi32, #tpu.memory_space<vmem>>
          %gather3A_1399 = tpu.memref_squeeze %gather3A_1398 : memref<1x1280x32xi32, #tpu.memory_space<vmem>> -> memref<1280x32xi32, #tpu.memory_space<vmem>>
          %gather3A_1400 = tpu.vector_load_idx %gather3A_1399[%add3A_1395, %and3A_1372] : memref<1280x32xi32, #tpu.memory_space<vmem>>[vector<16xi32>, vector<16xi32>], vector<16xi32>,
          %bitcast3A_1401 = vector.bitcast %gather3A_1400 : vector<16xi32> to vector<32xbf16>
          %unpack3A_1402 = tpu.unpack_subelements %bitcast3A_1401, 0 {pack_format = #tpu.pack_format<interleaved>} : vector<32xbf16> -> vector<16xf32>
          %unpack3A_1403 = tpu.unpack_subelements %bitcast3A_1401, 1 {pack_format = #tpu.pack_format<interleaved>} : vector<32xbf16> -> vector<16xf32>
          %mul3A_1404 = arith.mulf %unpack3A_1402, %unpack3A_1379 : vector<16xf32>
          %add3A_1405 = arith.addf %add3A_1078, %mul3A_1404 : vector<16xf32>
          %mul3A_1406 = arith.mulf %unpack3A_1403, %unpack3A_1380 : vector<16xf32>
          %add3A_1407 = arith.addf %add3A_1405, %mul3A_1406 : vector<16xf32>
          %add3A_1408 = arith.constant 1 : i32
          %add3A_1409 = vector.broadcast %add3A_1408 : i32 to vector<16xi32>
          %add3A_1410 = arith.addi %mul3A_512, %add3A_1409 : vector<16xi32>
          %gather3A_1411 = arith.constant 0 : i32
          %gather3A_1412 = arith.constant 0 : i32
          %gather3A_1413 = tpu.memref_slice %arg16[%scan3A_437, %gather3A_1411, %gather3A_1412] : memref<2x1280x32xi32, #tpu.memory_space<vmem>> -> memref<1x1280x32xi32, #tpu.memory_space<vmem>>
          %gather3A_1414 = tpu.memref_squeeze %gather3A_1413 : memref<1x1280x32xi32, #tpu.memory_space<vmem>> -> memref<1280x32xi32, #tpu.memory_space<vmem>>
          %gather3A_1415 = tpu.vector_load_idx %gather3A_1414[%add3A_1410, %and3A_1372] : memref<1280x32xi32, #tpu.memory_space<vmem>>[vector<16xi32>, vector<16xi32>], vector<16xi32>,
          %bitcast3A_1416 = vector.bitcast %gather3A_1415 : vector<16xi32> to vector<32xbf16>
          %unpack3A_1417 = tpu.unpack_subelements %bitcast3A_1416, 0 {pack_format = #tpu.pack_format<interleaved>} : vector<32xbf16> -> vector<16xf32>
          %unpack3A_1418 = tpu.unpack_subelements %bitcast3A_1416, 1 {pack_format = #tpu.pack_format<interleaved>} : vector<32xbf16> -> vector<16xf32>
          %mul3A_1419 = arith.mulf %unpack3A_1417, %unpack3A_1379 : vector<16xf32>
          %add3A_1420 = arith.addf %add3A_1093, %mul3A_1419 : vector<16xf32>
          %mul3A_1421 = arith.mulf %unpack3A_1418, %unpack3A_1380 : vector<16xf32>
          %add3A_1422 = arith.addf %add3A_1420, %mul3A_1421 : vector<16xf32>
          %add3A_1423 = arith.constant 2 : i32
          %add3A_1424 = vector.broadcast %add3A_1423 : i32 to vector<16xi32>
          %add3A_1425 = arith.addi %mul3A_512, %add3A_1424 : vector<16xi32>
          %gather3A_1426 = arith.constant 0 : i32
          %gather3A_1427 = arith.constant 0 : i32
          %gather3A_1428 = tpu.memref_slice %arg16[%scan3A_437, %gather3A_1426, %gather3A_1427] : memref<2x1280x32xi32, #tpu.memory_space<vmem>> -> memref<1x1280x32xi32, #tpu.memory_space<vmem>>
          %gather3A_1429 = tpu.memref_squeeze %gather3A_1428 : memref<1x1280x32xi32, #tpu.memory_space<vmem>> -> memref<1280x32xi32, #tpu.memory_space<vmem>>
          %gather3A_1430 = tpu.vector_load_idx %gather3A_1429[%add3A_1425, %and3A_1372] : memref<1280x32xi32, #tpu.memory_space<vmem>>[vector<16xi32>, vector<16xi32>], vector<16xi32>,
          %bitcast3A_1431 = vector.bitcast %gather3A_1430 : vector<16xi32> to vector<32xbf16>
          %unpack3A_1432 = tpu.unpack_subelements %bitcast3A_1431, 0 {pack_format = #tpu.pack_format<interleaved>} : vector<32xbf16> -> vector<16xf32>
          %unpack3A_1433 = tpu.unpack_subelements %bitcast3A_1431, 1 {pack_format = #tpu.pack_format<interleaved>} : vector<32xbf16> -> vector<16xf32>
          %mul3A_1434 = arith.mulf %unpack3A_1432, %unpack3A_1379 : vector<16xf32>
          %add3A_1435 = arith.addf %add3A_1108, %mul3A_1434 : vector<16xf32>
          %mul3A_1436 = arith.mulf %unpack3A_1433, %unpack3A_1380 : vector<16xf32>
          %add3A_1437 = arith.addf %add3A_1435, %mul3A_1436 : vector<16xf32>
          %add3A_1438 = arith.constant 3 : i32
          %add3A_1439 = vector.broadcast %add3A_1438 : i32 to vector<16xi32>
          %add3A_1440 = arith.addi %mul3A_512, %add3A_1439 : vector<16xi32>
          %gather3A_1441 = arith.constant 0 : i32
          %gather3A_1442 = arith.constant 0 : i32
          %gather3A_1443 = tpu.memref_slice %arg16[%scan3A_437, %gather3A_1441, %gather3A_1442] : memref<2x1280x32xi32, #tpu.memory_space<vmem>> -> memref<1x1280x32xi32, #tpu.memory_space<vmem>>
          %gather3A_1444 = tpu.memref_squeeze %gather3A_1443 : memref<1x1280x32xi32, #tpu.memory_space<vmem>> -> memref<1280x32xi32, #tpu.memory_space<vmem>>
          %gather3A_1445 = tpu.vector_load_idx %gather3A_1444[%add3A_1440, %and3A_1372] : memref<1280x32xi32, #tpu.memory_space<vmem>>[vector<16xi32>, vector<16xi32>], vector<16xi32>,
          %bitcast3A_1446 = vector.bitcast %gather3A_1445 : vector<16xi32> to vector<32xbf16>
          %unpack3A_1447 = tpu.unpack_subelements %bitcast3A_1446, 0 {pack_format = #tpu.pack_format<interleaved>} : vector<32xbf16> -> vector<16xf32>
          %unpack3A_1448 = tpu.unpack_subelements %bitcast3A_1446, 1 {pack_format = #tpu.pack_format<interleaved>} : vector<32xbf16> -> vector<16xf32>
          %mul3A_1449 = arith.mulf %unpack3A_1447, %unpack3A_1379 : vector<16xf32>
          %add3A_1450 = arith.addf %add3A_1123, %mul3A_1449 : vector<16xf32>
          %mul3A_1451 = arith.mulf %unpack3A_1448, %unpack3A_1380 : vector<16xf32>
          %add3A_1452 = arith.addf %add3A_1450, %mul3A_1451 : vector<16xf32>
          %add3A_1453 = arith.constant 4 : i32
          %add3A_1454 = vector.broadcast %add3A_1453 : i32 to vector<16xi32>
          %add3A_1455 = arith.addi %mul3A_512, %add3A_1454 : vector<16xi32>
          %gather3A_1456 = arith.constant 0 : i32
          %gather3A_1457 = arith.constant 0 : i32
          %gather3A_1458 = tpu.memref_slice %arg16[%scan3A_437, %gather3A_1456, %gather3A_1457] : memref<2x1280x32xi32, #tpu.memory_space<vmem>> -> memref<1x1280x32xi32, #tpu.memory_space<vmem>>
          %gather3A_1459 = tpu.memref_squeeze %gather3A_1458 : memref<1x1280x32xi32, #tpu.memory_space<vmem>> -> memref<1280x32xi32, #tpu.memory_space<vmem>>
          %gather3A_1460 = tpu.vector_load_idx %gather3A_1459[%add3A_1455, %and3A_1372] : memref<1280x32xi32, #tpu.memory_space<vmem>>[vector<16xi32>, vector<16xi32>], vector<16xi32>,
          %bitcast3A_1461 = vector.bitcast %gather3A_1460 : vector<16xi32> to vector<32xbf16>
          %unpack3A_1462 = tpu.unpack_subelements %bitcast3A_1461, 0 {pack_format = #tpu.pack_format<interleaved>} : vector<32xbf16> -> vector<16xf32>
          %unpack3A_1463 = tpu.unpack_subelements %bitcast3A_1461, 1 {pack_format = #tpu.pack_format<interleaved>} : vector<32xbf16> -> vector<16xf32>
          %mul3A_1464 = arith.mulf %unpack3A_1462, %unpack3A_1379 : vector<16xf32>
          %add3A_1465 = arith.addf %add3A_1138, %mul3A_1464 : vector<16xf32>
          %mul3A_1466 = arith.mulf %unpack3A_1463, %unpack3A_1380 : vector<16xf32>
          %add3A_1467 = arith.addf %add3A_1465, %mul3A_1466 : vector<16xf32>
          %add3A_1468 = arith.constant 5 : i32
          %add3A_1469 = vector.broadcast %add3A_1468 : i32 to vector<16xi32>
          %add3A_1470 = arith.addi %mul3A_512, %add3A_1469 : vector<16xi32>
          %gather3A_1471 = arith.constant 0 : i32
          %gather3A_1472 = arith.constant 0 : i32
          %gather3A_1473 = tpu.memref_slice %arg16[%scan3A_437, %gather3A_1471, %gather3A_1472] : memref<2x1280x32xi32, #tpu.memory_space<vmem>> -> memref<1x1280x32xi32, #tpu.memory_space<vmem>>
          %gather3A_1474 = tpu.memref_squeeze %gather3A_1473 : memref<1x1280x32xi32, #tpu.memory_space<vmem>> -> memref<1280x32xi32, #tpu.memory_space<vmem>>
          %gather3A_1475 = tpu.vector_load_idx %gather3A_1474[%add3A_1470, %and3A_1372] : memref<1280x32xi32, #tpu.memory_space<vmem>>[vector<16xi32>, vector<16xi32>], vector<16xi32>,
          %bitcast3A_1476 = vector.bitcast %gather3A_1475 : vector<16xi32> to vector<32xbf16>
          %unpack3A_1477 = tpu.unpack_subelements %bitcast3A_1476, 0 {pack_format = #tpu.pack_format<interleaved>} : vector<32xbf16> -> vector<16xf32>
          %unpack3A_1478 = tpu.unpack_subelements %bitcast3A_1476, 1 {pack_format = #tpu.pack_format<interleaved>} : vector<32xbf16> -> vector<16xf32>
          %mul3A_1479 = arith.mulf %unpack3A_1477, %unpack3A_1379 : vector<16xf32>
          %add3A_1480 = arith.addf %add3A_1153, %mul3A_1479 : vector<16xf32>
          %mul3A_1481 = arith.mulf %unpack3A_1478, %unpack3A_1380 : vector<16xf32>
          %add3A_1482 = arith.addf %add3A_1480, %mul3A_1481 : vector<16xf32>
          %add3A_1483 = arith.constant 6 : i32
          %add3A_1484 = vector.broadcast %add3A_1483 : i32 to vector<16xi32>
          %add3A_1485 = arith.addi %mul3A_512, %add3A_1484 : vector<16xi32>
          %gather3A_1486 = arith.constant 0 : i32
          %gather3A_1487 = arith.constant 0 : i32
          %gather3A_1488 = tpu.memref_slice %arg16[%scan3A_437, %gather3A_1486, %gather3A_1487] : memref<2x1280x32xi32, #tpu.memory_space<vmem>> -> memref<1x1280x32xi32, #tpu.memory_space<vmem>>
          %gather3A_1489 = tpu.memref_squeeze %gather3A_1488 : memref<1x1280x32xi32, #tpu.memory_space<vmem>> -> memref<1280x32xi32, #tpu.memory_space<vmem>>
          %gather3A_1490 = tpu.vector_load_idx %gather3A_1489[%add3A_1485, %and3A_1372] : memref<1280x32xi32, #tpu.memory_space<vmem>>[vector<16xi32>, vector<16xi32>], vector<16xi32>,
          %bitcast3A_1491 = vector.bitcast %gather3A_1490 : vector<16xi32> to vector<32xbf16>
          %unpack3A_1492 = tpu.unpack_subelements %bitcast3A_1491, 0 {pack_format = #tpu.pack_format<interleaved>} : vector<32xbf16> -> vector<16xf32>
          %unpack3A_1493 = tpu.unpack_subelements %bitcast3A_1491, 1 {pack_format = #tpu.pack_format<interleaved>} : vector<32xbf16> -> vector<16xf32>
          %mul3A_1494 = arith.mulf %unpack3A_1492, %unpack3A_1379 : vector<16xf32>
          %add3A_1495 = arith.addf %add3A_1168, %mul3A_1494 : vector<16xf32>
          %mul3A_1496 = arith.mulf %unpack3A_1493, %unpack3A_1380 : vector<16xf32>
          %add3A_1497 = arith.addf %add3A_1495, %mul3A_1496 : vector<16xf32>
          %add3A_1498 = arith.constant 7 : i32
          %add3A_1499 = vector.broadcast %add3A_1498 : i32 to vector<16xi32>
          %add3A_1500 = arith.addi %mul3A_512, %add3A_1499 : vector<16xi32>
          %gather3A_1501 = arith.constant 0 : i32
          %gather3A_1502 = arith.constant 0 : i32
          %gather3A_1503 = tpu.memref_slice %arg16[%scan3A_437, %gather3A_1501, %gather3A_1502] : memref<2x1280x32xi32, #tpu.memory_space<vmem>> -> memref<1x1280x32xi32, #tpu.memory_space<vmem>>
          %gather3A_1504 = tpu.memref_squeeze %gather3A_1503 : memref<1x1280x32xi32, #tpu.memory_space<vmem>> -> memref<1280x32xi32, #tpu.memory_space<vmem>>
          %gather3A_1505 = tpu.vector_load_idx %gather3A_1504[%add3A_1500, %and3A_1372] : memref<1280x32xi32, #tpu.memory_space<vmem>>[vector<16xi32>, vector<16xi32>], vector<16xi32>,
          %bitcast3A_1506 = vector.bitcast %gather3A_1505 : vector<16xi32> to vector<32xbf16>
          %unpack3A_1507 = tpu.unpack_subelements %bitcast3A_1506, 0 {pack_format = #tpu.pack_format<interleaved>} : vector<32xbf16> -> vector<16xf32>
          %unpack3A_1508 = tpu.unpack_subelements %bitcast3A_1506, 1 {pack_format = #tpu.pack_format<interleaved>} : vector<32xbf16> -> vector<16xf32>
          %mul3A_1509 = arith.mulf %unpack3A_1507, %unpack3A_1379 : vector<16xf32>
          %add3A_1510 = arith.addf %add3A_1183, %mul3A_1509 : vector<16xf32>
          %mul3A_1511 = arith.mulf %unpack3A_1508, %unpack3A_1380 : vector<16xf32>
          %add3A_1512 = arith.addf %add3A_1510, %mul3A_1511 : vector<16xf32>
          %add3A_1513 = arith.constant 8 : i32
          %add3A_1514 = vector.broadcast %add3A_1513 : i32 to vector<16xi32>
          %add3A_1515 = arith.addi %mul3A_512, %add3A_1514 : vector<16xi32>
          %gather3A_1516 = arith.constant 0 : i32
          %gather3A_1517 = arith.constant 0 : i32
          %gather3A_1518 = tpu.memref_slice %arg16[%scan3A_437, %gather3A_1516, %gather3A_1517] : memref<2x1280x32xi32, #tpu.memory_space<vmem>> -> memref<1x1280x32xi32, #tpu.memory_space<vmem>>
          %gather3A_1519 = tpu.memref_squeeze %gather3A_1518 : memref<1x1280x32xi32, #tpu.memory_space<vmem>> -> memref<1280x32xi32, #tpu.memory_space<vmem>>
          %gather3A_1520 = tpu.vector_load_idx %gather3A_1519[%add3A_1515, %and3A_1372] : memref<1280x32xi32, #tpu.memory_space<vmem>>[vector<16xi32>, vector<16xi32>], vector<16xi32>,
          %bitcast3A_1521 = vector.bitcast %gather3A_1520 : vector<16xi32> to vector<32xbf16>
          %unpack3A_1522 = tpu.unpack_subelements %bitcast3A_1521, 0 {pack_format = #tpu.pack_format<interleaved>} : vector<32xbf16> -> vector<16xf32>
          %unpack3A_1523 = tpu.unpack_subelements %bitcast3A_1521, 1 {pack_format = #tpu.pack_format<interleaved>} : vector<32xbf16> -> vector<16xf32>
          %mul3A_1524 = arith.mulf %unpack3A_1522, %unpack3A_1379 : vector<16xf32>
          %add3A_1525 = arith.addf %add3A_1198, %mul3A_1524 : vector<16xf32>
          %mul3A_1526 = arith.mulf %unpack3A_1523, %unpack3A_1380 : vector<16xf32>
          %add3A_1527 = arith.addf %add3A_1525, %mul3A_1526 : vector<16xf32>
          %add3A_1528 = arith.constant 9 : i32
          %add3A_1529 = vector.broadcast %add3A_1528 : i32 to vector<16xi32>
          %add3A_1530 = arith.addi %mul3A_512, %add3A_1529 : vector<16xi32>
          %gather3A_1531 = arith.constant 0 : i32
          %gather3A_1532 = arith.constant 0 : i32
          %gather3A_1533 = tpu.memref_slice %arg16[%scan3A_437, %gather3A_1531, %gather3A_1532] : memref<2x1280x32xi32, #tpu.memory_space<vmem>> -> memref<1x1280x32xi32, #tpu.memory_space<vmem>>
          %gather3A_1534 = tpu.memref_squeeze %gather3A_1533 : memref<1x1280x32xi32, #tpu.memory_space<vmem>> -> memref<1280x32xi32, #tpu.memory_space<vmem>>
          %gather3A_1535 = tpu.vector_load_idx %gather3A_1534[%add3A_1530, %and3A_1372] : memref<1280x32xi32, #tpu.memory_space<vmem>>[vector<16xi32>, vector<16xi32>], vector<16xi32>,
          %bitcast3A_1536 = vector.bitcast %gather3A_1535 : vector<16xi32> to vector<32xbf16>
          %unpack3A_1537 = tpu.unpack_subelements %bitcast3A_1536, 0 {pack_format = #tpu.pack_format<interleaved>} : vector<32xbf16> -> vector<16xf32>
          %unpack3A_1538 = tpu.unpack_subelements %bitcast3A_1536, 1 {pack_format = #tpu.pack_format<interleaved>} : vector<32xbf16> -> vector<16xf32>
          %mul3A_1539 = arith.mulf %unpack3A_1537, %unpack3A_1379 : vector<16xf32>
          %add3A_1540 = arith.addf %add3A_1213, %mul3A_1539 : vector<16xf32>
          %mul3A_1541 = arith.mulf %unpack3A_1538, %unpack3A_1380 : vector<16xf32>
          %add3A_1542 = arith.addf %add3A_1540, %mul3A_1541 : vector<16xf32>
          %add3A_1543 = arith.constant 10 : i32
          %add3A_1544 = vector.broadcast %add3A_1543 : i32 to vector<16xi32>
          %add3A_1545 = arith.addi %mul3A_512, %add3A_1544 : vector<16xi32>
          %gather3A_1546 = arith.constant 0 : i32
          %gather3A_1547 = arith.constant 0 : i32
          %gather3A_1548 = tpu.memref_slice %arg16[%scan3A_437, %gather3A_1546, %gather3A_1547] : memref<2x1280x32xi32, #tpu.memory_space<vmem>> -> memref<1x1280x32xi32, #tpu.memory_space<vmem>>
          %gather3A_1549 = tpu.memref_squeeze %gather3A_1548 : memref<1x1280x32xi32, #tpu.memory_space<vmem>> -> memref<1280x32xi32, #tpu.memory_space<vmem>>
          %gather3A_1550 = tpu.vector_load_idx %gather3A_1549[%add3A_1545, %and3A_1372] : memref<1280x32xi32, #tpu.memory_space<vmem>>[vector<16xi32>, vector<16xi32>], vector<16xi32>,
          %bitcast3A_1551 = vector.bitcast %gather3A_1550 : vector<16xi32> to vector<32xbf16>
          %unpack3A_1552 = tpu.unpack_subelements %bitcast3A_1551, 0 {pack_format = #tpu.pack_format<interleaved>} : vector<32xbf16> -> vector<16xf32>
          %unpack3A_1553 = tpu.unpack_subelements %bitcast3A_1551, 1 {pack_format = #tpu.pack_format<interleaved>} : vector<32xbf16> -> vector<16xf32>
          %mul3A_1554 = arith.mulf %unpack3A_1552, %unpack3A_1379 : vector<16xf32>
          %add3A_1555 = arith.addf %add3A_1228, %mul3A_1554 : vector<16xf32>
          %mul3A_1556 = arith.mulf %unpack3A_1553, %unpack3A_1380 : vector<16xf32>
          %add3A_1557 = arith.addf %add3A_1555, %mul3A_1556 : vector<16xf32>
          %add3A_1558 = arith.constant 11 : i32
          %add3A_1559 = vector.broadcast %add3A_1558 : i32 to vector<16xi32>
          %add3A_1560 = arith.addi %mul3A_512, %add3A_1559 : vector<16xi32>
          %gather3A_1561 = arith.constant 0 : i32
          %gather3A_1562 = arith.constant 0 : i32
          %gather3A_1563 = tpu.memref_slice %arg16[%scan3A_437, %gather3A_1561, %gather3A_1562] : memref<2x1280x32xi32, #tpu.memory_space<vmem>> -> memref<1x1280x32xi32, #tpu.memory_space<vmem>>
          %gather3A_1564 = tpu.memref_squeeze %gather3A_1563 : memref<1x1280x32xi32, #tpu.memory_space<vmem>> -> memref<1280x32xi32, #tpu.memory_space<vmem>>
          %gather3A_1565 = tpu.vector_load_idx %gather3A_1564[%add3A_1560, %and3A_1372] : memref<1280x32xi32, #tpu.memory_space<vmem>>[vector<16xi32>, vector<16xi32>], vector<16xi32>,
          %bitcast3A_1566 = vector.bitcast %gather3A_1565 : vector<16xi32> to vector<32xbf16>
          %unpack3A_1567 = tpu.unpack_subelements %bitcast3A_1566, 0 {pack_format = #tpu.pack_format<interleaved>} : vector<32xbf16> -> vector<16xf32>
          %unpack3A_1568 = tpu.unpack_subelements %bitcast3A_1566, 1 {pack_format = #tpu.pack_format<interleaved>} : vector<32xbf16> -> vector<16xf32>
          %mul3A_1569 = arith.mulf %unpack3A_1567, %unpack3A_1379 : vector<16xf32>
          %add3A_1570 = arith.addf %add3A_1243, %mul3A_1569 : vector<16xf32>
          %mul3A_1571 = arith.mulf %unpack3A_1568, %unpack3A_1380 : vector<16xf32>
          %add3A_1572 = arith.addf %add3A_1570, %mul3A_1571 : vector<16xf32>
          %add3A_1573 = arith.constant 12 : i32
          %add3A_1574 = vector.broadcast %add3A_1573 : i32 to vector<16xi32>
          %add3A_1575 = arith.addi %mul3A_512, %add3A_1574 : vector<16xi32>
          %gather3A_1576 = arith.constant 0 : i32
          %gather3A_1577 = arith.constant 0 : i32
          %gather3A_1578 = tpu.memref_slice %arg16[%scan3A_437, %gather3A_1576, %gather3A_1577] : memref<2x1280x32xi32, #tpu.memory_space<vmem>> -> memref<1x1280x32xi32, #tpu.memory_space<vmem>>
          %gather3A_1579 = tpu.memref_squeeze %gather3A_1578 : memref<1x1280x32xi32, #tpu.memory_space<vmem>> -> memref<1280x32xi32, #tpu.memory_space<vmem>>
          %gather3A_1580 = tpu.vector_load_idx %gather3A_1579[%add3A_1575, %and3A_1372] : memref<1280x32xi32, #tpu.memory_space<vmem>>[vector<16xi32>, vector<16xi32>], vector<16xi32>,
          %bitcast3A_1581 = vector.bitcast %gather3A_1580 : vector<16xi32> to vector<32xbf16>
          %unpack3A_1582 = tpu.unpack_subelements %bitcast3A_1581, 0 {pack_format = #tpu.pack_format<interleaved>} : vector<32xbf16> -> vector<16xf32>
          %unpack3A_1583 = tpu.unpack_subelements %bitcast3A_1581, 1 {pack_format = #tpu.pack_format<interleaved>} : vector<32xbf16> -> vector<16xf32>
          %mul3A_1584 = arith.mulf %unpack3A_1582, %unpack3A_1379 : vector<16xf32>
          %add3A_1585 = arith.addf %add3A_1258, %mul3A_1584 : vector<16xf32>
          %mul3A_1586 = arith.mulf %unpack3A_1583, %unpack3A_1380 : vector<16xf32>
          %add3A_1587 = arith.addf %add3A_1585, %mul3A_1586 : vector<16xf32>
          %add3A_1588 = arith.constant 13 : i32
          %add3A_1589 = vector.broadcast %add3A_1588 : i32 to vector<16xi32>
          %add3A_1590 = arith.addi %mul3A_512, %add3A_1589 : vector<16xi32>
          %gather3A_1591 = arith.constant 0 : i32
          %gather3A_1592 = arith.constant 0 : i32
          %gather3A_1593 = tpu.memref_slice %arg16[%scan3A_437, %gather3A_1591, %gather3A_1592] : memref<2x1280x32xi32, #tpu.memory_space<vmem>> -> memref<1x1280x32xi32, #tpu.memory_space<vmem>>
          %gather3A_1594 = tpu.memref_squeeze %gather3A_1593 : memref<1x1280x32xi32, #tpu.memory_space<vmem>> -> memref<1280x32xi32, #tpu.memory_space<vmem>>
          %gather3A_1595 = tpu.vector_load_idx %gather3A_1594[%add3A_1590, %and3A_1372] : memref<1280x32xi32, #tpu.memory_space<vmem>>[vector<16xi32>, vector<16xi32>], vector<16xi32>,
          %bitcast3A_1596 = vector.bitcast %gather3A_1595 : vector<16xi32> to vector<32xbf16>
          %unpack3A_1597 = tpu.unpack_subelements %bitcast3A_1596, 0 {pack_format = #tpu.pack_format<interleaved>} : vector<32xbf16> -> vector<16xf32>
          %unpack3A_1598 = tpu.unpack_subelements %bitcast3A_1596, 1 {pack_format = #tpu.pack_format<interleaved>} : vector<32xbf16> -> vector<16xf32>
          %mul3A_1599 = arith.mulf %unpack3A_1597, %unpack3A_1379 : vector<16xf32>
          %add3A_1600 = arith.addf %add3A_1273, %mul3A_1599 : vector<16xf32>
          %mul3A_1601 = arith.mulf %unpack3A_1598, %unpack3A_1380 : vector<16xf32>
          %add3A_1602 = arith.addf %add3A_1600, %mul3A_1601 : vector<16xf32>
          %add3A_1603 = arith.constant 14 : i32
          %add3A_1604 = vector.broadcast %add3A_1603 : i32 to vector<16xi32>
          %add3A_1605 = arith.addi %mul3A_512, %add3A_1604 : vector<16xi32>
          %gather3A_1606 = arith.constant 0 : i32
          %gather3A_1607 = arith.constant 0 : i32
          %gather3A_1608 = tpu.memref_slice %arg16[%scan3A_437, %gather3A_1606, %gather3A_1607] : memref<2x1280x32xi32, #tpu.memory_space<vmem>> -> memref<1x1280x32xi32, #tpu.memory_space<vmem>>
          %gather3A_1609 = tpu.memref_squeeze %gather3A_1608 : memref<1x1280x32xi32, #tpu.memory_space<vmem>> -> memref<1280x32xi32, #tpu.memory_space<vmem>>
          %gather3A_1610 = tpu.vector_load_idx %gather3A_1609[%add3A_1605, %and3A_1372] : memref<1280x32xi32, #tpu.memory_space<vmem>>[vector<16xi32>, vector<16xi32>], vector<16xi32>,
          %bitcast3A_1611 = vector.bitcast %gather3A_1610 : vector<16xi32> to vector<32xbf16>
          %unpack3A_1612 = tpu.unpack_subelements %bitcast3A_1611, 0 {pack_format = #tpu.pack_format<interleaved>} : vector<32xbf16> -> vector<16xf32>
          %unpack3A_1613 = tpu.unpack_subelements %bitcast3A_1611, 1 {pack_format = #tpu.pack_format<interleaved>} : vector<32xbf16> -> vector<16xf32>
          %mul3A_1614 = arith.mulf %unpack3A_1612, %unpack3A_1379 : vector<16xf32>
          %add3A_1615 = arith.addf %add3A_1288, %mul3A_1614 : vector<16xf32>
          %mul3A_1616 = arith.mulf %unpack3A_1613, %unpack3A_1380 : vector<16xf32>
          %add3A_1617 = arith.addf %add3A_1615, %mul3A_1616 : vector<16xf32>
          %add3A_1618 = arith.constant 15 : i32
          %add3A_1619 = vector.broadcast %add3A_1618 : i32 to vector<16xi32>
          %add3A_1620 = arith.addi %mul3A_512, %add3A_1619 : vector<16xi32>
          %gather3A_1621 = arith.constant 0 : i32
          %gather3A_1622 = arith.constant 0 : i32
          %gather3A_1623 = tpu.memref_slice %arg16[%scan3A_437, %gather3A_1621, %gather3A_1622] : memref<2x1280x32xi32, #tpu.memory_space<vmem>> -> memref<1x1280x32xi32, #tpu.memory_space<vmem>>
          %gather3A_1624 = tpu.memref_squeeze %gather3A_1623 : memref<1x1280x32xi32, #tpu.memory_space<vmem>> -> memref<1280x32xi32, #tpu.memory_space<vmem>>
          %gather3A_1625 = tpu.vector_load_idx %gather3A_1624[%add3A_1620, %and3A_1372] : memref<1280x32xi32, #tpu.memory_space<vmem>>[vector<16xi32>, vector<16xi32>], vector<16xi32>,
          %bitcast3A_1626 = vector.bitcast %gather3A_1625 : vector<16xi32> to vector<32xbf16>
          %unpack3A_1627 = tpu.unpack_subelements %bitcast3A_1626, 0 {pack_format = #tpu.pack_format<interleaved>} : vector<32xbf16> -> vector<16xf32>
          %unpack3A_1628 = tpu.unpack_subelements %bitcast3A_1626, 1 {pack_format = #tpu.pack_format<interleaved>} : vector<32xbf16> -> vector<16xf32>
          %mul3A_1629 = arith.mulf %unpack3A_1627, %unpack3A_1379 : vector<16xf32>
          %add3A_1630 = arith.addf %add3A_1303, %mul3A_1629 : vector<16xf32>
          %mul3A_1631 = arith.mulf %unpack3A_1628, %unpack3A_1380 : vector<16xf32>
          %add3A_1632 = arith.addf %add3A_1630, %mul3A_1631 : vector<16xf32>
          %add3A_1633 = arith.constant 16 : i32
          %add3A_1634 = vector.broadcast %add3A_1633 : i32 to vector<16xi32>
          %add3A_1635 = arith.addi %mul3A_512, %add3A_1634 : vector<16xi32>
          %gather3A_1636 = arith.constant 0 : i32
          %gather3A_1637 = arith.constant 0 : i32
          %gather3A_1638 = tpu.memref_slice %arg16[%scan3A_437, %gather3A_1636, %gather3A_1637] : memref<2x1280x32xi32, #tpu.memory_space<vmem>> -> memref<1x1280x32xi32, #tpu.memory_space<vmem>>
          %gather3A_1639 = tpu.memref_squeeze %gather3A_1638 : memref<1x1280x32xi32, #tpu.memory_space<vmem>> -> memref<1280x32xi32, #tpu.memory_space<vmem>>
          %gather3A_1640 = tpu.vector_load_idx %gather3A_1639[%add3A_1635, %and3A_1372] : memref<1280x32xi32, #tpu.memory_space<vmem>>[vector<16xi32>, vector<16xi32>], vector<16xi32>,
          %bitcast3A_1641 = vector.bitcast %gather3A_1640 : vector<16xi32> to vector<32xbf16>
          %unpack3A_1642 = tpu.unpack_subelements %bitcast3A_1641, 0 {pack_format = #tpu.pack_format<interleaved>} : vector<32xbf16> -> vector<16xf32>
          %unpack3A_1643 = tpu.unpack_subelements %bitcast3A_1641, 1 {pack_format = #tpu.pack_format<interleaved>} : vector<32xbf16> -> vector<16xf32>
          %mul3A_1644 = arith.mulf %unpack3A_1642, %unpack3A_1379 : vector<16xf32>
          %add3A_1645 = arith.addf %add3A_1318, %mul3A_1644 : vector<16xf32>
          %mul3A_1646 = arith.mulf %unpack3A_1643, %unpack3A_1380 : vector<16xf32>
          %add3A_1647 = arith.addf %add3A_1645, %mul3A_1646 : vector<16xf32>
          %add3A_1648 = arith.constant 17 : i32
          %add3A_1649 = vector.broadcast %add3A_1648 : i32 to vector<16xi32>
          %add3A_1650 = arith.addi %mul3A_512, %add3A_1649 : vector<16xi32>
          %gather3A_1651 = arith.constant 0 : i32
          %gather3A_1652 = arith.constant 0 : i32
          %gather3A_1653 = tpu.memref_slice %arg16[%scan3A_437, %gather3A_1651, %gather3A_1652] : memref<2x1280x32xi32, #tpu.memory_space<vmem>> -> memref<1x1280x32xi32, #tpu.memory_space<vmem>>
          %gather3A_1654 = tpu.memref_squeeze %gather3A_1653 : memref<1x1280x32xi32, #tpu.memory_space<vmem>> -> memref<1280x32xi32, #tpu.memory_space<vmem>>
          %gather3A_1655 = tpu.vector_load_idx %gather3A_1654[%add3A_1650, %and3A_1372] : memref<1280x32xi32, #tpu.memory_space<vmem>>[vector<16xi32>, vector<16xi32>], vector<16xi32>,
          %bitcast3A_1656 = vector.bitcast %gather3A_1655 : vector<16xi32> to vector<32xbf16>
          %unpack3A_1657 = tpu.unpack_subelements %bitcast3A_1656, 0 {pack_format = #tpu.pack_format<interleaved>} : vector<32xbf16> -> vector<16xf32>
          %unpack3A_1658 = tpu.unpack_subelements %bitcast3A_1656, 1 {pack_format = #tpu.pack_format<interleaved>} : vector<32xbf16> -> vector<16xf32>
          %mul3A_1659 = arith.mulf %unpack3A_1657, %unpack3A_1379 : vector<16xf32>
          %add3A_1660 = arith.addf %add3A_1333, %mul3A_1659 : vector<16xf32>
          %mul3A_1661 = arith.mulf %unpack3A_1658, %unpack3A_1380 : vector<16xf32>
          %add3A_1662 = arith.addf %add3A_1660, %mul3A_1661 : vector<16xf32>
          %add3A_1663 = arith.constant 18 : i32
          %add3A_1664 = vector.broadcast %add3A_1663 : i32 to vector<16xi32>
          %add3A_1665 = arith.addi %mul3A_512, %add3A_1664 : vector<16xi32>
          %gather3A_1666 = arith.constant 0 : i32
          %gather3A_1667 = arith.constant 0 : i32
          %gather3A_1668 = tpu.memref_slice %arg16[%scan3A_437, %gather3A_1666, %gather3A_1667] : memref<2x1280x32xi32, #tpu.memory_space<vmem>> -> memref<1x1280x32xi32, #tpu.memory_space<vmem>>
          %gather3A_1669 = tpu.memref_squeeze %gather3A_1668 : memref<1x1280x32xi32, #tpu.memory_space<vmem>> -> memref<1280x32xi32, #tpu.memory_space<vmem>>
          %gather3A_1670 = tpu.vector_load_idx %gather3A_1669[%add3A_1665, %and3A_1372] : memref<1280x32xi32, #tpu.memory_space<vmem>>[vector<16xi32>, vector<16xi32>], vector<16xi32>,
          %bitcast3A_1671 = vector.bitcast %gather3A_1670 : vector<16xi32> to vector<32xbf16>
          %unpack3A_1672 = tpu.unpack_subelements %bitcast3A_1671, 0 {pack_format = #tpu.pack_format<interleaved>} : vector<32xbf16> -> vector<16xf32>
          %unpack3A_1673 = tpu.unpack_subelements %bitcast3A_1671, 1 {pack_format = #tpu.pack_format<interleaved>} : vector<32xbf16> -> vector<16xf32>
          %mul3A_1674 = arith.mulf %unpack3A_1672, %unpack3A_1379 : vector<16xf32>
          %add3A_1675 = arith.addf %add3A_1348, %mul3A_1674 : vector<16xf32>
          %mul3A_1676 = arith.mulf %unpack3A_1673, %unpack3A_1380 : vector<16xf32>
          %add3A_1677 = arith.addf %add3A_1675, %mul3A_1676 : vector<16xf32>
          %add3A_1678 = arith.constant 19 : i32
          %add3A_1679 = vector.broadcast %add3A_1678 : i32 to vector<16xi32>
          %add3A_1680 = arith.addi %mul3A_512, %add3A_1679 : vector<16xi32>
          %gather3A_1681 = arith.constant 0 : i32
          %gather3A_1682 = arith.constant 0 : i32
          %gather3A_1683 = tpu.memref_slice %arg16[%scan3A_437, %gather3A_1681, %gather3A_1682] : memref<2x1280x32xi32, #tpu.memory_space<vmem>> -> memref<1x1280x32xi32, #tpu.memory_space<vmem>>
          %gather3A_1684 = tpu.memref_squeeze %gather3A_1683 : memref<1x1280x32xi32, #tpu.memory_space<vmem>> -> memref<1280x32xi32, #tpu.memory_space<vmem>>
          %gather3A_1685 = tpu.vector_load_idx %gather3A_1684[%add3A_1680, %and3A_1372] : memref<1280x32xi32, #tpu.memory_space<vmem>>[vector<16xi32>, vector<16xi32>], vector<16xi32>,
          %bitcast3A_1686 = vector.bitcast %gather3A_1685 : vector<16xi32> to vector<32xbf16>
          %unpack3A_1687 = tpu.unpack_subelements %bitcast3A_1686, 0 {pack_format = #tpu.pack_format<interleaved>} : vector<32xbf16> -> vector<16xf32>
          %unpack3A_1688 = tpu.unpack_subelements %bitcast3A_1686, 1 {pack_format = #tpu.pack_format<interleaved>} : vector<32xbf16> -> vector<16xf32>
          %mul3A_1689 = arith.mulf %unpack3A_1687, %unpack3A_1379 : vector<16xf32>
          %add3A_1690 = arith.addf %add3A_1363, %mul3A_1689 : vector<16xf32>
          %mul3A_1691 = arith.mulf %unpack3A_1688, %unpack3A_1380 : vector<16xf32>
          %add3A_1692 = arith.addf %add3A_1690, %mul3A_1691 : vector<16xf32>
          %mul3A_1693 = arith.constant 4 : i32
          %mul3A_1694 = arith.muli %scan3A_688, %mul3A_1693 : i32
          %add3A_1695 = arith.constant 3 : i32
          %add3A_1696 = arith.addi %mul3A_1694, %add3A_1695 : i32
          %add3A_1697 = vector.broadcast %add3A_1696 : i32 to vector<16xi32>
          %add3A_1698 = arith.addi %iota3A, %add3A_1697 : vector<16xi32>
          %and3A_1699 = arith.constant 31 : i32
          %and3A_1700 = vector.broadcast %and3A_1699 : i32 to vector<16xi32>
          %and3A_1701 = arith.andi %add3A_1698, %and3A_1700 : vector<16xi32>
          %gather3A_1702 = arith.constant 0 : i32
          %gather3A_1703 = arith.constant 0 : i32
          %gather3A_1704 = tpu.memref_slice %arg14[%scan3A_435, %gather3A_1702, %gather3A_1703] : memref<2x64x32xi32, #tpu.memory_space<vmem>> -> memref<1x64x32xi32, #tpu.memory_space<vmem>>
          %gather3A_1705 = tpu.memref_squeeze %gather3A_1704 : memref<1x64x32xi32, #tpu.memory_space<vmem>> -> memref<64x32xi32, #tpu.memory_space<vmem>>
          %gather3A_1706 = tpu.vector_load_idx %gather3A_1705[%add3A_509, %and3A_1701] : memref<64x32xi32, #tpu.memory_space<vmem>>[vector<16xi32>, vector<16xi32>], vector<16xi32>,
          %bitcast3A_1707 = vector.bitcast %gather3A_1706 : vector<16xi32> to vector<32xbf16>
          %unpack3A_1708 = tpu.unpack_subelements %bitcast3A_1707, 0 {pack_format = #tpu.pack_format<interleaved>} : vector<32xbf16> -> vector<16xf32>
          %unpack3A_1709 = tpu.unpack_subelements %bitcast3A_1707, 1 {pack_format = #tpu.pack_format<interleaved>} : vector<32xbf16> -> vector<16xf32>
          %gather3A_1710 = arith.constant 0 : i32
          %gather3A_1711 = arith.constant 0 : i32
          %gather3A_1712 = tpu.memref_slice %arg15[%scan3A_436, %gather3A_1710, %gather3A_1711] : memref<2x64x32xi32, #tpu.memory_space<vmem>> -> memref<1x64x32xi32, #tpu.memory_space<vmem>>
          %gather3A_1713 = tpu.memref_squeeze %gather3A_1712 : memref<1x64x32xi32, #tpu.memory_space<vmem>> -> memref<64x32xi32, #tpu.memory_space<vmem>>
          %gather3A_1714 = tpu.vector_load_idx %gather3A_1713[%add3A_509, %and3A_1701] : memref<64x32xi32, #tpu.memory_space<vmem>>[vector<16xi32>, vector<16xi32>], vector<16xi32>,
          %bitcast3A_1715 = vector.bitcast %gather3A_1714 : vector<16xi32> to vector<32xbf16>
          %unpack3A_1716 = tpu.unpack_subelements %bitcast3A_1715, 0 {pack_format = #tpu.pack_format<interleaved>} : vector<32xbf16> -> vector<16xf32>
          %unpack3A_1717 = tpu.unpack_subelements %bitcast3A_1715, 1 {pack_format = #tpu.pack_format<interleaved>} : vector<32xbf16> -> vector<16xf32>
          %mul3A_1718 = arith.mulf %unpack3A_1708, %unpack3A_1716 : vector<16xf32>
          %add3A_1719 = arith.addf %add3A_1392, %mul3A_1718 : vector<16xf32>
          %mul3A_1720 = arith.mulf %unpack3A_1709, %unpack3A_1717 : vector<16xf32>
          %add3A_1721 = arith.addf %add3A_1719, %mul3A_1720 : vector<16xf32>
          %add3A_1722 = arith.constant 0 : i32
          %add3A_1723 = vector.broadcast %add3A_1722 : i32 to vector<16xi32>
          %add3A_1724 = arith.addi %mul3A_512, %add3A_1723 : vector<16xi32>
          %gather3A_1725 = arith.constant 0 : i32
          %gather3A_1726 = arith.constant 0 : i32
          %gather3A_1727 = tpu.memref_slice %arg16[%scan3A_437, %gather3A_1725, %gather3A_1726] : memref<2x1280x32xi32, #tpu.memory_space<vmem>> -> memref<1x1280x32xi32, #tpu.memory_space<vmem>>
          %gather3A_1728 = tpu.memref_squeeze %gather3A_1727 : memref<1x1280x32xi32, #tpu.memory_space<vmem>> -> memref<1280x32xi32, #tpu.memory_space<vmem>>
          %gather3A_1729 = tpu.vector_load_idx %gather3A_1728[%add3A_1724, %and3A_1701] : memref<1280x32xi32, #tpu.memory_space<vmem>>[vector<16xi32>, vector<16xi32>], vector<16xi32>,
          %bitcast3A_1730 = vector.bitcast %gather3A_1729 : vector<16xi32> to vector<32xbf16>
          %unpack3A_1731 = tpu.unpack_subelements %bitcast3A_1730, 0 {pack_format = #tpu.pack_format<interleaved>} : vector<32xbf16> -> vector<16xf32>
          %unpack3A_1732 = tpu.unpack_subelements %bitcast3A_1730, 1 {pack_format = #tpu.pack_format<interleaved>} : vector<32xbf16> -> vector<16xf32>
          %mul3A_1733 = arith.mulf %unpack3A_1731, %unpack3A_1708 : vector<16xf32>
          %add3A_1734 = arith.addf %add3A_1407, %mul3A_1733 : vector<16xf32>
          %mul3A_1735 = arith.mulf %unpack3A_1732, %unpack3A_1709 : vector<16xf32>
          %add3A_1736 = arith.addf %add3A_1734, %mul3A_1735 : vector<16xf32>
          %add3A_1737 = arith.constant 1 : i32
          %add3A_1738 = vector.broadcast %add3A_1737 : i32 to vector<16xi32>
          %add3A_1739 = arith.addi %mul3A_512, %add3A_1738 : vector<16xi32>
          %gather3A_1740 = arith.constant 0 : i32
          %gather3A_1741 = arith.constant 0 : i32
          %gather3A_1742 = tpu.memref_slice %arg16[%scan3A_437, %gather3A_1740, %gather3A_1741] : memref<2x1280x32xi32, #tpu.memory_space<vmem>> -> memref<1x1280x32xi32, #tpu.memory_space<vmem>>
          %gather3A_1743 = tpu.memref_squeeze %gather3A_1742 : memref<1x1280x32xi32, #tpu.memory_space<vmem>> -> memref<1280x32xi32, #tpu.memory_space<vmem>>
          %gather3A_1744 = tpu.vector_load_idx %gather3A_1743[%add3A_1739, %and3A_1701] : memref<1280x32xi32, #tpu.memory_space<vmem>>[vector<16xi32>, vector<16xi32>], vector<16xi32>,
          %bitcast3A_1745 = vector.bitcast %gather3A_1744 : vector<16xi32> to vector<32xbf16>
          %unpack3A_1746 = tpu.unpack_subelements %bitcast3A_1745, 0 {pack_format = #tpu.pack_format<interleaved>} : vector<32xbf16> -> vector<16xf32>
          %unpack3A_1747 = tpu.unpack_subelements %bitcast3A_1745, 1 {pack_format = #tpu.pack_format<interleaved>} : vector<32xbf16> -> vector<16xf32>
          %mul3A_1748 = arith.mulf %unpack3A_1746, %unpack3A_1708 : vector<16xf32>
          %add3A_1749 = arith.addf %add3A_1422, %mul3A_1748 : vector<16xf32>
          %mul3A_1750 = arith.mulf %unpack3A_1747, %unpack3A_1709 : vector<16xf32>
          %add3A_1751 = arith.addf %add3A_1749, %mul3A_1750 : vector<16xf32>
          %add3A_1752 = arith.constant 2 : i32
          %add3A_1753 = vector.broadcast %add3A_1752 : i32 to vector<16xi32>
          %add3A_1754 = arith.addi %mul3A_512, %add3A_1753 : vector<16xi32>
          %gather3A_1755 = arith.constant 0 : i32
          %gather3A_1756 = arith.constant 0 : i32
          %gather3A_1757 = tpu.memref_slice %arg16[%scan3A_437, %gather3A_1755, %gather3A_1756] : memref<2x1280x32xi32, #tpu.memory_space<vmem>> -> memref<1x1280x32xi32, #tpu.memory_space<vmem>>
          %gather3A_1758 = tpu.memref_squeeze %gather3A_1757 : memref<1x1280x32xi32, #tpu.memory_space<vmem>> -> memref<1280x32xi32, #tpu.memory_space<vmem>>
          %gather3A_1759 = tpu.vector_load_idx %gather3A_1758[%add3A_1754, %and3A_1701] : memref<1280x32xi32, #tpu.memory_space<vmem>>[vector<16xi32>, vector<16xi32>], vector<16xi32>,
          %bitcast3A_1760 = vector.bitcast %gather3A_1759 : vector<16xi32> to vector<32xbf16>
          %unpack3A_1761 = tpu.unpack_subelements %bitcast3A_1760, 0 {pack_format = #tpu.pack_format<interleaved>} : vector<32xbf16> -> vector<16xf32>
          %unpack3A_1762 = tpu.unpack_subelements %bitcast3A_1760, 1 {pack_format = #tpu.pack_format<interleaved>} : vector<32xbf16> -> vector<16xf32>
          %mul3A_1763 = arith.mulf %unpack3A_1761, %unpack3A_1708 : vector<16xf32>
          %add3A_1764 = arith.addf %add3A_1437, %mul3A_1763 : vector<16xf32>
          %mul3A_1765 = arith.mulf %unpack3A_1762, %unpack3A_1709 : vector<16xf32>
          %add3A_1766 = arith.addf %add3A_1764, %mul3A_1765 : vector<16xf32>
          %add3A_1767 = arith.constant 3 : i32
          %add3A_1768 = vector.broadcast %add3A_1767 : i32 to vector<16xi32>
          %add3A_1769 = arith.addi %mul3A_512, %add3A_1768 : vector<16xi32>
          %gather3A_1770 = arith.constant 0 : i32
          %gather3A_1771 = arith.constant 0 : i32
          %gather3A_1772 = tpu.memref_slice %arg16[%scan3A_437, %gather3A_1770, %gather3A_1771] : memref<2x1280x32xi32, #tpu.memory_space<vmem>> -> memref<1x1280x32xi32, #tpu.memory_space<vmem>>
          %gather3A_1773 = tpu.memref_squeeze %gather3A_1772 : memref<1x1280x32xi32, #tpu.memory_space<vmem>> -> memref<1280x32xi32, #tpu.memory_space<vmem>>
          %gather3A_1774 = tpu.vector_load_idx %gather3A_1773[%add3A_1769, %and3A_1701] : memref<1280x32xi32, #tpu.memory_space<vmem>>[vector<16xi32>, vector<16xi32>], vector<16xi32>,
          %bitcast3A_1775 = vector.bitcast %gather3A_1774 : vector<16xi32> to vector<32xbf16>
          %unpack3A_1776 = tpu.unpack_subelements %bitcast3A_1775, 0 {pack_format = #tpu.pack_format<interleaved>} : vector<32xbf16> -> vector<16xf32>
          %unpack3A_1777 = tpu.unpack_subelements %bitcast3A_1775, 1 {pack_format = #tpu.pack_format<interleaved>} : vector<32xbf16> -> vector<16xf32>
          %mul3A_1778 = arith.mulf %unpack3A_1776, %unpack3A_1708 : vector<16xf32>
          %add3A_1779 = arith.addf %add3A_1452, %mul3A_1778 : vector<16xf32>
          %mul3A_1780 = arith.mulf %unpack3A_1777, %unpack3A_1709 : vector<16xf32>
          %add3A_1781 = arith.addf %add3A_1779, %mul3A_1780 : vector<16xf32>
          %add3A_1782 = arith.constant 4 : i32
          %add3A_1783 = vector.broadcast %add3A_1782 : i32 to vector<16xi32>
          %add3A_1784 = arith.addi %mul3A_512, %add3A_1783 : vector<16xi32>
          %gather3A_1785 = arith.constant 0 : i32
          %gather3A_1786 = arith.constant 0 : i32
          %gather3A_1787 = tpu.memref_slice %arg16[%scan3A_437, %gather3A_1785, %gather3A_1786] : memref<2x1280x32xi32, #tpu.memory_space<vmem>> -> memref<1x1280x32xi32, #tpu.memory_space<vmem>>
          %gather3A_1788 = tpu.memref_squeeze %gather3A_1787 : memref<1x1280x32xi32, #tpu.memory_space<vmem>> -> memref<1280x32xi32, #tpu.memory_space<vmem>>
          %gather3A_1789 = tpu.vector_load_idx %gather3A_1788[%add3A_1784, %and3A_1701] : memref<1280x32xi32, #tpu.memory_space<vmem>>[vector<16xi32>, vector<16xi32>], vector<16xi32>,
          %bitcast3A_1790 = vector.bitcast %gather3A_1789 : vector<16xi32> to vector<32xbf16>
          %unpack3A_1791 = tpu.unpack_subelements %bitcast3A_1790, 0 {pack_format = #tpu.pack_format<interleaved>} : vector<32xbf16> -> vector<16xf32>
          %unpack3A_1792 = tpu.unpack_subelements %bitcast3A_1790, 1 {pack_format = #tpu.pack_format<interleaved>} : vector<32xbf16> -> vector<16xf32>
          %mul3A_1793 = arith.mulf %unpack3A_1791, %unpack3A_1708 : vector<16xf32>
          %add3A_1794 = arith.addf %add3A_1467, %mul3A_1793 : vector<16xf32>
          %mul3A_1795 = arith.mulf %unpack3A_1792, %unpack3A_1709 : vector<16xf32>
          %add3A_1796 = arith.addf %add3A_1794, %mul3A_1795 : vector<16xf32>
          %add3A_1797 = arith.constant 5 : i32
          %add3A_1798 = vector.broadcast %add3A_1797 : i32 to vector<16xi32>
          %add3A_1799 = arith.addi %mul3A_512, %add3A_1798 : vector<16xi32>
          %gather3A_1800 = arith.constant 0 : i32
          %gather3A_1801 = arith.constant 0 : i32
          %gather3A_1802 = tpu.memref_slice %arg16[%scan3A_437, %gather3A_1800, %gather3A_1801] : memref<2x1280x32xi32, #tpu.memory_space<vmem>> -> memref<1x1280x32xi32, #tpu.memory_space<vmem>>
          %gather3A_1803 = tpu.memref_squeeze %gather3A_1802 : memref<1x1280x32xi32, #tpu.memory_space<vmem>> -> memref<1280x32xi32, #tpu.memory_space<vmem>>
          %gather3A_1804 = tpu.vector_load_idx %gather3A_1803[%add3A_1799, %and3A_1701] : memref<1280x32xi32, #tpu.memory_space<vmem>>[vector<16xi32>, vector<16xi32>], vector<16xi32>,
          %bitcast3A_1805 = vector.bitcast %gather3A_1804 : vector<16xi32> to vector<32xbf16>
          %unpack3A_1806 = tpu.unpack_subelements %bitcast3A_1805, 0 {pack_format = #tpu.pack_format<interleaved>} : vector<32xbf16> -> vector<16xf32>
          %unpack3A_1807 = tpu.unpack_subelements %bitcast3A_1805, 1 {pack_format = #tpu.pack_format<interleaved>} : vector<32xbf16> -> vector<16xf32>
          %mul3A_1808 = arith.mulf %unpack3A_1806, %unpack3A_1708 : vector<16xf32>
          %add3A_1809 = arith.addf %add3A_1482, %mul3A_1808 : vector<16xf32>
          %mul3A_1810 = arith.mulf %unpack3A_1807, %unpack3A_1709 : vector<16xf32>
          %add3A_1811 = arith.addf %add3A_1809, %mul3A_1810 : vector<16xf32>
          %add3A_1812 = arith.constant 6 : i32
          %add3A_1813 = vector.broadcast %add3A_1812 : i32 to vector<16xi32>
          %add3A_1814 = arith.addi %mul3A_512, %add3A_1813 : vector<16xi32>
          %gather3A_1815 = arith.constant 0 : i32
          %gather3A_1816 = arith.constant 0 : i32
          %gather3A_1817 = tpu.memref_slice %arg16[%scan3A_437, %gather3A_1815, %gather3A_1816] : memref<2x1280x32xi32, #tpu.memory_space<vmem>> -> memref<1x1280x32xi32, #tpu.memory_space<vmem>>
          %gather3A_1818 = tpu.memref_squeeze %gather3A_1817 : memref<1x1280x32xi32, #tpu.memory_space<vmem>> -> memref<1280x32xi32, #tpu.memory_space<vmem>>
          %gather3A_1819 = tpu.vector_load_idx %gather3A_1818[%add3A_1814, %and3A_1701] : memref<1280x32xi32, #tpu.memory_space<vmem>>[vector<16xi32>, vector<16xi32>], vector<16xi32>,
          %bitcast3A_1820 = vector.bitcast %gather3A_1819 : vector<16xi32> to vector<32xbf16>
          %unpack3A_1821 = tpu.unpack_subelements %bitcast3A_1820, 0 {pack_format = #tpu.pack_format<interleaved>} : vector<32xbf16> -> vector<16xf32>
          %unpack3A_1822 = tpu.unpack_subelements %bitcast3A_1820, 1 {pack_format = #tpu.pack_format<interleaved>} : vector<32xbf16> -> vector<16xf32>
          %mul3A_1823 = arith.mulf %unpack3A_1821, %unpack3A_1708 : vector<16xf32>
          %add3A_1824 = arith.addf %add3A_1497, %mul3A_1823 : vector<16xf32>
          %mul3A_1825 = arith.mulf %unpack3A_1822, %unpack3A_1709 : vector<16xf32>
          %add3A_1826 = arith.addf %add3A_1824, %mul3A_1825 : vector<16xf32>
          %add3A_1827 = arith.constant 7 : i32
          %add3A_1828 = vector.broadcast %add3A_1827 : i32 to vector<16xi32>
          %add3A_1829 = arith.addi %mul3A_512, %add3A_1828 : vector<16xi32>
          %gather3A_1830 = arith.constant 0 : i32
          %gather3A_1831 = arith.constant 0 : i32
          %gather3A_1832 = tpu.memref_slice %arg16[%scan3A_437, %gather3A_1830, %gather3A_1831] : memref<2x1280x32xi32, #tpu.memory_space<vmem>> -> memref<1x1280x32xi32, #tpu.memory_space<vmem>>
          %gather3A_1833 = tpu.memref_squeeze %gather3A_1832 : memref<1x1280x32xi32, #tpu.memory_space<vmem>> -> memref<1280x32xi32, #tpu.memory_space<vmem>>
          %gather3A_1834 = tpu.vector_load_idx %gather3A_1833[%add3A_1829, %and3A_1701] : memref<1280x32xi32, #tpu.memory_space<vmem>>[vector<16xi32>, vector<16xi32>], vector<16xi32>,
          %bitcast3A_1835 = vector.bitcast %gather3A_1834 : vector<16xi32> to vector<32xbf16>
          %unpack3A_1836 = tpu.unpack_subelements %bitcast3A_1835, 0 {pack_format = #tpu.pack_format<interleaved>} : vector<32xbf16> -> vector<16xf32>
          %unpack3A_1837 = tpu.unpack_subelements %bitcast3A_1835, 1 {pack_format = #tpu.pack_format<interleaved>} : vector<32xbf16> -> vector<16xf32>
          %mul3A_1838 = arith.mulf %unpack3A_1836, %unpack3A_1708 : vector<16xf32>
          %add3A_1839 = arith.addf %add3A_1512, %mul3A_1838 : vector<16xf32>
          %mul3A_1840 = arith.mulf %unpack3A_1837, %unpack3A_1709 : vector<16xf32>
          %add3A_1841 = arith.addf %add3A_1839, %mul3A_1840 : vector<16xf32>
          %add3A_1842 = arith.constant 8 : i32
          %add3A_1843 = vector.broadcast %add3A_1842 : i32 to vector<16xi32>
          %add3A_1844 = arith.addi %mul3A_512, %add3A_1843 : vector<16xi32>
          %gather3A_1845 = arith.constant 0 : i32
          %gather3A_1846 = arith.constant 0 : i32
          %gather3A_1847 = tpu.memref_slice %arg16[%scan3A_437, %gather3A_1845, %gather3A_1846] : memref<2x1280x32xi32, #tpu.memory_space<vmem>> -> memref<1x1280x32xi32, #tpu.memory_space<vmem>>
          %gather3A_1848 = tpu.memref_squeeze %gather3A_1847 : memref<1x1280x32xi32, #tpu.memory_space<vmem>> -> memref<1280x32xi32, #tpu.memory_space<vmem>>
          %gather3A_1849 = tpu.vector_load_idx %gather3A_1848[%add3A_1844, %and3A_1701] : memref<1280x32xi32, #tpu.memory_space<vmem>>[vector<16xi32>, vector<16xi32>], vector<16xi32>,
          %bitcast3A_1850 = vector.bitcast %gather3A_1849 : vector<16xi32> to vector<32xbf16>
          %unpack3A_1851 = tpu.unpack_subelements %bitcast3A_1850, 0 {pack_format = #tpu.pack_format<interleaved>} : vector<32xbf16> -> vector<16xf32>
          %unpack3A_1852 = tpu.unpack_subelements %bitcast3A_1850, 1 {pack_format = #tpu.pack_format<interleaved>} : vector<32xbf16> -> vector<16xf32>
          %mul3A_1853 = arith.mulf %unpack3A_1851, %unpack3A_1708 : vector<16xf32>
          %add3A_1854 = arith.addf %add3A_1527, %mul3A_1853 : vector<16xf32>
          %mul3A_1855 = arith.mulf %unpack3A_1852, %unpack3A_1709 : vector<16xf32>
          %add3A_1856 = arith.addf %add3A_1854, %mul3A_1855 : vector<16xf32>
          %add3A_1857 = arith.constant 9 : i32
          %add3A_1858 = vector.broadcast %add3A_1857 : i32 to vector<16xi32>
          %add3A_1859 = arith.addi %mul3A_512, %add3A_1858 : vector<16xi32>
          %gather3A_1860 = arith.constant 0 : i32
          %gather3A_1861 = arith.constant 0 : i32
          %gather3A_1862 = tpu.memref_slice %arg16[%scan3A_437, %gather3A_1860, %gather3A_1861] : memref<2x1280x32xi32, #tpu.memory_space<vmem>> -> memref<1x1280x32xi32, #tpu.memory_space<vmem>>
          %gather3A_1863 = tpu.memref_squeeze %gather3A_1862 : memref<1x1280x32xi32, #tpu.memory_space<vmem>> -> memref<1280x32xi32, #tpu.memory_space<vmem>>
          %gather3A_1864 = tpu.vector_load_idx %gather3A_1863[%add3A_1859, %and3A_1701] : memref<1280x32xi32, #tpu.memory_space<vmem>>[vector<16xi32>, vector<16xi32>], vector<16xi32>,
          %bitcast3A_1865 = vector.bitcast %gather3A_1864 : vector<16xi32> to vector<32xbf16>
          %unpack3A_1866 = tpu.unpack_subelements %bitcast3A_1865, 0 {pack_format = #tpu.pack_format<interleaved>} : vector<32xbf16> -> vector<16xf32>
          %unpack3A_1867 = tpu.unpack_subelements %bitcast3A_1865, 1 {pack_format = #tpu.pack_format<interleaved>} : vector<32xbf16> -> vector<16xf32>
          %mul3A_1868 = arith.mulf %unpack3A_1866, %unpack3A_1708 : vector<16xf32>
          %add3A_1869 = arith.addf %add3A_1542, %mul3A_1868 : vector<16xf32>
          %mul3A_1870 = arith.mulf %unpack3A_1867, %unpack3A_1709 : vector<16xf32>
          %add3A_1871 = arith.addf %add3A_1869, %mul3A_1870 : vector<16xf32>
          %add3A_1872 = arith.constant 10 : i32
          %add3A_1873 = vector.broadcast %add3A_1872 : i32 to vector<16xi32>
          %add3A_1874 = arith.addi %mul3A_512, %add3A_1873 : vector<16xi32>
          %gather3A_1875 = arith.constant 0 : i32
          %gather3A_1876 = arith.constant 0 : i32
          %gather3A_1877 = tpu.memref_slice %arg16[%scan3A_437, %gather3A_1875, %gather3A_1876] : memref<2x1280x32xi32, #tpu.memory_space<vmem>> -> memref<1x1280x32xi32, #tpu.memory_space<vmem>>
          %gather3A_1878 = tpu.memref_squeeze %gather3A_1877 : memref<1x1280x32xi32, #tpu.memory_space<vmem>> -> memref<1280x32xi32, #tpu.memory_space<vmem>>
          %gather3A_1879 = tpu.vector_load_idx %gather3A_1878[%add3A_1874, %and3A_1701] : memref<1280x32xi32, #tpu.memory_space<vmem>>[vector<16xi32>, vector<16xi32>], vector<16xi32>,
          %bitcast3A_1880 = vector.bitcast %gather3A_1879 : vector<16xi32> to vector<32xbf16>
          %unpack3A_1881 = tpu.unpack_subelements %bitcast3A_1880, 0 {pack_format = #tpu.pack_format<interleaved>} : vector<32xbf16> -> vector<16xf32>
          %unpack3A_1882 = tpu.unpack_subelements %bitcast3A_1880, 1 {pack_format = #tpu.pack_format<interleaved>} : vector<32xbf16> -> vector<16xf32>
          %mul3A_1883 = arith.mulf %unpack3A_1881, %unpack3A_1708 : vector<16xf32>
          %add3A_1884 = arith.addf %add3A_1557, %mul3A_1883 : vector<16xf32>
          %mul3A_1885 = arith.mulf %unpack3A_1882, %unpack3A_1709 : vector<16xf32>
          %add3A_1886 = arith.addf %add3A_1884, %mul3A_1885 : vector<16xf32>
          %add3A_1887 = arith.constant 11 : i32
          %add3A_1888 = vector.broadcast %add3A_1887 : i32 to vector<16xi32>
          %add3A_1889 = arith.addi %mul3A_512, %add3A_1888 : vector<16xi32>
          %gather3A_1890 = arith.constant 0 : i32
          %gather3A_1891 = arith.constant 0 : i32
          %gather3A_1892 = tpu.memref_slice %arg16[%scan3A_437, %gather3A_1890, %gather3A_1891] : memref<2x1280x32xi32, #tpu.memory_space<vmem>> -> memref<1x1280x32xi32, #tpu.memory_space<vmem>>
          %gather3A_1893 = tpu.memref_squeeze %gather3A_1892 : memref<1x1280x32xi32, #tpu.memory_space<vmem>> -> memref<1280x32xi32, #tpu.memory_space<vmem>>
          %gather3A_1894 = tpu.vector_load_idx %gather3A_1893[%add3A_1889, %and3A_1701] : memref<1280x32xi32, #tpu.memory_space<vmem>>[vector<16xi32>, vector<16xi32>], vector<16xi32>,
          %bitcast3A_1895 = vector.bitcast %gather3A_1894 : vector<16xi32> to vector<32xbf16>
          %unpack3A_1896 = tpu.unpack_subelements %bitcast3A_1895, 0 {pack_format = #tpu.pack_format<interleaved>} : vector<32xbf16> -> vector<16xf32>
          %unpack3A_1897 = tpu.unpack_subelements %bitcast3A_1895, 1 {pack_format = #tpu.pack_format<interleaved>} : vector<32xbf16> -> vector<16xf32>
          %mul3A_1898 = arith.mulf %unpack3A_1896, %unpack3A_1708 : vector<16xf32>
          %add3A_1899 = arith.addf %add3A_1572, %mul3A_1898 : vector<16xf32>
          %mul3A_1900 = arith.mulf %unpack3A_1897, %unpack3A_1709 : vector<16xf32>
          %add3A_1901 = arith.addf %add3A_1899, %mul3A_1900 : vector<16xf32>
          %add3A_1902 = arith.constant 12 : i32
          %add3A_1903 = vector.broadcast %add3A_1902 : i32 to vector<16xi32>
          %add3A_1904 = arith.addi %mul3A_512, %add3A_1903 : vector<16xi32>
          %gather3A_1905 = arith.constant 0 : i32
          %gather3A_1906 = arith.constant 0 : i32
          %gather3A_1907 = tpu.memref_slice %arg16[%scan3A_437, %gather3A_1905, %gather3A_1906] : memref<2x1280x32xi32, #tpu.memory_space<vmem>> -> memref<1x1280x32xi32, #tpu.memory_space<vmem>>
          %gather3A_1908 = tpu.memref_squeeze %gather3A_1907 : memref<1x1280x32xi32, #tpu.memory_space<vmem>> -> memref<1280x32xi32, #tpu.memory_space<vmem>>
          %gather3A_1909 = tpu.vector_load_idx %gather3A_1908[%add3A_1904, %and3A_1701] : memref<1280x32xi32, #tpu.memory_space<vmem>>[vector<16xi32>, vector<16xi32>], vector<16xi32>,
          %bitcast3A_1910 = vector.bitcast %gather3A_1909 : vector<16xi32> to vector<32xbf16>
          %unpack3A_1911 = tpu.unpack_subelements %bitcast3A_1910, 0 {pack_format = #tpu.pack_format<interleaved>} : vector<32xbf16> -> vector<16xf32>
          %unpack3A_1912 = tpu.unpack_subelements %bitcast3A_1910, 1 {pack_format = #tpu.pack_format<interleaved>} : vector<32xbf16> -> vector<16xf32>
          %mul3A_1913 = arith.mulf %unpack3A_1911, %unpack3A_1708 : vector<16xf32>
          %add3A_1914 = arith.addf %add3A_1587, %mul3A_1913 : vector<16xf32>
          %mul3A_1915 = arith.mulf %unpack3A_1912, %unpack3A_1709 : vector<16xf32>
          %add3A_1916 = arith.addf %add3A_1914, %mul3A_1915 : vector<16xf32>
          %add3A_1917 = arith.constant 13 : i32
          %add3A_1918 = vector.broadcast %add3A_1917 : i32 to vector<16xi32>
          %add3A_1919 = arith.addi %mul3A_512, %add3A_1918 : vector<16xi32>
          %gather3A_1920 = arith.constant 0 : i32
          %gather3A_1921 = arith.constant 0 : i32
          %gather3A_1922 = tpu.memref_slice %arg16[%scan3A_437, %gather3A_1920, %gather3A_1921] : memref<2x1280x32xi32, #tpu.memory_space<vmem>> -> memref<1x1280x32xi32, #tpu.memory_space<vmem>>
          %gather3A_1923 = tpu.memref_squeeze %gather3A_1922 : memref<1x1280x32xi32, #tpu.memory_space<vmem>> -> memref<1280x32xi32, #tpu.memory_space<vmem>>
          %gather3A_1924 = tpu.vector_load_idx %gather3A_1923[%add3A_1919, %and3A_1701] : memref<1280x32xi32, #tpu.memory_space<vmem>>[vector<16xi32>, vector<16xi32>], vector<16xi32>,
          %bitcast3A_1925 = vector.bitcast %gather3A_1924 : vector<16xi32> to vector<32xbf16>
          %unpack3A_1926 = tpu.unpack_subelements %bitcast3A_1925, 0 {pack_format = #tpu.pack_format<interleaved>} : vector<32xbf16> -> vector<16xf32>
          %unpack3A_1927 = tpu.unpack_subelements %bitcast3A_1925, 1 {pack_format = #tpu.pack_format<interleaved>} : vector<32xbf16> -> vector<16xf32>
          %mul3A_1928 = arith.mulf %unpack3A_1926, %unpack3A_1708 : vector<16xf32>
          %add3A_1929 = arith.addf %add3A_1602, %mul3A_1928 : vector<16xf32>
          %mul3A_1930 = arith.mulf %unpack3A_1927, %unpack3A_1709 : vector<16xf32>
          %add3A_1931 = arith.addf %add3A_1929, %mul3A_1930 : vector<16xf32>
          %add3A_1932 = arith.constant 14 : i32
          %add3A_1933 = vector.broadcast %add3A_1932 : i32 to vector<16xi32>
          %add3A_1934 = arith.addi %mul3A_512, %add3A_1933 : vector<16xi32>
          %gather3A_1935 = arith.constant 0 : i32
          %gather3A_1936 = arith.constant 0 : i32
          %gather3A_1937 = tpu.memref_slice %arg16[%scan3A_437, %gather3A_1935, %gather3A_1936] : memref<2x1280x32xi32, #tpu.memory_space<vmem>> -> memref<1x1280x32xi32, #tpu.memory_space<vmem>>
          %gather3A_1938 = tpu.memref_squeeze %gather3A_1937 : memref<1x1280x32xi32, #tpu.memory_space<vmem>> -> memref<1280x32xi32, #tpu.memory_space<vmem>>
          %gather3A_1939 = tpu.vector_load_idx %gather3A_1938[%add3A_1934, %and3A_1701] : memref<1280x32xi32, #tpu.memory_space<vmem>>[vector<16xi32>, vector<16xi32>], vector<16xi32>,
          %bitcast3A_1940 = vector.bitcast %gather3A_1939 : vector<16xi32> to vector<32xbf16>
          %unpack3A_1941 = tpu.unpack_subelements %bitcast3A_1940, 0 {pack_format = #tpu.pack_format<interleaved>} : vector<32xbf16> -> vector<16xf32>
          %unpack3A_1942 = tpu.unpack_subelements %bitcast3A_1940, 1 {pack_format = #tpu.pack_format<interleaved>} : vector<32xbf16> -> vector<16xf32>
          %mul3A_1943 = arith.mulf %unpack3A_1941, %unpack3A_1708 : vector<16xf32>
          %add3A_1944 = arith.addf %add3A_1617, %mul3A_1943 : vector<16xf32>
          %mul3A_1945 = arith.mulf %unpack3A_1942, %unpack3A_1709 : vector<16xf32>
          %add3A_1946 = arith.addf %add3A_1944, %mul3A_1945 : vector<16xf32>
          %add3A_1947 = arith.constant 15 : i32
          %add3A_1948 = vector.broadcast %add3A_1947 : i32 to vector<16xi32>
          %add3A_1949 = arith.addi %mul3A_512, %add3A_1948 : vector<16xi32>
          %gather3A_1950 = arith.constant 0 : i32
          %gather3A_1951 = arith.constant 0 : i32
          %gather3A_1952 = tpu.memref_slice %arg16[%scan3A_437, %gather3A_1950, %gather3A_1951] : memref<2x1280x32xi32, #tpu.memory_space<vmem>> -> memref<1x1280x32xi32, #tpu.memory_space<vmem>>
          %gather3A_1953 = tpu.memref_squeeze %gather3A_1952 : memref<1x1280x32xi32, #tpu.memory_space<vmem>> -> memref<1280x32xi32, #tpu.memory_space<vmem>>
          %gather3A_1954 = tpu.vector_load_idx %gather3A_1953[%add3A_1949, %and3A_1701] : memref<1280x32xi32, #tpu.memory_space<vmem>>[vector<16xi32>, vector<16xi32>], vector<16xi32>,
          %bitcast3A_1955 = vector.bitcast %gather3A_1954 : vector<16xi32> to vector<32xbf16>
          %unpack3A_1956 = tpu.unpack_subelements %bitcast3A_1955, 0 {pack_format = #tpu.pack_format<interleaved>} : vector<32xbf16> -> vector<16xf32>
          %unpack3A_1957 = tpu.unpack_subelements %bitcast3A_1955, 1 {pack_format = #tpu.pack_format<interleaved>} : vector<32xbf16> -> vector<16xf32>
          %mul3A_1958 = arith.mulf %unpack3A_1956, %unpack3A_1708 : vector<16xf32>
          %add3A_1959 = arith.addf %add3A_1632, %mul3A_1958 : vector<16xf32>
          %mul3A_1960 = arith.mulf %unpack3A_1957, %unpack3A_1709 : vector<16xf32>
          %add3A_1961 = arith.addf %add3A_1959, %mul3A_1960 : vector<16xf32>
          %add3A_1962 = arith.constant 16 : i32
          %add3A_1963 = vector.broadcast %add3A_1962 : i32 to vector<16xi32>
          %add3A_1964 = arith.addi %mul3A_512, %add3A_1963 : vector<16xi32>
          %gather3A_1965 = arith.constant 0 : i32
          %gather3A_1966 = arith.constant 0 : i32
          %gather3A_1967 = tpu.memref_slice %arg16[%scan3A_437, %gather3A_1965, %gather3A_1966] : memref<2x1280x32xi32, #tpu.memory_space<vmem>> -> memref<1x1280x32xi32, #tpu.memory_space<vmem>>
          %gather3A_1968 = tpu.memref_squeeze %gather3A_1967 : memref<1x1280x32xi32, #tpu.memory_space<vmem>> -> memref<1280x32xi32, #tpu.memory_space<vmem>>
          %gather3A_1969 = tpu.vector_load_idx %gather3A_1968[%add3A_1964, %and3A_1701] : memref<1280x32xi32, #tpu.memory_space<vmem>>[vector<16xi32>, vector<16xi32>], vector<16xi32>,
          %bitcast3A_1970 = vector.bitcast %gather3A_1969 : vector<16xi32> to vector<32xbf16>
          %unpack3A_1971 = tpu.unpack_subelements %bitcast3A_1970, 0 {pack_format = #tpu.pack_format<interleaved>} : vector<32xbf16> -> vector<16xf32>
          %unpack3A_1972 = tpu.unpack_subelements %bitcast3A_1970, 1 {pack_format = #tpu.pack_format<interleaved>} : vector<32xbf16> -> vector<16xf32>
          %mul3A_1973 = arith.mulf %unpack3A_1971, %unpack3A_1708 : vector<16xf32>
          %add3A_1974 = arith.addf %add3A_1647, %mul3A_1973 : vector<16xf32>
          %mul3A_1975 = arith.mulf %unpack3A_1972, %unpack3A_1709 : vector<16xf32>
          %add3A_1976 = arith.addf %add3A_1974, %mul3A_1975 : vector<16xf32>
          %add3A_1977 = arith.constant 17 : i32
          %add3A_1978 = vector.broadcast %add3A_1977 : i32 to vector<16xi32>
          %add3A_1979 = arith.addi %mul3A_512, %add3A_1978 : vector<16xi32>
          %gather3A_1980 = arith.constant 0 : i32
          %gather3A_1981 = arith.constant 0 : i32
          %gather3A_1982 = tpu.memref_slice %arg16[%scan3A_437, %gather3A_1980, %gather3A_1981] : memref<2x1280x32xi32, #tpu.memory_space<vmem>> -> memref<1x1280x32xi32, #tpu.memory_space<vmem>>
          %gather3A_1983 = tpu.memref_squeeze %gather3A_1982 : memref<1x1280x32xi32, #tpu.memory_space<vmem>> -> memref<1280x32xi32, #tpu.memory_space<vmem>>
          %gather3A_1984 = tpu.vector_load_idx %gather3A_1983[%add3A_1979, %and3A_1701] : memref<1280x32xi32, #tpu.memory_space<vmem>>[vector<16xi32>, vector<16xi32>], vector<16xi32>,
          %bitcast3A_1985 = vector.bitcast %gather3A_1984 : vector<16xi32> to vector<32xbf16>
          %unpack3A_1986 = tpu.unpack_subelements %bitcast3A_1985, 0 {pack_format = #tpu.pack_format<interleaved>} : vector<32xbf16> -> vector<16xf32>
          %unpack3A_1987 = tpu.unpack_subelements %bitcast3A_1985, 1 {pack_format = #tpu.pack_format<interleaved>} : vector<32xbf16> -> vector<16xf32>
          %mul3A_1988 = arith.mulf %unpack3A_1986, %unpack3A_1708 : vector<16xf32>
          %add3A_1989 = arith.addf %add3A_1662, %mul3A_1988 : vector<16xf32>
          %mul3A_1990 = arith.mulf %unpack3A_1987, %unpack3A_1709 : vector<16xf32>
          %add3A_1991 = arith.addf %add3A_1989, %mul3A_1990 : vector<16xf32>
          %add3A_1992 = arith.constant 18 : i32
          %add3A_1993 = vector.broadcast %add3A_1992 : i32 to vector<16xi32>
          %add3A_1994 = arith.addi %mul3A_512, %add3A_1993 : vector<16xi32>
          %gather3A_1995 = arith.constant 0 : i32
          %gather3A_1996 = arith.constant 0 : i32
          %gather3A_1997 = tpu.memref_slice %arg16[%scan3A_437, %gather3A_1995, %gather3A_1996] : memref<2x1280x32xi32, #tpu.memory_space<vmem>> -> memref<1x1280x32xi32, #tpu.memory_space<vmem>>
          %gather3A_1998 = tpu.memref_squeeze %gather3A_1997 : memref<1x1280x32xi32, #tpu.memory_space<vmem>> -> memref<1280x32xi32, #tpu.memory_space<vmem>>
          %gather3A_1999 = tpu.vector_load_idx %gather3A_1998[%add3A_1994, %and3A_1701] : memref<1280x32xi32, #tpu.memory_space<vmem>>[vector<16xi32>, vector<16xi32>], vector<16xi32>,
          %bitcast3A_2000 = vector.bitcast %gather3A_1999 : vector<16xi32> to vector<32xbf16>
          %unpack3A_2001 = tpu.unpack_subelements %bitcast3A_2000, 0 {pack_format = #tpu.pack_format<interleaved>} : vector<32xbf16> -> vector<16xf32>
          %unpack3A_2002 = tpu.unpack_subelements %bitcast3A_2000, 1 {pack_format = #tpu.pack_format<interleaved>} : vector<32xbf16> -> vector<16xf32>
          %mul3A_2003 = arith.mulf %unpack3A_2001, %unpack3A_1708 : vector<16xf32>
          %add3A_2004 = arith.addf %add3A_1677, %mul3A_2003 : vector<16xf32>
          %mul3A_2005 = arith.mulf %unpack3A_2002, %unpack3A_1709 : vector<16xf32>
          %add3A_2006 = arith.addf %add3A_2004, %mul3A_2005 : vector<16xf32>
          %add3A_2007 = arith.constant 19 : i32
          %add3A_2008 = vector.broadcast %add3A_2007 : i32 to vector<16xi32>
          %add3A_2009 = arith.addi %mul3A_512, %add3A_2008 : vector<16xi32>
          %gather3A_2010 = arith.constant 0 : i32
          %gather3A_2011 = arith.constant 0 : i32
          %gather3A_2012 = tpu.memref_slice %arg16[%scan3A_437, %gather3A_2010, %gather3A_2011] : memref<2x1280x32xi32, #tpu.memory_space<vmem>> -> memref<1x1280x32xi32, #tpu.memory_space<vmem>>
          %gather3A_2013 = tpu.memref_squeeze %gather3A_2012 : memref<1x1280x32xi32, #tpu.memory_space<vmem>> -> memref<1280x32xi32, #tpu.memory_space<vmem>>
          %gather3A_2014 = tpu.vector_load_idx %gather3A_2013[%add3A_2009, %and3A_1701] : memref<1280x32xi32, #tpu.memory_space<vmem>>[vector<16xi32>, vector<16xi32>], vector<16xi32>,
          %bitcast3A_2015 = vector.bitcast %gather3A_2014 : vector<16xi32> to vector<32xbf16>
          %unpack3A_2016 = tpu.unpack_subelements %bitcast3A_2015, 0 {pack_format = #tpu.pack_format<interleaved>} : vector<32xbf16> -> vector<16xf32>
          %unpack3A_2017 = tpu.unpack_subelements %bitcast3A_2015, 1 {pack_format = #tpu.pack_format<interleaved>} : vector<32xbf16> -> vector<16xf32>
          %mul3A_2018 = arith.mulf %unpack3A_2016, %unpack3A_1708 : vector<16xf32>
          %add3A_2019 = arith.addf %add3A_1692, %mul3A_2018 : vector<16xf32>
          %mul3A_2020 = arith.mulf %unpack3A_2017, %unpack3A_1709 : vector<16xf32>
          %add3A_2021 = arith.addf %add3A_2019, %mul3A_2020 : vector<16xf32>
          scf.yield %add3A_1721, %add3A_1736, %add3A_1751, %add3A_1766, %add3A_1781, %add3A_1796, %add3A_1811, %add3A_1826, %add3A_1841, %add3A_1856, %add3A_1871, %add3A_1886, %add3A_1901, %add3A_1916, %add3A_1931, %add3A_1946, %add3A_1961, %add3A_1976, %add3A_1991, %add3A_2006, %add3A_2021 : vector<16xf32>, vector<16xf32>, vector<16xf32>, vector<16xf32>, vector<16xf32>, vector<16xf32>, vector<16xf32>, vector<16xf32>, vector<16xf32>, vector<16xf32>, vector<16xf32>, vector<16xf32>, vector<16xf32>, vector<16xf32>, vector<16xf32>, vector<16xf32>, vector<16xf32>, vector<16xf32>, vector<16xf32>, vector<16xf32>, vector<16xf32>
        }
        %scan3A_559 = arith.constant 8 : i32
        %add3A_560 = arith.addi %mul3A_433, %mul3A_507 : i32
        %get3A = arith.index_cast %add3A_560 : i32 to index
        %get3A_561 = tpu.vector_load %arg13[%get3A] {strides = array<i32>} : memref<512xf32, #tpu.memory_space<vmem>>, vector<16xf32>,
        %add3A_562 = arith.addi %mul3A_433, %mul3A_507 : i32
        %swap3A = arith.index_cast %add3A_562 : i32 to index
        %swap3A_563 = tpu.vector_load %arg17[%swap3A] {strides = array<i32>} : memref<512xf32, #tpu.memory_space<vmem>>, vector<16xf32>,
        tpu.vector_store %arg17[%swap3A], %scan3A_558#0 {strides = array<i32>} : memref<512xf32, #tpu.memory_space<vmem>>, vector<16xf32>,
        %mul3A_564 = arith.constant 20 : i32
        %mul3A_565 = arith.muli %mul3A_433, %mul3A_564 : i32
        %add3A_566 = vector.broadcast %mul3A_565 : i32 to vector<16xi32>
        %add3A_567 = arith.addi %add3A_566, %mul3A_512 : vector<16xi32>
        %add3A_568 = arith.constant 0 : i32
        %add3A_569 = vector.broadcast %add3A_568 : i32 to vector<16xi32>
        %add3A_570 = arith.addi %add3A_567, %add3A_569 : vector<16xi32>
        tpu.vector_store_idx %arg18[%add3A_570], %scan3A_558#1 : memref<10240xf32, #tpu.memory_space<vmem>>[vector<16xi32>], vector<16xf32>,
        %add3A_571 = arith.constant 0 : i32
        %add3A_572 = vector.broadcast %add3A_571 : i32 to vector<16xi32>
        %add3A_573 = arith.addi %add3A_567, %add3A_572 : vector<16xi32>
        tpu.vector_store_idx %arg19[%add3A_573], %get3A_561 : memref<10240xf32, #tpu.memory_space<vmem>>[vector<16xi32>], vector<16xf32>,
        %add3A_574 = arith.constant 1 : i32
        %add3A_575 = vector.broadcast %add3A_574 : i32 to vector<16xi32>
        %add3A_576 = arith.addi %add3A_567, %add3A_575 : vector<16xi32>
        tpu.vector_store_idx %arg18[%add3A_576], %scan3A_558#2 : memref<10240xf32, #tpu.memory_space<vmem>>[vector<16xi32>], vector<16xf32>,
        %add3A_577 = arith.constant 1 : i32
        %add3A_578 = vector.broadcast %add3A_577 : i32 to vector<16xi32>
        %add3A_579 = arith.addi %add3A_567, %add3A_578 : vector<16xi32>
        tpu.vector_store_idx %arg19[%add3A_579], %get3A_561 : memref<10240xf32, #tpu.memory_space<vmem>>[vector<16xi32>], vector<16xf32>,
        %add3A_580 = arith.constant 2 : i32
        %add3A_581 = vector.broadcast %add3A_580 : i32 to vector<16xi32>
        %add3A_582 = arith.addi %add3A_567, %add3A_581 : vector<16xi32>
        tpu.vector_store_idx %arg18[%add3A_582], %scan3A_558#3 : memref<10240xf32, #tpu.memory_space<vmem>>[vector<16xi32>], vector<16xf32>,
        %add3A_583 = arith.constant 2 : i32
        %add3A_584 = vector.broadcast %add3A_583 : i32 to vector<16xi32>
        %add3A_585 = arith.addi %add3A_567, %add3A_584 : vector<16xi32>
        tpu.vector_store_idx %arg19[%add3A_585], %get3A_561 : memref<10240xf32, #tpu.memory_space<vmem>>[vector<16xi32>], vector<16xf32>,
        %add3A_586 = arith.constant 3 : i32
        %add3A_587 = vector.broadcast %add3A_586 : i32 to vector<16xi32>
        %add3A_588 = arith.addi %add3A_567, %add3A_587 : vector<16xi32>
        tpu.vector_store_idx %arg18[%add3A_588], %scan3A_558#4 : memref<10240xf32, #tpu.memory_space<vmem>>[vector<16xi32>], vector<16xf32>,
        %add3A_589 = arith.constant 3 : i32
        %add3A_590 = vector.broadcast %add3A_589 : i32 to vector<16xi32>
        %add3A_591 = arith.addi %add3A_567, %add3A_590 : vector<16xi32>
        tpu.vector_store_idx %arg19[%add3A_591], %get3A_561 : memref<10240xf32, #tpu.memory_space<vmem>>[vector<16xi32>], vector<16xf32>,
        %add3A_592 = arith.constant 4 : i32
        %add3A_593 = vector.broadcast %add3A_592 : i32 to vector<16xi32>
        %add3A_594 = arith.addi %add3A_567, %add3A_593 : vector<16xi32>
        tpu.vector_store_idx %arg18[%add3A_594], %scan3A_558#5 : memref<10240xf32, #tpu.memory_space<vmem>>[vector<16xi32>], vector<16xf32>,
        %add3A_595 = arith.constant 4 : i32
        %add3A_596 = vector.broadcast %add3A_595 : i32 to vector<16xi32>
        %add3A_597 = arith.addi %add3A_567, %add3A_596 : vector<16xi32>
        tpu.vector_store_idx %arg19[%add3A_597], %get3A_561 : memref<10240xf32, #tpu.memory_space<vmem>>[vector<16xi32>], vector<16xf32>,
        %add3A_598 = arith.constant 5 : i32
        %add3A_599 = vector.broadcast %add3A_598 : i32 to vector<16xi32>
        %add3A_600 = arith.addi %add3A_567, %add3A_599 : vector<16xi32>
        tpu.vector_store_idx %arg18[%add3A_600], %scan3A_558#6 : memref<10240xf32, #tpu.memory_space<vmem>>[vector<16xi32>], vector<16xf32>,
        %add3A_601 = arith.constant 5 : i32
        %add3A_602 = vector.broadcast %add3A_601 : i32 to vector<16xi32>
        %add3A_603 = arith.addi %add3A_567, %add3A_602 : vector<16xi32>
        tpu.vector_store_idx %arg19[%add3A_603], %get3A_561 : memref<10240xf32, #tpu.memory_space<vmem>>[vector<16xi32>], vector<16xf32>,
        %add3A_604 = arith.constant 6 : i32
        %add3A_605 = vector.broadcast %add3A_604 : i32 to vector<16xi32>
        %add3A_606 = arith.addi %add3A_567, %add3A_605 : vector<16xi32>
        tpu.vector_store_idx %arg18[%add3A_606], %scan3A_558#7 : memref<10240xf32, #tpu.memory_space<vmem>>[vector<16xi32>], vector<16xf32>,
        %add3A_607 = arith.constant 6 : i32
        %add3A_608 = vector.broadcast %add3A_607 : i32 to vector<16xi32>
        %add3A_609 = arith.addi %add3A_567, %add3A_608 : vector<16xi32>
        tpu.vector_store_idx %arg19[%add3A_609], %get3A_561 : memref<10240xf32, #tpu.memory_space<vmem>>[vector<16xi32>], vector<16xf32>,
        %add3A_610 = arith.constant 7 : i32
        %add3A_611 = vector.broadcast %add3A_610 : i32 to vector<16xi32>
        %add3A_612 = arith.addi %add3A_567, %add3A_611 : vector<16xi32>
        tpu.vector_store_idx %arg18[%add3A_612], %scan3A_558#8 : memref<10240xf32, #tpu.memory_space<vmem>>[vector<16xi32>], vector<16xf32>,
        %add3A_613 = arith.constant 7 : i32
        %add3A_614 = vector.broadcast %add3A_613 : i32 to vector<16xi32>
        %add3A_615 = arith.addi %add3A_567, %add3A_614 : vector<16xi32>
        tpu.vector_store_idx %arg19[%add3A_615], %get3A_561 : memref<10240xf32, #tpu.memory_space<vmem>>[vector<16xi32>], vector<16xf32>,
        %add3A_616 = arith.constant 8 : i32
        %add3A_617 = vector.broadcast %add3A_616 : i32 to vector<16xi32>
        %add3A_618 = arith.addi %add3A_567, %add3A_617 : vector<16xi32>
        tpu.vector_store_idx %arg18[%add3A_618], %scan3A_558#9 : memref<10240xf32, #tpu.memory_space<vmem>>[vector<16xi32>], vector<16xf32>,
        %add3A_619 = arith.constant 8 : i32
        %add3A_620 = vector.broadcast %add3A_619 : i32 to vector<16xi32>
        %add3A_621 = arith.addi %add3A_567, %add3A_620 : vector<16xi32>
        tpu.vector_store_idx %arg19[%add3A_621], %get3A_561 : memref<10240xf32, #tpu.memory_space<vmem>>[vector<16xi32>], vector<16xf32>,
        %add3A_622 = arith.constant 9 : i32
        %add3A_623 = vector.broadcast %add3A_622 : i32 to vector<16xi32>
        %add3A_624 = arith.addi %add3A_567, %add3A_623 : vector<16xi32>
        tpu.vector_store_idx %arg18[%add3A_624], %scan3A_558#10 : memref<10240xf32, #tpu.memory_space<vmem>>[vector<16xi32>], vector<16xf32>,
        %add3A_625 = arith.constant 9 : i32
        %add3A_626 = vector.broadcast %add3A_625 : i32 to vector<16xi32>
        %add3A_627 = arith.addi %add3A_567, %add3A_626 : vector<16xi32>
        tpu.vector_store_idx %arg19[%add3A_627], %get3A_561 : memref<10240xf32, #tpu.memory_space<vmem>>[vector<16xi32>], vector<16xf32>,
        %add3A_628 = arith.constant 10 : i32
        %add3A_629 = vector.broadcast %add3A_628 : i32 to vector<16xi32>
        %add3A_630 = arith.addi %add3A_567, %add3A_629 : vector<16xi32>
        tpu.vector_store_idx %arg18[%add3A_630], %scan3A_558#11 : memref<10240xf32, #tpu.memory_space<vmem>>[vector<16xi32>], vector<16xf32>,
        %add3A_631 = arith.constant 10 : i32
        %add3A_632 = vector.broadcast %add3A_631 : i32 to vector<16xi32>
        %add3A_633 = arith.addi %add3A_567, %add3A_632 : vector<16xi32>
        tpu.vector_store_idx %arg19[%add3A_633], %get3A_561 : memref<10240xf32, #tpu.memory_space<vmem>>[vector<16xi32>], vector<16xf32>,
        %add3A_634 = arith.constant 11 : i32
        %add3A_635 = vector.broadcast %add3A_634 : i32 to vector<16xi32>
        %add3A_636 = arith.addi %add3A_567, %add3A_635 : vector<16xi32>
        tpu.vector_store_idx %arg18[%add3A_636], %scan3A_558#12 : memref<10240xf32, #tpu.memory_space<vmem>>[vector<16xi32>], vector<16xf32>,
        %add3A_637 = arith.constant 11 : i32
        %add3A_638 = vector.broadcast %add3A_637 : i32 to vector<16xi32>
        %add3A_639 = arith.addi %add3A_567, %add3A_638 : vector<16xi32>
        tpu.vector_store_idx %arg19[%add3A_639], %get3A_561 : memref<10240xf32, #tpu.memory_space<vmem>>[vector<16xi32>], vector<16xf32>,
        %add3A_640 = arith.constant 12 : i32
        %add3A_641 = vector.broadcast %add3A_640 : i32 to vector<16xi32>
        %add3A_642 = arith.addi %add3A_567, %add3A_641 : vector<16xi32>
        tpu.vector_store_idx %arg18[%add3A_642], %scan3A_558#13 : memref<10240xf32, #tpu.memory_space<vmem>>[vector<16xi32>], vector<16xf32>,
        %add3A_643 = arith.constant 12 : i32
        %add3A_644 = vector.broadcast %add3A_643 : i32 to vector<16xi32>
        %add3A_645 = arith.addi %add3A_567, %add3A_644 : vector<16xi32>
        tpu.vector_store_idx %arg19[%add3A_645], %get3A_561 : memref<10240xf32, #tpu.memory_space<vmem>>[vector<16xi32>], vector<16xf32>,
        %add3A_646 = arith.constant 13 : i32
        %add3A_647 = vector.broadcast %add3A_646 : i32 to vector<16xi32>
        %add3A_648 = arith.addi %add3A_567, %add3A_647 : vector<16xi32>
        tpu.vector_store_idx %arg18[%add3A_648], %scan3A_558#14 : memref<10240xf32, #tpu.memory_space<vmem>>[vector<16xi32>], vector<16xf32>,
        %add3A_649 = arith.constant 13 : i32
        %add3A_650 = vector.broadcast %add3A_649 : i32 to vector<16xi32>
        %add3A_651 = arith.addi %add3A_567, %add3A_650 : vector<16xi32>
        tpu.vector_store_idx %arg19[%add3A_651], %get3A_561 : memref<10240xf32, #tpu.memory_space<vmem>>[vector<16xi32>], vector<16xf32>,
        %add3A_652 = arith.constant 14 : i32
        %add3A_653 = vector.broadcast %add3A_652 : i32 to vector<16xi32>
        %add3A_654 = arith.addi %add3A_567, %add3A_653 : vector<16xi32>
        tpu.vector_store_idx %arg18[%add3A_654], %scan3A_558#15 : memref<10240xf32, #tpu.memory_space<vmem>>[vector<16xi32>], vector<16xf32>,
        %add3A_655 = arith.constant 14 : i32
        %add3A_656 = vector.broadcast %add3A_655 : i32 to vector<16xi32>
        %add3A_657 = arith.addi %add3A_567, %add3A_656 : vector<16xi32>
        tpu.vector_store_idx %arg19[%add3A_657], %get3A_561 : memref<10240xf32, #tpu.memory_space<vmem>>[vector<16xi32>], vector<16xf32>,
        %add3A_658 = arith.constant 15 : i32
        %add3A_659 = vector.broadcast %add3A_658 : i32 to vector<16xi32>
        %add3A_660 = arith.addi %add3A_567, %add3A_659 : vector<16xi32>
        tpu.vector_store_idx %arg18[%add3A_660], %scan3A_558#16 : memref<10240xf32, #tpu.memory_space<vmem>>[vector<16xi32>], vector<16xf32>,
        %add3A_661 = arith.constant 15 : i32
        %add3A_662 = vector.broadcast %add3A_661 : i32 to vector<16xi32>
        %add3A_663 = arith.addi %add3A_567, %add3A_662 : vector<16xi32>
        tpu.vector_store_idx %arg19[%add3A_663], %get3A_561 : memref<10240xf32, #tpu.memory_space<vmem>>[vector<16xi32>], vector<16xf32>,
        %add3A_664 = arith.constant 16 : i32
        %add3A_665 = vector.broadcast %add3A_664 : i32 to vector<16xi32>
        %add3A_666 = arith.addi %add3A_567, %add3A_665 : vector<16xi32>
        tpu.vector_store_idx %arg18[%add3A_666], %scan3A_558#17 : memref<10240xf32, #tpu.memory_space<vmem>>[vector<16xi32>], vector<16xf32>,
        %add3A_667 = arith.constant 16 : i32
        %add3A_668 = vector.broadcast %add3A_667 : i32 to vector<16xi32>
        %add3A_669 = arith.addi %add3A_567, %add3A_668 : vector<16xi32>
        tpu.vector_store_idx %arg19[%add3A_669], %get3A_561 : memref<10240xf32, #tpu.memory_space<vmem>>[vector<16xi32>], vector<16xf32>,
        %add3A_670 = arith.constant 17 : i32
        %add3A_671 = vector.broadcast %add3A_670 : i32 to vector<16xi32>
        %add3A_672 = arith.addi %add3A_567, %add3A_671 : vector<16xi32>
        tpu.vector_store_idx %arg18[%add3A_672], %scan3A_558#18 : memref<10240xf32, #tpu.memory_space<vmem>>[vector<16xi32>], vector<16xf32>,
        %add3A_673 = arith.constant 17 : i32
        %add3A_674 = vector.broadcast %add3A_673 : i32 to vector<16xi32>
        %add3A_675 = arith.addi %add3A_567, %add3A_674 : vector<16xi32>
        tpu.vector_store_idx %arg19[%add3A_675], %get3A_561 : memref<10240xf32, #tpu.memory_space<vmem>>[vector<16xi32>], vector<16xf32>,
        %add3A_676 = arith.constant 18 : i32
        %add3A_677 = vector.broadcast %add3A_676 : i32 to vector<16xi32>
        %add3A_678 = arith.addi %add3A_567, %add3A_677 : vector<16xi32>
        tpu.vector_store_idx %arg18[%add3A_678], %scan3A_558#19 : memref<10240xf32, #tpu.memory_space<vmem>>[vector<16xi32>], vector<16xf32>,
        %add3A_679 = arith.constant 18 : i32
        %add3A_680 = vector.broadcast %add3A_679 : i32 to vector<16xi32>
        %add3A_681 = arith.addi %add3A_567, %add3A_680 : vector<16xi32>
        tpu.vector_store_idx %arg19[%add3A_681], %get3A_561 : memref<10240xf32, #tpu.memory_space<vmem>>[vector<16xi32>], vector<16xf32>,
        %add3A_682 = arith.constant 19 : i32
        %add3A_683 = vector.broadcast %add3A_682 : i32 to vector<16xi32>
        %add3A_684 = arith.addi %add3A_567, %add3A_683 : vector<16xi32>
        tpu.vector_store_idx %arg18[%add3A_684], %scan3A_558#20 : memref<10240xf32, #tpu.memory_space<vmem>>[vector<16xi32>], vector<16xf32>,
        %add3A_685 = arith.constant 19 : i32
        %add3A_686 = vector.broadcast %add3A_685 : i32 to vector<16xi32>
        %add3A_687 = arith.addi %add3A_567, %add3A_686 : vector<16xi32>
        tpu.vector_store_idx %arg19[%add3A_687], %get3A_561 : memref<10240xf32, #tpu.memory_space<vmem>>[vector<16xi32>], vector<16xf32>,
      }
      %scan3A_442 = arith.constant 4 : i32
      "tpu.trace_stop"() : () -> ()
      %add3A_443 = arith.constant 2 : i32
      %add3A_444 = arith.addi %mul3A_204, %add3A_443 : i32
      %lt3A = arith.constant 8 : i32
      %lt3A_445 = arith.cmpi slt, %add3A_444, %lt3A : i32
      %convert_element_type3A = arith.extui %lt3A_445 : i1 to i32
      %cond3A = arith.constant 0 : i32
      %cond3A_446 = arith.cmpi ne, %convert_element_type3A, %cond3A : i32
      scf.if %cond3A_446 {
        %add3A_505 = arith.constant 2 : i32
        %add3A_506 = arith.addi %mul3A_204, %add3A_505 : i32
        %mul3A_507 = arith.constant 64 : i32
        %mul3A_508 = arith.muli %add3A_506, %mul3A_507 : i32
        %dma_start3A_509 = arith.constant 0 : i32
        %dma_start3A_510 = arith.constant 0 : i32
        %dma_start3A_511 = arith.constant 0 : i32
        %dma_start3A_512 = tpu.memref_slice %arg14[%dma_start3A_509, %dma_start3A_510, %dma_start3A_511] : memref<2x64x32xi32, #tpu.memory_space<vmem>> -> memref<1x64x32xi32, #tpu.memory_space<vmem>>
        %dma_start3A_513 = tpu.memref_squeeze %dma_start3A_512 : memref<1x64x32xi32, #tpu.memory_space<vmem>> -> memref<64x32xi32, #tpu.memory_space<vmem>>
        %dma_start3A_514 = tpu.memref_slice %arg10[%mul3A_508] : memref<512xi32, #tpu.memory_space<vmem>> -> memref<64xi32, #tpu.memory_space<vmem>>
        %dma_start3A_515 = arith.constant 0 : i32
        %dma_start3A_516 = arith.constant 0 : i32
        %dma_start3A_517 = tpu.memref_slice %arg6[%dma_start3A_515, %dma_start3A_516] : memref<1015808x32xi32, #tpu.memory_space<hbm>> -> memref<1015808x32xi32, #tpu.memory_space<hbm>>
        tpu.enqueue_indirect_dma source(%dma_start3A_517 : memref<1015808x32xi32, #tpu.memory_space<hbm>>) target(%dma_start3A_513 : memref<64x32xi32, #tpu.memory_space<vmem>>) offsets(%dma_start3A_514 : memref<64xi32, #tpu.memory_space<vmem>>) semaphore(%arg20 : memref<!tpu.dma_semaphore, #tpu.memory_space<semaphore_mem>>)
        %dma_start3A_518 = arith.constant 0 : i32
        %dma_start3A_519 = arith.constant 0 : i32
        %dma_start3A_520 = arith.constant 0 : i32
        %dma_start3A_521 = tpu.memref_slice %arg15[%dma_start3A_518, %dma_start3A_519, %dma_start3A_520] : memref<2x64x32xi32, #tpu.memory_space<vmem>> -> memref<1x64x32xi32, #tpu.memory_space<vmem>>
        %dma_start3A_522 = tpu.memref_squeeze %dma_start3A_521 : memref<1x64x32xi32, #tpu.memory_space<vmem>> -> memref<64x32xi32, #tpu.memory_space<vmem>>
        %dma_start3A_523 = tpu.memref_slice %arg11[%mul3A_508] : memref<512xi32, #tpu.memory_space<vmem>> -> memref<64xi32, #tpu.memory_space<vmem>>
        %dma_start3A_524 = arith.constant 0 : i32
        %dma_start3A_525 = arith.constant 0 : i32
        %dma_start3A_526 = tpu.memref_slice %arg6[%dma_start3A_524, %dma_start3A_525] : memref<1015808x32xi32, #tpu.memory_space<hbm>> -> memref<1015808x32xi32, #tpu.memory_space<hbm>>
        tpu.enqueue_indirect_dma source(%dma_start3A_526 : memref<1015808x32xi32, #tpu.memory_space<hbm>>) target(%dma_start3A_522 : memref<64x32xi32, #tpu.memory_space<vmem>>) offsets(%dma_start3A_523 : memref<64xi32, #tpu.memory_space<vmem>>) semaphore(%arg20 : memref<!tpu.dma_semaphore, #tpu.memory_space<semaphore_mem>>)
        %mul3A_527 = arith.constant 20 : i32
        %mul3A_528 = arith.muli %mul3A_508, %mul3A_527 : i32
        %add3A_529 = arith.constant 0 : i32
        %add3A_530 = arith.addi %mul3A_528, %add3A_529 : i32
        %dma_start3A_531 = arith.constant 0 : i32
        %dma_start3A_532 = arith.constant 0 : i32
        %dma_start3A_533 = arith.constant 0 : i32
        %dma_start3A_534 = tpu.memref_slice %arg16[%dma_start3A_531, %dma_start3A_532, %dma_start3A_533] : memref<2x1280x32xi32, #tpu.memory_space<vmem>> -> memref<1x1280x32xi32, #tpu.memory_space<vmem>>
        %dma_start3A_535 = tpu.memref_squeeze %dma_start3A_534 : memref<1x1280x32xi32, #tpu.memory_space<vmem>> -> memref<1280x32xi32, #tpu.memory_space<vmem>>
        %dma_start3A_536 = arith.constant 0 : i32
        %dma_start3A_537 = arith.constant 0 : i32
        %dma_start3A_538 = tpu.memref_slice %dma_start3A_535[%dma_start3A_536, %dma_start3A_537] : memref<1280x32xi32, #tpu.memory_space<vmem>> -> memref<128x32xi32, #tpu.memory_space<vmem>>
        %dma_start3A_539 = tpu.memref_slice %arg12[%add3A_530] : memref<10240xi32, #tpu.memory_space<vmem>> -> memref<128xi32, #tpu.memory_space<vmem>>
        %dma_start3A_540 = arith.constant 0 : i32
        %dma_start3A_541 = arith.constant 0 : i32
        %dma_start3A_542 = tpu.memref_slice %arg6[%dma_start3A_540, %dma_start3A_541] : memref<1015808x32xi32, #tpu.memory_space<hbm>> -> memref<1015808x32xi32, #tpu.memory_space<hbm>>
        tpu.enqueue_indirect_dma source(%dma_start3A_542 : memref<1015808x32xi32, #tpu.memory_space<hbm>>) target(%dma_start3A_538 : memref<128x32xi32, #tpu.memory_space<vmem>>) offsets(%dma_start3A_539 : memref<128xi32, #tpu.memory_space<vmem>>) semaphore(%arg20 : memref<!tpu.dma_semaphore, #tpu.memory_space<semaphore_mem>>)
        %mul3A_543 = arith.constant 20 : i32
        %mul3A_544 = arith.muli %mul3A_508, %mul3A_543 : i32
        %add3A_545 = arith.constant 128 : i32
        %add3A_546 = arith.addi %mul3A_544, %add3A_545 : i32
        %dma_start3A_547 = arith.constant 0 : i32
        %dma_start3A_548 = arith.constant 0 : i32
        %dma_start3A_549 = arith.constant 0 : i32
        %dma_start3A_550 = tpu.memref_slice %arg16[%dma_start3A_547, %dma_start3A_548, %dma_start3A_549] : memref<2x1280x32xi32, #tpu.memory_space<vmem>> -> memref<1x1280x32xi32, #tpu.memory_space<vmem>>
        %dma_start3A_551 = tpu.memref_squeeze %dma_start3A_550 : memref<1x1280x32xi32, #tpu.memory_space<vmem>> -> memref<1280x32xi32, #tpu.memory_space<vmem>>
        %dma_start3A_552 = arith.constant 128 : i32
        %dma_start3A_553 = arith.constant 0 : i32
        %dma_start3A_554 = tpu.memref_slice %dma_start3A_551[%dma_start3A_552, %dma_start3A_553] : memref<1280x32xi32, #tpu.memory_space<vmem>> -> memref<128x32xi32, #tpu.memory_space<vmem>>
        %dma_start3A_555 = tpu.memref_slice %arg12[%add3A_546] : memref<10240xi32, #tpu.memory_space<vmem>> -> memref<128xi32, #tpu.memory_space<vmem>>
        %dma_start3A_556 = arith.constant 0 : i32
        %dma_start3A_557 = arith.constant 0 : i32
        %dma_start3A_558 = tpu.memref_slice %arg6[%dma_start3A_556, %dma_start3A_557] : memref<1015808x32xi32, #tpu.memory_space<hbm>> -> memref<1015808x32xi32, #tpu.memory_space<hbm>>
        tpu.enqueue_indirect_dma source(%dma_start3A_558 : memref<1015808x32xi32, #tpu.memory_space<hbm>>) target(%dma_start3A_554 : memref<128x32xi32, #tpu.memory_space<vmem>>) offsets(%dma_start3A_555 : memref<128xi32, #tpu.memory_space<vmem>>) semaphore(%arg20 : memref<!tpu.dma_semaphore, #tpu.memory_space<semaphore_mem>>)
        %mul3A_559 = arith.constant 20 : i32
        %mul3A_560 = arith.muli %mul3A_508, %mul3A_559 : i32
        %add3A_561 = arith.constant 256 : i32
        %add3A_562 = arith.addi %mul3A_560, %add3A_561 : i32
        %dma_start3A_563 = arith.constant 0 : i32
        %dma_start3A_564 = arith.constant 0 : i32
        %dma_start3A_565 = arith.constant 0 : i32
        %dma_start3A_566 = tpu.memref_slice %arg16[%dma_start3A_563, %dma_start3A_564, %dma_start3A_565] : memref<2x1280x32xi32, #tpu.memory_space<vmem>> -> memref<1x1280x32xi32, #tpu.memory_space<vmem>>
        %dma_start3A_567 = tpu.memref_squeeze %dma_start3A_566 : memref<1x1280x32xi32, #tpu.memory_space<vmem>> -> memref<1280x32xi32, #tpu.memory_space<vmem>>
        %dma_start3A_568 = arith.constant 256 : i32
        %dma_start3A_569 = arith.constant 0 : i32
        %dma_start3A_570 = tpu.memref_slice %dma_start3A_567[%dma_start3A_568, %dma_start3A_569] : memref<1280x32xi32, #tpu.memory_space<vmem>> -> memref<128x32xi32, #tpu.memory_space<vmem>>
        %dma_start3A_571 = tpu.memref_slice %arg12[%add3A_562] : memref<10240xi32, #tpu.memory_space<vmem>> -> memref<128xi32, #tpu.memory_space<vmem>>
        %dma_start3A_572 = arith.constant 0 : i32
        %dma_start3A_573 = arith.constant 0 : i32
        %dma_start3A_574 = tpu.memref_slice %arg6[%dma_start3A_572, %dma_start3A_573] : memref<1015808x32xi32, #tpu.memory_space<hbm>> -> memref<1015808x32xi32, #tpu.memory_space<hbm>>
        tpu.enqueue_indirect_dma source(%dma_start3A_574 : memref<1015808x32xi32, #tpu.memory_space<hbm>>) target(%dma_start3A_570 : memref<128x32xi32, #tpu.memory_space<vmem>>) offsets(%dma_start3A_571 : memref<128xi32, #tpu.memory_space<vmem>>) semaphore(%arg20 : memref<!tpu.dma_semaphore, #tpu.memory_space<semaphore_mem>>)
        %mul3A_575 = arith.constant 20 : i32
        %mul3A_576 = arith.muli %mul3A_508, %mul3A_575 : i32
        %add3A_577 = arith.constant 384 : i32
        %add3A_578 = arith.addi %mul3A_576, %add3A_577 : i32
        %dma_start3A_579 = arith.constant 0 : i32
        %dma_start3A_580 = arith.constant 0 : i32
        %dma_start3A_581 = arith.constant 0 : i32
        %dma_start3A_582 = tpu.memref_slice %arg16[%dma_start3A_579, %dma_start3A_580, %dma_start3A_581] : memref<2x1280x32xi32, #tpu.memory_space<vmem>> -> memref<1x1280x32xi32, #tpu.memory_space<vmem>>
        %dma_start3A_583 = tpu.memref_squeeze %dma_start3A_582 : memref<1x1280x32xi32, #tpu.memory_space<vmem>> -> memref<1280x32xi32, #tpu.memory_space<vmem>>
        %dma_start3A_584 = arith.constant 384 : i32
        %dma_start3A_585 = arith.constant 0 : i32
        %dma_start3A_586 = tpu.memref_slice %dma_start3A_583[%dma_start3A_584, %dma_start3A_585] : memref<1280x32xi32, #tpu.memory_space<vmem>> -> memref<128x32xi32, #tpu.memory_space<vmem>>
        %dma_start3A_587 = tpu.memref_slice %arg12[%add3A_578] : memref<10240xi32, #tpu.memory_space<vmem>> -> memref<128xi32, #tpu.memory_space<vmem>>
        %dma_start3A_588 = arith.constant 0 : i32
        %dma_start3A_589 = arith.constant 0 : i32
        %dma_start3A_590 = tpu.memref_slice %arg6[%dma_start3A_588, %dma_start3A_589] : memref<1015808x32xi32, #tpu.memory_space<hbm>> -> memref<1015808x32xi32, #tpu.memory_space<hbm>>
        tpu.enqueue_indirect_dma source(%dma_start3A_590 : memref<1015808x32xi32, #tpu.memory_space<hbm>>) target(%dma_start3A_586 : memref<128x32xi32, #tpu.memory_space<vmem>>) offsets(%dma_start3A_587 : memref<128xi32, #tpu.memory_space<vmem>>) semaphore(%arg20 : memref<!tpu.dma_semaphore, #tpu.memory_space<semaphore_mem>>)
        %mul3A_591 = arith.constant 20 : i32
        %mul3A_592 = arith.muli %mul3A_508, %mul3A_591 : i32
        %add3A_593 = arith.constant 512 : i32
        %add3A_594 = arith.addi %mul3A_592, %add3A_593 : i32
        %dma_start3A_595 = arith.constant 0 : i32
        %dma_start3A_596 = arith.constant 0 : i32
        %dma_start3A_597 = arith.constant 0 : i32
        %dma_start3A_598 = tpu.memref_slice %arg16[%dma_start3A_595, %dma_start3A_596, %dma_start3A_597] : memref<2x1280x32xi32, #tpu.memory_space<vmem>> -> memref<1x1280x32xi32, #tpu.memory_space<vmem>>
        %dma_start3A_599 = tpu.memref_squeeze %dma_start3A_598 : memref<1x1280x32xi32, #tpu.memory_space<vmem>> -> memref<1280x32xi32, #tpu.memory_space<vmem>>
        %dma_start3A_600 = arith.constant 512 : i32
        %dma_start3A_601 = arith.constant 0 : i32
        %dma_start3A_602 = tpu.memref_slice %dma_start3A_599[%dma_start3A_600, %dma_start3A_601] : memref<1280x32xi32, #tpu.memory_space<vmem>> -> memref<128x32xi32, #tpu.memory_space<vmem>>
        %dma_start3A_603 = tpu.memref_slice %arg12[%add3A_594] : memref<10240xi32, #tpu.memory_space<vmem>> -> memref<128xi32, #tpu.memory_space<vmem>>
        %dma_start3A_604 = arith.constant 0 : i32
        %dma_start3A_605 = arith.constant 0 : i32
        %dma_start3A_606 = tpu.memref_slice %arg6[%dma_start3A_604, %dma_start3A_605] : memref<1015808x32xi32, #tpu.memory_space<hbm>> -> memref<1015808x32xi32, #tpu.memory_space<hbm>>
        tpu.enqueue_indirect_dma source(%dma_start3A_606 : memref<1015808x32xi32, #tpu.memory_space<hbm>>) target(%dma_start3A_602 : memref<128x32xi32, #tpu.memory_space<vmem>>) offsets(%dma_start3A_603 : memref<128xi32, #tpu.memory_space<vmem>>) semaphore(%arg20 : memref<!tpu.dma_semaphore, #tpu.memory_space<semaphore_mem>>)
        %mul3A_607 = arith.constant 20 : i32
        %mul3A_608 = arith.muli %mul3A_508, %mul3A_607 : i32
        %add3A_609 = arith.constant 640 : i32
        %add3A_610 = arith.addi %mul3A_608, %add3A_609 : i32
        %dma_start3A_611 = arith.constant 0 : i32
        %dma_start3A_612 = arith.constant 0 : i32
        %dma_start3A_613 = arith.constant 0 : i32
        %dma_start3A_614 = tpu.memref_slice %arg16[%dma_start3A_611, %dma_start3A_612, %dma_start3A_613] : memref<2x1280x32xi32, #tpu.memory_space<vmem>> -> memref<1x1280x32xi32, #tpu.memory_space<vmem>>
        %dma_start3A_615 = tpu.memref_squeeze %dma_start3A_614 : memref<1x1280x32xi32, #tpu.memory_space<vmem>> -> memref<1280x32xi32, #tpu.memory_space<vmem>>
        %dma_start3A_616 = arith.constant 640 : i32
        %dma_start3A_617 = arith.constant 0 : i32
        %dma_start3A_618 = tpu.memref_slice %dma_start3A_615[%dma_start3A_616, %dma_start3A_617] : memref<1280x32xi32, #tpu.memory_space<vmem>> -> memref<128x32xi32, #tpu.memory_space<vmem>>
        %dma_start3A_619 = tpu.memref_slice %arg12[%add3A_610] : memref<10240xi32, #tpu.memory_space<vmem>> -> memref<128xi32, #tpu.memory_space<vmem>>
        %dma_start3A_620 = arith.constant 0 : i32
        %dma_start3A_621 = arith.constant 0 : i32
        %dma_start3A_622 = tpu.memref_slice %arg6[%dma_start3A_620, %dma_start3A_621] : memref<1015808x32xi32, #tpu.memory_space<hbm>> -> memref<1015808x32xi32, #tpu.memory_space<hbm>>
        tpu.enqueue_indirect_dma source(%dma_start3A_622 : memref<1015808x32xi32, #tpu.memory_space<hbm>>) target(%dma_start3A_618 : memref<128x32xi32, #tpu.memory_space<vmem>>) offsets(%dma_start3A_619 : memref<128xi32, #tpu.memory_space<vmem>>) semaphore(%arg20 : memref<!tpu.dma_semaphore, #tpu.memory_space<semaphore_mem>>)
        %mul3A_623 = arith.constant 20 : i32
        %mul3A_624 = arith.muli %mul3A_508, %mul3A_623 : i32
        %add3A_625 = arith.constant 768 : i32
        %add3A_626 = arith.addi %mul3A_624, %add3A_625 : i32
        %dma_start3A_627 = arith.constant 0 : i32
        %dma_start3A_628 = arith.constant 0 : i32
        %dma_start3A_629 = arith.constant 0 : i32
        %dma_start3A_630 = tpu.memref_slice %arg16[%dma_start3A_627, %dma_start3A_628, %dma_start3A_629] : memref<2x1280x32xi32, #tpu.memory_space<vmem>> -> memref<1x1280x32xi32, #tpu.memory_space<vmem>>
        %dma_start3A_631 = tpu.memref_squeeze %dma_start3A_630 : memref<1x1280x32xi32, #tpu.memory_space<vmem>> -> memref<1280x32xi32, #tpu.memory_space<vmem>>
        %dma_start3A_632 = arith.constant 768 : i32
        %dma_start3A_633 = arith.constant 0 : i32
        %dma_start3A_634 = tpu.memref_slice %dma_start3A_631[%dma_start3A_632, %dma_start3A_633] : memref<1280x32xi32, #tpu.memory_space<vmem>> -> memref<128x32xi32, #tpu.memory_space<vmem>>
        %dma_start3A_635 = tpu.memref_slice %arg12[%add3A_626] : memref<10240xi32, #tpu.memory_space<vmem>> -> memref<128xi32, #tpu.memory_space<vmem>>
        %dma_start3A_636 = arith.constant 0 : i32
        %dma_start3A_637 = arith.constant 0 : i32
        %dma_start3A_638 = tpu.memref_slice %arg6[%dma_start3A_636, %dma_start3A_637] : memref<1015808x32xi32, #tpu.memory_space<hbm>> -> memref<1015808x32xi32, #tpu.memory_space<hbm>>
        tpu.enqueue_indirect_dma source(%dma_start3A_638 : memref<1015808x32xi32, #tpu.memory_space<hbm>>) target(%dma_start3A_634 : memref<128x32xi32, #tpu.memory_space<vmem>>) offsets(%dma_start3A_635 : memref<128xi32, #tpu.memory_space<vmem>>) semaphore(%arg20 : memref<!tpu.dma_semaphore, #tpu.memory_space<semaphore_mem>>)
        %mul3A_639 = arith.constant 20 : i32
        %mul3A_640 = arith.muli %mul3A_508, %mul3A_639 : i32
        %add3A_641 = arith.constant 896 : i32
        %add3A_642 = arith.addi %mul3A_640, %add3A_641 : i32
        %dma_start3A_643 = arith.constant 0 : i32
        %dma_start3A_644 = arith.constant 0 : i32
        %dma_start3A_645 = arith.constant 0 : i32
        %dma_start3A_646 = tpu.memref_slice %arg16[%dma_start3A_643, %dma_start3A_644, %dma_start3A_645] : memref<2x1280x32xi32, #tpu.memory_space<vmem>> -> memref<1x1280x32xi32, #tpu.memory_space<vmem>>
        %dma_start3A_647 = tpu.memref_squeeze %dma_start3A_646 : memref<1x1280x32xi32, #tpu.memory_space<vmem>> -> memref<1280x32xi32, #tpu.memory_space<vmem>>
        %dma_start3A_648 = arith.constant 896 : i32
        %dma_start3A_649 = arith.constant 0 : i32
        %dma_start3A_650 = tpu.memref_slice %dma_start3A_647[%dma_start3A_648, %dma_start3A_649] : memref<1280x32xi32, #tpu.memory_space<vmem>> -> memref<128x32xi32, #tpu.memory_space<vmem>>
        %dma_start3A_651 = tpu.memref_slice %arg12[%add3A_642] : memref<10240xi32, #tpu.memory_space<vmem>> -> memref<128xi32, #tpu.memory_space<vmem>>
        %dma_start3A_652 = arith.constant 0 : i32
        %dma_start3A_653 = arith.constant 0 : i32
        %dma_start3A_654 = tpu.memref_slice %arg6[%dma_start3A_652, %dma_start3A_653] : memref<1015808x32xi32, #tpu.memory_space<hbm>> -> memref<1015808x32xi32, #tpu.memory_space<hbm>>
        tpu.enqueue_indirect_dma source(%dma_start3A_654 : memref<1015808x32xi32, #tpu.memory_space<hbm>>) target(%dma_start3A_650 : memref<128x32xi32, #tpu.memory_space<vmem>>) offsets(%dma_start3A_651 : memref<128xi32, #tpu.memory_space<vmem>>) semaphore(%arg20 : memref<!tpu.dma_semaphore, #tpu.memory_space<semaphore_mem>>)
        %mul3A_655 = arith.constant 20 : i32
        %mul3A_656 = arith.muli %mul3A_508, %mul3A_655 : i32
        %add3A_657 = arith.constant 1024 : i32
        %add3A_658 = arith.addi %mul3A_656, %add3A_657 : i32
        %dma_start3A_659 = arith.constant 0 : i32
        %dma_start3A_660 = arith.constant 0 : i32
        %dma_start3A_661 = arith.constant 0 : i32
        %dma_start3A_662 = tpu.memref_slice %arg16[%dma_start3A_659, %dma_start3A_660, %dma_start3A_661] : memref<2x1280x32xi32, #tpu.memory_space<vmem>> -> memref<1x1280x32xi32, #tpu.memory_space<vmem>>
        %dma_start3A_663 = tpu.memref_squeeze %dma_start3A_662 : memref<1x1280x32xi32, #tpu.memory_space<vmem>> -> memref<1280x32xi32, #tpu.memory_space<vmem>>
        %dma_start3A_664 = arith.constant 1024 : i32
        %dma_start3A_665 = arith.constant 0 : i32
        %dma_start3A_666 = tpu.memref_slice %dma_start3A_663[%dma_start3A_664, %dma_start3A_665] : memref<1280x32xi32, #tpu.memory_space<vmem>> -> memref<128x32xi32, #tpu.memory_space<vmem>>
        %dma_start3A_667 = tpu.memref_slice %arg12[%add3A_658] : memref<10240xi32, #tpu.memory_space<vmem>> -> memref<128xi32, #tpu.memory_space<vmem>>
        %dma_start3A_668 = arith.constant 0 : i32
        %dma_start3A_669 = arith.constant 0 : i32
        %dma_start3A_670 = tpu.memref_slice %arg6[%dma_start3A_668, %dma_start3A_669] : memref<1015808x32xi32, #tpu.memory_space<hbm>> -> memref<1015808x32xi32, #tpu.memory_space<hbm>>
        tpu.enqueue_indirect_dma source(%dma_start3A_670 : memref<1015808x32xi32, #tpu.memory_space<hbm>>) target(%dma_start3A_666 : memref<128x32xi32, #tpu.memory_space<vmem>>) offsets(%dma_start3A_667 : memref<128xi32, #tpu.memory_space<vmem>>) semaphore(%arg20 : memref<!tpu.dma_semaphore, #tpu.memory_space<semaphore_mem>>)
        %mul3A_671 = arith.constant 20 : i32
        %mul3A_672 = arith.muli %mul3A_508, %mul3A_671 : i32
        %add3A_673 = arith.constant 1152 : i32
        %add3A_674 = arith.addi %mul3A_672, %add3A_673 : i32
        %dma_start3A_675 = arith.constant 0 : i32
        %dma_start3A_676 = arith.constant 0 : i32
        %dma_start3A_677 = arith.constant 0 : i32
        %dma_start3A_678 = tpu.memref_slice %arg16[%dma_start3A_675, %dma_start3A_676, %dma_start3A_677] : memref<2x1280x32xi32, #tpu.memory_space<vmem>> -> memref<1x1280x32xi32, #tpu.memory_space<vmem>>
        %dma_start3A_679 = tpu.memref_squeeze %dma_start3A_678 : memref<1x1280x32xi32, #tpu.memory_space<vmem>> -> memref<1280x32xi32, #tpu.memory_space<vmem>>
        %dma_start3A_680 = arith.constant 1152 : i32
        %dma_start3A_681 = arith.constant 0 : i32
        %dma_start3A_682 = tpu.memref_slice %dma_start3A_679[%dma_start3A_680, %dma_start3A_681] : memref<1280x32xi32, #tpu.memory_space<vmem>> -> memref<128x32xi32, #tpu.memory_space<vmem>>
        %dma_start3A_683 = tpu.memref_slice %arg12[%add3A_674] : memref<10240xi32, #tpu.memory_space<vmem>> -> memref<128xi32, #tpu.memory_space<vmem>>
        %dma_start3A_684 = arith.constant 0 : i32
        %dma_start3A_685 = arith.constant 0 : i32
        %dma_start3A_686 = tpu.memref_slice %arg6[%dma_start3A_684, %dma_start3A_685] : memref<1015808x32xi32, #tpu.memory_space<hbm>> -> memref<1015808x32xi32, #tpu.memory_space<hbm>>
        tpu.enqueue_indirect_dma source(%dma_start3A_686 : memref<1015808x32xi32, #tpu.memory_space<hbm>>) target(%dma_start3A_682 : memref<128x32xi32, #tpu.memory_space<vmem>>) offsets(%dma_start3A_683 : memref<128xi32, #tpu.memory_space<vmem>>) semaphore(%arg20 : memref<!tpu.dma_semaphore, #tpu.memory_space<semaphore_mem>>)
      } else {
      }
      %dma_wait3A_447 = arith.constant 1 : i32
      "tpu.trace_start"() <{level = 10 : i32, message = "drain"}> : () -> ()
      %dma_wait3A_448 = arith.constant 0 : i32
      %dma_wait3A_449 = arith.constant 0 : i32
      %dma_wait3A_450 = tpu.memref_slice %arg14[%dma_wait3A_447, %dma_wait3A_448, %dma_wait3A_449] : memref<2x64x32xi32, #tpu.memory_space<vmem>> -> memref<1x64x32xi32, #tpu.memory_space<vmem>>
      %dma_wait3A_451 = tpu.memref_squeeze %dma_wait3A_450 : memref<1x64x32xi32, #tpu.memory_space<vmem>> -> memref<64x32xi32, #tpu.memory_space<vmem>>
      %dma_wait3A_452 = arith.constant 0 : i32
      %dma_wait3A_453 = arith.constant 0 : i32
      %dma_wait3A_454 = tpu.memref_slice %arg6[%dma_wait3A_452, %dma_wait3A_453] : memref<1015808x32xi32, #tpu.memory_space<hbm>> -> memref<64x32xi32, #tpu.memory_space<hbm>>
      %dma_wait3A_455 = arith.constant 0 : i32
      %dma_wait3A_456 = arith.constant 0 : i32
      %dma_wait3A_457 = tpu.memref_slice %arg14[%dma_wait3A_447, %dma_wait3A_455, %dma_wait3A_456] : memref<2x64x32xi32, #tpu.memory_space<vmem>> -> memref<1x64x32xi32, #tpu.memory_space<vmem>>
      %dma_wait3A_458 = tpu.memref_squeeze %dma_wait3A_457 : memref<1x64x32xi32, #tpu.memory_space<vmem>> -> memref<64x32xi32, #tpu.memory_space<vmem>>
      %dma_wait3A_459 = arith.constant 0 : i32
      %dma_wait3A_460 = arith.constant 0 : i32
      %dma_wait3A_461 = tpu.memref_slice %arg6[%dma_wait3A_459, %dma_wait3A_460] : memref<1015808x32xi32, #tpu.memory_space<hbm>> -> memref<64x32xi32, #tpu.memory_space<hbm>>
      tpu.wait_dma2 semaphore(%arg21 : memref<!tpu.dma_semaphore, #tpu.memory_space<semaphore_mem>>) src(%dma_wait3A_461 : memref<64x32xi32, #tpu.memory_space<hbm>>) dst(%dma_wait3A_458 : memref<64x32xi32, #tpu.memory_space<vmem>>)
      %dma_wait3A_462 = arith.constant 1 : i32
      %dma_wait3A_463 = arith.constant 0 : i32
      %dma_wait3A_464 = arith.constant 0 : i32
      %dma_wait3A_465 = tpu.memref_slice %arg15[%dma_wait3A_462, %dma_wait3A_463, %dma_wait3A_464] : memref<2x64x32xi32, #tpu.memory_space<vmem>> -> memref<1x64x32xi32, #tpu.memory_space<vmem>>
      %dma_wait3A_466 = tpu.memref_squeeze %dma_wait3A_465 : memref<1x64x32xi32, #tpu.memory_space<vmem>> -> memref<64x32xi32, #tpu.memory_space<vmem>>
      %dma_wait3A_467 = arith.constant 0 : i32
      %dma_wait3A_468 = arith.constant 0 : i32
      %dma_wait3A_469 = tpu.memref_slice %arg6[%dma_wait3A_467, %dma_wait3A_468] : memref<1015808x32xi32, #tpu.memory_space<hbm>> -> memref<64x32xi32, #tpu.memory_space<hbm>>
      %dma_wait3A_470 = arith.constant 0 : i32
      %dma_wait3A_471 = arith.constant 0 : i32
      %dma_wait3A_472 = tpu.memref_slice %arg15[%dma_wait3A_462, %dma_wait3A_470, %dma_wait3A_471] : memref<2x64x32xi32, #tpu.memory_space<vmem>> -> memref<1x64x32xi32, #tpu.memory_space<vmem>>
      %dma_wait3A_473 = tpu.memref_squeeze %dma_wait3A_472 : memref<1x64x32xi32, #tpu.memory_space<vmem>> -> memref<64x32xi32, #tpu.memory_space<vmem>>
      %dma_wait3A_474 = arith.constant 0 : i32
      %dma_wait3A_475 = arith.constant 0 : i32
      %dma_wait3A_476 = tpu.memref_slice %arg6[%dma_wait3A_474, %dma_wait3A_475] : memref<1015808x32xi32, #tpu.memory_space<hbm>> -> memref<64x32xi32, #tpu.memory_space<hbm>>
      tpu.wait_dma2 semaphore(%arg21 : memref<!tpu.dma_semaphore, #tpu.memory_space<semaphore_mem>>) src(%dma_wait3A_476 : memref<64x32xi32, #tpu.memory_space<hbm>>) dst(%dma_wait3A_473 : memref<64x32xi32, #tpu.memory_space<vmem>>)
      %dma_wait3A_477 = arith.constant 1 : i32
      %dma_wait3A_478 = arith.constant 0 : i32
      %dma_wait3A_479 = arith.constant 0 : i32
      %dma_wait3A_480 = tpu.memref_slice %arg16[%dma_wait3A_477, %dma_wait3A_478, %dma_wait3A_479] : memref<2x1280x32xi32, #tpu.memory_space<vmem>> -> memref<1x1280x32xi32, #tpu.memory_space<vmem>>
      %dma_wait3A_481 = tpu.memref_squeeze %dma_wait3A_480 : memref<1x1280x32xi32, #tpu.memory_space<vmem>> -> memref<1280x32xi32, #tpu.memory_space<vmem>>
      %dma_wait3A_482 = arith.constant 0 : i32
      %dma_wait3A_483 = arith.constant 0 : i32
      %dma_wait3A_484 = tpu.memref_slice %arg6[%dma_wait3A_482, %dma_wait3A_483] : memref<1015808x32xi32, #tpu.memory_space<hbm>> -> memref<1280x32xi32, #tpu.memory_space<hbm>>
      %dma_wait3A_485 = arith.constant 0 : i32
      %dma_wait3A_486 = arith.constant 0 : i32
      %dma_wait3A_487 = tpu.memref_slice %arg16[%dma_wait3A_477, %dma_wait3A_485, %dma_wait3A_486] : memref<2x1280x32xi32, #tpu.memory_space<vmem>> -> memref<1x1280x32xi32, #tpu.memory_space<vmem>>
      %dma_wait3A_488 = tpu.memref_squeeze %dma_wait3A_487 : memref<1x1280x32xi32, #tpu.memory_space<vmem>> -> memref<1280x32xi32, #tpu.memory_space<vmem>>
      %dma_wait3A_489 = arith.constant 0 : i32
      %dma_wait3A_490 = arith.constant 0 : i32
      %dma_wait3A_491 = tpu.memref_slice %arg6[%dma_wait3A_489, %dma_wait3A_490] : memref<1015808x32xi32, #tpu.memory_space<hbm>> -> memref<1280x32xi32, #tpu.memory_space<hbm>>
      tpu.wait_dma2 semaphore(%arg21 : memref<!tpu.dma_semaphore, #tpu.memory_space<semaphore_mem>>) src(%dma_wait3A_491 : memref<1280x32xi32, #tpu.memory_space<hbm>>) dst(%dma_wait3A_488 : memref<1280x32xi32, #tpu.memory_space<vmem>>)
      "tpu.trace_stop"() : () -> ()
      %add3A_492 = arith.constant 1 : i32
      %add3A_493 = arith.addi %mul3A_204, %add3A_492 : i32
      %mul3A_494 = arith.constant 64 : i32
      %mul3A_495 = arith.muli %add3A_493, %mul3A_494 : i32
      "tpu.trace_start"() <{level = 10 : i32, message = "dotprod"}> : () -> ()
      %scan3A_496 = arith.constant 0 : i32
      %scan3A_497 = arith.constant 1 : i32
      %scan3A_498 = arith.constant 1 : i32
      %scan3A_499 = arith.constant 1 : i32
      %scan3A_500 = arith.constant 0 : i32
      %scan3A_501 = arith.constant 4 : i32
      %scan3A_502 = arith.addi %scan3A_500, %scan3A_501 : i32
      %scan3A_503 = arith.constant 1 : i32
      scf.for %scan3A_505 = %scan3A_500 to %scan3A_502 step %scan3A_503  : i32 {
        %mul3A_506 = arith.constant 16 : i32
        %mul3A_507 = arith.muli %scan3A_505, %mul3A_506 : i32
        %add3A_508 = vector.broadcast %mul3A_507 : i32 to vector<16xi32>
        %add3A_509 = arith.addi %add3A_508, %iota3A : vector<16xi32>
        %mul3A_510 = arith.constant 20 : i32
        %mul3A_511 = vector.broadcast %mul3A_510 : i32 to vector<16xi32>
        %mul3A_512 = arith.muli %add3A_509, %mul3A_511 : vector<16xi32>
        %broadcast_in_dim3A = arith.constant 0.000000e+00 : f32
        %broadcast_in_dim3A_513 = vector.broadcast %broadcast_in_dim3A : f32 to vector<16xf32>
        %broadcast_in_dim3A_514 = arith.constant 0.000000e+00 : f32
        %broadcast_in_dim3A_515 = vector.broadcast %broadcast_in_dim3A_514 : f32 to vector<16xf32>
        %broadcast_in_dim3A_516 = arith.constant 0.000000e+00 : f32
        %broadcast_in_dim3A_517 = vector.broadcast %broadcast_in_dim3A_516 : f32 to vector<16xf32>
        %broadcast_in_dim3A_518 = arith.constant 0.000000e+00 : f32
        %broadcast_in_dim3A_519 = vector.broadcast %broadcast_in_dim3A_518 : f32 to vector<16xf32>
        %broadcast_in_dim3A_520 = arith.constant 0.000000e+00 : f32
        %broadcast_in_dim3A_521 = vector.broadcast %broadcast_in_dim3A_520 : f32 to vector<16xf32>
        %broadcast_in_dim3A_522 = arith.constant 0.000000e+00 : f32
        %broadcast_in_dim3A_523 = vector.broadcast %broadcast_in_dim3A_522 : f32 to vector<16xf32>
        %broadcast_in_dim3A_524 = arith.constant 0.000000e+00 : f32
        %broadcast_in_dim3A_525 = vector.broadcast %broadcast_in_dim3A_524 : f32 to vector<16xf32>
        %broadcast_in_dim3A_526 = arith.constant 0.000000e+00 : f32
        %broadcast_in_dim3A_527 = vector.broadcast %broadcast_in_dim3A_526 : f32 to vector<16xf32>
        %broadcast_in_dim3A_528 = arith.constant 0.000000e+00 : f32
        %broadcast_in_dim3A_529 = vector.broadcast %broadcast_in_dim3A_528 : f32 to vector<16xf32>
        %broadcast_in_dim3A_530 = arith.constant 0.000000e+00 : f32
        %broadcast_in_dim3A_531 = vector.broadcast %broadcast_in_dim3A_530 : f32 to vector<16xf32>
        %broadcast_in_dim3A_532 = arith.constant 0.000000e+00 : f32
        %broadcast_in_dim3A_533 = vector.broadcast %broadcast_in_dim3A_532 : f32 to vector<16xf32>
        %broadcast_in_dim3A_534 = arith.constant 0.000000e+00 : f32
        %broadcast_in_dim3A_535 = vector.broadcast %broadcast_in_dim3A_534 : f32 to vector<16xf32>
        %broadcast_in_dim3A_536 = arith.constant 0.000000e+00 : f32
        %broadcast_in_dim3A_537 = vector.broadcast %broadcast_in_dim3A_536 : f32 to vector<16xf32>
        %broadcast_in_dim3A_538 = arith.constant 0.000000e+00 : f32
        %broadcast_in_dim3A_539 = vector.broadcast %broadcast_in_dim3A_538 : f32 to vector<16xf32>
        %broadcast_in_dim3A_540 = arith.constant 0.000000e+00 : f32
        %broadcast_in_dim3A_541 = vector.broadcast %broadcast_in_dim3A_540 : f32 to vector<16xf32>
        %broadcast_in_dim3A_542 = arith.constant 0.000000e+00 : f32
        %broadcast_in_dim3A_543 = vector.broadcast %broadcast_in_dim3A_542 : f32 to vector<16xf32>
        %broadcast_in_dim3A_544 = arith.constant 0.000000e+00 : f32
        %broadcast_in_dim3A_545 = vector.broadcast %broadcast_in_dim3A_544 : f32 to vector<16xf32>
        %broadcast_in_dim3A_546 = arith.constant 0.000000e+00 : f32
        %broadcast_in_dim3A_547 = vector.broadcast %broadcast_in_dim3A_546 : f32 to vector<16xf32>
        %broadcast_in_dim3A_548 = arith.constant 0.000000e+00 : f32
        %broadcast_in_dim3A_549 = vector.broadcast %broadcast_in_dim3A_548 : f32 to vector<16xf32>
        %broadcast_in_dim3A_550 = arith.constant 0.000000e+00 : f32
        %broadcast_in_dim3A_551 = vector.broadcast %broadcast_in_dim3A_550 : f32 to vector<16xf32>
        %broadcast_in_dim3A_552 = arith.constant 0.000000e+00 : f32
        %broadcast_in_dim3A_553 = vector.broadcast %broadcast_in_dim3A_552 : f32 to vector<16xf32>
        %scan3A_554 = arith.constant 0 : i32
        %scan3A_555 = arith.constant 8 : i32
        %scan3A_556 = arith.addi %scan3A_554, %scan3A_555 : i32
        %scan3A_557 = arith.constant 1 : i32
        %scan3A_558:21 = scf.for %scan3A_688 = %scan3A_554 to %scan3A_556 step %scan3A_557 iter_args(%scan3A_689 = %broadcast_in_dim3A_513, %scan3A_690 = %broadcast_in_dim3A_515, %scan3A_691 = %broadcast_in_dim3A_517, %scan3A_692 = %broadcast_in_dim3A_519, %scan3A_693 = %broadcast_in_dim3A_521, %scan3A_694 = %broadcast_in_dim3A_523, %scan3A_695 = %broadcast_in_dim3A_525, %scan3A_696 = %broadcast_in_dim3A_527, %scan3A_697 = %broadcast_in_dim3A_529, %scan3A_698 = %broadcast_in_dim3A_531, %scan3A_699 = %broadcast_in_dim3A_533, %scan3A_700 = %broadcast_in_dim3A_535, %scan3A_701 = %broadcast_in_dim3A_537, %scan3A_702 = %broadcast_in_dim3A_539, %scan3A_703 = %broadcast_in_dim3A_541, %scan3A_704 = %broadcast_in_dim3A_543, %scan3A_705 = %broadcast_in_dim3A_545, %scan3A_706 = %broadcast_in_dim3A_547, %scan3A_707 = %broadcast_in_dim3A_549, %scan3A_708 = %broadcast_in_dim3A_551, %scan3A_709 = %broadcast_in_dim3A_553) -> (vector<16xf32>, vector<16xf32>, vector<16xf32>, vector<16xf32>, vector<16xf32>, vector<16xf32>, vector<16xf32>, vector<16xf32>, vector<16xf32>, vector<16xf32>, vector<16xf32>, vector<16xf32>, vector<16xf32>, vector<16xf32>, vector<16xf32>, vector<16xf32>, vector<16xf32>, vector<16xf32>, vector<16xf32>, vector<16xf32>, vector<16xf32>)  : i32 {
          %mul3A_710 = arith.constant 4 : i32
          %mul3A_711 = arith.muli %scan3A_688, %mul3A_710 : i32
          %add3A_712 = arith.constant 0 : i32
          %add3A_713 = arith.addi %mul3A_711, %add3A_712 : i32
          %add3A_714 = vector.broadcast %add3A_713 : i32 to vector<16xi32>
          %add3A_715 = arith.addi %iota3A, %add3A_714 : vector<16xi32>
          %and3A = arith.constant 31 : i32
          %and3A_716 = vector.broadcast %and3A : i32 to vector<16xi32>
          %and3A_717 = arith.andi %add3A_715, %and3A_716 : vector<16xi32>
          %gather3A = arith.constant 0 : i32
          %gather3A_718 = arith.constant 0 : i32
          %gather3A_719 = tpu.memref_slice %arg14[%scan3A_497, %gather3A, %gather3A_718] : memref<2x64x32xi32, #tpu.memory_space<vmem>> -> memref<1x64x32xi32, #tpu.memory_space<vmem>>
          %gather3A_720 = tpu.memref_squeeze %gather3A_719 : memref<1x64x32xi32, #tpu.memory_space<vmem>> -> memref<64x32xi32, #tpu.memory_space<vmem>>
          %gather3A_721 = tpu.vector_load_idx %gather3A_720[%add3A_509, %and3A_717] : memref<64x32xi32, #tpu.memory_space<vmem>>[vector<16xi32>, vector<16xi32>], vector<16xi32>,
          %bitcast3A = vector.bitcast %gather3A_721 : vector<16xi32> to vector<32xbf16>
          %unpack3A = tpu.unpack_subelements %bitcast3A, 0 {pack_format = #tpu.pack_format<interleaved>} : vector<32xbf16> -> vector<16xf32>
          %unpack3A_722 = tpu.unpack_subelements %bitcast3A, 1 {pack_format = #tpu.pack_format<interleaved>} : vector<32xbf16> -> vector<16xf32>
          %gather3A_723 = arith.constant 0 : i32
          %gather3A_724 = arith.constant 0 : i32
          %gather3A_725 = tpu.memref_slice %arg15[%scan3A_498, %gather3A_723, %gather3A_724] : memref<2x64x32xi32, #tpu.memory_space<vmem>> -> memref<1x64x32xi32, #tpu.memory_space<vmem>>
          %gather3A_726 = tpu.memref_squeeze %gather3A_725 : memref<1x64x32xi32, #tpu.memory_space<vmem>> -> memref<64x32xi32, #tpu.memory_space<vmem>>
          %gather3A_727 = tpu.vector_load_idx %gather3A_726[%add3A_509, %and3A_717] : memref<64x32xi32, #tpu.memory_space<vmem>>[vector<16xi32>, vector<16xi32>], vector<16xi32>,
          %bitcast3A_728 = vector.bitcast %gather3A_727 : vector<16xi32> to vector<32xbf16>
          %unpack3A_729 = tpu.unpack_subelements %bitcast3A_728, 0 {pack_format = #tpu.pack_format<interleaved>} : vector<32xbf16> -> vector<16xf32>
          %unpack3A_730 = tpu.unpack_subelements %bitcast3A_728, 1 {pack_format = #tpu.pack_format<interleaved>} : vector<32xbf16> -> vector<16xf32>
          %mul3A_731 = arith.mulf %unpack3A, %unpack3A_729 : vector<16xf32>
          %add3A_732 = arith.addf %scan3A_689, %mul3A_731 : vector<16xf32>
          %mul3A_733 = arith.mulf %unpack3A_722, %unpack3A_730 : vector<16xf32>
          %add3A_734 = arith.addf %add3A_732, %mul3A_733 : vector<16xf32>
          %add3A_735 = arith.constant 0 : i32
          %add3A_736 = vector.broadcast %add3A_735 : i32 to vector<16xi32>
          %add3A_737 = arith.addi %mul3A_512, %add3A_736 : vector<16xi32>
          %gather3A_738 = arith.constant 0 : i32
          %gather3A_739 = arith.constant 0 : i32
          %gather3A_740 = tpu.memref_slice %arg16[%scan3A_499, %gather3A_738, %gather3A_739] : memref<2x1280x32xi32, #tpu.memory_space<vmem>> -> memref<1x1280x32xi32, #tpu.memory_space<vmem>>
          %gather3A_741 = tpu.memref_squeeze %gather3A_740 : memref<1x1280x32xi32, #tpu.memory_space<vmem>> -> memref<1280x32xi32, #tpu.memory_space<vmem>>
          %gather3A_742 = tpu.vector_load_idx %gather3A_741[%add3A_737, %and3A_717] : memref<1280x32xi32, #tpu.memory_space<vmem>>[vector<16xi32>, vector<16xi32>], vector<16xi32>,
          %bitcast3A_743 = vector.bitcast %gather3A_742 : vector<16xi32> to vector<32xbf16>
          %unpack3A_744 = tpu.unpack_subelements %bitcast3A_743, 0 {pack_format = #tpu.pack_format<interleaved>} : vector<32xbf16> -> vector<16xf32>
          %unpack3A_745 = tpu.unpack_subelements %bitcast3A_743, 1 {pack_format = #tpu.pack_format<interleaved>} : vector<32xbf16> -> vector<16xf32>
          %mul3A_746 = arith.mulf %unpack3A_744, %unpack3A : vector<16xf32>
          %add3A_747 = arith.addf %scan3A_690, %mul3A_746 : vector<16xf32>
          %mul3A_748 = arith.mulf %unpack3A_745, %unpack3A_722 : vector<16xf32>
          %add3A_749 = arith.addf %add3A_747, %mul3A_748 : vector<16xf32>
          %add3A_750 = arith.constant 1 : i32
          %add3A_751 = vector.broadcast %add3A_750 : i32 to vector<16xi32>
          %add3A_752 = arith.addi %mul3A_512, %add3A_751 : vector<16xi32>
          %gather3A_753 = arith.constant 0 : i32
          %gather3A_754 = arith.constant 0 : i32
          %gather3A_755 = tpu.memref_slice %arg16[%scan3A_499, %gather3A_753, %gather3A_754] : memref<2x1280x32xi32, #tpu.memory_space<vmem>> -> memref<1x1280x32xi32, #tpu.memory_space<vmem>>
          %gather3A_756 = tpu.memref_squeeze %gather3A_755 : memref<1x1280x32xi32, #tpu.memory_space<vmem>> -> memref<1280x32xi32, #tpu.memory_space<vmem>>
          %gather3A_757 = tpu.vector_load_idx %gather3A_756[%add3A_752, %and3A_717] : memref<1280x32xi32, #tpu.memory_space<vmem>>[vector<16xi32>, vector<16xi32>], vector<16xi32>,
          %bitcast3A_758 = vector.bitcast %gather3A_757 : vector<16xi32> to vector<32xbf16>
          %unpack3A_759 = tpu.unpack_subelements %bitcast3A_758, 0 {pack_format = #tpu.pack_format<interleaved>} : vector<32xbf16> -> vector<16xf32>
          %unpack3A_760 = tpu.unpack_subelements %bitcast3A_758, 1 {pack_format = #tpu.pack_format<interleaved>} : vector<32xbf16> -> vector<16xf32>
          %mul3A_761 = arith.mulf %unpack3A_759, %unpack3A : vector<16xf32>
          %add3A_762 = arith.addf %scan3A_691, %mul3A_761 : vector<16xf32>
          %mul3A_763 = arith.mulf %unpack3A_760, %unpack3A_722 : vector<16xf32>
          %add3A_764 = arith.addf %add3A_762, %mul3A_763 : vector<16xf32>
          %add3A_765 = arith.constant 2 : i32
          %add3A_766 = vector.broadcast %add3A_765 : i32 to vector<16xi32>
          %add3A_767 = arith.addi %mul3A_512, %add3A_766 : vector<16xi32>
          %gather3A_768 = arith.constant 0 : i32
          %gather3A_769 = arith.constant 0 : i32
          %gather3A_770 = tpu.memref_slice %arg16[%scan3A_499, %gather3A_768, %gather3A_769] : memref<2x1280x32xi32, #tpu.memory_space<vmem>> -> memref<1x1280x32xi32, #tpu.memory_space<vmem>>
          %gather3A_771 = tpu.memref_squeeze %gather3A_770 : memref<1x1280x32xi32, #tpu.memory_space<vmem>> -> memref<1280x32xi32, #tpu.memory_space<vmem>>
          %gather3A_772 = tpu.vector_load_idx %gather3A_771[%add3A_767, %and3A_717] : memref<1280x32xi32, #tpu.memory_space<vmem>>[vector<16xi32>, vector<16xi32>], vector<16xi32>,
          %bitcast3A_773 = vector.bitcast %gather3A_772 : vector<16xi32> to vector<32xbf16>
          %unpack3A_774 = tpu.unpack_subelements %bitcast3A_773, 0 {pack_format = #tpu.pack_format<interleaved>} : vector<32xbf16> -> vector<16xf32>
          %unpack3A_775 = tpu.unpack_subelements %bitcast3A_773, 1 {pack_format = #tpu.pack_format<interleaved>} : vector<32xbf16> -> vector<16xf32>
          %mul3A_776 = arith.mulf %unpack3A_774, %unpack3A : vector<16xf32>
          %add3A_777 = arith.addf %scan3A_692, %mul3A_776 : vector<16xf32>
          %mul3A_778 = arith.mulf %unpack3A_775, %unpack3A_722 : vector<16xf32>
          %add3A_779 = arith.addf %add3A_777, %mul3A_778 : vector<16xf32>
          %add3A_780 = arith.constant 3 : i32
          %add3A_781 = vector.broadcast %add3A_780 : i32 to vector<16xi32>
          %add3A_782 = arith.addi %mul3A_512, %add3A_781 : vector<16xi32>
          %gather3A_783 = arith.constant 0 : i32
          %gather3A_784 = arith.constant 0 : i32
          %gather3A_785 = tpu.memref_slice %arg16[%scan3A_499, %gather3A_783, %gather3A_784] : memref<2x1280x32xi32, #tpu.memory_space<vmem>> -> memref<1x1280x32xi32, #tpu.memory_space<vmem>>
          %gather3A_786 = tpu.memref_squeeze %gather3A_785 : memref<1x1280x32xi32, #tpu.memory_space<vmem>> -> memref<1280x32xi32, #tpu.memory_space<vmem>>
          %gather3A_787 = tpu.vector_load_idx %gather3A_786[%add3A_782, %and3A_717] : memref<1280x32xi32, #tpu.memory_space<vmem>>[vector<16xi32>, vector<16xi32>], vector<16xi32>,
          %bitcast3A_788 = vector.bitcast %gather3A_787 : vector<16xi32> to vector<32xbf16>
          %unpack3A_789 = tpu.unpack_subelements %bitcast3A_788, 0 {pack_format = #tpu.pack_format<interleaved>} : vector<32xbf16> -> vector<16xf32>
          %unpack3A_790 = tpu.unpack_subelements %bitcast3A_788, 1 {pack_format = #tpu.pack_format<interleaved>} : vector<32xbf16> -> vector<16xf32>
          %mul3A_791 = arith.mulf %unpack3A_789, %unpack3A : vector<16xf32>
          %add3A_792 = arith.addf %scan3A_693, %mul3A_791 : vector<16xf32>
          %mul3A_793 = arith.mulf %unpack3A_790, %unpack3A_722 : vector<16xf32>
          %add3A_794 = arith.addf %add3A_792, %mul3A_793 : vector<16xf32>
          %add3A_795 = arith.constant 4 : i32
          %add3A_796 = vector.broadcast %add3A_795 : i32 to vector<16xi32>
          %add3A_797 = arith.addi %mul3A_512, %add3A_796 : vector<16xi32>
          %gather3A_798 = arith.constant 0 : i32
          %gather3A_799 = arith.constant 0 : i32
          %gather3A_800 = tpu.memref_slice %arg16[%scan3A_499, %gather3A_798, %gather3A_799] : memref<2x1280x32xi32, #tpu.memory_space<vmem>> -> memref<1x1280x32xi32, #tpu.memory_space<vmem>>
          %gather3A_801 = tpu.memref_squeeze %gather3A_800 : memref<1x1280x32xi32, #tpu.memory_space<vmem>> -> memref<1280x32xi32, #tpu.memory_space<vmem>>
          %gather3A_802 = tpu.vector_load_idx %gather3A_801[%add3A_797, %and3A_717] : memref<1280x32xi32, #tpu.memory_space<vmem>>[vector<16xi32>, vector<16xi32>], vector<16xi32>,
          %bitcast3A_803 = vector.bitcast %gather3A_802 : vector<16xi32> to vector<32xbf16>
          %unpack3A_804 = tpu.unpack_subelements %bitcast3A_803, 0 {pack_format = #tpu.pack_format<interleaved>} : vector<32xbf16> -> vector<16xf32>
          %unpack3A_805 = tpu.unpack_subelements %bitcast3A_803, 1 {pack_format = #tpu.pack_format<interleaved>} : vector<32xbf16> -> vector<16xf32>
          %mul3A_806 = arith.mulf %unpack3A_804, %unpack3A : vector<16xf32>
          %add3A_807 = arith.addf %scan3A_694, %mul3A_806 : vector<16xf32>
          %mul3A_808 = arith.mulf %unpack3A_805, %unpack3A_722 : vector<16xf32>
          %add3A_809 = arith.addf %add3A_807, %mul3A_808 : vector<16xf32>
          %add3A_810 = arith.constant 5 : i32
          %add3A_811 = vector.broadcast %add3A_810 : i32 to vector<16xi32>
          %add3A_812 = arith.addi %mul3A_512, %add3A_811 : vector<16xi32>
          %gather3A_813 = arith.constant 0 : i32
          %gather3A_814 = arith.constant 0 : i32
          %gather3A_815 = tpu.memref_slice %arg16[%scan3A_499, %gather3A_813, %gather3A_814] : memref<2x1280x32xi32, #tpu.memory_space<vmem>> -> memref<1x1280x32xi32, #tpu.memory_space<vmem>>
          %gather3A_816 = tpu.memref_squeeze %gather3A_815 : memref<1x1280x32xi32, #tpu.memory_space<vmem>> -> memref<1280x32xi32, #tpu.memory_space<vmem>>
          %gather3A_817 = tpu.vector_load_idx %gather3A_816[%add3A_812, %and3A_717] : memref<1280x32xi32, #tpu.memory_space<vmem>>[vector<16xi32>, vector<16xi32>], vector<16xi32>,
          %bitcast3A_818 = vector.bitcast %gather3A_817 : vector<16xi32> to vector<32xbf16>
          %unpack3A_819 = tpu.unpack_subelements %bitcast3A_818, 0 {pack_format = #tpu.pack_format<interleaved>} : vector<32xbf16> -> vector<16xf32>
          %unpack3A_820 = tpu.unpack_subelements %bitcast3A_818, 1 {pack_format = #tpu.pack_format<interleaved>} : vector<32xbf16> -> vector<16xf32>
          %mul3A_821 = arith.mulf %unpack3A_819, %unpack3A : vector<16xf32>
          %add3A_822 = arith.addf %scan3A_695, %mul3A_821 : vector<16xf32>
          %mul3A_823 = arith.mulf %unpack3A_820, %unpack3A_722 : vector<16xf32>
          %add3A_824 = arith.addf %add3A_822, %mul3A_823 : vector<16xf32>
          %add3A_825 = arith.constant 6 : i32
          %add3A_826 = vector.broadcast %add3A_825 : i32 to vector<16xi32>
          %add3A_827 = arith.addi %mul3A_512, %add3A_826 : vector<16xi32>
          %gather3A_828 = arith.constant 0 : i32
          %gather3A_829 = arith.constant 0 : i32
          %gather3A_830 = tpu.memref_slice %arg16[%scan3A_499, %gather3A_828, %gather3A_829] : memref<2x1280x32xi32, #tpu.memory_space<vmem>> -> memref<1x1280x32xi32, #tpu.memory_space<vmem>>
          %gather3A_831 = tpu.memref_squeeze %gather3A_830 : memref<1x1280x32xi32, #tpu.memory_space<vmem>> -> memref<1280x32xi32, #tpu.memory_space<vmem>>
          %gather3A_832 = tpu.vector_load_idx %gather3A_831[%add3A_827, %and3A_717] : memref<1280x32xi32, #tpu.memory_space<vmem>>[vector<16xi32>, vector<16xi32>], vector<16xi32>,
          %bitcast3A_833 = vector.bitcast %gather3A_832 : vector<16xi32> to vector<32xbf16>
          %unpack3A_834 = tpu.unpack_subelements %bitcast3A_833, 0 {pack_format = #tpu.pack_format<interleaved>} : vector<32xbf16> -> vector<16xf32>
          %unpack3A_835 = tpu.unpack_subelements %bitcast3A_833, 1 {pack_format = #tpu.pack_format<interleaved>} : vector<32xbf16> -> vector<16xf32>
          %mul3A_836 = arith.mulf %unpack3A_834, %unpack3A : vector<16xf32>
          %add3A_837 = arith.addf %scan3A_696, %mul3A_836 : vector<16xf32>
          %mul3A_838 = arith.mulf %unpack3A_835, %unpack3A_722 : vector<16xf32>
          %add3A_839 = arith.addf %add3A_837, %mul3A_838 : vector<16xf32>
          %add3A_840 = arith.constant 7 : i32
          %add3A_841 = vector.broadcast %add3A_840 : i32 to vector<16xi32>
          %add3A_842 = arith.addi %mul3A_512, %add3A_841 : vector<16xi32>
          %gather3A_843 = arith.constant 0 : i32
          %gather3A_844 = arith.constant 0 : i32
          %gather3A_845 = tpu.memref_slice %arg16[%scan3A_499, %gather3A_843, %gather3A_844] : memref<2x1280x32xi32, #tpu.memory_space<vmem>> -> memref<1x1280x32xi32, #tpu.memory_space<vmem>>
          %gather3A_846 = tpu.memref_squeeze %gather3A_845 : memref<1x1280x32xi32, #tpu.memory_space<vmem>> -> memref<1280x32xi32, #tpu.memory_space<vmem>>
          %gather3A_847 = tpu.vector_load_idx %gather3A_846[%add3A_842, %and3A_717] : memref<1280x32xi32, #tpu.memory_space<vmem>>[vector<16xi32>, vector<16xi32>], vector<16xi32>,
          %bitcast3A_848 = vector.bitcast %gather3A_847 : vector<16xi32> to vector<32xbf16>
          %unpack3A_849 = tpu.unpack_subelements %bitcast3A_848, 0 {pack_format = #tpu.pack_format<interleaved>} : vector<32xbf16> -> vector<16xf32>
          %unpack3A_850 = tpu.unpack_subelements %bitcast3A_848, 1 {pack_format = #tpu.pack_format<interleaved>} : vector<32xbf16> -> vector<16xf32>
          %mul3A_851 = arith.mulf %unpack3A_849, %unpack3A : vector<16xf32>
          %add3A_852 = arith.addf %scan3A_697, %mul3A_851 : vector<16xf32>
          %mul3A_853 = arith.mulf %unpack3A_850, %unpack3A_722 : vector<16xf32>
          %add3A_854 = arith.addf %add3A_852, %mul3A_853 : vector<16xf32>
          %add3A_855 = arith.constant 8 : i32
          %add3A_856 = vector.broadcast %add3A_855 : i32 to vector<16xi32>
          %add3A_857 = arith.addi %mul3A_512, %add3A_856 : vector<16xi32>
          %gather3A_858 = arith.constant 0 : i32
          %gather3A_859 = arith.constant 0 : i32
          %gather3A_860 = tpu.memref_slice %arg16[%scan3A_499, %gather3A_858, %gather3A_859] : memref<2x1280x32xi32, #tpu.memory_space<vmem>> -> memref<1x1280x32xi32, #tpu.memory_space<vmem>>
          %gather3A_861 = tpu.memref_squeeze %gather3A_860 : memref<1x1280x32xi32, #tpu.memory_space<vmem>> -> memref<1280x32xi32, #tpu.memory_space<vmem>>
          %gather3A_862 = tpu.vector_load_idx %gather3A_861[%add3A_857, %and3A_717] : memref<1280x32xi32, #tpu.memory_space<vmem>>[vector<16xi32>, vector<16xi32>], vector<16xi32>,
          %bitcast3A_863 = vector.bitcast %gather3A_862 : vector<16xi32> to vector<32xbf16>
          %unpack3A_864 = tpu.unpack_subelements %bitcast3A_863, 0 {pack_format = #tpu.pack_format<interleaved>} : vector<32xbf16> -> vector<16xf32>
          %unpack3A_865 = tpu.unpack_subelements %bitcast3A_863, 1 {pack_format = #tpu.pack_format<interleaved>} : vector<32xbf16> -> vector<16xf32>
          %mul3A_866 = arith.mulf %unpack3A_864, %unpack3A : vector<16xf32>
          %add3A_867 = arith.addf %scan3A_698, %mul3A_866 : vector<16xf32>
          %mul3A_868 = arith.mulf %unpack3A_865, %unpack3A_722 : vector<16xf32>
          %add3A_869 = arith.addf %add3A_867, %mul3A_868 : vector<16xf32>
          %add3A_870 = arith.constant 9 : i32
          %add3A_871 = vector.broadcast %add3A_870 : i32 to vector<16xi32>
          %add3A_872 = arith.addi %mul3A_512, %add3A_871 : vector<16xi32>
          %gather3A_873 = arith.constant 0 : i32
          %gather3A_874 = arith.constant 0 : i32
          %gather3A_875 = tpu.memref_slice %arg16[%scan3A_499, %gather3A_873, %gather3A_874] : memref<2x1280x32xi32, #tpu.memory_space<vmem>> -> memref<1x1280x32xi32, #tpu.memory_space<vmem>>
          %gather3A_876 = tpu.memref_squeeze %gather3A_875 : memref<1x1280x32xi32, #tpu.memory_space<vmem>> -> memref<1280x32xi32, #tpu.memory_space<vmem>>
          %gather3A_877 = tpu.vector_load_idx %gather3A_876[%add3A_872, %and3A_717] : memref<1280x32xi32, #tpu.memory_space<vmem>>[vector<16xi32>, vector<16xi32>], vector<16xi32>,
          %bitcast3A_878 = vector.bitcast %gather3A_877 : vector<16xi32> to vector<32xbf16>
          %unpack3A_879 = tpu.unpack_subelements %bitcast3A_878, 0 {pack_format = #tpu.pack_format<interleaved>} : vector<32xbf16> -> vector<16xf32>
          %unpack3A_880 = tpu.unpack_subelements %bitcast3A_878, 1 {pack_format = #tpu.pack_format<interleaved>} : vector<32xbf16> -> vector<16xf32>
          %mul3A_881 = arith.mulf %unpack3A_879, %unpack3A : vector<16xf32>
          %add3A_882 = arith.addf %scan3A_699, %mul3A_881 : vector<16xf32>
          %mul3A_883 = arith.mulf %unpack3A_880, %unpack3A_722 : vector<16xf32>
          %add3A_884 = arith.addf %add3A_882, %mul3A_883 : vector<16xf32>
          %add3A_885 = arith.constant 10 : i32
          %add3A_886 = vector.broadcast %add3A_885 : i32 to vector<16xi32>
          %add3A_887 = arith.addi %mul3A_512, %add3A_886 : vector<16xi32>
          %gather3A_888 = arith.constant 0 : i32
          %gather3A_889 = arith.constant 0 : i32
          %gather3A_890 = tpu.memref_slice %arg16[%scan3A_499, %gather3A_888, %gather3A_889] : memref<2x1280x32xi32, #tpu.memory_space<vmem>> -> memref<1x1280x32xi32, #tpu.memory_space<vmem>>
          %gather3A_891 = tpu.memref_squeeze %gather3A_890 : memref<1x1280x32xi32, #tpu.memory_space<vmem>> -> memref<1280x32xi32, #tpu.memory_space<vmem>>
          %gather3A_892 = tpu.vector_load_idx %gather3A_891[%add3A_887, %and3A_717] : memref<1280x32xi32, #tpu.memory_space<vmem>>[vector<16xi32>, vector<16xi32>], vector<16xi32>,
          %bitcast3A_893 = vector.bitcast %gather3A_892 : vector<16xi32> to vector<32xbf16>
          %unpack3A_894 = tpu.unpack_subelements %bitcast3A_893, 0 {pack_format = #tpu.pack_format<interleaved>} : vector<32xbf16> -> vector<16xf32>
          %unpack3A_895 = tpu.unpack_subelements %bitcast3A_893, 1 {pack_format = #tpu.pack_format<interleaved>} : vector<32xbf16> -> vector<16xf32>
          %mul3A_896 = arith.mulf %unpack3A_894, %unpack3A : vector<16xf32>
          %add3A_897 = arith.addf %scan3A_700, %mul3A_896 : vector<16xf32>
          %mul3A_898 = arith.mulf %unpack3A_895, %unpack3A_722 : vector<16xf32>
          %add3A_899 = arith.addf %add3A_897, %mul3A_898 : vector<16xf32>
          %add3A_900 = arith.constant 11 : i32
          %add3A_901 = vector.broadcast %add3A_900 : i32 to vector<16xi32>
          %add3A_902 = arith.addi %mul3A_512, %add3A_901 : vector<16xi32>
          %gather3A_903 = arith.constant 0 : i32
          %gather3A_904 = arith.constant 0 : i32
          %gather3A_905 = tpu.memref_slice %arg16[%scan3A_499, %gather3A_903, %gather3A_904] : memref<2x1280x32xi32, #tpu.memory_space<vmem>> -> memref<1x1280x32xi32, #tpu.memory_space<vmem>>
          %gather3A_906 = tpu.memref_squeeze %gather3A_905 : memref<1x1280x32xi32, #tpu.memory_space<vmem>> -> memref<1280x32xi32, #tpu.memory_space<vmem>>
          %gather3A_907 = tpu.vector_load_idx %gather3A_906[%add3A_902, %and3A_717] : memref<1280x32xi32, #tpu.memory_space<vmem>>[vector<16xi32>, vector<16xi32>], vector<16xi32>,
          %bitcast3A_908 = vector.bitcast %gather3A_907 : vector<16xi32> to vector<32xbf16>
          %unpack3A_909 = tpu.unpack_subelements %bitcast3A_908, 0 {pack_format = #tpu.pack_format<interleaved>} : vector<32xbf16> -> vector<16xf32>
          %unpack3A_910 = tpu.unpack_subelements %bitcast3A_908, 1 {pack_format = #tpu.pack_format<interleaved>} : vector<32xbf16> -> vector<16xf32>
          %mul3A_911 = arith.mulf %unpack3A_909, %unpack3A : vector<16xf32>
          %add3A_912 = arith.addf %scan3A_701, %mul3A_911 : vector<16xf32>
          %mul3A_913 = arith.mulf %unpack3A_910, %unpack3A_722 : vector<16xf32>
          %add3A_914 = arith.addf %add3A_912, %mul3A_913 : vector<16xf32>
          %add3A_915 = arith.constant 12 : i32
          %add3A_916 = vector.broadcast %add3A_915 : i32 to vector<16xi32>
          %add3A_917 = arith.addi %mul3A_512, %add3A_916 : vector<16xi32>
          %gather3A_918 = arith.constant 0 : i32
          %gather3A_919 = arith.constant 0 : i32
          %gather3A_920 = tpu.memref_slice %arg16[%scan3A_499, %gather3A_918, %gather3A_919] : memref<2x1280x32xi32, #tpu.memory_space<vmem>> -> memref<1x1280x32xi32, #tpu.memory_space<vmem>>
          %gather3A_921 = tpu.memref_squeeze %gather3A_920 : memref<1x1280x32xi32, #tpu.memory_space<vmem>> -> memref<1280x32xi32, #tpu.memory_space<vmem>>
          %gather3A_922 = tpu.vector_load_idx %gather3A_921[%add3A_917, %and3A_717] : memref<1280x32xi32, #tpu.memory_space<vmem>>[vector<16xi32>, vector<16xi32>], vector<16xi32>,
          %bitcast3A_923 = vector.bitcast %gather3A_922 : vector<16xi32> to vector<32xbf16>
          %unpack3A_924 = tpu.unpack_subelements %bitcast3A_923, 0 {pack_format = #tpu.pack_format<interleaved>} : vector<32xbf16> -> vector<16xf32>
          %unpack3A_925 = tpu.unpack_subelements %bitcast3A_923, 1 {pack_format = #tpu.pack_format<interleaved>} : vector<32xbf16> -> vector<16xf32>
          %mul3A_926 = arith.mulf %unpack3A_924, %unpack3A : vector<16xf32>
          %add3A_927 = arith.addf %scan3A_702, %mul3A_926 : vector<16xf32>
          %mul3A_928 = arith.mulf %unpack3A_925, %unpack3A_722 : vector<16xf32>
          %add3A_929 = arith.addf %add3A_927, %mul3A_928 : vector<16xf32>
          %add3A_930 = arith.constant 13 : i32
          %add3A_931 = vector.broadcast %add3A_930 : i32 to vector<16xi32>
          %add3A_932 = arith.addi %mul3A_512, %add3A_931 : vector<16xi32>
          %gather3A_933 = arith.constant 0 : i32
          %gather3A_934 = arith.constant 0 : i32
          %gather3A_935 = tpu.memref_slice %arg16[%scan3A_499, %gather3A_933, %gather3A_934] : memref<2x1280x32xi32, #tpu.memory_space<vmem>> -> memref<1x1280x32xi32, #tpu.memory_space<vmem>>
          %gather3A_936 = tpu.memref_squeeze %gather3A_935 : memref<1x1280x32xi32, #tpu.memory_space<vmem>> -> memref<1280x32xi32, #tpu.memory_space<vmem>>
          %gather3A_937 = tpu.vector_load_idx %gather3A_936[%add3A_932, %and3A_717] : memref<1280x32xi32, #tpu.memory_space<vmem>>[vector<16xi32>, vector<16xi32>], vector<16xi32>,
          %bitcast3A_938 = vector.bitcast %gather3A_937 : vector<16xi32> to vector<32xbf16>
          %unpack3A_939 = tpu.unpack_subelements %bitcast3A_938, 0 {pack_format = #tpu.pack_format<interleaved>} : vector<32xbf16> -> vector<16xf32>
          %unpack3A_940 = tpu.unpack_subelements %bitcast3A_938, 1 {pack_format = #tpu.pack_format<interleaved>} : vector<32xbf16> -> vector<16xf32>
          %mul3A_941 = arith.mulf %unpack3A_939, %unpack3A : vector<16xf32>
          %add3A_942 = arith.addf %scan3A_703, %mul3A_941 : vector<16xf32>
          %mul3A_943 = arith.mulf %unpack3A_940, %unpack3A_722 : vector<16xf32>
          %add3A_944 = arith.addf %add3A_942, %mul3A_943 : vector<16xf32>
          %add3A_945 = arith.constant 14 : i32
          %add3A_946 = vector.broadcast %add3A_945 : i32 to vector<16xi32>
          %add3A_947 = arith.addi %mul3A_512, %add3A_946 : vector<16xi32>
          %gather3A_948 = arith.constant 0 : i32
          %gather3A_949 = arith.constant 0 : i32
          %gather3A_950 = tpu.memref_slice %arg16[%scan3A_499, %gather3A_948, %gather3A_949] : memref<2x1280x32xi32, #tpu.memory_space<vmem>> -> memref<1x1280x32xi32, #tpu.memory_space<vmem>>
          %gather3A_951 = tpu.memref_squeeze %gather3A_950 : memref<1x1280x32xi32, #tpu.memory_space<vmem>> -> memref<1280x32xi32, #tpu.memory_space<vmem>>
          %gather3A_952 = tpu.vector_load_idx %gather3A_951[%add3A_947, %and3A_717] : memref<1280x32xi32, #tpu.memory_space<vmem>>[vector<16xi32>, vector<16xi32>], vector<16xi32>,
          %bitcast3A_953 = vector.bitcast %gather3A_952 : vector<16xi32> to vector<32xbf16>
          %unpack3A_954 = tpu.unpack_subelements %bitcast3A_953, 0 {pack_format = #tpu.pack_format<interleaved>} : vector<32xbf16> -> vector<16xf32>
          %unpack3A_955 = tpu.unpack_subelements %bitcast3A_953, 1 {pack_format = #tpu.pack_format<interleaved>} : vector<32xbf16> -> vector<16xf32>
          %mul3A_956 = arith.mulf %unpack3A_954, %unpack3A : vector<16xf32>
          %add3A_957 = arith.addf %scan3A_704, %mul3A_956 : vector<16xf32>
          %mul3A_958 = arith.mulf %unpack3A_955, %unpack3A_722 : vector<16xf32>
          %add3A_959 = arith.addf %add3A_957, %mul3A_958 : vector<16xf32>
          %add3A_960 = arith.constant 15 : i32
          %add3A_961 = vector.broadcast %add3A_960 : i32 to vector<16xi32>
          %add3A_962 = arith.addi %mul3A_512, %add3A_961 : vector<16xi32>
          %gather3A_963 = arith.constant 0 : i32
          %gather3A_964 = arith.constant 0 : i32
          %gather3A_965 = tpu.memref_slice %arg16[%scan3A_499, %gather3A_963, %gather3A_964] : memref<2x1280x32xi32, #tpu.memory_space<vmem>> -> memref<1x1280x32xi32, #tpu.memory_space<vmem>>
          %gather3A_966 = tpu.memref_squeeze %gather3A_965 : memref<1x1280x32xi32, #tpu.memory_space<vmem>> -> memref<1280x32xi32, #tpu.memory_space<vmem>>
          %gather3A_967 = tpu.vector_load_idx %gather3A_966[%add3A_962, %and3A_717] : memref<1280x32xi32, #tpu.memory_space<vmem>>[vector<16xi32>, vector<16xi32>], vector<16xi32>,
          %bitcast3A_968 = vector.bitcast %gather3A_967 : vector<16xi32> to vector<32xbf16>
          %unpack3A_969 = tpu.unpack_subelements %bitcast3A_968, 0 {pack_format = #tpu.pack_format<interleaved>} : vector<32xbf16> -> vector<16xf32>
          %unpack3A_970 = tpu.unpack_subelements %bitcast3A_968, 1 {pack_format = #tpu.pack_format<interleaved>} : vector<32xbf16> -> vector<16xf32>
          %mul3A_971 = arith.mulf %unpack3A_969, %unpack3A : vector<16xf32>
          %add3A_972 = arith.addf %scan3A_705, %mul3A_971 : vector<16xf32>
          %mul3A_973 = arith.mulf %unpack3A_970, %unpack3A_722 : vector<16xf32>
          %add3A_974 = arith.addf %add3A_972, %mul3A_973 : vector<16xf32>
          %add3A_975 = arith.constant 16 : i32
          %add3A_976 = vector.broadcast %add3A_975 : i32 to vector<16xi32>
          %add3A_977 = arith.addi %mul3A_512, %add3A_976 : vector<16xi32>
          %gather3A_978 = arith.constant 0 : i32
          %gather3A_979 = arith.constant 0 : i32
          %gather3A_980 = tpu.memref_slice %arg16[%scan3A_499, %gather3A_978, %gather3A_979] : memref<2x1280x32xi32, #tpu.memory_space<vmem>> -> memref<1x1280x32xi32, #tpu.memory_space<vmem>>
          %gather3A_981 = tpu.memref_squeeze %gather3A_980 : memref<1x1280x32xi32, #tpu.memory_space<vmem>> -> memref<1280x32xi32, #tpu.memory_space<vmem>>
          %gather3A_982 = tpu.vector_load_idx %gather3A_981[%add3A_977, %and3A_717] : memref<1280x32xi32, #tpu.memory_space<vmem>>[vector<16xi32>, vector<16xi32>], vector<16xi32>,
          %bitcast3A_983 = vector.bitcast %gather3A_982 : vector<16xi32> to vector<32xbf16>
          %unpack3A_984 = tpu.unpack_subelements %bitcast3A_983, 0 {pack_format = #tpu.pack_format<interleaved>} : vector<32xbf16> -> vector<16xf32>
          %unpack3A_985 = tpu.unpack_subelements %bitcast3A_983, 1 {pack_format = #tpu.pack_format<interleaved>} : vector<32xbf16> -> vector<16xf32>
          %mul3A_986 = arith.mulf %unpack3A_984, %unpack3A : vector<16xf32>
          %add3A_987 = arith.addf %scan3A_706, %mul3A_986 : vector<16xf32>
          %mul3A_988 = arith.mulf %unpack3A_985, %unpack3A_722 : vector<16xf32>
          %add3A_989 = arith.addf %add3A_987, %mul3A_988 : vector<16xf32>
          %add3A_990 = arith.constant 17 : i32
          %add3A_991 = vector.broadcast %add3A_990 : i32 to vector<16xi32>
          %add3A_992 = arith.addi %mul3A_512, %add3A_991 : vector<16xi32>
          %gather3A_993 = arith.constant 0 : i32
          %gather3A_994 = arith.constant 0 : i32
          %gather3A_995 = tpu.memref_slice %arg16[%scan3A_499, %gather3A_993, %gather3A_994] : memref<2x1280x32xi32, #tpu.memory_space<vmem>> -> memref<1x1280x32xi32, #tpu.memory_space<vmem>>
          %gather3A_996 = tpu.memref_squeeze %gather3A_995 : memref<1x1280x32xi32, #tpu.memory_space<vmem>> -> memref<1280x32xi32, #tpu.memory_space<vmem>>
          %gather3A_997 = tpu.vector_load_idx %gather3A_996[%add3A_992, %and3A_717] : memref<1280x32xi32, #tpu.memory_space<vmem>>[vector<16xi32>, vector<16xi32>], vector<16xi32>,
          %bitcast3A_998 = vector.bitcast %gather3A_997 : vector<16xi32> to vector<32xbf16>
          %unpack3A_999 = tpu.unpack_subelements %bitcast3A_998, 0 {pack_format = #tpu.pack_format<interleaved>} : vector<32xbf16> -> vector<16xf32>
          %unpack3A_1000 = tpu.unpack_subelements %bitcast3A_998, 1 {pack_format = #tpu.pack_format<interleaved>} : vector<32xbf16> -> vector<16xf32>
          %mul3A_1001 = arith.mulf %unpack3A_999, %unpack3A : vector<16xf32>
          %add3A_1002 = arith.addf %scan3A_707, %mul3A_1001 : vector<16xf32>
          %mul3A_1003 = arith.mulf %unpack3A_1000, %unpack3A_722 : vector<16xf32>
          %add3A_1004 = arith.addf %add3A_1002, %mul3A_1003 : vector<16xf32>
          %add3A_1005 = arith.constant 18 : i32
          %add3A_1006 = vector.broadcast %add3A_1005 : i32 to vector<16xi32>
          %add3A_1007 = arith.addi %mul3A_512, %add3A_1006 : vector<16xi32>
          %gather3A_1008 = arith.constant 0 : i32
          %gather3A_1009 = arith.constant 0 : i32
          %gather3A_1010 = tpu.memref_slice %arg16[%scan3A_499, %gather3A_1008, %gather3A_1009] : memref<2x1280x32xi32, #tpu.memory_space<vmem>> -> memref<1x1280x32xi32, #tpu.memory_space<vmem>>
          %gather3A_1011 = tpu.memref_squeeze %gather3A_1010 : memref<1x1280x32xi32, #tpu.memory_space<vmem>> -> memref<1280x32xi32, #tpu.memory_space<vmem>>
          %gather3A_1012 = tpu.vector_load_idx %gather3A_1011[%add3A_1007, %and3A_717] : memref<1280x32xi32, #tpu.memory_space<vmem>>[vector<16xi32>, vector<16xi32>], vector<16xi32>,
          %bitcast3A_1013 = vector.bitcast %gather3A_1012 : vector<16xi32> to vector<32xbf16>
          %unpack3A_1014 = tpu.unpack_subelements %bitcast3A_1013, 0 {pack_format = #tpu.pack_format<interleaved>} : vector<32xbf16> -> vector<16xf32>
          %unpack3A_1015 = tpu.unpack_subelements %bitcast3A_1013, 1 {pack_format = #tpu.pack_format<interleaved>} : vector<32xbf16> -> vector<16xf32>
          %mul3A_1016 = arith.mulf %unpack3A_1014, %unpack3A : vector<16xf32>
          %add3A_1017 = arith.addf %scan3A_708, %mul3A_1016 : vector<16xf32>
          %mul3A_1018 = arith.mulf %unpack3A_1015, %unpack3A_722 : vector<16xf32>
          %add3A_1019 = arith.addf %add3A_1017, %mul3A_1018 : vector<16xf32>
          %add3A_1020 = arith.constant 19 : i32
          %add3A_1021 = vector.broadcast %add3A_1020 : i32 to vector<16xi32>
          %add3A_1022 = arith.addi %mul3A_512, %add3A_1021 : vector<16xi32>
          %gather3A_1023 = arith.constant 0 : i32
          %gather3A_1024 = arith.constant 0 : i32
          %gather3A_1025 = tpu.memref_slice %arg16[%scan3A_499, %gather3A_1023, %gather3A_1024] : memref<2x1280x32xi32, #tpu.memory_space<vmem>> -> memref<1x1280x32xi32, #tpu.memory_space<vmem>>
          %gather3A_1026 = tpu.memref_squeeze %gather3A_1025 : memref<1x1280x32xi32, #tpu.memory_space<vmem>> -> memref<1280x32xi32, #tpu.memory_space<vmem>>
          %gather3A_1027 = tpu.vector_load_idx %gather3A_1026[%add3A_1022, %and3A_717] : memref<1280x32xi32, #tpu.memory_space<vmem>>[vector<16xi32>, vector<16xi32>], vector<16xi32>,
          %bitcast3A_1028 = vector.bitcast %gather3A_1027 : vector<16xi32> to vector<32xbf16>
          %unpack3A_1029 = tpu.unpack_subelements %bitcast3A_1028, 0 {pack_format = #tpu.pack_format<interleaved>} : vector<32xbf16> -> vector<16xf32>
          %unpack3A_1030 = tpu.unpack_subelements %bitcast3A_1028, 1 {pack_format = #tpu.pack_format<interleaved>} : vector<32xbf16> -> vector<16xf32>
          %mul3A_1031 = arith.mulf %unpack3A_1029, %unpack3A : vector<16xf32>
          %add3A_1032 = arith.addf %scan3A_709, %mul3A_1031 : vector<16xf32>
          %mul3A_1033 = arith.mulf %unpack3A_1030, %unpack3A_722 : vector<16xf32>
          %add3A_1034 = arith.addf %add3A_1032, %mul3A_1033 : vector<16xf32>
          %mul3A_1035 = arith.constant 4 : i32
          %mul3A_1036 = arith.muli %scan3A_688, %mul3A_1035 : i32
          %add3A_1037 = arith.constant 1 : i32
          %add3A_1038 = arith.addi %mul3A_1036, %add3A_1037 : i32
          %add3A_1039 = vector.broadcast %add3A_1038 : i32 to vector<16xi32>
          %add3A_1040 = arith.addi %iota3A, %add3A_1039 : vector<16xi32>
          %and3A_1041 = arith.constant 31 : i32
          %and3A_1042 = vector.broadcast %and3A_1041 : i32 to vector<16xi32>
          %and3A_1043 = arith.andi %add3A_1040, %and3A_1042 : vector<16xi32>
          %gather3A_1044 = arith.constant 0 : i32
          %gather3A_1045 = arith.constant 0 : i32
          %gather3A_1046 = tpu.memref_slice %arg14[%scan3A_497, %gather3A_1044, %gather3A_1045] : memref<2x64x32xi32, #tpu.memory_space<vmem>> -> memref<1x64x32xi32, #tpu.memory_space<vmem>>
          %gather3A_1047 = tpu.memref_squeeze %gather3A_1046 : memref<1x64x32xi32, #tpu.memory_space<vmem>> -> memref<64x32xi32, #tpu.memory_space<vmem>>
          %gather3A_1048 = tpu.vector_load_idx %gather3A_1047[%add3A_509, %and3A_1043] : memref<64x32xi32, #tpu.memory_space<vmem>>[vector<16xi32>, vector<16xi32>], vector<16xi32>,
          %bitcast3A_1049 = vector.bitcast %gather3A_1048 : vector<16xi32> to vector<32xbf16>
          %unpack3A_1050 = tpu.unpack_subelements %bitcast3A_1049, 0 {pack_format = #tpu.pack_format<interleaved>} : vector<32xbf16> -> vector<16xf32>
          %unpack3A_1051 = tpu.unpack_subelements %bitcast3A_1049, 1 {pack_format = #tpu.pack_format<interleaved>} : vector<32xbf16> -> vector<16xf32>
          %gather3A_1052 = arith.constant 0 : i32
          %gather3A_1053 = arith.constant 0 : i32
          %gather3A_1054 = tpu.memref_slice %arg15[%scan3A_498, %gather3A_1052, %gather3A_1053] : memref<2x64x32xi32, #tpu.memory_space<vmem>> -> memref<1x64x32xi32, #tpu.memory_space<vmem>>
          %gather3A_1055 = tpu.memref_squeeze %gather3A_1054 : memref<1x64x32xi32, #tpu.memory_space<vmem>> -> memref<64x32xi32, #tpu.memory_space<vmem>>
          %gather3A_1056 = tpu.vector_load_idx %gather3A_1055[%add3A_509, %and3A_1043] : memref<64x32xi32, #tpu.memory_space<vmem>>[vector<16xi32>, vector<16xi32>], vector<16xi32>,
          %bitcast3A_1057 = vector.bitcast %gather3A_1056 : vector<16xi32> to vector<32xbf16>
          %unpack3A_1058 = tpu.unpack_subelements %bitcast3A_1057, 0 {pack_format = #tpu.pack_format<interleaved>} : vector<32xbf16> -> vector<16xf32>
          %unpack3A_1059 = tpu.unpack_subelements %bitcast3A_1057, 1 {pack_format = #tpu.pack_format<interleaved>} : vector<32xbf16> -> vector<16xf32>
          %mul3A_1060 = arith.mulf %unpack3A_1050, %unpack3A_1058 : vector<16xf32>
          %add3A_1061 = arith.addf %add3A_734, %mul3A_1060 : vector<16xf32>
          %mul3A_1062 = arith.mulf %unpack3A_1051, %unpack3A_1059 : vector<16xf32>
          %add3A_1063 = arith.addf %add3A_1061, %mul3A_1062 : vector<16xf32>
          %add3A_1064 = arith.constant 0 : i32
          %add3A_1065 = vector.broadcast %add3A_1064 : i32 to vector<16xi32>
          %add3A_1066 = arith.addi %mul3A_512, %add3A_1065 : vector<16xi32>
          %gather3A_1067 = arith.constant 0 : i32
          %gather3A_1068 = arith.constant 0 : i32
          %gather3A_1069 = tpu.memref_slice %arg16[%scan3A_499, %gather3A_1067, %gather3A_1068] : memref<2x1280x32xi32, #tpu.memory_space<vmem>> -> memref<1x1280x32xi32, #tpu.memory_space<vmem>>
          %gather3A_1070 = tpu.memref_squeeze %gather3A_1069 : memref<1x1280x32xi32, #tpu.memory_space<vmem>> -> memref<1280x32xi32, #tpu.memory_space<vmem>>
          %gather3A_1071 = tpu.vector_load_idx %gather3A_1070[%add3A_1066, %and3A_1043] : memref<1280x32xi32, #tpu.memory_space<vmem>>[vector<16xi32>, vector<16xi32>], vector<16xi32>,
          %bitcast3A_1072 = vector.bitcast %gather3A_1071 : vector<16xi32> to vector<32xbf16>
          %unpack3A_1073 = tpu.unpack_subelements %bitcast3A_1072, 0 {pack_format = #tpu.pack_format<interleaved>} : vector<32xbf16> -> vector<16xf32>
          %unpack3A_1074 = tpu.unpack_subelements %bitcast3A_1072, 1 {pack_format = #tpu.pack_format<interleaved>} : vector<32xbf16> -> vector<16xf32>
          %mul3A_1075 = arith.mulf %unpack3A_1073, %unpack3A_1050 : vector<16xf32>
          %add3A_1076 = arith.addf %add3A_749, %mul3A_1075 : vector<16xf32>
          %mul3A_1077 = arith.mulf %unpack3A_1074, %unpack3A_1051 : vector<16xf32>
          %add3A_1078 = arith.addf %add3A_1076, %mul3A_1077 : vector<16xf32>
          %add3A_1079 = arith.constant 1 : i32
          %add3A_1080 = vector.broadcast %add3A_1079 : i32 to vector<16xi32>
          %add3A_1081 = arith.addi %mul3A_512, %add3A_1080 : vector<16xi32>
          %gather3A_1082 = arith.constant 0 : i32
          %gather3A_1083 = arith.constant 0 : i32
          %gather3A_1084 = tpu.memref_slice %arg16[%scan3A_499, %gather3A_1082, %gather3A_1083] : memref<2x1280x32xi32, #tpu.memory_space<vmem>> -> memref<1x1280x32xi32, #tpu.memory_space<vmem>>
          %gather3A_1085 = tpu.memref_squeeze %gather3A_1084 : memref<1x1280x32xi32, #tpu.memory_space<vmem>> -> memref<1280x32xi32, #tpu.memory_space<vmem>>
          %gather3A_1086 = tpu.vector_load_idx %gather3A_1085[%add3A_1081, %and3A_1043] : memref<1280x32xi32, #tpu.memory_space<vmem>>[vector<16xi32>, vector<16xi32>], vector<16xi32>,
          %bitcast3A_1087 = vector.bitcast %gather3A_1086 : vector<16xi32> to vector<32xbf16>
          %unpack3A_1088 = tpu.unpack_subelements %bitcast3A_1087, 0 {pack_format = #tpu.pack_format<interleaved>} : vector<32xbf16> -> vector<16xf32>
          %unpack3A_1089 = tpu.unpack_subelements %bitcast3A_1087, 1 {pack_format = #tpu.pack_format<interleaved>} : vector<32xbf16> -> vector<16xf32>
          %mul3A_1090 = arith.mulf %unpack3A_1088, %unpack3A_1050 : vector<16xf32>
          %add3A_1091 = arith.addf %add3A_764, %mul3A_1090 : vector<16xf32>
          %mul3A_1092 = arith.mulf %unpack3A_1089, %unpack3A_1051 : vector<16xf32>
          %add3A_1093 = arith.addf %add3A_1091, %mul3A_1092 : vector<16xf32>
          %add3A_1094 = arith.constant 2 : i32
          %add3A_1095 = vector.broadcast %add3A_1094 : i32 to vector<16xi32>
          %add3A_1096 = arith.addi %mul3A_512, %add3A_1095 : vector<16xi32>
          %gather3A_1097 = arith.constant 0 : i32
          %gather3A_1098 = arith.constant 0 : i32
          %gather3A_1099 = tpu.memref_slice %arg16[%scan3A_499, %gather3A_1097, %gather3A_1098] : memref<2x1280x32xi32, #tpu.memory_space<vmem>> -> memref<1x1280x32xi32, #tpu.memory_space<vmem>>
          %gather3A_1100 = tpu.memref_squeeze %gather3A_1099 : memref<1x1280x32xi32, #tpu.memory_space<vmem>> -> memref<1280x32xi32, #tpu.memory_space<vmem>>
          %gather3A_1101 = tpu.vector_load_idx %gather3A_1100[%add3A_1096, %and3A_1043] : memref<1280x32xi32, #tpu.memory_space<vmem>>[vector<16xi32>, vector<16xi32>], vector<16xi32>,
          %bitcast3A_1102 = vector.bitcast %gather3A_1101 : vector<16xi32> to vector<32xbf16>
          %unpack3A_1103 = tpu.unpack_subelements %bitcast3A_1102, 0 {pack_format = #tpu.pack_format<interleaved>} : vector<32xbf16> -> vector<16xf32>
          %unpack3A_1104 = tpu.unpack_subelements %bitcast3A_1102, 1 {pack_format = #tpu.pack_format<interleaved>} : vector<32xbf16> -> vector<16xf32>
          %mul3A_1105 = arith.mulf %unpack3A_1103, %unpack3A_1050 : vector<16xf32>
          %add3A_1106 = arith.addf %add3A_779, %mul3A_1105 : vector<16xf32>
          %mul3A_1107 = arith.mulf %unpack3A_1104, %unpack3A_1051 : vector<16xf32>
          %add3A_1108 = arith.addf %add3A_1106, %mul3A_1107 : vector<16xf32>
          %add3A_1109 = arith.constant 3 : i32
          %add3A_1110 = vector.broadcast %add3A_1109 : i32 to vector<16xi32>
          %add3A_1111 = arith.addi %mul3A_512, %add3A_1110 : vector<16xi32>
          %gather3A_1112 = arith.constant 0 : i32
          %gather3A_1113 = arith.constant 0 : i32
          %gather3A_1114 = tpu.memref_slice %arg16[%scan3A_499, %gather3A_1112, %gather3A_1113] : memref<2x1280x32xi32, #tpu.memory_space<vmem>> -> memref<1x1280x32xi32, #tpu.memory_space<vmem>>
          %gather3A_1115 = tpu.memref_squeeze %gather3A_1114 : memref<1x1280x32xi32, #tpu.memory_space<vmem>> -> memref<1280x32xi32, #tpu.memory_space<vmem>>
          %gather3A_1116 = tpu.vector_load_idx %gather3A_1115[%add3A_1111, %and3A_1043] : memref<1280x32xi32, #tpu.memory_space<vmem>>[vector<16xi32>, vector<16xi32>], vector<16xi32>,
          %bitcast3A_1117 = vector.bitcast %gather3A_1116 : vector<16xi32> to vector<32xbf16>
          %unpack3A_1118 = tpu.unpack_subelements %bitcast3A_1117, 0 {pack_format = #tpu.pack_format<interleaved>} : vector<32xbf16> -> vector<16xf32>
          %unpack3A_1119 = tpu.unpack_subelements %bitcast3A_1117, 1 {pack_format = #tpu.pack_format<interleaved>} : vector<32xbf16> -> vector<16xf32>
          %mul3A_1120 = arith.mulf %unpack3A_1118, %unpack3A_1050 : vector<16xf32>
          %add3A_1121 = arith.addf %add3A_794, %mul3A_1120 : vector<16xf32>
          %mul3A_1122 = arith.mulf %unpack3A_1119, %unpack3A_1051 : vector<16xf32>
          %add3A_1123 = arith.addf %add3A_1121, %mul3A_1122 : vector<16xf32>
          %add3A_1124 = arith.constant 4 : i32
          %add3A_1125 = vector.broadcast %add3A_1124 : i32 to vector<16xi32>
          %add3A_1126 = arith.addi %mul3A_512, %add3A_1125 : vector<16xi32>
          %gather3A_1127 = arith.constant 0 : i32
          %gather3A_1128 = arith.constant 0 : i32
          %gather3A_1129 = tpu.memref_slice %arg16[%scan3A_499, %gather3A_1127, %gather3A_1128] : memref<2x1280x32xi32, #tpu.memory_space<vmem>> -> memref<1x1280x32xi32, #tpu.memory_space<vmem>>
          %gather3A_1130 = tpu.memref_squeeze %gather3A_1129 : memref<1x1280x32xi32, #tpu.memory_space<vmem>> -> memref<1280x32xi32, #tpu.memory_space<vmem>>
          %gather3A_1131 = tpu.vector_load_idx %gather3A_1130[%add3A_1126, %and3A_1043] : memref<1280x32xi32, #tpu.memory_space<vmem>>[vector<16xi32>, vector<16xi32>], vector<16xi32>,
          %bitcast3A_1132 = vector.bitcast %gather3A_1131 : vector<16xi32> to vector<32xbf16>
          %unpack3A_1133 = tpu.unpack_subelements %bitcast3A_1132, 0 {pack_format = #tpu.pack_format<interleaved>} : vector<32xbf16> -> vector<16xf32>
          %unpack3A_1134 = tpu.unpack_subelements %bitcast3A_1132, 1 {pack_format = #tpu.pack_format<interleaved>} : vector<32xbf16> -> vector<16xf32>
          %mul3A_1135 = arith.mulf %unpack3A_1133, %unpack3A_1050 : vector<16xf32>
          %add3A_1136 = arith.addf %add3A_809, %mul3A_1135 : vector<16xf32>
          %mul3A_1137 = arith.mulf %unpack3A_1134, %unpack3A_1051 : vector<16xf32>
          %add3A_1138 = arith.addf %add3A_1136, %mul3A_1137 : vector<16xf32>
          %add3A_1139 = arith.constant 5 : i32
          %add3A_1140 = vector.broadcast %add3A_1139 : i32 to vector<16xi32>
          %add3A_1141 = arith.addi %mul3A_512, %add3A_1140 : vector<16xi32>
          %gather3A_1142 = arith.constant 0 : i32
          %gather3A_1143 = arith.constant 0 : i32
          %gather3A_1144 = tpu.memref_slice %arg16[%scan3A_499, %gather3A_1142, %gather3A_1143] : memref<2x1280x32xi32, #tpu.memory_space<vmem>> -> memref<1x1280x32xi32, #tpu.memory_space<vmem>>
          %gather3A_1145 = tpu.memref_squeeze %gather3A_1144 : memref<1x1280x32xi32, #tpu.memory_space<vmem>> -> memref<1280x32xi32, #tpu.memory_space<vmem>>
          %gather3A_1146 = tpu.vector_load_idx %gather3A_1145[%add3A_1141, %and3A_1043] : memref<1280x32xi32, #tpu.memory_space<vmem>>[vector<16xi32>, vector<16xi32>], vector<16xi32>,
          %bitcast3A_1147 = vector.bitcast %gather3A_1146 : vector<16xi32> to vector<32xbf16>
          %unpack3A_1148 = tpu.unpack_subelements %bitcast3A_1147, 0 {pack_format = #tpu.pack_format<interleaved>} : vector<32xbf16> -> vector<16xf32>
          %unpack3A_1149 = tpu.unpack_subelements %bitcast3A_1147, 1 {pack_format = #tpu.pack_format<interleaved>} : vector<32xbf16> -> vector<16xf32>
          %mul3A_1150 = arith.mulf %unpack3A_1148, %unpack3A_1050 : vector<16xf32>
          %add3A_1151 = arith.addf %add3A_824, %mul3A_1150 : vector<16xf32>
          %mul3A_1152 = arith.mulf %unpack3A_1149, %unpack3A_1051 : vector<16xf32>
          %add3A_1153 = arith.addf %add3A_1151, %mul3A_1152 : vector<16xf32>
          %add3A_1154 = arith.constant 6 : i32
          %add3A_1155 = vector.broadcast %add3A_1154 : i32 to vector<16xi32>
          %add3A_1156 = arith.addi %mul3A_512, %add3A_1155 : vector<16xi32>
          %gather3A_1157 = arith.constant 0 : i32
          %gather3A_1158 = arith.constant 0 : i32
          %gather3A_1159 = tpu.memref_slice %arg16[%scan3A_499, %gather3A_1157, %gather3A_1158] : memref<2x1280x32xi32, #tpu.memory_space<vmem>> -> memref<1x1280x32xi32, #tpu.memory_space<vmem>>
          %gather3A_1160 = tpu.memref_squeeze %gather3A_1159 : memref<1x1280x32xi32, #tpu.memory_space<vmem>> -> memref<1280x32xi32, #tpu.memory_space<vmem>>
          %gather3A_1161 = tpu.vector_load_idx %gather3A_1160[%add3A_1156, %and3A_1043] : memref<1280x32xi32, #tpu.memory_space<vmem>>[vector<16xi32>, vector<16xi32>], vector<16xi32>,
          %bitcast3A_1162 = vector.bitcast %gather3A_1161 : vector<16xi32> to vector<32xbf16>
          %unpack3A_1163 = tpu.unpack_subelements %bitcast3A_1162, 0 {pack_format = #tpu.pack_format<interleaved>} : vector<32xbf16> -> vector<16xf32>
          %unpack3A_1164 = tpu.unpack_subelements %bitcast3A_1162, 1 {pack_format = #tpu.pack_format<interleaved>} : vector<32xbf16> -> vector<16xf32>
          %mul3A_1165 = arith.mulf %unpack3A_1163, %unpack3A_1050 : vector<16xf32>
          %add3A_1166 = arith.addf %add3A_839, %mul3A_1165 : vector<16xf32>
          %mul3A_1167 = arith.mulf %unpack3A_1164, %unpack3A_1051 : vector<16xf32>
          %add3A_1168 = arith.addf %add3A_1166, %mul3A_1167 : vector<16xf32>
          %add3A_1169 = arith.constant 7 : i32
          %add3A_1170 = vector.broadcast %add3A_1169 : i32 to vector<16xi32>
          %add3A_1171 = arith.addi %mul3A_512, %add3A_1170 : vector<16xi32>
          %gather3A_1172 = arith.constant 0 : i32
          %gather3A_1173 = arith.constant 0 : i32
          %gather3A_1174 = tpu.memref_slice %arg16[%scan3A_499, %gather3A_1172, %gather3A_1173] : memref<2x1280x32xi32, #tpu.memory_space<vmem>> -> memref<1x1280x32xi32, #tpu.memory_space<vmem>>
          %gather3A_1175 = tpu.memref_squeeze %gather3A_1174 : memref<1x1280x32xi32, #tpu.memory_space<vmem>> -> memref<1280x32xi32, #tpu.memory_space<vmem>>
          %gather3A_1176 = tpu.vector_load_idx %gather3A_1175[%add3A_1171, %and3A_1043] : memref<1280x32xi32, #tpu.memory_space<vmem>>[vector<16xi32>, vector<16xi32>], vector<16xi32>,
          %bitcast3A_1177 = vector.bitcast %gather3A_1176 : vector<16xi32> to vector<32xbf16>
          %unpack3A_1178 = tpu.unpack_subelements %bitcast3A_1177, 0 {pack_format = #tpu.pack_format<interleaved>} : vector<32xbf16> -> vector<16xf32>
          %unpack3A_1179 = tpu.unpack_subelements %bitcast3A_1177, 1 {pack_format = #tpu.pack_format<interleaved>} : vector<32xbf16> -> vector<16xf32>
          %mul3A_1180 = arith.mulf %unpack3A_1178, %unpack3A_1050 : vector<16xf32>
          %add3A_1181 = arith.addf %add3A_854, %mul3A_1180 : vector<16xf32>
          %mul3A_1182 = arith.mulf %unpack3A_1179, %unpack3A_1051 : vector<16xf32>
          %add3A_1183 = arith.addf %add3A_1181, %mul3A_1182 : vector<16xf32>
          %add3A_1184 = arith.constant 8 : i32
          %add3A_1185 = vector.broadcast %add3A_1184 : i32 to vector<16xi32>
          %add3A_1186 = arith.addi %mul3A_512, %add3A_1185 : vector<16xi32>
          %gather3A_1187 = arith.constant 0 : i32
          %gather3A_1188 = arith.constant 0 : i32
          %gather3A_1189 = tpu.memref_slice %arg16[%scan3A_499, %gather3A_1187, %gather3A_1188] : memref<2x1280x32xi32, #tpu.memory_space<vmem>> -> memref<1x1280x32xi32, #tpu.memory_space<vmem>>
          %gather3A_1190 = tpu.memref_squeeze %gather3A_1189 : memref<1x1280x32xi32, #tpu.memory_space<vmem>> -> memref<1280x32xi32, #tpu.memory_space<vmem>>
          %gather3A_1191 = tpu.vector_load_idx %gather3A_1190[%add3A_1186, %and3A_1043] : memref<1280x32xi32, #tpu.memory_space<vmem>>[vector<16xi32>, vector<16xi32>], vector<16xi32>,
          %bitcast3A_1192 = vector.bitcast %gather3A_1191 : vector<16xi32> to vector<32xbf16>
          %unpack3A_1193 = tpu.unpack_subelements %bitcast3A_1192, 0 {pack_format = #tpu.pack_format<interleaved>} : vector<32xbf16> -> vector<16xf32>
          %unpack3A_1194 = tpu.unpack_subelements %bitcast3A_1192, 1 {pack_format = #tpu.pack_format<interleaved>} : vector<32xbf16> -> vector<16xf32>
          %mul3A_1195 = arith.mulf %unpack3A_1193, %unpack3A_1050 : vector<16xf32>
          %add3A_1196 = arith.addf %add3A_869, %mul3A_1195 : vector<16xf32>
          %mul3A_1197 = arith.mulf %unpack3A_1194, %unpack3A_1051 : vector<16xf32>
          %add3A_1198 = arith.addf %add3A_1196, %mul3A_1197 : vector<16xf32>
          %add3A_1199 = arith.constant 9 : i32
          %add3A_1200 = vector.broadcast %add3A_1199 : i32 to vector<16xi32>
          %add3A_1201 = arith.addi %mul3A_512, %add3A_1200 : vector<16xi32>
          %gather3A_1202 = arith.constant 0 : i32
          %gather3A_1203 = arith.constant 0 : i32
          %gather3A_1204 = tpu.memref_slice %arg16[%scan3A_499, %gather3A_1202, %gather3A_1203] : memref<2x1280x32xi32, #tpu.memory_space<vmem>> -> memref<1x1280x32xi32, #tpu.memory_space<vmem>>
          %gather3A_1205 = tpu.memref_squeeze %gather3A_1204 : memref<1x1280x32xi32, #tpu.memory_space<vmem>> -> memref<1280x32xi32, #tpu.memory_space<vmem>>
          %gather3A_1206 = tpu.vector_load_idx %gather3A_1205[%add3A_1201, %and3A_1043] : memref<1280x32xi32, #tpu.memory_space<vmem>>[vector<16xi32>, vector<16xi32>], vector<16xi32>,
          %bitcast3A_1207 = vector.bitcast %gather3A_1206 : vector<16xi32> to vector<32xbf16>
          %unpack3A_1208 = tpu.unpack_subelements %bitcast3A_1207, 0 {pack_format = #tpu.pack_format<interleaved>} : vector<32xbf16> -> vector<16xf32>
          %unpack3A_1209 = tpu.unpack_subelements %bitcast3A_1207, 1 {pack_format = #tpu.pack_format<interleaved>} : vector<32xbf16> -> vector<16xf32>
          %mul3A_1210 = arith.mulf %unpack3A_1208, %unpack3A_1050 : vector<16xf32>
          %add3A_1211 = arith.addf %add3A_884, %mul3A_1210 : vector<16xf32>
          %mul3A_1212 = arith.mulf %unpack3A_1209, %unpack3A_1051 : vector<16xf32>
          %add3A_1213 = arith.addf %add3A_1211, %mul3A_1212 : vector<16xf32>
          %add3A_1214 = arith.constant 10 : i32
          %add3A_1215 = vector.broadcast %add3A_1214 : i32 to vector<16xi32>
          %add3A_1216 = arith.addi %mul3A_512, %add3A_1215 : vector<16xi32>
          %gather3A_1217 = arith.constant 0 : i32
          %gather3A_1218 = arith.constant 0 : i32
          %gather3A_1219 = tpu.memref_slice %arg16[%scan3A_499, %gather3A_1217, %gather3A_1218] : memref<2x1280x32xi32, #tpu.memory_space<vmem>> -> memref<1x1280x32xi32, #tpu.memory_space<vmem>>
          %gather3A_1220 = tpu.memref_squeeze %gather3A_1219 : memref<1x1280x32xi32, #tpu.memory_space<vmem>> -> memref<1280x32xi32, #tpu.memory_space<vmem>>
          %gather3A_1221 = tpu.vector_load_idx %gather3A_1220[%add3A_1216, %and3A_1043] : memref<1280x32xi32, #tpu.memory_space<vmem>>[vector<16xi32>, vector<16xi32>], vector<16xi32>,
          %bitcast3A_1222 = vector.bitcast %gather3A_1221 : vector<16xi32> to vector<32xbf16>
          %unpack3A_1223 = tpu.unpack_subelements %bitcast3A_1222, 0 {pack_format = #tpu.pack_format<interleaved>} : vector<32xbf16> -> vector<16xf32>
          %unpack3A_1224 = tpu.unpack_subelements %bitcast3A_1222, 1 {pack_format = #tpu.pack_format<interleaved>} : vector<32xbf16> -> vector<16xf32>
          %mul3A_1225 = arith.mulf %unpack3A_1223, %unpack3A_1050 : vector<16xf32>
          %add3A_1226 = arith.addf %add3A_899, %mul3A_1225 : vector<16xf32>
          %mul3A_1227 = arith.mulf %unpack3A_1224, %unpack3A_1051 : vector<16xf32>
          %add3A_1228 = arith.addf %add3A_1226, %mul3A_1227 : vector<16xf32>
          %add3A_1229 = arith.constant 11 : i32
          %add3A_1230 = vector.broadcast %add3A_1229 : i32 to vector<16xi32>
          %add3A_1231 = arith.addi %mul3A_512, %add3A_1230 : vector<16xi32>
          %gather3A_1232 = arith.constant 0 : i32
          %gather3A_1233 = arith.constant 0 : i32
          %gather3A_1234 = tpu.memref_slice %arg16[%scan3A_499, %gather3A_1232, %gather3A_1233] : memref<2x1280x32xi32, #tpu.memory_space<vmem>> -> memref<1x1280x32xi32, #tpu.memory_space<vmem>>
          %gather3A_1235 = tpu.memref_squeeze %gather3A_1234 : memref<1x1280x32xi32, #tpu.memory_space<vmem>> -> memref<1280x32xi32, #tpu.memory_space<vmem>>
          %gather3A_1236 = tpu.vector_load_idx %gather3A_1235[%add3A_1231, %and3A_1043] : memref<1280x32xi32, #tpu.memory_space<vmem>>[vector<16xi32>, vector<16xi32>], vector<16xi32>,
          %bitcast3A_1237 = vector.bitcast %gather3A_1236 : vector<16xi32> to vector<32xbf16>
          %unpack3A_1238 = tpu.unpack_subelements %bitcast3A_1237, 0 {pack_format = #tpu.pack_format<interleaved>} : vector<32xbf16> -> vector<16xf32>
          %unpack3A_1239 = tpu.unpack_subelements %bitcast3A_1237, 1 {pack_format = #tpu.pack_format<interleaved>} : vector<32xbf16> -> vector<16xf32>
          %mul3A_1240 = arith.mulf %unpack3A_1238, %unpack3A_1050 : vector<16xf32>
          %add3A_1241 = arith.addf %add3A_914, %mul3A_1240 : vector<16xf32>
          %mul3A_1242 = arith.mulf %unpack3A_1239, %unpack3A_1051 : vector<16xf32>
          %add3A_1243 = arith.addf %add3A_1241, %mul3A_1242 : vector<16xf32>
          %add3A_1244 = arith.constant 12 : i32
          %add3A_1245 = vector.broadcast %add3A_1244 : i32 to vector<16xi32>
          %add3A_1246 = arith.addi %mul3A_512, %add3A_1245 : vector<16xi32>
          %gather3A_1247 = arith.constant 0 : i32
          %gather3A_1248 = arith.constant 0 : i32
          %gather3A_1249 = tpu.memref_slice %arg16[%scan3A_499, %gather3A_1247, %gather3A_1248] : memref<2x1280x32xi32, #tpu.memory_space<vmem>> -> memref<1x1280x32xi32, #tpu.memory_space<vmem>>
          %gather3A_1250 = tpu.memref_squeeze %gather3A_1249 : memref<1x1280x32xi32, #tpu.memory_space<vmem>> -> memref<1280x32xi32, #tpu.memory_space<vmem>>
          %gather3A_1251 = tpu.vector_load_idx %gather3A_1250[%add3A_1246, %and3A_1043] : memref<1280x32xi32, #tpu.memory_space<vmem>>[vector<16xi32>, vector<16xi32>], vector<16xi32>,
          %bitcast3A_1252 = vector.bitcast %gather3A_1251 : vector<16xi32> to vector<32xbf16>
          %unpack3A_1253 = tpu.unpack_subelements %bitcast3A_1252, 0 {pack_format = #tpu.pack_format<interleaved>} : vector<32xbf16> -> vector<16xf32>
          %unpack3A_1254 = tpu.unpack_subelements %bitcast3A_1252, 1 {pack_format = #tpu.pack_format<interleaved>} : vector<32xbf16> -> vector<16xf32>
          %mul3A_1255 = arith.mulf %unpack3A_1253, %unpack3A_1050 : vector<16xf32>
          %add3A_1256 = arith.addf %add3A_929, %mul3A_1255 : vector<16xf32>
          %mul3A_1257 = arith.mulf %unpack3A_1254, %unpack3A_1051 : vector<16xf32>
          %add3A_1258 = arith.addf %add3A_1256, %mul3A_1257 : vector<16xf32>
          %add3A_1259 = arith.constant 13 : i32
          %add3A_1260 = vector.broadcast %add3A_1259 : i32 to vector<16xi32>
          %add3A_1261 = arith.addi %mul3A_512, %add3A_1260 : vector<16xi32>
          %gather3A_1262 = arith.constant 0 : i32
          %gather3A_1263 = arith.constant 0 : i32
          %gather3A_1264 = tpu.memref_slice %arg16[%scan3A_499, %gather3A_1262, %gather3A_1263] : memref<2x1280x32xi32, #tpu.memory_space<vmem>> -> memref<1x1280x32xi32, #tpu.memory_space<vmem>>
          %gather3A_1265 = tpu.memref_squeeze %gather3A_1264 : memref<1x1280x32xi32, #tpu.memory_space<vmem>> -> memref<1280x32xi32, #tpu.memory_space<vmem>>
          %gather3A_1266 = tpu.vector_load_idx %gather3A_1265[%add3A_1261, %and3A_1043] : memref<1280x32xi32, #tpu.memory_space<vmem>>[vector<16xi32>, vector<16xi32>], vector<16xi32>,
          %bitcast3A_1267 = vector.bitcast %gather3A_1266 : vector<16xi32> to vector<32xbf16>
          %unpack3A_1268 = tpu.unpack_subelements %bitcast3A_1267, 0 {pack_format = #tpu.pack_format<interleaved>} : vector<32xbf16> -> vector<16xf32>
          %unpack3A_1269 = tpu.unpack_subelements %bitcast3A_1267, 1 {pack_format = #tpu.pack_format<interleaved>} : vector<32xbf16> -> vector<16xf32>
          %mul3A_1270 = arith.mulf %unpack3A_1268, %unpack3A_1050 : vector<16xf32>
          %add3A_1271 = arith.addf %add3A_944, %mul3A_1270 : vector<16xf32>
          %mul3A_1272 = arith.mulf %unpack3A_1269, %unpack3A_1051 : vector<16xf32>
          %add3A_1273 = arith.addf %add3A_1271, %mul3A_1272 : vector<16xf32>
          %add3A_1274 = arith.constant 14 : i32
          %add3A_1275 = vector.broadcast %add3A_1274 : i32 to vector<16xi32>
          %add3A_1276 = arith.addi %mul3A_512, %add3A_1275 : vector<16xi32>
          %gather3A_1277 = arith.constant 0 : i32
          %gather3A_1278 = arith.constant 0 : i32
          %gather3A_1279 = tpu.memref_slice %arg16[%scan3A_499, %gather3A_1277, %gather3A_1278] : memref<2x1280x32xi32, #tpu.memory_space<vmem>> -> memref<1x1280x32xi32, #tpu.memory_space<vmem>>
          %gather3A_1280 = tpu.memref_squeeze %gather3A_1279 : memref<1x1280x32xi32, #tpu.memory_space<vmem>> -> memref<1280x32xi32, #tpu.memory_space<vmem>>
          %gather3A_1281 = tpu.vector_load_idx %gather3A_1280[%add3A_1276, %and3A_1043] : memref<1280x32xi32, #tpu.memory_space<vmem>>[vector<16xi32>, vector<16xi32>], vector<16xi32>,
          %bitcast3A_1282 = vector.bitcast %gather3A_1281 : vector<16xi32> to vector<32xbf16>
          %unpack3A_1283 = tpu.unpack_subelements %bitcast3A_1282, 0 {pack_format = #tpu.pack_format<interleaved>} : vector<32xbf16> -> vector<16xf32>
          %unpack3A_1284 = tpu.unpack_subelements %bitcast3A_1282, 1 {pack_format = #tpu.pack_format<interleaved>} : vector<32xbf16> -> vector<16xf32>
          %mul3A_1285 = arith.mulf %unpack3A_1283, %unpack3A_1050 : vector<16xf32>
          %add3A_1286 = arith.addf %add3A_959, %mul3A_1285 : vector<16xf32>
          %mul3A_1287 = arith.mulf %unpack3A_1284, %unpack3A_1051 : vector<16xf32>
          %add3A_1288 = arith.addf %add3A_1286, %mul3A_1287 : vector<16xf32>
          %add3A_1289 = arith.constant 15 : i32
          %add3A_1290 = vector.broadcast %add3A_1289 : i32 to vector<16xi32>
          %add3A_1291 = arith.addi %mul3A_512, %add3A_1290 : vector<16xi32>
          %gather3A_1292 = arith.constant 0 : i32
          %gather3A_1293 = arith.constant 0 : i32
          %gather3A_1294 = tpu.memref_slice %arg16[%scan3A_499, %gather3A_1292, %gather3A_1293] : memref<2x1280x32xi32, #tpu.memory_space<vmem>> -> memref<1x1280x32xi32, #tpu.memory_space<vmem>>
          %gather3A_1295 = tpu.memref_squeeze %gather3A_1294 : memref<1x1280x32xi32, #tpu.memory_space<vmem>> -> memref<1280x32xi32, #tpu.memory_space<vmem>>
          %gather3A_1296 = tpu.vector_load_idx %gather3A_1295[%add3A_1291, %and3A_1043] : memref<1280x32xi32, #tpu.memory_space<vmem>>[vector<16xi32>, vector<16xi32>], vector<16xi32>,
          %bitcast3A_1297 = vector.bitcast %gather3A_1296 : vector<16xi32> to vector<32xbf16>
          %unpack3A_1298 = tpu.unpack_subelements %bitcast3A_1297, 0 {pack_format = #tpu.pack_format<interleaved>} : vector<32xbf16> -> vector<16xf32>
          %unpack3A_1299 = tpu.unpack_subelements %bitcast3A_1297, 1 {pack_format = #tpu.pack_format<interleaved>} : vector<32xbf16> -> vector<16xf32>
          %mul3A_1300 = arith.mulf %unpack3A_1298, %unpack3A_1050 : vector<16xf32>
          %add3A_1301 = arith.addf %add3A_974, %mul3A_1300 : vector<16xf32>
          %mul3A_1302 = arith.mulf %unpack3A_1299, %unpack3A_1051 : vector<16xf32>
          %add3A_1303 = arith.addf %add3A_1301, %mul3A_1302 : vector<16xf32>
          %add3A_1304 = arith.constant 16 : i32
          %add3A_1305 = vector.broadcast %add3A_1304 : i32 to vector<16xi32>
          %add3A_1306 = arith.addi %mul3A_512, %add3A_1305 : vector<16xi32>
          %gather3A_1307 = arith.constant 0 : i32
          %gather3A_1308 = arith.constant 0 : i32
          %gather3A_1309 = tpu.memref_slice %arg16[%scan3A_499, %gather3A_1307, %gather3A_1308] : memref<2x1280x32xi32, #tpu.memory_space<vmem>> -> memref<1x1280x32xi32, #tpu.memory_space<vmem>>
          %gather3A_1310 = tpu.memref_squeeze %gather3A_1309 : memref<1x1280x32xi32, #tpu.memory_space<vmem>> -> memref<1280x32xi32, #tpu.memory_space<vmem>>
          %gather3A_1311 = tpu.vector_load_idx %gather3A_1310[%add3A_1306, %and3A_1043] : memref<1280x32xi32, #tpu.memory_space<vmem>>[vector<16xi32>, vector<16xi32>], vector<16xi32>,
          %bitcast3A_1312 = vector.bitcast %gather3A_1311 : vector<16xi32> to vector<32xbf16>
          %unpack3A_1313 = tpu.unpack_subelements %bitcast3A_1312, 0 {pack_format = #tpu.pack_format<interleaved>} : vector<32xbf16> -> vector<16xf32>
          %unpack3A_1314 = tpu.unpack_subelements %bitcast3A_1312, 1 {pack_format = #tpu.pack_format<interleaved>} : vector<32xbf16> -> vector<16xf32>
          %mul3A_1315 = arith.mulf %unpack3A_1313, %unpack3A_1050 : vector<16xf32>
          %add3A_1316 = arith.addf %add3A_989, %mul3A_1315 : vector<16xf32>
          %mul3A_1317 = arith.mulf %unpack3A_1314, %unpack3A_1051 : vector<16xf32>
          %add3A_1318 = arith.addf %add3A_1316, %mul3A_1317 : vector<16xf32>
          %add3A_1319 = arith.constant 17 : i32
          %add3A_1320 = vector.broadcast %add3A_1319 : i32 to vector<16xi32>
          %add3A_1321 = arith.addi %mul3A_512, %add3A_1320 : vector<16xi32>
          %gather3A_1322 = arith.constant 0 : i32
          %gather3A_1323 = arith.constant 0 : i32
          %gather3A_1324 = tpu.memref_slice %arg16[%scan3A_499, %gather3A_1322, %gather3A_1323] : memref<2x1280x32xi32, #tpu.memory_space<vmem>> -> memref<1x1280x32xi32, #tpu.memory_space<vmem>>
          %gather3A_1325 = tpu.memref_squeeze %gather3A_1324 : memref<1x1280x32xi32, #tpu.memory_space<vmem>> -> memref<1280x32xi32, #tpu.memory_space<vmem>>
          %gather3A_1326 = tpu.vector_load_idx %gather3A_1325[%add3A_1321, %and3A_1043] : memref<1280x32xi32, #tpu.memory_space<vmem>>[vector<16xi32>, vector<16xi32>], vector<16xi32>,
          %bitcast3A_1327 = vector.bitcast %gather3A_1326 : vector<16xi32> to vector<32xbf16>
          %unpack3A_1328 = tpu.unpack_subelements %bitcast3A_1327, 0 {pack_format = #tpu.pack_format<interleaved>} : vector<32xbf16> -> vector<16xf32>
          %unpack3A_1329 = tpu.unpack_subelements %bitcast3A_1327, 1 {pack_format = #tpu.pack_format<interleaved>} : vector<32xbf16> -> vector<16xf32>
          %mul3A_1330 = arith.mulf %unpack3A_1328, %unpack3A_1050 : vector<16xf32>
          %add3A_1331 = arith.addf %add3A_1004, %mul3A_1330 : vector<16xf32>
          %mul3A_1332 = arith.mulf %unpack3A_1329, %unpack3A_1051 : vector<16xf32>
          %add3A_1333 = arith.addf %add3A_1331, %mul3A_1332 : vector<16xf32>
          %add3A_1334 = arith.constant 18 : i32
          %add3A_1335 = vector.broadcast %add3A_1334 : i32 to vector<16xi32>
          %add3A_1336 = arith.addi %mul3A_512, %add3A_1335 : vector<16xi32>
          %gather3A_1337 = arith.constant 0 : i32
          %gather3A_1338 = arith.constant 0 : i32
          %gather3A_1339 = tpu.memref_slice %arg16[%scan3A_499, %gather3A_1337, %gather3A_1338] : memref<2x1280x32xi32, #tpu.memory_space<vmem>> -> memref<1x1280x32xi32, #tpu.memory_space<vmem>>
          %gather3A_1340 = tpu.memref_squeeze %gather3A_1339 : memref<1x1280x32xi32, #tpu.memory_space<vmem>> -> memref<1280x32xi32, #tpu.memory_space<vmem>>
          %gather3A_1341 = tpu.vector_load_idx %gather3A_1340[%add3A_1336, %and3A_1043] : memref<1280x32xi32, #tpu.memory_space<vmem>>[vector<16xi32>, vector<16xi32>], vector<16xi32>,
          %bitcast3A_1342 = vector.bitcast %gather3A_1341 : vector<16xi32> to vector<32xbf16>
          %unpack3A_1343 = tpu.unpack_subelements %bitcast3A_1342, 0 {pack_format = #tpu.pack_format<interleaved>} : vector<32xbf16> -> vector<16xf32>
          %unpack3A_1344 = tpu.unpack_subelements %bitcast3A_1342, 1 {pack_format = #tpu.pack_format<interleaved>} : vector<32xbf16> -> vector<16xf32>
          %mul3A_1345 = arith.mulf %unpack3A_1343, %unpack3A_1050 : vector<16xf32>
          %add3A_1346 = arith.addf %add3A_1019, %mul3A_1345 : vector<16xf32>
          %mul3A_1347 = arith.mulf %unpack3A_1344, %unpack3A_1051 : vector<16xf32>
          %add3A_1348 = arith.addf %add3A_1346, %mul3A_1347 : vector<16xf32>
          %add3A_1349 = arith.constant 19 : i32
          %add3A_1350 = vector.broadcast %add3A_1349 : i32 to vector<16xi32>
          %add3A_1351 = arith.addi %mul3A_512, %add3A_1350 : vector<16xi32>
          %gather3A_1352 = arith.constant 0 : i32
          %gather3A_1353 = arith.constant 0 : i32
          %gather3A_1354 = tpu.memref_slice %arg16[%scan3A_499, %gather3A_1352, %gather3A_1353] : memref<2x1280x32xi32, #tpu.memory_space<vmem>> -> memref<1x1280x32xi32, #tpu.memory_space<vmem>>
          %gather3A_1355 = tpu.memref_squeeze %gather3A_1354 : memref<1x1280x32xi32, #tpu.memory_space<vmem>> -> memref<1280x32xi32, #tpu.memory_space<vmem>>
          %gather3A_1356 = tpu.vector_load_idx %gather3A_1355[%add3A_1351, %and3A_1043] : memref<1280x32xi32, #tpu.memory_space<vmem>>[vector<16xi32>, vector<16xi32>], vector<16xi32>,
          %bitcast3A_1357 = vector.bitcast %gather3A_1356 : vector<16xi32> to vector<32xbf16>
          %unpack3A_1358 = tpu.unpack_subelements %bitcast3A_1357, 0 {pack_format = #tpu.pack_format<interleaved>} : vector<32xbf16> -> vector<16xf32>
          %unpack3A_1359 = tpu.unpack_subelements %bitcast3A_1357, 1 {pack_format = #tpu.pack_format<interleaved>} : vector<32xbf16> -> vector<16xf32>
          %mul3A_1360 = arith.mulf %unpack3A_1358, %unpack3A_1050 : vector<16xf32>
          %add3A_1361 = arith.addf %add3A_1034, %mul3A_1360 : vector<16xf32>
          %mul3A_1362 = arith.mulf %unpack3A_1359, %unpack3A_1051 : vector<16xf32>
          %add3A_1363 = arith.addf %add3A_1361, %mul3A_1362 : vector<16xf32>
          %mul3A_1364 = arith.constant 4 : i32
          %mul3A_1365 = arith.muli %scan3A_688, %mul3A_1364 : i32
          %add3A_1366 = arith.constant 2 : i32
          %add3A_1367 = arith.addi %mul3A_1365, %add3A_1366 : i32
          %add3A_1368 = vector.broadcast %add3A_1367 : i32 to vector<16xi32>
          %add3A_1369 = arith.addi %iota3A, %add3A_1368 : vector<16xi32>
          %and3A_1370 = arith.constant 31 : i32
          %and3A_1371 = vector.broadcast %and3A_1370 : i32 to vector<16xi32>
          %and3A_1372 = arith.andi %add3A_1369, %and3A_1371 : vector<16xi32>
          %gather3A_1373 = arith.constant 0 : i32
          %gather3A_1374 = arith.constant 0 : i32
          %gather3A_1375 = tpu.memref_slice %arg14[%scan3A_497, %gather3A_1373, %gather3A_1374] : memref<2x64x32xi32, #tpu.memory_space<vmem>> -> memref<1x64x32xi32, #tpu.memory_space<vmem>>
          %gather3A_1376 = tpu.memref_squeeze %gather3A_1375 : memref<1x64x32xi32, #tpu.memory_space<vmem>> -> memref<64x32xi32, #tpu.memory_space<vmem>>
          %gather3A_1377 = tpu.vector_load_idx %gather3A_1376[%add3A_509, %and3A_1372] : memref<64x32xi32, #tpu.memory_space<vmem>>[vector<16xi32>, vector<16xi32>], vector<16xi32>,
          %bitcast3A_1378 = vector.bitcast %gather3A_1377 : vector<16xi32> to vector<32xbf16>
          %unpack3A_1379 = tpu.unpack_subelements %bitcast3A_1378, 0 {pack_format = #tpu.pack_format<interleaved>} : vector<32xbf16> -> vector<16xf32>
          %unpack3A_1380 = tpu.unpack_subelements %bitcast3A_1378, 1 {pack_format = #tpu.pack_format<interleaved>} : vector<32xbf16> -> vector<16xf32>
          %gather3A_1381 = arith.constant 0 : i32
          %gather3A_1382 = arith.constant 0 : i32
          %gather3A_1383 = tpu.memref_slice %arg15[%scan3A_498, %gather3A_1381, %gather3A_1382] : memref<2x64x32xi32, #tpu.memory_space<vmem>> -> memref<1x64x32xi32, #tpu.memory_space<vmem>>
          %gather3A_1384 = tpu.memref_squeeze %gather3A_1383 : memref<1x64x32xi32, #tpu.memory_space<vmem>> -> memref<64x32xi32, #tpu.memory_space<vmem>>
          %gather3A_1385 = tpu.vector_load_idx %gather3A_1384[%add3A_509, %and3A_1372] : memref<64x32xi32, #tpu.memory_space<vmem>>[vector<16xi32>, vector<16xi32>], vector<16xi32>,
          %bitcast3A_1386 = vector.bitcast %gather3A_1385 : vector<16xi32> to vector<32xbf16>
          %unpack3A_1387 = tpu.unpack_subelements %bitcast3A_1386, 0 {pack_format = #tpu.pack_format<interleaved>} : vector<32xbf16> -> vector<16xf32>
          %unpack3A_1388 = tpu.unpack_subelements %bitcast3A_1386, 1 {pack_format = #tpu.pack_format<interleaved>} : vector<32xbf16> -> vector<16xf32>
          %mul3A_1389 = arith.mulf %unpack3A_1379, %unpack3A_1387 : vector<16xf32>
          %add3A_1390 = arith.addf %add3A_1063, %mul3A_1389 : vector<16xf32>
          %mul3A_1391 = arith.mulf %unpack3A_1380, %unpack3A_1388 : vector<16xf32>
          %add3A_1392 = arith.addf %add3A_1390, %mul3A_1391 : vector<16xf32>
          %add3A_1393 = arith.constant 0 : i32
          %add3A_1394 = vector.broadcast %add3A_1393 : i32 to vector<16xi32>
          %add3A_1395 = arith.addi %mul3A_512, %add3A_1394 : vector<16xi32>
          %gather3A_1396 = arith.constant 0 : i32
          %gather3A_1397 = arith.constant 0 : i32
          %gather3A_1398 = tpu.memref_slice %arg16[%scan3A_499, %gather3A_1396, %gather3A_1397] : memref<2x1280x32xi32, #tpu.memory_space<vmem>> -> memref<1x1280x32xi32, #tpu.memory_space<vmem>>
          %gather3A_1399 = tpu.memref_squeeze %gather3A_1398 : memref<1x1280x32xi32, #tpu.memory_space<vmem>> -> memref<1280x32xi32, #tpu.memory_space<vmem>>
          %gather3A_1400 = tpu.vector_load_idx %gather3A_1399[%add3A_1395, %and3A_1372] : memref<1280x32xi32, #tpu.memory_space<vmem>>[vector<16xi32>, vector<16xi32>], vector<16xi32>,
          %bitcast3A_1401 = vector.bitcast %gather3A_1400 : vector<16xi32> to vector<32xbf16>
          %unpack3A_1402 = tpu.unpack_subelements %bitcast3A_1401, 0 {pack_format = #tpu.pack_format<interleaved>} : vector<32xbf16> -> vector<16xf32>
          %unpack3A_1403 = tpu.unpack_subelements %bitcast3A_1401, 1 {pack_format = #tpu.pack_format<interleaved>} : vector<32xbf16> -> vector<16xf32>
          %mul3A_1404 = arith.mulf %unpack3A_1402, %unpack3A_1379 : vector<16xf32>
          %add3A_1405 = arith.addf %add3A_1078, %mul3A_1404 : vector<16xf32>
          %mul3A_1406 = arith.mulf %unpack3A_1403, %unpack3A_1380 : vector<16xf32>
          %add3A_1407 = arith.addf %add3A_1405, %mul3A_1406 : vector<16xf32>
          %add3A_1408 = arith.constant 1 : i32
          %add3A_1409 = vector.broadcast %add3A_1408 : i32 to vector<16xi32>
          %add3A_1410 = arith.addi %mul3A_512, %add3A_1409 : vector<16xi32>
          %gather3A_1411 = arith.constant 0 : i32
          %gather3A_1412 = arith.constant 0 : i32
          %gather3A_1413 = tpu.memref_slice %arg16[%scan3A_499, %gather3A_1411, %gather3A_1412] : memref<2x1280x32xi32, #tpu.memory_space<vmem>> -> memref<1x1280x32xi32, #tpu.memory_space<vmem>>
          %gather3A_1414 = tpu.memref_squeeze %gather3A_1413 : memref<1x1280x32xi32, #tpu.memory_space<vmem>> -> memref<1280x32xi32, #tpu.memory_space<vmem>>
          %gather3A_1415 = tpu.vector_load_idx %gather3A_1414[%add3A_1410, %and3A_1372] : memref<1280x32xi32, #tpu.memory_space<vmem>>[vector<16xi32>, vector<16xi32>], vector<16xi32>,
          %bitcast3A_1416 = vector.bitcast %gather3A_1415 : vector<16xi32> to vector<32xbf16>
          %unpack3A_1417 = tpu.unpack_subelements %bitcast3A_1416, 0 {pack_format = #tpu.pack_format<interleaved>} : vector<32xbf16> -> vector<16xf32>
          %unpack3A_1418 = tpu.unpack_subelements %bitcast3A_1416, 1 {pack_format = #tpu.pack_format<interleaved>} : vector<32xbf16> -> vector<16xf32>
          %mul3A_1419 = arith.mulf %unpack3A_1417, %unpack3A_1379 : vector<16xf32>
          %add3A_1420 = arith.addf %add3A_1093, %mul3A_1419 : vector<16xf32>
          %mul3A_1421 = arith.mulf %unpack3A_1418, %unpack3A_1380 : vector<16xf32>
          %add3A_1422 = arith.addf %add3A_1420, %mul3A_1421 : vector<16xf32>
          %add3A_1423 = arith.constant 2 : i32
          %add3A_1424 = vector.broadcast %add3A_1423 : i32 to vector<16xi32>
          %add3A_1425 = arith.addi %mul3A_512, %add3A_1424 : vector<16xi32>
          %gather3A_1426 = arith.constant 0 : i32
          %gather3A_1427 = arith.constant 0 : i32
          %gather3A_1428 = tpu.memref_slice %arg16[%scan3A_499, %gather3A_1426, %gather3A_1427] : memref<2x1280x32xi32, #tpu.memory_space<vmem>> -> memref<1x1280x32xi32, #tpu.memory_space<vmem>>
          %gather3A_1429 = tpu.memref_squeeze %gather3A_1428 : memref<1x1280x32xi32, #tpu.memory_space<vmem>> -> memref<1280x32xi32, #tpu.memory_space<vmem>>
          %gather3A_1430 = tpu.vector_load_idx %gather3A_1429[%add3A_1425, %and3A_1372] : memref<1280x32xi32, #tpu.memory_space<vmem>>[vector<16xi32>, vector<16xi32>], vector<16xi32>,
          %bitcast3A_1431 = vector.bitcast %gather3A_1430 : vector<16xi32> to vector<32xbf16>
          %unpack3A_1432 = tpu.unpack_subelements %bitcast3A_1431, 0 {pack_format = #tpu.pack_format<interleaved>} : vector<32xbf16> -> vector<16xf32>
          %unpack3A_1433 = tpu.unpack_subelements %bitcast3A_1431, 1 {pack_format = #tpu.pack_format<interleaved>} : vector<32xbf16> -> vector<16xf32>
          %mul3A_1434 = arith.mulf %unpack3A_1432, %unpack3A_1379 : vector<16xf32>
          %add3A_1435 = arith.addf %add3A_1108, %mul3A_1434 : vector<16xf32>
          %mul3A_1436 = arith.mulf %unpack3A_1433, %unpack3A_1380 : vector<16xf32>
          %add3A_1437 = arith.addf %add3A_1435, %mul3A_1436 : vector<16xf32>
          %add3A_1438 = arith.constant 3 : i32
          %add3A_1439 = vector.broadcast %add3A_1438 : i32 to vector<16xi32>
          %add3A_1440 = arith.addi %mul3A_512, %add3A_1439 : vector<16xi32>
          %gather3A_1441 = arith.constant 0 : i32
          %gather3A_1442 = arith.constant 0 : i32
          %gather3A_1443 = tpu.memref_slice %arg16[%scan3A_499, %gather3A_1441, %gather3A_1442] : memref<2x1280x32xi32, #tpu.memory_space<vmem>> -> memref<1x1280x32xi32, #tpu.memory_space<vmem>>
          %gather3A_1444 = tpu.memref_squeeze %gather3A_1443 : memref<1x1280x32xi32, #tpu.memory_space<vmem>> -> memref<1280x32xi32, #tpu.memory_space<vmem>>
          %gather3A_1445 = tpu.vector_load_idx %gather3A_1444[%add3A_1440, %and3A_1372] : memref<1280x32xi32, #tpu.memory_space<vmem>>[vector<16xi32>, vector<16xi32>], vector<16xi32>,
          %bitcast3A_1446 = vector.bitcast %gather3A_1445 : vector<16xi32> to vector<32xbf16>
          %unpack3A_1447 = tpu.unpack_subelements %bitcast3A_1446, 0 {pack_format = #tpu.pack_format<interleaved>} : vector<32xbf16> -> vector<16xf32>
          %unpack3A_1448 = tpu.unpack_subelements %bitcast3A_1446, 1 {pack_format = #tpu.pack_format<interleaved>} : vector<32xbf16> -> vector<16xf32>
          %mul3A_1449 = arith.mulf %unpack3A_1447, %unpack3A_1379 : vector<16xf32>
          %add3A_1450 = arith.addf %add3A_1123, %mul3A_1449 : vector<16xf32>
          %mul3A_1451 = arith.mulf %unpack3A_1448, %unpack3A_1380 : vector<16xf32>
          %add3A_1452 = arith.addf %add3A_1450, %mul3A_1451 : vector<16xf32>
          %add3A_1453 = arith.constant 4 : i32
          %add3A_1454 = vector.broadcast %add3A_1453 : i32 to vector<16xi32>
          %add3A_1455 = arith.addi %mul3A_512, %add3A_1454 : vector<16xi32>
          %gather3A_1456 = arith.constant 0 : i32
          %gather3A_1457 = arith.constant 0 : i32
          %gather3A_1458 = tpu.memref_slice %arg16[%scan3A_499, %gather3A_1456, %gather3A_1457] : memref<2x1280x32xi32, #tpu.memory_space<vmem>> -> memref<1x1280x32xi32, #tpu.memory_space<vmem>>
          %gather3A_1459 = tpu.memref_squeeze %gather3A_1458 : memref<1x1280x32xi32, #tpu.memory_space<vmem>> -> memref<1280x32xi32, #tpu.memory_space<vmem>>
          %gather3A_1460 = tpu.vector_load_idx %gather3A_1459[%add3A_1455, %and3A_1372] : memref<1280x32xi32, #tpu.memory_space<vmem>>[vector<16xi32>, vector<16xi32>], vector<16xi32>,
          %bitcast3A_1461 = vector.bitcast %gather3A_1460 : vector<16xi32> to vector<32xbf16>
          %unpack3A_1462 = tpu.unpack_subelements %bitcast3A_1461, 0 {pack_format = #tpu.pack_format<interleaved>} : vector<32xbf16> -> vector<16xf32>
          %unpack3A_1463 = tpu.unpack_subelements %bitcast3A_1461, 1 {pack_format = #tpu.pack_format<interleaved>} : vector<32xbf16> -> vector<16xf32>
          %mul3A_1464 = arith.mulf %unpack3A_1462, %unpack3A_1379 : vector<16xf32>
          %add3A_1465 = arith.addf %add3A_1138, %mul3A_1464 : vector<16xf32>
          %mul3A_1466 = arith.mulf %unpack3A_1463, %unpack3A_1380 : vector<16xf32>
          %add3A_1467 = arith.addf %add3A_1465, %mul3A_1466 : vector<16xf32>
          %add3A_1468 = arith.constant 5 : i32
          %add3A_1469 = vector.broadcast %add3A_1468 : i32 to vector<16xi32>
          %add3A_1470 = arith.addi %mul3A_512, %add3A_1469 : vector<16xi32>
          %gather3A_1471 = arith.constant 0 : i32
          %gather3A_1472 = arith.constant 0 : i32
          %gather3A_1473 = tpu.memref_slice %arg16[%scan3A_499, %gather3A_1471, %gather3A_1472] : memref<2x1280x32xi32, #tpu.memory_space<vmem>> -> memref<1x1280x32xi32, #tpu.memory_space<vmem>>
          %gather3A_1474 = tpu.memref_squeeze %gather3A_1473 : memref<1x1280x32xi32, #tpu.memory_space<vmem>> -> memref<1280x32xi32, #tpu.memory_space<vmem>>
          %gather3A_1475 = tpu.vector_load_idx %gather3A_1474[%add3A_1470, %and3A_1372] : memref<1280x32xi32, #tpu.memory_space<vmem>>[vector<16xi32>, vector<16xi32>], vector<16xi32>,
          %bitcast3A_1476 = vector.bitcast %gather3A_1475 : vector<16xi32> to vector<32xbf16>
          %unpack3A_1477 = tpu.unpack_subelements %bitcast3A_1476, 0 {pack_format = #tpu.pack_format<interleaved>} : vector<32xbf16> -> vector<16xf32>
          %unpack3A_1478 = tpu.unpack_subelements %bitcast3A_1476, 1 {pack_format = #tpu.pack_format<interleaved>} : vector<32xbf16> -> vector<16xf32>
          %mul3A_1479 = arith.mulf %unpack3A_1477, %unpack3A_1379 : vector<16xf32>
          %add3A_1480 = arith.addf %add3A_1153, %mul3A_1479 : vector<16xf32>
          %mul3A_1481 = arith.mulf %unpack3A_1478, %unpack3A_1380 : vector<16xf32>
          %add3A_1482 = arith.addf %add3A_1480, %mul3A_1481 : vector<16xf32>
          %add3A_1483 = arith.constant 6 : i32
          %add3A_1484 = vector.broadcast %add3A_1483 : i32 to vector<16xi32>
          %add3A_1485 = arith.addi %mul3A_512, %add3A_1484 : vector<16xi32>
          %gather3A_1486 = arith.constant 0 : i32
          %gather3A_1487 = arith.constant 0 : i32
          %gather3A_1488 = tpu.memref_slice %arg16[%scan3A_499, %gather3A_1486, %gather3A_1487] : memref<2x1280x32xi32, #tpu.memory_space<vmem>> -> memref<1x1280x32xi32, #tpu.memory_space<vmem>>
          %gather3A_1489 = tpu.memref_squeeze %gather3A_1488 : memref<1x1280x32xi32, #tpu.memory_space<vmem>> -> memref<1280x32xi32, #tpu.memory_space<vmem>>
          %gather3A_1490 = tpu.vector_load_idx %gather3A_1489[%add3A_1485, %and3A_1372] : memref<1280x32xi32, #tpu.memory_space<vmem>>[vector<16xi32>, vector<16xi32>], vector<16xi32>,
          %bitcast3A_1491 = vector.bitcast %gather3A_1490 : vector<16xi32> to vector<32xbf16>
          %unpack3A_1492 = tpu.unpack_subelements %bitcast3A_1491, 0 {pack_format = #tpu.pack_format<interleaved>} : vector<32xbf16> -> vector<16xf32>
          %unpack3A_1493 = tpu.unpack_subelements %bitcast3A_1491, 1 {pack_format = #tpu.pack_format<interleaved>} : vector<32xbf16> -> vector<16xf32>
          %mul3A_1494 = arith.mulf %unpack3A_1492, %unpack3A_1379 : vector<16xf32>
          %add3A_1495 = arith.addf %add3A_1168, %mul3A_1494 : vector<16xf32>
          %mul3A_1496 = arith.mulf %unpack3A_1493, %unpack3A_1380 : vector<16xf32>
          %add3A_1497 = arith.addf %add3A_1495, %mul3A_1496 : vector<16xf32>
          %add3A_1498 = arith.constant 7 : i32
          %add3A_1499 = vector.broadcast %add3A_1498 : i32 to vector<16xi32>
          %add3A_1500 = arith.addi %mul3A_512, %add3A_1499 : vector<16xi32>
          %gather3A_1501 = arith.constant 0 : i32
          %gather3A_1502 = arith.constant 0 : i32
          %gather3A_1503 = tpu.memref_slice %arg16[%scan3A_499, %gather3A_1501, %gather3A_1502] : memref<2x1280x32xi32, #tpu.memory_space<vmem>> -> memref<1x1280x32xi32, #tpu.memory_space<vmem>>
          %gather3A_1504 = tpu.memref_squeeze %gather3A_1503 : memref<1x1280x32xi32, #tpu.memory_space<vmem>> -> memref<1280x32xi32, #tpu.memory_space<vmem>>
          %gather3A_1505 = tpu.vector_load_idx %gather3A_1504[%add3A_1500, %and3A_1372] : memref<1280x32xi32, #tpu.memory_space<vmem>>[vector<16xi32>, vector<16xi32>], vector<16xi32>,
          %bitcast3A_1506 = vector.bitcast %gather3A_1505 : vector<16xi32> to vector<32xbf16>
          %unpack3A_1507 = tpu.unpack_subelements %bitcast3A_1506, 0 {pack_format = #tpu.pack_format<interleaved>} : vector<32xbf16> -> vector<16xf32>
          %unpack3A_1508 = tpu.unpack_subelements %bitcast3A_1506, 1 {pack_format = #tpu.pack_format<interleaved>} : vector<32xbf16> -> vector<16xf32>
          %mul3A_1509 = arith.mulf %unpack3A_1507, %unpack3A_1379 : vector<16xf32>
          %add3A_1510 = arith.addf %add3A_1183, %mul3A_1509 : vector<16xf32>
          %mul3A_1511 = arith.mulf %unpack3A_1508, %unpack3A_1380 : vector<16xf32>
          %add3A_1512 = arith.addf %add3A_1510, %mul3A_1511 : vector<16xf32>
          %add3A_1513 = arith.constant 8 : i32
          %add3A_1514 = vector.broadcast %add3A_1513 : i32 to vector<16xi32>
          %add3A_1515 = arith.addi %mul3A_512, %add3A_1514 : vector<16xi32>
          %gather3A_1516 = arith.constant 0 : i32
          %gather3A_1517 = arith.constant 0 : i32
          %gather3A_1518 = tpu.memref_slice %arg16[%scan3A_499, %gather3A_1516, %gather3A_1517] : memref<2x1280x32xi32, #tpu.memory_space<vmem>> -> memref<1x1280x32xi32, #tpu.memory_space<vmem>>
          %gather3A_1519 = tpu.memref_squeeze %gather3A_1518 : memref<1x1280x32xi32, #tpu.memory_space<vmem>> -> memref<1280x32xi32, #tpu.memory_space<vmem>>
          %gather3A_1520 = tpu.vector_load_idx %gather3A_1519[%add3A_1515, %and3A_1372] : memref<1280x32xi32, #tpu.memory_space<vmem>>[vector<16xi32>, vector<16xi32>], vector<16xi32>,
          %bitcast3A_1521 = vector.bitcast %gather3A_1520 : vector<16xi32> to vector<32xbf16>
          %unpack3A_1522 = tpu.unpack_subelements %bitcast3A_1521, 0 {pack_format = #tpu.pack_format<interleaved>} : vector<32xbf16> -> vector<16xf32>
          %unpack3A_1523 = tpu.unpack_subelements %bitcast3A_1521, 1 {pack_format = #tpu.pack_format<interleaved>} : vector<32xbf16> -> vector<16xf32>
          %mul3A_1524 = arith.mulf %unpack3A_1522, %unpack3A_1379 : vector<16xf32>
          %add3A_1525 = arith.addf %add3A_1198, %mul3A_1524 : vector<16xf32>
          %mul3A_1526 = arith.mulf %unpack3A_1523, %unpack3A_1380 : vector<16xf32>
          %add3A_1527 = arith.addf %add3A_1525, %mul3A_1526 : vector<16xf32>
          %add3A_1528 = arith.constant 9 : i32
          %add3A_1529 = vector.broadcast %add3A_1528 : i32 to vector<16xi32>
          %add3A_1530 = arith.addi %mul3A_512, %add3A_1529 : vector<16xi32>
          %gather3A_1531 = arith.constant 0 : i32
          %gather3A_1532 = arith.constant 0 : i32
          %gather3A_1533 = tpu.memref_slice %arg16[%scan3A_499, %gather3A_1531, %gather3A_1532] : memref<2x1280x32xi32, #tpu.memory_space<vmem>> -> memref<1x1280x32xi32, #tpu.memory_space<vmem>>
          %gather3A_1534 = tpu.memref_squeeze %gather3A_1533 : memref<1x1280x32xi32, #tpu.memory_space<vmem>> -> memref<1280x32xi32, #tpu.memory_space<vmem>>
          %gather3A_1535 = tpu.vector_load_idx %gather3A_1534[%add3A_1530, %and3A_1372] : memref<1280x32xi32, #tpu.memory_space<vmem>>[vector<16xi32>, vector<16xi32>], vector<16xi32>,
          %bitcast3A_1536 = vector.bitcast %gather3A_1535 : vector<16xi32> to vector<32xbf16>
          %unpack3A_1537 = tpu.unpack_subelements %bitcast3A_1536, 0 {pack_format = #tpu.pack_format<interleaved>} : vector<32xbf16> -> vector<16xf32>
          %unpack3A_1538 = tpu.unpack_subelements %bitcast3A_1536, 1 {pack_format = #tpu.pack_format<interleaved>} : vector<32xbf16> -> vector<16xf32>
          %mul3A_1539 = arith.mulf %unpack3A_1537, %unpack3A_1379 : vector<16xf32>
          %add3A_1540 = arith.addf %add3A_1213, %mul3A_1539 : vector<16xf32>
          %mul3A_1541 = arith.mulf %unpack3A_1538, %unpack3A_1380 : vector<16xf32>
          %add3A_1542 = arith.addf %add3A_1540, %mul3A_1541 : vector<16xf32>
          %add3A_1543 = arith.constant 10 : i32
          %add3A_1544 = vector.broadcast %add3A_1543 : i32 to vector<16xi32>
          %add3A_1545 = arith.addi %mul3A_512, %add3A_1544 : vector<16xi32>
          %gather3A_1546 = arith.constant 0 : i32
          %gather3A_1547 = arith.constant 0 : i32
          %gather3A_1548 = tpu.memref_slice %arg16[%scan3A_499, %gather3A_1546, %gather3A_1547] : memref<2x1280x32xi32, #tpu.memory_space<vmem>> -> memref<1x1280x32xi32, #tpu.memory_space<vmem>>
          %gather3A_1549 = tpu.memref_squeeze %gather3A_1548 : memref<1x1280x32xi32, #tpu.memory_space<vmem>> -> memref<1280x32xi32, #tpu.memory_space<vmem>>
          %gather3A_1550 = tpu.vector_load_idx %gather3A_1549[%add3A_1545, %and3A_1372] : memref<1280x32xi32, #tpu.memory_space<vmem>>[vector<16xi32>, vector<16xi32>], vector<16xi32>,
          %bitcast3A_1551 = vector.bitcast %gather3A_1550 : vector<16xi32> to vector<32xbf16>
          %unpack3A_1552 = tpu.unpack_subelements %bitcast3A_1551, 0 {pack_format = #tpu.pack_format<interleaved>} : vector<32xbf16> -> vector<16xf32>
          %unpack3A_1553 = tpu.unpack_subelements %bitcast3A_1551, 1 {pack_format = #tpu.pack_format<interleaved>} : vector<32xbf16> -> vector<16xf32>
          %mul3A_1554 = arith.mulf %unpack3A_1552, %unpack3A_1379 : vector<16xf32>
          %add3A_1555 = arith.addf %add3A_1228, %mul3A_1554 : vector<16xf32>
          %mul3A_1556 = arith.mulf %unpack3A_1553, %unpack3A_1380 : vector<16xf32>
          %add3A_1557 = arith.addf %add3A_1555, %mul3A_1556 : vector<16xf32>
          %add3A_1558 = arith.constant 11 : i32
          %add3A_1559 = vector.broadcast %add3A_1558 : i32 to vector<16xi32>
          %add3A_1560 = arith.addi %mul3A_512, %add3A_1559 : vector<16xi32>
          %gather3A_1561 = arith.constant 0 : i32
          %gather3A_1562 = arith.constant 0 : i32
          %gather3A_1563 = tpu.memref_slice %arg16[%scan3A_499, %gather3A_1561, %gather3A_1562] : memref<2x1280x32xi32, #tpu.memory_space<vmem>> -> memref<1x1280x32xi32, #tpu.memory_space<vmem>>
          %gather3A_1564 = tpu.memref_squeeze %gather3A_1563 : memref<1x1280x32xi32, #tpu.memory_space<vmem>> -> memref<1280x32xi32, #tpu.memory_space<vmem>>
          %gather3A_1565 = tpu.vector_load_idx %gather3A_1564[%add3A_1560, %and3A_1372] : memref<1280x32xi32, #tpu.memory_space<vmem>>[vector<16xi32>, vector<16xi32>], vector<16xi32>,
          %bitcast3A_1566 = vector.bitcast %gather3A_1565 : vector<16xi32> to vector<32xbf16>
          %unpack3A_1567 = tpu.unpack_subelements %bitcast3A_1566, 0 {pack_format = #tpu.pack_format<interleaved>} : vector<32xbf16> -> vector<16xf32>
          %unpack3A_1568 = tpu.unpack_subelements %bitcast3A_1566, 1 {pack_format = #tpu.pack_format<interleaved>} : vector<32xbf16> -> vector<16xf32>
          %mul3A_1569 = arith.mulf %unpack3A_1567, %unpack3A_1379 : vector<16xf32>
          %add3A_1570 = arith.addf %add3A_1243, %mul3A_1569 : vector<16xf32>
          %mul3A_1571 = arith.mulf %unpack3A_1568, %unpack3A_1380 : vector<16xf32>
          %add3A_1572 = arith.addf %add3A_1570, %mul3A_1571 : vector<16xf32>
          %add3A_1573 = arith.constant 12 : i32
          %add3A_1574 = vector.broadcast %add3A_1573 : i32 to vector<16xi32>
          %add3A_1575 = arith.addi %mul3A_512, %add3A_1574 : vector<16xi32>
          %gather3A_1576 = arith.constant 0 : i32
          %gather3A_1577 = arith.constant 0 : i32
          %gather3A_1578 = tpu.memref_slice %arg16[%scan3A_499, %gather3A_1576, %gather3A_1577] : memref<2x1280x32xi32, #tpu.memory_space<vmem>> -> memref<1x1280x32xi32, #tpu.memory_space<vmem>>
          %gather3A_1579 = tpu.memref_squeeze %gather3A_1578 : memref<1x1280x32xi32, #tpu.memory_space<vmem>> -> memref<1280x32xi32, #tpu.memory_space<vmem>>
          %gather3A_1580 = tpu.vector_load_idx %gather3A_1579[%add3A_1575, %and3A_1372] : memref<1280x32xi32, #tpu.memory_space<vmem>>[vector<16xi32>, vector<16xi32>], vector<16xi32>,
          %bitcast3A_1581 = vector.bitcast %gather3A_1580 : vector<16xi32> to vector<32xbf16>
          %unpack3A_1582 = tpu.unpack_subelements %bitcast3A_1581, 0 {pack_format = #tpu.pack_format<interleaved>} : vector<32xbf16> -> vector<16xf32>
          %unpack3A_1583 = tpu.unpack_subelements %bitcast3A_1581, 1 {pack_format = #tpu.pack_format<interleaved>} : vector<32xbf16> -> vector<16xf32>
          %mul3A_1584 = arith.mulf %unpack3A_1582, %unpack3A_1379 : vector<16xf32>
          %add3A_1585 = arith.addf %add3A_1258, %mul3A_1584 : vector<16xf32>
          %mul3A_1586 = arith.mulf %unpack3A_1583, %unpack3A_1380 : vector<16xf32>
          %add3A_1587 = arith.addf %add3A_1585, %mul3A_1586 : vector<16xf32>
          %add3A_1588 = arith.constant 13 : i32
          %add3A_1589 = vector.broadcast %add3A_1588 : i32 to vector<16xi32>
          %add3A_1590 = arith.addi %mul3A_512, %add3A_1589 : vector<16xi32>
          %gather3A_1591 = arith.constant 0 : i32
          %gather3A_1592 = arith.constant 0 : i32
          %gather3A_1593 = tpu.memref_slice %arg16[%scan3A_499, %gather3A_1591, %gather3A_1592] : memref<2x1280x32xi32, #tpu.memory_space<vmem>> -> memref<1x1280x32xi32, #tpu.memory_space<vmem>>
          %gather3A_1594 = tpu.memref_squeeze %gather3A_1593 : memref<1x1280x32xi32, #tpu.memory_space<vmem>> -> memref<1280x32xi32, #tpu.memory_space<vmem>>
          %gather3A_1595 = tpu.vector_load_idx %gather3A_1594[%add3A_1590, %and3A_1372] : memref<1280x32xi32, #tpu.memory_space<vmem>>[vector<16xi32>, vector<16xi32>], vector<16xi32>,
          %bitcast3A_1596 = vector.bitcast %gather3A_1595 : vector<16xi32> to vector<32xbf16>
          %unpack3A_1597 = tpu.unpack_subelements %bitcast3A_1596, 0 {pack_format = #tpu.pack_format<interleaved>} : vector<32xbf16> -> vector<16xf32>
          %unpack3A_1598 = tpu.unpack_subelements %bitcast3A_1596, 1 {pack_format = #tpu.pack_format<interleaved>} : vector<32xbf16> -> vector<16xf32>
          %mul3A_1599 = arith.mulf %unpack3A_1597, %unpack3A_1379 : vector<16xf32>
          %add3A_1600 = arith.addf %add3A_1273, %mul3A_1599 : vector<16xf32>
          %mul3A_1601 = arith.mulf %unpack3A_1598, %unpack3A_1380 : vector<16xf32>
          %add3A_1602 = arith.addf %add3A_1600, %mul3A_1601 : vector<16xf32>
          %add3A_1603 = arith.constant 14 : i32
          %add3A_1604 = vector.broadcast %add3A_1603 : i32 to vector<16xi32>
          %add3A_1605 = arith.addi %mul3A_512, %add3A_1604 : vector<16xi32>
          %gather3A_1606 = arith.constant 0 : i32
          %gather3A_1607 = arith.constant 0 : i32
          %gather3A_1608 = tpu.memref_slice %arg16[%scan3A_499, %gather3A_1606, %gather3A_1607] : memref<2x1280x32xi32, #tpu.memory_space<vmem>> -> memref<1x1280x32xi32, #tpu.memory_space<vmem>>
          %gather3A_1609 = tpu.memref_squeeze %gather3A_1608 : memref<1x1280x32xi32, #tpu.memory_space<vmem>> -> memref<1280x32xi32, #tpu.memory_space<vmem>>
          %gather3A_1610 = tpu.vector_load_idx %gather3A_1609[%add3A_1605, %and3A_1372] : memref<1280x32xi32, #tpu.memory_space<vmem>>[vector<16xi32>, vector<16xi32>], vector<16xi32>,
          %bitcast3A_1611 = vector.bitcast %gather3A_1610 : vector<16xi32> to vector<32xbf16>
          %unpack3A_1612 = tpu.unpack_subelements %bitcast3A_1611, 0 {pack_format = #tpu.pack_format<interleaved>} : vector<32xbf16> -> vector<16xf32>
          %unpack3A_1613 = tpu.unpack_subelements %bitcast3A_1611, 1 {pack_format = #tpu.pack_format<interleaved>} : vector<32xbf16> -> vector<16xf32>
          %mul3A_1614 = arith.mulf %unpack3A_1612, %unpack3A_1379 : vector<16xf32>
          %add3A_1615 = arith.addf %add3A_1288, %mul3A_1614 : vector<16xf32>
          %mul3A_1616 = arith.mulf %unpack3A_1613, %unpack3A_1380 : vector<16xf32>
          %add3A_1617 = arith.addf %add3A_1615, %mul3A_1616 : vector<16xf32>
          %add3A_1618 = arith.constant 15 : i32
          %add3A_1619 = vector.broadcast %add3A_1618 : i32 to vector<16xi32>
          %add3A_1620 = arith.addi %mul3A_512, %add3A_1619 : vector<16xi32>
          %gather3A_1621 = arith.constant 0 : i32
          %gather3A_1622 = arith.constant 0 : i32
          %gather3A_1623 = tpu.memref_slice %arg16[%scan3A_499, %gather3A_1621, %gather3A_1622] : memref<2x1280x32xi32, #tpu.memory_space<vmem>> -> memref<1x1280x32xi32, #tpu.memory_space<vmem>>
          %gather3A_1624 = tpu.memref_squeeze %gather3A_1623 : memref<1x1280x32xi32, #tpu.memory_space<vmem>> -> memref<1280x32xi32, #tpu.memory_space<vmem>>
          %gather3A_1625 = tpu.vector_load_idx %gather3A_1624[%add3A_1620, %and3A_1372] : memref<1280x32xi32, #tpu.memory_space<vmem>>[vector<16xi32>, vector<16xi32>], vector<16xi32>,
          %bitcast3A_1626 = vector.bitcast %gather3A_1625 : vector<16xi32> to vector<32xbf16>
          %unpack3A_1627 = tpu.unpack_subelements %bitcast3A_1626, 0 {pack_format = #tpu.pack_format<interleaved>} : vector<32xbf16> -> vector<16xf32>
          %unpack3A_1628 = tpu.unpack_subelements %bitcast3A_1626, 1 {pack_format = #tpu.pack_format<interleaved>} : vector<32xbf16> -> vector<16xf32>
          %mul3A_1629 = arith.mulf %unpack3A_1627, %unpack3A_1379 : vector<16xf32>
          %add3A_1630 = arith.addf %add3A_1303, %mul3A_1629 : vector<16xf32>
          %mul3A_1631 = arith.mulf %unpack3A_1628, %unpack3A_1380 : vector<16xf32>
          %add3A_1632 = arith.addf %add3A_1630, %mul3A_1631 : vector<16xf32>
          %add3A_1633 = arith.constant 16 : i32
          %add3A_1634 = vector.broadcast %add3A_1633 : i32 to vector<16xi32>
          %add3A_1635 = arith.addi %mul3A_512, %add3A_1634 : vector<16xi32>
          %gather3A_1636 = arith.constant 0 : i32
          %gather3A_1637 = arith.constant 0 : i32
          %gather3A_1638 = tpu.memref_slice %arg16[%scan3A_499, %gather3A_1636, %gather3A_1637] : memref<2x1280x32xi32, #tpu.memory_space<vmem>> -> memref<1x1280x32xi32, #tpu.memory_space<vmem>>
          %gather3A_1639 = tpu.memref_squeeze %gather3A_1638 : memref<1x1280x32xi32, #tpu.memory_space<vmem>> -> memref<1280x32xi32, #tpu.memory_space<vmem>>
          %gather3A_1640 = tpu.vector_load_idx %gather3A_1639[%add3A_1635, %and3A_1372] : memref<1280x32xi32, #tpu.memory_space<vmem>>[vector<16xi32>, vector<16xi32>], vector<16xi32>,
          %bitcast3A_1641 = vector.bitcast %gather3A_1640 : vector<16xi32> to vector<32xbf16>
          %unpack3A_1642 = tpu.unpack_subelements %bitcast3A_1641, 0 {pack_format = #tpu.pack_format<interleaved>} : vector<32xbf16> -> vector<16xf32>
          %unpack3A_1643 = tpu.unpack_subelements %bitcast3A_1641, 1 {pack_format = #tpu.pack_format<interleaved>} : vector<32xbf16> -> vector<16xf32>
          %mul3A_1644 = arith.mulf %unpack3A_1642, %unpack3A_1379 : vector<16xf32>
          %add3A_1645 = arith.addf %add3A_1318, %mul3A_1644 : vector<16xf32>
          %mul3A_1646 = arith.mulf %unpack3A_1643, %unpack3A_1380 : vector<16xf32>
          %add3A_1647 = arith.addf %add3A_1645, %mul3A_1646 : vector<16xf32>
          %add3A_1648 = arith.constant 17 : i32
          %add3A_1649 = vector.broadcast %add3A_1648 : i32 to vector<16xi32>
          %add3A_1650 = arith.addi %mul3A_512, %add3A_1649 : vector<16xi32>
          %gather3A_1651 = arith.constant 0 : i32
          %gather3A_1652 = arith.constant 0 : i32
          %gather3A_1653 = tpu.memref_slice %arg16[%scan3A_499, %gather3A_1651, %gather3A_1652] : memref<2x1280x32xi32, #tpu.memory_space<vmem>> -> memref<1x1280x32xi32, #tpu.memory_space<vmem>>
          %gather3A_1654 = tpu.memref_squeeze %gather3A_1653 : memref<1x1280x32xi32, #tpu.memory_space<vmem>> -> memref<1280x32xi32, #tpu.memory_space<vmem>>
          %gather3A_1655 = tpu.vector_load_idx %gather3A_1654[%add3A_1650, %and3A_1372] : memref<1280x32xi32, #tpu.memory_space<vmem>>[vector<16xi32>, vector<16xi32>], vector<16xi32>,
          %bitcast3A_1656 = vector.bitcast %gather3A_1655 : vector<16xi32> to vector<32xbf16>
          %unpack3A_1657 = tpu.unpack_subelements %bitcast3A_1656, 0 {pack_format = #tpu.pack_format<interleaved>} : vector<32xbf16> -> vector<16xf32>
          %unpack3A_1658 = tpu.unpack_subelements %bitcast3A_1656, 1 {pack_format = #tpu.pack_format<interleaved>} : vector<32xbf16> -> vector<16xf32>
          %mul3A_1659 = arith.mulf %unpack3A_1657, %unpack3A_1379 : vector<16xf32>
          %add3A_1660 = arith.addf %add3A_1333, %mul3A_1659 : vector<16xf32>
          %mul3A_1661 = arith.mulf %unpack3A_1658, %unpack3A_1380 : vector<16xf32>
          %add3A_1662 = arith.addf %add3A_1660, %mul3A_1661 : vector<16xf32>
          %add3A_1663 = arith.constant 18 : i32
          %add3A_1664 = vector.broadcast %add3A_1663 : i32 to vector<16xi32>
          %add3A_1665 = arith.addi %mul3A_512, %add3A_1664 : vector<16xi32>
          %gather3A_1666 = arith.constant 0 : i32
          %gather3A_1667 = arith.constant 0 : i32
          %gather3A_1668 = tpu.memref_slice %arg16[%scan3A_499, %gather3A_1666, %gather3A_1667] : memref<2x1280x32xi32, #tpu.memory_space<vmem>> -> memref<1x1280x32xi32, #tpu.memory_space<vmem>>
          %gather3A_1669 = tpu.memref_squeeze %gather3A_1668 : memref<1x1280x32xi32, #tpu.memory_space<vmem>> -> memref<1280x32xi32, #tpu.memory_space<vmem>>
          %gather3A_1670 = tpu.vector_load_idx %gather3A_1669[%add3A_1665, %and3A_1372] : memref<1280x32xi32, #tpu.memory_space<vmem>>[vector<16xi32>, vector<16xi32>], vector<16xi32>,
          %bitcast3A_1671 = vector.bitcast %gather3A_1670 : vector<16xi32> to vector<32xbf16>
          %unpack3A_1672 = tpu.unpack_subelements %bitcast3A_1671, 0 {pack_format = #tpu.pack_format<interleaved>} : vector<32xbf16> -> vector<16xf32>
          %unpack3A_1673 = tpu.unpack_subelements %bitcast3A_1671, 1 {pack_format = #tpu.pack_format<interleaved>} : vector<32xbf16> -> vector<16xf32>
          %mul3A_1674 = arith.mulf %unpack3A_1672, %unpack3A_1379 : vector<16xf32>
          %add3A_1675 = arith.addf %add3A_1348, %mul3A_1674 : vector<16xf32>
          %mul3A_1676 = arith.mulf %unpack3A_1673, %unpack3A_1380 : vector<16xf32>
          %add3A_1677 = arith.addf %add3A_1675, %mul3A_1676 : vector<16xf32>
          %add3A_1678 = arith.constant 19 : i32
          %add3A_1679 = vector.broadcast %add3A_1678 : i32 to vector<16xi32>
          %add3A_1680 = arith.addi %mul3A_512, %add3A_1679 : vector<16xi32>
          %gather3A_1681 = arith.constant 0 : i32
          %gather3A_1682 = arith.constant 0 : i32
          %gather3A_1683 = tpu.memref_slice %arg16[%scan3A_499, %gather3A_1681, %gather3A_1682] : memref<2x1280x32xi32, #tpu.memory_space<vmem>> -> memref<1x1280x32xi32, #tpu.memory_space<vmem>>
          %gather3A_1684 = tpu.memref_squeeze %gather3A_1683 : memref<1x1280x32xi32, #tpu.memory_space<vmem>> -> memref<1280x32xi32, #tpu.memory_space<vmem>>
          %gather3A_1685 = tpu.vector_load_idx %gather3A_1684[%add3A_1680, %and3A_1372] : memref<1280x32xi32, #tpu.memory_space<vmem>>[vector<16xi32>, vector<16xi32>], vector<16xi32>,
          %bitcast3A_1686 = vector.bitcast %gather3A_1685 : vector<16xi32> to vector<32xbf16>
          %unpack3A_1687 = tpu.unpack_subelements %bitcast3A_1686, 0 {pack_format = #tpu.pack_format<interleaved>} : vector<32xbf16> -> vector<16xf32>
          %unpack3A_1688 = tpu.unpack_subelements %bitcast3A_1686, 1 {pack_format = #tpu.pack_format<interleaved>} : vector<32xbf16> -> vector<16xf32>
          %mul3A_1689 = arith.mulf %unpack3A_1687, %unpack3A_1379 : vector<16xf32>
          %add3A_1690 = arith.addf %add3A_1363, %mul3A_1689 : vector<16xf32>
          %mul3A_1691 = arith.mulf %unpack3A_1688, %unpack3A_1380 : vector<16xf32>
          %add3A_1692 = arith.addf %add3A_1690, %mul3A_1691 : vector<16xf32>
          %mul3A_1693 = arith.constant 4 : i32
          %mul3A_1694 = arith.muli %scan3A_688, %mul3A_1693 : i32
          %add3A_1695 = arith.constant 3 : i32
          %add3A_1696 = arith.addi %mul3A_1694, %add3A_1695 : i32
          %add3A_1697 = vector.broadcast %add3A_1696 : i32 to vector<16xi32>
          %add3A_1698 = arith.addi %iota3A, %add3A_1697 : vector<16xi32>
          %and3A_1699 = arith.constant 31 : i32
          %and3A_1700 = vector.broadcast %and3A_1699 : i32 to vector<16xi32>
          %and3A_1701 = arith.andi %add3A_1698, %and3A_1700 : vector<16xi32>
          %gather3A_1702 = arith.constant 0 : i32
          %gather3A_1703 = arith.constant 0 : i32
          %gather3A_1704 = tpu.memref_slice %arg14[%scan3A_497, %gather3A_1702, %gather3A_1703] : memref<2x64x32xi32, #tpu.memory_space<vmem>> -> memref<1x64x32xi32, #tpu.memory_space<vmem>>
          %gather3A_1705 = tpu.memref_squeeze %gather3A_1704 : memref<1x64x32xi32, #tpu.memory_space<vmem>> -> memref<64x32xi32, #tpu.memory_space<vmem>>
          %gather3A_1706 = tpu.vector_load_idx %gather3A_1705[%add3A_509, %and3A_1701] : memref<64x32xi32, #tpu.memory_space<vmem>>[vector<16xi32>, vector<16xi32>], vector<16xi32>,
          %bitcast3A_1707 = vector.bitcast %gather3A_1706 : vector<16xi32> to vector<32xbf16>
          %unpack3A_1708 = tpu.unpack_subelements %bitcast3A_1707, 0 {pack_format = #tpu.pack_format<interleaved>} : vector<32xbf16> -> vector<16xf32>
          %unpack3A_1709 = tpu.unpack_subelements %bitcast3A_1707, 1 {pack_format = #tpu.pack_format<interleaved>} : vector<32xbf16> -> vector<16xf32>
          %gather3A_1710 = arith.constant 0 : i32
          %gather3A_1711 = arith.constant 0 : i32
          %gather3A_1712 = tpu.memref_slice %arg15[%scan3A_498, %gather3A_1710, %gather3A_1711] : memref<2x64x32xi32, #tpu.memory_space<vmem>> -> memref<1x64x32xi32, #tpu.memory_space<vmem>>
          %gather3A_1713 = tpu.memref_squeeze %gather3A_1712 : memref<1x64x32xi32, #tpu.memory_space<vmem>> -> memref<64x32xi32, #tpu.memory_space<vmem>>
          %gather3A_1714 = tpu.vector_load_idx %gather3A_1713[%add3A_509, %and3A_1701] : memref<64x32xi32, #tpu.memory_space<vmem>>[vector<16xi32>, vector<16xi32>], vector<16xi32>,
          %bitcast3A_1715 = vector.bitcast %gather3A_1714 : vector<16xi32> to vector<32xbf16>
          %unpack3A_1716 = tpu.unpack_subelements %bitcast3A_1715, 0 {pack_format = #tpu.pack_format<interleaved>} : vector<32xbf16> -> vector<16xf32>
          %unpack3A_1717 = tpu.unpack_subelements %bitcast3A_1715, 1 {pack_format = #tpu.pack_format<interleaved>} : vector<32xbf16> -> vector<16xf32>
          %mul3A_1718 = arith.mulf %unpack3A_1708, %unpack3A_1716 : vector<16xf32>
          %add3A_1719 = arith.addf %add3A_1392, %mul3A_1718 : vector<16xf32>
          %mul3A_1720 = arith.mulf %unpack3A_1709, %unpack3A_1717 : vector<16xf32>
          %add3A_1721 = arith.addf %add3A_1719, %mul3A_1720 : vector<16xf32>
          %add3A_1722 = arith.constant 0 : i32
          %add3A_1723 = vector.broadcast %add3A_1722 : i32 to vector<16xi32>
          %add3A_1724 = arith.addi %mul3A_512, %add3A_1723 : vector<16xi32>
          %gather3A_1725 = arith.constant 0 : i32
          %gather3A_1726 = arith.constant 0 : i32
          %gather3A_1727 = tpu.memref_slice %arg16[%scan3A_499, %gather3A_1725, %gather3A_1726] : memref<2x1280x32xi32, #tpu.memory_space<vmem>> -> memref<1x1280x32xi32, #tpu.memory_space<vmem>>
          %gather3A_1728 = tpu.memref_squeeze %gather3A_1727 : memref<1x1280x32xi32, #tpu.memory_space<vmem>> -> memref<1280x32xi32, #tpu.memory_space<vmem>>
          %gather3A_1729 = tpu.vector_load_idx %gather3A_1728[%add3A_1724, %and3A_1701] : memref<1280x32xi32, #tpu.memory_space<vmem>>[vector<16xi32>, vector<16xi32>], vector<16xi32>,
          %bitcast3A_1730 = vector.bitcast %gather3A_1729 : vector<16xi32> to vector<32xbf16>
          %unpack3A_1731 = tpu.unpack_subelements %bitcast3A_1730, 0 {pack_format = #tpu.pack_format<interleaved>} : vector<32xbf16> -> vector<16xf32>
          %unpack3A_1732 = tpu.unpack_subelements %bitcast3A_1730, 1 {pack_format = #tpu.pack_format<interleaved>} : vector<32xbf16> -> vector<16xf32>
          %mul3A_1733 = arith.mulf %unpack3A_1731, %unpack3A_1708 : vector<16xf32>
          %add3A_1734 = arith.addf %add3A_1407, %mul3A_1733 : vector<16xf32>
          %mul3A_1735 = arith.mulf %unpack3A_1732, %unpack3A_1709 : vector<16xf32>
          %add3A_1736 = arith.addf %add3A_1734, %mul3A_1735 : vector<16xf32>
          %add3A_1737 = arith.constant 1 : i32
          %add3A_1738 = vector.broadcast %add3A_1737 : i32 to vector<16xi32>
          %add3A_1739 = arith.addi %mul3A_512, %add3A_1738 : vector<16xi32>
          %gather3A_1740 = arith.constant 0 : i32
          %gather3A_1741 = arith.constant 0 : i32
          %gather3A_1742 = tpu.memref_slice %arg16[%scan3A_499, %gather3A_1740, %gather3A_1741] : memref<2x1280x32xi32, #tpu.memory_space<vmem>> -> memref<1x1280x32xi32, #tpu.memory_space<vmem>>
          %gather3A_1743 = tpu.memref_squeeze %gather3A_1742 : memref<1x1280x32xi32, #tpu.memory_space<vmem>> -> memref<1280x32xi32, #tpu.memory_space<vmem>>
          %gather3A_1744 = tpu.vector_load_idx %gather3A_1743[%add3A_1739, %and3A_1701] : memref<1280x32xi32, #tpu.memory_space<vmem>>[vector<16xi32>, vector<16xi32>], vector<16xi32>,
          %bitcast3A_1745 = vector.bitcast %gather3A_1744 : vector<16xi32> to vector<32xbf16>
          %unpack3A_1746 = tpu.unpack_subelements %bitcast3A_1745, 0 {pack_format = #tpu.pack_format<interleaved>} : vector<32xbf16> -> vector<16xf32>
          %unpack3A_1747 = tpu.unpack_subelements %bitcast3A_1745, 1 {pack_format = #tpu.pack_format<interleaved>} : vector<32xbf16> -> vector<16xf32>
          %mul3A_1748 = arith.mulf %unpack3A_1746, %unpack3A_1708 : vector<16xf32>
          %add3A_1749 = arith.addf %add3A_1422, %mul3A_1748 : vector<16xf32>
          %mul3A_1750 = arith.mulf %unpack3A_1747, %unpack3A_1709 : vector<16xf32>
          %add3A_1751 = arith.addf %add3A_1749, %mul3A_1750 : vector<16xf32>
          %add3A_1752 = arith.constant 2 : i32
          %add3A_1753 = vector.broadcast %add3A_1752 : i32 to vector<16xi32>
          %add3A_1754 = arith.addi %mul3A_512, %add3A_1753 : vector<16xi32>
          %gather3A_1755 = arith.constant 0 : i32
          %gather3A_1756 = arith.constant 0 : i32
          %gather3A_1757 = tpu.memref_slice %arg16[%scan3A_499, %gather3A_1755, %gather3A_1756] : memref<2x1280x32xi32, #tpu.memory_space<vmem>> -> memref<1x1280x32xi32, #tpu.memory_space<vmem>>
          %gather3A_1758 = tpu.memref_squeeze %gather3A_1757 : memref<1x1280x32xi32, #tpu.memory_space<vmem>> -> memref<1280x32xi32, #tpu.memory_space<vmem>>
          %gather3A_1759 = tpu.vector_load_idx %gather3A_1758[%add3A_1754, %and3A_1701] : memref<1280x32xi32, #tpu.memory_space<vmem>>[vector<16xi32>, vector<16xi32>], vector<16xi32>,
          %bitcast3A_1760 = vector.bitcast %gather3A_1759 : vector<16xi32> to vector<32xbf16>
          %unpack3A_1761 = tpu.unpack_subelements %bitcast3A_1760, 0 {pack_format = #tpu.pack_format<interleaved>} : vector<32xbf16> -> vector<16xf32>
          %unpack3A_1762 = tpu.unpack_subelements %bitcast3A_1760, 1 {pack_format = #tpu.pack_format<interleaved>} : vector<32xbf16> -> vector<16xf32>
          %mul3A_1763 = arith.mulf %unpack3A_1761, %unpack3A_1708 : vector<16xf32>
          %add3A_1764 = arith.addf %add3A_1437, %mul3A_1763 : vector<16xf32>
          %mul3A_1765 = arith.mulf %unpack3A_1762, %unpack3A_1709 : vector<16xf32>
          %add3A_1766 = arith.addf %add3A_1764, %mul3A_1765 : vector<16xf32>
          %add3A_1767 = arith.constant 3 : i32
          %add3A_1768 = vector.broadcast %add3A_1767 : i32 to vector<16xi32>
          %add3A_1769 = arith.addi %mul3A_512, %add3A_1768 : vector<16xi32>
          %gather3A_1770 = arith.constant 0 : i32
          %gather3A_1771 = arith.constant 0 : i32
          %gather3A_1772 = tpu.memref_slice %arg16[%scan3A_499, %gather3A_1770, %gather3A_1771] : memref<2x1280x32xi32, #tpu.memory_space<vmem>> -> memref<1x1280x32xi32, #tpu.memory_space<vmem>>
          %gather3A_1773 = tpu.memref_squeeze %gather3A_1772 : memref<1x1280x32xi32, #tpu.memory_space<vmem>> -> memref<1280x32xi32, #tpu.memory_space<vmem>>
          %gather3A_1774 = tpu.vector_load_idx %gather3A_1773[%add3A_1769, %and3A_1701] : memref<1280x32xi32, #tpu.memory_space<vmem>>[vector<16xi32>, vector<16xi32>], vector<16xi32>,
          %bitcast3A_1775 = vector.bitcast %gather3A_1774 : vector<16xi32> to vector<32xbf16>
          %unpack3A_1776 = tpu.unpack_subelements %bitcast3A_1775, 0 {pack_format = #tpu.pack_format<interleaved>} : vector<32xbf16> -> vector<16xf32>
          %unpack3A_1777 = tpu.unpack_subelements %bitcast3A_1775, 1 {pack_format = #tpu.pack_format<interleaved>} : vector<32xbf16> -> vector<16xf32>
          %mul3A_1778 = arith.mulf %unpack3A_1776, %unpack3A_1708 : vector<16xf32>
          %add3A_1779 = arith.addf %add3A_1452, %mul3A_1778 : vector<16xf32>
          %mul3A_1780 = arith.mulf %unpack3A_1777, %unpack3A_1709 : vector<16xf32>
          %add3A_1781 = arith.addf %add3A_1779, %mul3A_1780 : vector<16xf32>
          %add3A_1782 = arith.constant 4 : i32
          %add3A_1783 = vector.broadcast %add3A_1782 : i32 to vector<16xi32>
          %add3A_1784 = arith.addi %mul3A_512, %add3A_1783 : vector<16xi32>
          %gather3A_1785 = arith.constant 0 : i32
          %gather3A_1786 = arith.constant 0 : i32
          %gather3A_1787 = tpu.memref_slice %arg16[%scan3A_499, %gather3A_1785, %gather3A_1786] : memref<2x1280x32xi32, #tpu.memory_space<vmem>> -> memref<1x1280x32xi32, #tpu.memory_space<vmem>>
          %gather3A_1788 = tpu.memref_squeeze %gather3A_1787 : memref<1x1280x32xi32, #tpu.memory_space<vmem>> -> memref<1280x32xi32, #tpu.memory_space<vmem>>
          %gather3A_1789 = tpu.vector_load_idx %gather3A_1788[%add3A_1784, %and3A_1701] : memref<1280x32xi32, #tpu.memory_space<vmem>>[vector<16xi32>, vector<16xi32>], vector<16xi32>,
          %bitcast3A_1790 = vector.bitcast %gather3A_1789 : vector<16xi32> to vector<32xbf16>
          %unpack3A_1791 = tpu.unpack_subelements %bitcast3A_1790, 0 {pack_format = #tpu.pack_format<interleaved>} : vector<32xbf16> -> vector<16xf32>
          %unpack3A_1792 = tpu.unpack_subelements %bitcast3A_1790, 1 {pack_format = #tpu.pack_format<interleaved>} : vector<32xbf16> -> vector<16xf32>
          %mul3A_1793 = arith.mulf %unpack3A_1791, %unpack3A_1708 : vector<16xf32>
          %add3A_1794 = arith.addf %add3A_1467, %mul3A_1793 : vector<16xf32>
          %mul3A_1795 = arith.mulf %unpack3A_1792, %unpack3A_1709 : vector<16xf32>
          %add3A_1796 = arith.addf %add3A_1794, %mul3A_1795 : vector<16xf32>
          %add3A_1797 = arith.constant 5 : i32
          %add3A_1798 = vector.broadcast %add3A_1797 : i32 to vector<16xi32>
          %add3A_1799 = arith.addi %mul3A_512, %add3A_1798 : vector<16xi32>
          %gather3A_1800 = arith.constant 0 : i32
          %gather3A_1801 = arith.constant 0 : i32
          %gather3A_1802 = tpu.memref_slice %arg16[%scan3A_499, %gather3A_1800, %gather3A_1801] : memref<2x1280x32xi32, #tpu.memory_space<vmem>> -> memref<1x1280x32xi32, #tpu.memory_space<vmem>>
          %gather3A_1803 = tpu.memref_squeeze %gather3A_1802 : memref<1x1280x32xi32, #tpu.memory_space<vmem>> -> memref<1280x32xi32, #tpu.memory_space<vmem>>
          %gather3A_1804 = tpu.vector_load_idx %gather3A_1803[%add3A_1799, %and3A_1701] : memref<1280x32xi32, #tpu.memory_space<vmem>>[vector<16xi32>, vector<16xi32>], vector<16xi32>,
          %bitcast3A_1805 = vector.bitcast %gather3A_1804 : vector<16xi32> to vector<32xbf16>
          %unpack3A_1806 = tpu.unpack_subelements %bitcast3A_1805, 0 {pack_format = #tpu.pack_format<interleaved>} : vector<32xbf16> -> vector<16xf32>
          %unpack3A_1807 = tpu.unpack_subelements %bitcast3A_1805, 1 {pack_format = #tpu.pack_format<interleaved>} : vector<32xbf16> -> vector<16xf32>
          %mul3A_1808 = arith.mulf %unpack3A_1806, %unpack3A_1708 : vector<16xf32>
          %add3A_1809 = arith.addf %add3A_1482, %mul3A_1808 : vector<16xf32>
          %mul3A_1810 = arith.mulf %unpack3A_1807, %unpack3A_1709 : vector<16xf32>
          %add3A_1811 = arith.addf %add3A_1809, %mul3A_1810 : vector<16xf32>
          %add3A_1812 = arith.constant 6 : i32
          %add3A_1813 = vector.broadcast %add3A_1812 : i32 to vector<16xi32>
          %add3A_1814 = arith.addi %mul3A_512, %add3A_1813 : vector<16xi32>
          %gather3A_1815 = arith.constant 0 : i32
          %gather3A_1816 = arith.constant 0 : i32
          %gather3A_1817 = tpu.memref_slice %arg16[%scan3A_499, %gather3A_1815, %gather3A_1816] : memref<2x1280x32xi32, #tpu.memory_space<vmem>> -> memref<1x1280x32xi32, #tpu.memory_space<vmem>>
          %gather3A_1818 = tpu.memref_squeeze %gather3A_1817 : memref<1x1280x32xi32, #tpu.memory_space<vmem>> -> memref<1280x32xi32, #tpu.memory_space<vmem>>
          %gather3A_1819 = tpu.vector_load_idx %gather3A_1818[%add3A_1814, %and3A_1701] : memref<1280x32xi32, #tpu.memory_space<vmem>>[vector<16xi32>, vector<16xi32>], vector<16xi32>,
          %bitcast3A_1820 = vector.bitcast %gather3A_1819 : vector<16xi32> to vector<32xbf16>
          %unpack3A_1821 = tpu.unpack_subelements %bitcast3A_1820, 0 {pack_format = #tpu.pack_format<interleaved>} : vector<32xbf16> -> vector<16xf32>
          %unpack3A_1822 = tpu.unpack_subelements %bitcast3A_1820, 1 {pack_format = #tpu.pack_format<interleaved>} : vector<32xbf16> -> vector<16xf32>
          %mul3A_1823 = arith.mulf %unpack3A_1821, %unpack3A_1708 : vector<16xf32>
          %add3A_1824 = arith.addf %add3A_1497, %mul3A_1823 : vector<16xf32>
          %mul3A_1825 = arith.mulf %unpack3A_1822, %unpack3A_1709 : vector<16xf32>
          %add3A_1826 = arith.addf %add3A_1824, %mul3A_1825 : vector<16xf32>
          %add3A_1827 = arith.constant 7 : i32
          %add3A_1828 = vector.broadcast %add3A_1827 : i32 to vector<16xi32>
          %add3A_1829 = arith.addi %mul3A_512, %add3A_1828 : vector<16xi32>
          %gather3A_1830 = arith.constant 0 : i32
          %gather3A_1831 = arith.constant 0 : i32
          %gather3A_1832 = tpu.memref_slice %arg16[%scan3A_499, %gather3A_1830, %gather3A_1831] : memref<2x1280x32xi32, #tpu.memory_space<vmem>> -> memref<1x1280x32xi32, #tpu.memory_space<vmem>>
          %gather3A_1833 = tpu.memref_squeeze %gather3A_1832 : memref<1x1280x32xi32, #tpu.memory_space<vmem>> -> memref<1280x32xi32, #tpu.memory_space<vmem>>
          %gather3A_1834 = tpu.vector_load_idx %gather3A_1833[%add3A_1829, %and3A_1701] : memref<1280x32xi32, #tpu.memory_space<vmem>>[vector<16xi32>, vector<16xi32>], vector<16xi32>,
          %bitcast3A_1835 = vector.bitcast %gather3A_1834 : vector<16xi32> to vector<32xbf16>
          %unpack3A_1836 = tpu.unpack_subelements %bitcast3A_1835, 0 {pack_format = #tpu.pack_format<interleaved>} : vector<32xbf16> -> vector<16xf32>
          %unpack3A_1837 = tpu.unpack_subelements %bitcast3A_1835, 1 {pack_format = #tpu.pack_format<interleaved>} : vector<32xbf16> -> vector<16xf32>
          %mul3A_1838 = arith.mulf %unpack3A_1836, %unpack3A_1708 : vector<16xf32>
          %add3A_1839 = arith.addf %add3A_1512, %mul3A_1838 : vector<16xf32>
          %mul3A_1840 = arith.mulf %unpack3A_1837, %unpack3A_1709 : vector<16xf32>
          %add3A_1841 = arith.addf %add3A_1839, %mul3A_1840 : vector<16xf32>
          %add3A_1842 = arith.constant 8 : i32
          %add3A_1843 = vector.broadcast %add3A_1842 : i32 to vector<16xi32>
          %add3A_1844 = arith.addi %mul3A_512, %add3A_1843 : vector<16xi32>
          %gather3A_1845 = arith.constant 0 : i32
          %gather3A_1846 = arith.constant 0 : i32
          %gather3A_1847 = tpu.memref_slice %arg16[%scan3A_499, %gather3A_1845, %gather3A_1846] : memref<2x1280x32xi32, #tpu.memory_space<vmem>> -> memref<1x1280x32xi32, #tpu.memory_space<vmem>>
          %gather3A_1848 = tpu.memref_squeeze %gather3A_1847 : memref<1x1280x32xi32, #tpu.memory_space<vmem>> -> memref<1280x32xi32, #tpu.memory_space<vmem>>
          %gather3A_1849 = tpu.vector_load_idx %gather3A_1848[%add3A_1844, %and3A_1701] : memref<1280x32xi32, #tpu.memory_space<vmem>>[vector<16xi32>, vector<16xi32>], vector<16xi32>,
          %bitcast3A_1850 = vector.bitcast %gather3A_1849 : vector<16xi32> to vector<32xbf16>
          %unpack3A_1851 = tpu.unpack_subelements %bitcast3A_1850, 0 {pack_format = #tpu.pack_format<interleaved>} : vector<32xbf16> -> vector<16xf32>
          %unpack3A_1852 = tpu.unpack_subelements %bitcast3A_1850, 1 {pack_format = #tpu.pack_format<interleaved>} : vector<32xbf16> -> vector<16xf32>
          %mul3A_1853 = arith.mulf %unpack3A_1851, %unpack3A_1708 : vector<16xf32>
          %add3A_1854 = arith.addf %add3A_1527, %mul3A_1853 : vector<16xf32>
          %mul3A_1855 = arith.mulf %unpack3A_1852, %unpack3A_1709 : vector<16xf32>
          %add3A_1856 = arith.addf %add3A_1854, %mul3A_1855 : vector<16xf32>
          %add3A_1857 = arith.constant 9 : i32
          %add3A_1858 = vector.broadcast %add3A_1857 : i32 to vector<16xi32>
          %add3A_1859 = arith.addi %mul3A_512, %add3A_1858 : vector<16xi32>
          %gather3A_1860 = arith.constant 0 : i32
          %gather3A_1861 = arith.constant 0 : i32
          %gather3A_1862 = tpu.memref_slice %arg16[%scan3A_499, %gather3A_1860, %gather3A_1861] : memref<2x1280x32xi32, #tpu.memory_space<vmem>> -> memref<1x1280x32xi32, #tpu.memory_space<vmem>>
          %gather3A_1863 = tpu.memref_squeeze %gather3A_1862 : memref<1x1280x32xi32, #tpu.memory_space<vmem>> -> memref<1280x32xi32, #tpu.memory_space<vmem>>
          %gather3A_1864 = tpu.vector_load_idx %gather3A_1863[%add3A_1859, %and3A_1701] : memref<1280x32xi32, #tpu.memory_space<vmem>>[vector<16xi32>, vector<16xi32>], vector<16xi32>,
          %bitcast3A_1865 = vector.bitcast %gather3A_1864 : vector<16xi32> to vector<32xbf16>
          %unpack3A_1866 = tpu.unpack_subelements %bitcast3A_1865, 0 {pack_format = #tpu.pack_format<interleaved>} : vector<32xbf16> -> vector<16xf32>
          %unpack3A_1867 = tpu.unpack_subelements %bitcast3A_1865, 1 {pack_format = #tpu.pack_format<interleaved>} : vector<32xbf16> -> vector<16xf32>
          %mul3A_1868 = arith.mulf %unpack3A_1866, %unpack3A_1708 : vector<16xf32>
          %add3A_1869 = arith.addf %add3A_1542, %mul3A_1868 : vector<16xf32>
          %mul3A_1870 = arith.mulf %unpack3A_1867, %unpack3A_1709 : vector<16xf32>
          %add3A_1871 = arith.addf %add3A_1869, %mul3A_1870 : vector<16xf32>
          %add3A_1872 = arith.constant 10 : i32
          %add3A_1873 = vector.broadcast %add3A_1872 : i32 to vector<16xi32>
          %add3A_1874 = arith.addi %mul3A_512, %add3A_1873 : vector<16xi32>
          %gather3A_1875 = arith.constant 0 : i32
          %gather3A_1876 = arith.constant 0 : i32
          %gather3A_1877 = tpu.memref_slice %arg16[%scan3A_499, %gather3A_1875, %gather3A_1876] : memref<2x1280x32xi32, #tpu.memory_space<vmem>> -> memref<1x1280x32xi32, #tpu.memory_space<vmem>>
          %gather3A_1878 = tpu.memref_squeeze %gather3A_1877 : memref<1x1280x32xi32, #tpu.memory_space<vmem>> -> memref<1280x32xi32, #tpu.memory_space<vmem>>
          %gather3A_1879 = tpu.vector_load_idx %gather3A_1878[%add3A_1874, %and3A_1701] : memref<1280x32xi32, #tpu.memory_space<vmem>>[vector<16xi32>, vector<16xi32>], vector<16xi32>,
          %bitcast3A_1880 = vector.bitcast %gather3A_1879 : vector<16xi32> to vector<32xbf16>
          %unpack3A_1881 = tpu.unpack_subelements %bitcast3A_1880, 0 {pack_format = #tpu.pack_format<interleaved>} : vector<32xbf16> -> vector<16xf32>
          %unpack3A_1882 = tpu.unpack_subelements %bitcast3A_1880, 1 {pack_format = #tpu.pack_format<interleaved>} : vector<32xbf16> -> vector<16xf32>
          %mul3A_1883 = arith.mulf %unpack3A_1881, %unpack3A_1708 : vector<16xf32>
          %add3A_1884 = arith.addf %add3A_1557, %mul3A_1883 : vector<16xf32>
          %mul3A_1885 = arith.mulf %unpack3A_1882, %unpack3A_1709 : vector<16xf32>
          %add3A_1886 = arith.addf %add3A_1884, %mul3A_1885 : vector<16xf32>
          %add3A_1887 = arith.constant 11 : i32
          %add3A_1888 = vector.broadcast %add3A_1887 : i32 to vector<16xi32>
          %add3A_1889 = arith.addi %mul3A_512, %add3A_1888 : vector<16xi32>
          %gather3A_1890 = arith.constant 0 : i32
          %gather3A_1891 = arith.constant 0 : i32
          %gather3A_1892 = tpu.memref_slice %arg16[%scan3A_499, %gather3A_1890, %gather3A_1891] : memref<2x1280x32xi32, #tpu.memory_space<vmem>> -> memref<1x1280x32xi32, #tpu.memory_space<vmem>>
          %gather3A_1893 = tpu.memref_squeeze %gather3A_1892 : memref<1x1280x32xi32, #tpu.memory_space<vmem>> -> memref<1280x32xi32, #tpu.memory_space<vmem>>
          %gather3A_1894 = tpu.vector_load_idx %gather3A_1893[%add3A_1889, %and3A_1701] : memref<1280x32xi32, #tpu.memory_space<vmem>>[vector<16xi32>, vector<16xi32>], vector<16xi32>,
          %bitcast3A_1895 = vector.bitcast %gather3A_1894 : vector<16xi32> to vector<32xbf16>
          %unpack3A_1896 = tpu.unpack_subelements %bitcast3A_1895, 0 {pack_format = #tpu.pack_format<interleaved>} : vector<32xbf16> -> vector<16xf32>
          %unpack3A_1897 = tpu.unpack_subelements %bitcast3A_1895, 1 {pack_format = #tpu.pack_format<interleaved>} : vector<32xbf16> -> vector<16xf32>
          %mul3A_1898 = arith.mulf %unpack3A_1896, %unpack3A_1708 : vector<16xf32>
          %add3A_1899 = arith.addf %add3A_1572, %mul3A_1898 : vector<16xf32>
          %mul3A_1900 = arith.mulf %unpack3A_1897, %unpack3A_1709 : vector<16xf32>
          %add3A_1901 = arith.addf %add3A_1899, %mul3A_1900 : vector<16xf32>
          %add3A_1902 = arith.constant 12 : i32
          %add3A_1903 = vector.broadcast %add3A_1902 : i32 to vector<16xi32>
          %add3A_1904 = arith.addi %mul3A_512, %add3A_1903 : vector<16xi32>
          %gather3A_1905 = arith.constant 0 : i32
          %gather3A_1906 = arith.constant 0 : i32
          %gather3A_1907 = tpu.memref_slice %arg16[%scan3A_499, %gather3A_1905, %gather3A_1906] : memref<2x1280x32xi32, #tpu.memory_space<vmem>> -> memref<1x1280x32xi32, #tpu.memory_space<vmem>>
          %gather3A_1908 = tpu.memref_squeeze %gather3A_1907 : memref<1x1280x32xi32, #tpu.memory_space<vmem>> -> memref<1280x32xi32, #tpu.memory_space<vmem>>
          %gather3A_1909 = tpu.vector_load_idx %gather3A_1908[%add3A_1904, %and3A_1701] : memref<1280x32xi32, #tpu.memory_space<vmem>>[vector<16xi32>, vector<16xi32>], vector<16xi32>,
          %bitcast3A_1910 = vector.bitcast %gather3A_1909 : vector<16xi32> to vector<32xbf16>
          %unpack3A_1911 = tpu.unpack_subelements %bitcast3A_1910, 0 {pack_format = #tpu.pack_format<interleaved>} : vector<32xbf16> -> vector<16xf32>
          %unpack3A_1912 = tpu.unpack_subelements %bitcast3A_1910, 1 {pack_format = #tpu.pack_format<interleaved>} : vector<32xbf16> -> vector<16xf32>
          %mul3A_1913 = arith.mulf %unpack3A_1911, %unpack3A_1708 : vector<16xf32>
          %add3A_1914 = arith.addf %add3A_1587, %mul3A_1913 : vector<16xf32>
          %mul3A_1915 = arith.mulf %unpack3A_1912, %unpack3A_1709 : vector<16xf32>
          %add3A_1916 = arith.addf %add3A_1914, %mul3A_1915 : vector<16xf32>
          %add3A_1917 = arith.constant 13 : i32
          %add3A_1918 = vector.broadcast %add3A_1917 : i32 to vector<16xi32>
          %add3A_1919 = arith.addi %mul3A_512, %add3A_1918 : vector<16xi32>
          %gather3A_1920 = arith.constant 0 : i32
          %gather3A_1921 = arith.constant 0 : i32
          %gather3A_1922 = tpu.memref_slice %arg16[%scan3A_499, %gather3A_1920, %gather3A_1921] : memref<2x1280x32xi32, #tpu.memory_space<vmem>> -> memref<1x1280x32xi32, #tpu.memory_space<vmem>>
          %gather3A_1923 = tpu.memref_squeeze %gather3A_1922 : memref<1x1280x32xi32, #tpu.memory_space<vmem>> -> memref<1280x32xi32, #tpu.memory_space<vmem>>
          %gather3A_1924 = tpu.vector_load_idx %gather3A_1923[%add3A_1919, %and3A_1701] : memref<1280x32xi32, #tpu.memory_space<vmem>>[vector<16xi32>, vector<16xi32>], vector<16xi32>,
          %bitcast3A_1925 = vector.bitcast %gather3A_1924 : vector<16xi32> to vector<32xbf16>
          %unpack3A_1926 = tpu.unpack_subelements %bitcast3A_1925, 0 {pack_format = #tpu.pack_format<interleaved>} : vector<32xbf16> -> vector<16xf32>
          %unpack3A_1927 = tpu.unpack_subelements %bitcast3A_1925, 1 {pack_format = #tpu.pack_format<interleaved>} : vector<32xbf16> -> vector<16xf32>
          %mul3A_1928 = arith.mulf %unpack3A_1926, %unpack3A_1708 : vector<16xf32>
          %add3A_1929 = arith.addf %add3A_1602, %mul3A_1928 : vector<16xf32>
          %mul3A_1930 = arith.mulf %unpack3A_1927, %unpack3A_1709 : vector<16xf32>
          %add3A_1931 = arith.addf %add3A_1929, %mul3A_1930 : vector<16xf32>
          %add3A_1932 = arith.constant 14 : i32
          %add3A_1933 = vector.broadcast %add3A_1932 : i32 to vector<16xi32>
          %add3A_1934 = arith.addi %mul3A_512, %add3A_1933 : vector<16xi32>
          %gather3A_1935 = arith.constant 0 : i32
          %gather3A_1936 = arith.constant 0 : i32
          %gather3A_1937 = tpu.memref_slice %arg16[%scan3A_499, %gather3A_1935, %gather3A_1936] : memref<2x1280x32xi32, #tpu.memory_space<vmem>> -> memref<1x1280x32xi32, #tpu.memory_space<vmem>>
          %gather3A_1938 = tpu.memref_squeeze %gather3A_1937 : memref<1x1280x32xi32, #tpu.memory_space<vmem>> -> memref<1280x32xi32, #tpu.memory_space<vmem>>
          %gather3A_1939 = tpu.vector_load_idx %gather3A_1938[%add3A_1934, %and3A_1701] : memref<1280x32xi32, #tpu.memory_space<vmem>>[vector<16xi32>, vector<16xi32>], vector<16xi32>,
          %bitcast3A_1940 = vector.bitcast %gather3A_1939 : vector<16xi32> to vector<32xbf16>
          %unpack3A_1941 = tpu.unpack_subelements %bitcast3A_1940, 0 {pack_format = #tpu.pack_format<interleaved>} : vector<32xbf16> -> vector<16xf32>
          %unpack3A_1942 = tpu.unpack_subelements %bitcast3A_1940, 1 {pack_format = #tpu.pack_format<interleaved>} : vector<32xbf16> -> vector<16xf32>
          %mul3A_1943 = arith.mulf %unpack3A_1941, %unpack3A_1708 : vector<16xf32>
          %add3A_1944 = arith.addf %add3A_1617, %mul3A_1943 : vector<16xf32>
          %mul3A_1945 = arith.mulf %unpack3A_1942, %unpack3A_1709 : vector<16xf32>
          %add3A_1946 = arith.addf %add3A_1944, %mul3A_1945 : vector<16xf32>
          %add3A_1947 = arith.constant 15 : i32
          %add3A_1948 = vector.broadcast %add3A_1947 : i32 to vector<16xi32>
          %add3A_1949 = arith.addi %mul3A_512, %add3A_1948 : vector<16xi32>
          %gather3A_1950 = arith.constant 0 : i32
          %gather3A_1951 = arith.constant 0 : i32
          %gather3A_1952 = tpu.memref_slice %arg16[%scan3A_499, %gather3A_1950, %gather3A_1951] : memref<2x1280x32xi32, #tpu.memory_space<vmem>> -> memref<1x1280x32xi32, #tpu.memory_space<vmem>>
          %gather3A_1953 = tpu.memref_squeeze %gather3A_1952 : memref<1x1280x32xi32, #tpu.memory_space<vmem>> -> memref<1280x32xi32, #tpu.memory_space<vmem>>
          %gather3A_1954 = tpu.vector_load_idx %gather3A_1953[%add3A_1949, %and3A_1701] : memref<1280x32xi32, #tpu.memory_space<vmem>>[vector<16xi32>, vector<16xi32>], vector<16xi32>,
          %bitcast3A_1955 = vector.bitcast %gather3A_1954 : vector<16xi32> to vector<32xbf16>
          %unpack3A_1956 = tpu.unpack_subelements %bitcast3A_1955, 0 {pack_format = #tpu.pack_format<interleaved>} : vector<32xbf16> -> vector<16xf32>
          %unpack3A_1957 = tpu.unpack_subelements %bitcast3A_1955, 1 {pack_format = #tpu.pack_format<interleaved>} : vector<32xbf16> -> vector<16xf32>
          %mul3A_1958 = arith.mulf %unpack3A_1956, %unpack3A_1708 : vector<16xf32>
          %add3A_1959 = arith.addf %add3A_1632, %mul3A_1958 : vector<16xf32>
          %mul3A_1960 = arith.mulf %unpack3A_1957, %unpack3A_1709 : vector<16xf32>
          %add3A_1961 = arith.addf %add3A_1959, %mul3A_1960 : vector<16xf32>
          %add3A_1962 = arith.constant 16 : i32
          %add3A_1963 = vector.broadcast %add3A_1962 : i32 to vector<16xi32>
          %add3A_1964 = arith.addi %mul3A_512, %add3A_1963 : vector<16xi32>
          %gather3A_1965 = arith.constant 0 : i32
          %gather3A_1966 = arith.constant 0 : i32
          %gather3A_1967 = tpu.memref_slice %arg16[%scan3A_499, %gather3A_1965, %gather3A_1966] : memref<2x1280x32xi32, #tpu.memory_space<vmem>> -> memref<1x1280x32xi32, #tpu.memory_space<vmem>>
          %gather3A_1968 = tpu.memref_squeeze %gather3A_1967 : memref<1x1280x32xi32, #tpu.memory_space<vmem>> -> memref<1280x32xi32, #tpu.memory_space<vmem>>
          %gather3A_1969 = tpu.vector_load_idx %gather3A_1968[%add3A_1964, %and3A_1701] : memref<1280x32xi32, #tpu.memory_space<vmem>>[vector<16xi32>, vector<16xi32>], vector<16xi32>,
          %bitcast3A_1970 = vector.bitcast %gather3A_1969 : vector<16xi32> to vector<32xbf16>
          %unpack3A_1971 = tpu.unpack_subelements %bitcast3A_1970, 0 {pack_format = #tpu.pack_format<interleaved>} : vector<32xbf16> -> vector<16xf32>
          %unpack3A_1972 = tpu.unpack_subelements %bitcast3A_1970, 1 {pack_format = #tpu.pack_format<interleaved>} : vector<32xbf16> -> vector<16xf32>
          %mul3A_1973 = arith.mulf %unpack3A_1971, %unpack3A_1708 : vector<16xf32>
          %add3A_1974 = arith.addf %add3A_1647, %mul3A_1973 : vector<16xf32>
          %mul3A_1975 = arith.mulf %unpack3A_1972, %unpack3A_1709 : vector<16xf32>
          %add3A_1976 = arith.addf %add3A_1974, %mul3A_1975 : vector<16xf32>
          %add3A_1977 = arith.constant 17 : i32
          %add3A_1978 = vector.broadcast %add3A_1977 : i32 to vector<16xi32>
          %add3A_1979 = arith.addi %mul3A_512, %add3A_1978 : vector<16xi32>
          %gather3A_1980 = arith.constant 0 : i32
          %gather3A_1981 = arith.constant 0 : i32
          %gather3A_1982 = tpu.memref_slice %arg16[%scan3A_499, %gather3A_1980, %gather3A_1981] : memref<2x1280x32xi32, #tpu.memory_space<vmem>> -> memref<1x1280x32xi32, #tpu.memory_space<vmem>>
          %gather3A_1983 = tpu.memref_squeeze %gather3A_1982 : memref<1x1280x32xi32, #tpu.memory_space<vmem>> -> memref<1280x32xi32, #tpu.memory_space<vmem>>
          %gather3A_1984 = tpu.vector_load_idx %gather3A_1983[%add3A_1979, %and3A_1701] : memref<1280x32xi32, #tpu.memory_space<vmem>>[vector<16xi32>, vector<16xi32>], vector<16xi32>,
          %bitcast3A_1985 = vector.bitcast %gather3A_1984 : vector<16xi32> to vector<32xbf16>
          %unpack3A_1986 = tpu.unpack_subelements %bitcast3A_1985, 0 {pack_format = #tpu.pack_format<interleaved>} : vector<32xbf16> -> vector<16xf32>
          %unpack3A_1987 = tpu.unpack_subelements %bitcast3A_1985, 1 {pack_format = #tpu.pack_format<interleaved>} : vector<32xbf16> -> vector<16xf32>
          %mul3A_1988 = arith.mulf %unpack3A_1986, %unpack3A_1708 : vector<16xf32>
          %add3A_1989 = arith.addf %add3A_1662, %mul3A_1988 : vector<16xf32>
          %mul3A_1990 = arith.mulf %unpack3A_1987, %unpack3A_1709 : vector<16xf32>
          %add3A_1991 = arith.addf %add3A_1989, %mul3A_1990 : vector<16xf32>
          %add3A_1992 = arith.constant 18 : i32
          %add3A_1993 = vector.broadcast %add3A_1992 : i32 to vector<16xi32>
          %add3A_1994 = arith.addi %mul3A_512, %add3A_1993 : vector<16xi32>
          %gather3A_1995 = arith.constant 0 : i32
          %gather3A_1996 = arith.constant 0 : i32
          %gather3A_1997 = tpu.memref_slice %arg16[%scan3A_499, %gather3A_1995, %gather3A_1996] : memref<2x1280x32xi32, #tpu.memory_space<vmem>> -> memref<1x1280x32xi32, #tpu.memory_space<vmem>>
          %gather3A_1998 = tpu.memref_squeeze %gather3A_1997 : memref<1x1280x32xi32, #tpu.memory_space<vmem>> -> memref<1280x32xi32, #tpu.memory_space<vmem>>
          %gather3A_1999 = tpu.vector_load_idx %gather3A_1998[%add3A_1994, %and3A_1701] : memref<1280x32xi32, #tpu.memory_space<vmem>>[vector<16xi32>, vector<16xi32>], vector<16xi32>,
          %bitcast3A_2000 = vector.bitcast %gather3A_1999 : vector<16xi32> to vector<32xbf16>
          %unpack3A_2001 = tpu.unpack_subelements %bitcast3A_2000, 0 {pack_format = #tpu.pack_format<interleaved>} : vector<32xbf16> -> vector<16xf32>
          %unpack3A_2002 = tpu.unpack_subelements %bitcast3A_2000, 1 {pack_format = #tpu.pack_format<interleaved>} : vector<32xbf16> -> vector<16xf32>
          %mul3A_2003 = arith.mulf %unpack3A_2001, %unpack3A_1708 : vector<16xf32>
          %add3A_2004 = arith.addf %add3A_1677, %mul3A_2003 : vector<16xf32>
          %mul3A_2005 = arith.mulf %unpack3A_2002, %unpack3A_1709 : vector<16xf32>
          %add3A_2006 = arith.addf %add3A_2004, %mul3A_2005 : vector<16xf32>
          %add3A_2007 = arith.constant 19 : i32
          %add3A_2008 = vector.broadcast %add3A_2007 : i32 to vector<16xi32>
          %add3A_2009 = arith.addi %mul3A_512, %add3A_2008 : vector<16xi32>
          %gather3A_2010 = arith.constant 0 : i32
          %gather3A_2011 = arith.constant 0 : i32
          %gather3A_2012 = tpu.memref_slice %arg16[%scan3A_499, %gather3A_2010, %gather3A_2011] : memref<2x1280x32xi32, #tpu.memory_space<vmem>> -> memref<1x1280x32xi32, #tpu.memory_space<vmem>>
          %gather3A_2013 = tpu.memref_squeeze %gather3A_2012 : memref<1x1280x32xi32, #tpu.memory_space<vmem>> -> memref<1280x32xi32, #tpu.memory_space<vmem>>
          %gather3A_2014 = tpu.vector_load_idx %gather3A_2013[%add3A_2009, %and3A_1701] : memref<1280x32xi32, #tpu.memory_space<vmem>>[vector<16xi32>, vector<16xi32>], vector<16xi32>,
          %bitcast3A_2015 = vector.bitcast %gather3A_2014 : vector<16xi32> to vector<32xbf16>
          %unpack3A_2016 = tpu.unpack_subelements %bitcast3A_2015, 0 {pack_format = #tpu.pack_format<interleaved>} : vector<32xbf16> -> vector<16xf32>
          %unpack3A_2017 = tpu.unpack_subelements %bitcast3A_2015, 1 {pack_format = #tpu.pack_format<interleaved>} : vector<32xbf16> -> vector<16xf32>
          %mul3A_2018 = arith.mulf %unpack3A_2016, %unpack3A_1708 : vector<16xf32>
          %add3A_2019 = arith.addf %add3A_1692, %mul3A_2018 : vector<16xf32>
          %mul3A_2020 = arith.mulf %unpack3A_2017, %unpack3A_1709 : vector<16xf32>
          %add3A_2021 = arith.addf %add3A_2019, %mul3A_2020 : vector<16xf32>
          scf.yield %add3A_1721, %add3A_1736, %add3A_1751, %add3A_1766, %add3A_1781, %add3A_1796, %add3A_1811, %add3A_1826, %add3A_1841, %add3A_1856, %add3A_1871, %add3A_1886, %add3A_1901, %add3A_1916, %add3A_1931, %add3A_1946, %add3A_1961, %add3A_1976, %add3A_1991, %add3A_2006, %add3A_2021 : vector<16xf32>, vector<16xf32>, vector<16xf32>, vector<16xf32>, vector<16xf32>, vector<16xf32>, vector<16xf32>, vector<16xf32>, vector<16xf32>, vector<16xf32>, vector<16xf32>, vector<16xf32>, vector<16xf32>, vector<16xf32>, vector<16xf32>, vector<16xf32>, vector<16xf32>, vector<16xf32>, vector<16xf32>, vector<16xf32>, vector<16xf32>
        }
        %scan3A_559 = arith.constant 8 : i32
        %add3A_560 = arith.addi %mul3A_495, %mul3A_507 : i32
        %get3A = arith.index_cast %add3A_560 : i32 to index
        %get3A_561 = tpu.vector_load %arg13[%get3A] {strides = array<i32>} : memref<512xf32, #tpu.memory_space<vmem>>, vector<16xf32>,
        %add3A_562 = arith.addi %mul3A_495, %mul3A_507 : i32
        %swap3A = arith.index_cast %add3A_562 : i32 to index
        %swap3A_563 = tpu.vector_load %arg17[%swap3A] {strides = array<i32>} : memref<512xf32, #tpu.memory_space<vmem>>, vector<16xf32>,
        tpu.vector_store %arg17[%swap3A], %scan3A_558#0 {strides = array<i32>} : memref<512xf32, #tpu.memory_space<vmem>>, vector<16xf32>,
        %mul3A_564 = arith.constant 20 : i32
        %mul3A_565 = arith.muli %mul3A_495, %mul3A_564 : i32
        %add3A_566 = vector.broadcast %mul3A_565 : i32 to vector<16xi32>
        %add3A_567 = arith.addi %add3A_566, %mul3A_512 : vector<16xi32>
        %add3A_568 = arith.constant 0 : i32
        %add3A_569 = vector.broadcast %add3A_568 : i32 to vector<16xi32>
        %add3A_570 = arith.addi %add3A_567, %add3A_569 : vector<16xi32>
        tpu.vector_store_idx %arg18[%add3A_570], %scan3A_558#1 : memref<10240xf32, #tpu.memory_space<vmem>>[vector<16xi32>], vector<16xf32>,
        %add3A_571 = arith.constant 0 : i32
        %add3A_572 = vector.broadcast %add3A_571 : i32 to vector<16xi32>
        %add3A_573 = arith.addi %add3A_567, %add3A_572 : vector<16xi32>
        tpu.vector_store_idx %arg19[%add3A_573], %get3A_561 : memref<10240xf32, #tpu.memory_space<vmem>>[vector<16xi32>], vector<16xf32>,
        %add3A_574 = arith.constant 1 : i32
        %add3A_575 = vector.broadcast %add3A_574 : i32 to vector<16xi32>
        %add3A_576 = arith.addi %add3A_567, %add3A_575 : vector<16xi32>
        tpu.vector_store_idx %arg18[%add3A_576], %scan3A_558#2 : memref<10240xf32, #tpu.memory_space<vmem>>[vector<16xi32>], vector<16xf32>,
        %add3A_577 = arith.constant 1 : i32
        %add3A_578 = vector.broadcast %add3A_577 : i32 to vector<16xi32>
        %add3A_579 = arith.addi %add3A_567, %add3A_578 : vector<16xi32>
        tpu.vector_store_idx %arg19[%add3A_579], %get3A_561 : memref<10240xf32, #tpu.memory_space<vmem>>[vector<16xi32>], vector<16xf32>,
        %add3A_580 = arith.constant 2 : i32
        %add3A_581 = vector.broadcast %add3A_580 : i32 to vector<16xi32>
        %add3A_582 = arith.addi %add3A_567, %add3A_581 : vector<16xi32>
        tpu.vector_store_idx %arg18[%add3A_582], %scan3A_558#3 : memref<10240xf32, #tpu.memory_space<vmem>>[vector<16xi32>], vector<16xf32>,
        %add3A_583 = arith.constant 2 : i32
        %add3A_584 = vector.broadcast %add3A_583 : i32 to vector<16xi32>
        %add3A_585 = arith.addi %add3A_567, %add3A_584 : vector<16xi32>
        tpu.vector_store_idx %arg19[%add3A_585], %get3A_561 : memref<10240xf32, #tpu.memory_space<vmem>>[vector<16xi32>], vector<16xf32>,
        %add3A_586 = arith.constant 3 : i32
        %add3A_587 = vector.broadcast %add3A_586 : i32 to vector<16xi32>
        %add3A_588 = arith.addi %add3A_567, %add3A_587 : vector<16xi32>
        tpu.vector_store_idx %arg18[%add3A_588], %scan3A_558#4 : memref<10240xf32, #tpu.memory_space<vmem>>[vector<16xi32>], vector<16xf32>,
        %add3A_589 = arith.constant 3 : i32
        %add3A_590 = vector.broadcast %add3A_589 : i32 to vector<16xi32>
        %add3A_591 = arith.addi %add3A_567, %add3A_590 : vector<16xi32>
        tpu.vector_store_idx %arg19[%add3A_591], %get3A_561 : memref<10240xf32, #tpu.memory_space<vmem>>[vector<16xi32>], vector<16xf32>,
        %add3A_592 = arith.constant 4 : i32
        %add3A_593 = vector.broadcast %add3A_592 : i32 to vector<16xi32>
        %add3A_594 = arith.addi %add3A_567, %add3A_593 : vector<16xi32>
        tpu.vector_store_idx %arg18[%add3A_594], %scan3A_558#5 : memref<10240xf32, #tpu.memory_space<vmem>>[vector<16xi32>], vector<16xf32>,
        %add3A_595 = arith.constant 4 : i32
        %add3A_596 = vector.broadcast %add3A_595 : i32 to vector<16xi32>
        %add3A_597 = arith.addi %add3A_567, %add3A_596 : vector<16xi32>
        tpu.vector_store_idx %arg19[%add3A_597], %get3A_561 : memref<10240xf32, #tpu.memory_space<vmem>>[vector<16xi32>], vector<16xf32>,
        %add3A_598 = arith.constant 5 : i32
        %add3A_599 = vector.broadcast %add3A_598 : i32 to vector<16xi32>
        %add3A_600 = arith.addi %add3A_567, %add3A_599 : vector<16xi32>
        tpu.vector_store_idx %arg18[%add3A_600], %scan3A_558#6 : memref<10240xf32, #tpu.memory_space<vmem>>[vector<16xi32>], vector<16xf32>,
        %add3A_601 = arith.constant 5 : i32
        %add3A_602 = vector.broadcast %add3A_601 : i32 to vector<16xi32>
        %add3A_603 = arith.addi %add3A_567, %add3A_602 : vector<16xi32>
        tpu.vector_store_idx %arg19[%add3A_603], %get3A_561 : memref<10240xf32, #tpu.memory_space<vmem>>[vector<16xi32>], vector<16xf32>,
        %add3A_604 = arith.constant 6 : i32
        %add3A_605 = vector.broadcast %add3A_604 : i32 to vector<16xi32>
        %add3A_606 = arith.addi %add3A_567, %add3A_605 : vector<16xi32>
        tpu.vector_store_idx %arg18[%add3A_606], %scan3A_558#7 : memref<10240xf32, #tpu.memory_space<vmem>>[vector<16xi32>], vector<16xf32>,
        %add3A_607 = arith.constant 6 : i32
        %add3A_608 = vector.broadcast %add3A_607 : i32 to vector<16xi32>
        %add3A_609 = arith.addi %add3A_567, %add3A_608 : vector<16xi32>
        tpu.vector_store_idx %arg19[%add3A_609], %get3A_561 : memref<10240xf32, #tpu.memory_space<vmem>>[vector<16xi32>], vector<16xf32>,
        %add3A_610 = arith.constant 7 : i32
        %add3A_611 = vector.broadcast %add3A_610 : i32 to vector<16xi32>
        %add3A_612 = arith.addi %add3A_567, %add3A_611 : vector<16xi32>
        tpu.vector_store_idx %arg18[%add3A_612], %scan3A_558#8 : memref<10240xf32, #tpu.memory_space<vmem>>[vector<16xi32>], vector<16xf32>,
        %add3A_613 = arith.constant 7 : i32
        %add3A_614 = vector.broadcast %add3A_613 : i32 to vector<16xi32>
        %add3A_615 = arith.addi %add3A_567, %add3A_614 : vector<16xi32>
        tpu.vector_store_idx %arg19[%add3A_615], %get3A_561 : memref<10240xf32, #tpu.memory_space<vmem>>[vector<16xi32>], vector<16xf32>,
        %add3A_616 = arith.constant 8 : i32
        %add3A_617 = vector.broadcast %add3A_616 : i32 to vector<16xi32>
        %add3A_618 = arith.addi %add3A_567, %add3A_617 : vector<16xi32>
        tpu.vector_store_idx %arg18[%add3A_618], %scan3A_558#9 : memref<10240xf32, #tpu.memory_space<vmem>>[vector<16xi32>], vector<16xf32>,
        %add3A_619 = arith.constant 8 : i32
        %add3A_620 = vector.broadcast %add3A_619 : i32 to vector<16xi32>
        %add3A_621 = arith.addi %add3A_567, %add3A_620 : vector<16xi32>
        tpu.vector_store_idx %arg19[%add3A_621], %get3A_561 : memref<10240xf32, #tpu.memory_space<vmem>>[vector<16xi32>], vector<16xf32>,
        %add3A_622 = arith.constant 9 : i32
        %add3A_623 = vector.broadcast %add3A_622 : i32 to vector<16xi32>
        %add3A_624 = arith.addi %add3A_567, %add3A_623 : vector<16xi32>
        tpu.vector_store_idx %arg18[%add3A_624], %scan3A_558#10 : memref<10240xf32, #tpu.memory_space<vmem>>[vector<16xi32>], vector<16xf32>,
        %add3A_625 = arith.constant 9 : i32
        %add3A_626 = vector.broadcast %add3A_625 : i32 to vector<16xi32>
        %add3A_627 = arith.addi %add3A_567, %add3A_626 : vector<16xi32>
        tpu.vector_store_idx %arg19[%add3A_627], %get3A_561 : memref<10240xf32, #tpu.memory_space<vmem>>[vector<16xi32>], vector<16xf32>,
        %add3A_628 = arith.constant 10 : i32
        %add3A_629 = vector.broadcast %add3A_628 : i32 to vector<16xi32>
        %add3A_630 = arith.addi %add3A_567, %add3A_629 : vector<16xi32>
        tpu.vector_store_idx %arg18[%add3A_630], %scan3A_558#11 : memref<10240xf32, #tpu.memory_space<vmem>>[vector<16xi32>], vector<16xf32>,
        %add3A_631 = arith.constant 10 : i32
        %add3A_632 = vector.broadcast %add3A_631 : i32 to vector<16xi32>
        %add3A_633 = arith.addi %add3A_567, %add3A_632 : vector<16xi32>
        tpu.vector_store_idx %arg19[%add3A_633], %get3A_561 : memref<10240xf32, #tpu.memory_space<vmem>>[vector<16xi32>], vector<16xf32>,
        %add3A_634 = arith.constant 11 : i32
        %add3A_635 = vector.broadcast %add3A_634 : i32 to vector<16xi32>
        %add3A_636 = arith.addi %add3A_567, %add3A_635 : vector<16xi32>
        tpu.vector_store_idx %arg18[%add3A_636], %scan3A_558#12 : memref<10240xf32, #tpu.memory_space<vmem>>[vector<16xi32>], vector<16xf32>,
        %add3A_637 = arith.constant 11 : i32
        %add3A_638 = vector.broadcast %add3A_637 : i32 to vector<16xi32>
        %add3A_639 = arith.addi %add3A_567, %add3A_638 : vector<16xi32>
        tpu.vector_store_idx %arg19[%add3A_639], %get3A_561 : memref<10240xf32, #tpu.memory_space<vmem>>[vector<16xi32>], vector<16xf32>,
        %add3A_640 = arith.constant 12 : i32
        %add3A_641 = vector.broadcast %add3A_640 : i32 to vector<16xi32>
        %add3A_642 = arith.addi %add3A_567, %add3A_641 : vector<16xi32>
        tpu.vector_store_idx %arg18[%add3A_642], %scan3A_558#13 : memref<10240xf32, #tpu.memory_space<vmem>>[vector<16xi32>], vector<16xf32>,
        %add3A_643 = arith.constant 12 : i32
        %add3A_644 = vector.broadcast %add3A_643 : i32 to vector<16xi32>
        %add3A_645 = arith.addi %add3A_567, %add3A_644 : vector<16xi32>
        tpu.vector_store_idx %arg19[%add3A_645], %get3A_561 : memref<10240xf32, #tpu.memory_space<vmem>>[vector<16xi32>], vector<16xf32>,
        %add3A_646 = arith.constant 13 : i32
        %add3A_647 = vector.broadcast %add3A_646 : i32 to vector<16xi32>
        %add3A_648 = arith.addi %add3A_567, %add3A_647 : vector<16xi32>
        tpu.vector_store_idx %arg18[%add3A_648], %scan3A_558#14 : memref<10240xf32, #tpu.memory_space<vmem>>[vector<16xi32>], vector<16xf32>,
        %add3A_649 = arith.constant 13 : i32
        %add3A_650 = vector.broadcast %add3A_649 : i32 to vector<16xi32>
        %add3A_651 = arith.addi %add3A_567, %add3A_650 : vector<16xi32>
        tpu.vector_store_idx %arg19[%add3A_651], %get3A_561 : memref<10240xf32, #tpu.memory_space<vmem>>[vector<16xi32>], vector<16xf32>,
        %add3A_652 = arith.constant 14 : i32
        %add3A_653 = vector.broadcast %add3A_652 : i32 to vector<16xi32>
        %add3A_654 = arith.addi %add3A_567, %add3A_653 : vector<16xi32>
        tpu.vector_store_idx %arg18[%add3A_654], %scan3A_558#15 : memref<10240xf32, #tpu.memory_space<vmem>>[vector<16xi32>], vector<16xf32>,
        %add3A_655 = arith.constant 14 : i32
        %add3A_656 = vector.broadcast %add3A_655 : i32 to vector<16xi32>
        %add3A_657 = arith.addi %add3A_567, %add3A_656 : vector<16xi32>
        tpu.vector_store_idx %arg19[%add3A_657], %get3A_561 : memref<10240xf32, #tpu.memory_space<vmem>>[vector<16xi32>], vector<16xf32>,
        %add3A_658 = arith.constant 15 : i32
        %add3A_659 = vector.broadcast %add3A_658 : i32 to vector<16xi32>
        %add3A_660 = arith.addi %add3A_567, %add3A_659 : vector<16xi32>
        tpu.vector_store_idx %arg18[%add3A_660], %scan3A_558#16 : memref<10240xf32, #tpu.memory_space<vmem>>[vector<16xi32>], vector<16xf32>,
        %add3A_661 = arith.constant 15 : i32
        %add3A_662 = vector.broadcast %add3A_661 : i32 to vector<16xi32>
        %add3A_663 = arith.addi %add3A_567, %add3A_662 : vector<16xi32>
        tpu.vector_store_idx %arg19[%add3A_663], %get3A_561 : memref<10240xf32, #tpu.memory_space<vmem>>[vector<16xi32>], vector<16xf32>,
        %add3A_664 = arith.constant 16 : i32
        %add3A_665 = vector.broadcast %add3A_664 : i32 to vector<16xi32>
        %add3A_666 = arith.addi %add3A_567, %add3A_665 : vector<16xi32>
        tpu.vector_store_idx %arg18[%add3A_666], %scan3A_558#17 : memref<10240xf32, #tpu.memory_space<vmem>>[vector<16xi32>], vector<16xf32>,
        %add3A_667 = arith.constant 16 : i32
        %add3A_668 = vector.broadcast %add3A_667 : i32 to vector<16xi32>
        %add3A_669 = arith.addi %add3A_567, %add3A_668 : vector<16xi32>
        tpu.vector_store_idx %arg19[%add3A_669], %get3A_561 : memref<10240xf32, #tpu.memory_space<vmem>>[vector<16xi32>], vector<16xf32>,
        %add3A_670 = arith.constant 17 : i32
        %add3A_671 = vector.broadcast %add3A_670 : i32 to vector<16xi32>
        %add3A_672 = arith.addi %add3A_567, %add3A_671 : vector<16xi32>
        tpu.vector_store_idx %arg18[%add3A_672], %scan3A_558#18 : memref<10240xf32, #tpu.memory_space<vmem>>[vector<16xi32>], vector<16xf32>,
        %add3A_673 = arith.constant 17 : i32
        %add3A_674 = vector.broadcast %add3A_673 : i32 to vector<16xi32>
        %add3A_675 = arith.addi %add3A_567, %add3A_674 : vector<16xi32>
        tpu.vector_store_idx %arg19[%add3A_675], %get3A_561 : memref<10240xf32, #tpu.memory_space<vmem>>[vector<16xi32>], vector<16xf32>,
        %add3A_676 = arith.constant 18 : i32
        %add3A_677 = vector.broadcast %add3A_676 : i32 to vector<16xi32>
        %add3A_678 = arith.addi %add3A_567, %add3A_677 : vector<16xi32>
        tpu.vector_store_idx %arg18[%add3A_678], %scan3A_558#19 : memref<10240xf32, #tpu.memory_space<vmem>>[vector<16xi32>], vector<16xf32>,
        %add3A_679 = arith.constant 18 : i32
        %add3A_680 = vector.broadcast %add3A_679 : i32 to vector<16xi32>
        %add3A_681 = arith.addi %add3A_567, %add3A_680 : vector<16xi32>
        tpu.vector_store_idx %arg19[%add3A_681], %get3A_561 : memref<10240xf32, #tpu.memory_space<vmem>>[vector<16xi32>], vector<16xf32>,
        %add3A_682 = arith.constant 19 : i32
        %add3A_683 = vector.broadcast %add3A_682 : i32 to vector<16xi32>
        %add3A_684 = arith.addi %add3A_567, %add3A_683 : vector<16xi32>
        tpu.vector_store_idx %arg18[%add3A_684], %scan3A_558#20 : memref<10240xf32, #tpu.memory_space<vmem>>[vector<16xi32>], vector<16xf32>,
        %add3A_685 = arith.constant 19 : i32
        %add3A_686 = vector.broadcast %add3A_685 : i32 to vector<16xi32>
        %add3A_687 = arith.addi %add3A_567, %add3A_686 : vector<16xi32>
        tpu.vector_store_idx %arg19[%add3A_687], %get3A_561 : memref<10240xf32, #tpu.memory_space<vmem>>[vector<16xi32>], vector<16xf32>,
      }
      %scan3A_504 = arith.constant 4 : i32
      "tpu.trace_stop"() : () -> ()
    }
    %scan3A_197 = arith.constant 4 : i32
    "tpu.trace_start"() <{level = 10 : i32, message = "out_copy"}> : () -> ()
    "tpu.region"() ({
      %run_scoped3A = tpu.sem_alloc : memref<!tpu.dma_semaphore, #tpu.memory_space<semaphore_mem>>
      %dma_start3A_202 = tpu.memref_slice %arg7[%mul3A_2] : memref<16384xf32, #tpu.memory_space<hbm>> -> memref<512xf32, #tpu.memory_space<hbm>>
      %dma_start3A_203 = tpu.memref_slice %arg7[%mul3A_2] : memref<16384xf32, #tpu.memory_space<hbm>> -> memref<512xf32, #tpu.memory_space<hbm>>
      tpu.enqueue_dma source(%arg17 : memref<512xf32, #tpu.memory_space<vmem>>) target(%dma_start3A_203 : memref<512xf32, #tpu.memory_space<hbm>>) target_semaphore(%run_scoped3A : memref<!tpu.dma_semaphore, #tpu.memory_space<semaphore_mem>>)
      %dma_wait3A_204 = tpu.memref_slice %arg7[%mul3A_2] : memref<16384xf32, #tpu.memory_space<hbm>> -> memref<512xf32, #tpu.memory_space<hbm>>
      %dma_wait3A_205 = tpu.memref_slice %arg7[%mul3A_2] : memref<16384xf32, #tpu.memory_space<hbm>> -> memref<512xf32, #tpu.memory_space<hbm>>
      tpu.wait_dma2 semaphore(%run_scoped3A : memref<!tpu.dma_semaphore, #tpu.memory_space<semaphore_mem>>) src(%arg17 : memref<512xf32, #tpu.memory_space<vmem>>) dst(%dma_wait3A_205 : memref<512xf32, #tpu.memory_space<hbm>>)
      tpu.yield
    }) : () -> ()
    %mul3A_198 = arith.constant 20 : i32
    %mul3A_199 = arith.muli %mul3A_2, %mul3A_198 : i32
    "tpu.region"() ({
      %run_scoped3A = tpu.sem_alloc : memref<!tpu.dma_semaphore, #tpu.memory_space<semaphore_mem>>
      %dma_start3A_202 = tpu.memref_slice %arg8[%mul3A_199] : memref<327680xf32, #tpu.memory_space<hbm>> -> memref<10240xf32, #tpu.memory_space<hbm>>
      %dma_start3A_203 = tpu.memref_slice %arg8[%mul3A_199] : memref<327680xf32, #tpu.memory_space<hbm>> -> memref<10240xf32, #tpu.memory_space<hbm>>
      tpu.enqueue_dma source(%arg18 : memref<10240xf32, #tpu.memory_space<vmem>>) target(%dma_start3A_203 : memref<10240xf32, #tpu.memory_space<hbm>>) target_semaphore(%run_scoped3A : memref<!tpu.dma_semaphore, #tpu.memory_space<semaphore_mem>>)
      %dma_wait3A_204 = tpu.memref_slice %arg8[%mul3A_199] : memref<327680xf32, #tpu.memory_space<hbm>> -> memref<10240xf32, #tpu.memory_space<hbm>>
      %dma_wait3A_205 = tpu.memref_slice %arg8[%mul3A_199] : memref<327680xf32, #tpu.memory_space<hbm>> -> memref<10240xf32, #tpu.memory_space<hbm>>
      tpu.wait_dma2 semaphore(%run_scoped3A : memref<!tpu.dma_semaphore, #tpu.memory_space<semaphore_mem>>) src(%arg18 : memref<10240xf32, #tpu.memory_space<vmem>>) dst(%dma_wait3A_205 : memref<10240xf32, #tpu.memory_space<hbm>>)
      tpu.yield
    }) : () -> ()
    %mul3A_200 = arith.constant 20 : i32
    %mul3A_201 = arith.muli %mul3A_2, %mul3A_200 : i32
    "tpu.region"() ({
      %run_scoped3A = tpu.sem_alloc : memref<!tpu.dma_semaphore, #tpu.memory_space<semaphore_mem>>
      %dma_start3A_202 = tpu.memref_slice %arg9[%mul3A_201] : memref<327680xf32, #tpu.memory_space<hbm>> -> memref<10240xf32, #tpu.memory_space<hbm>>
      %dma_start3A_203 = tpu.memref_slice %arg9[%mul3A_201] : memref<327680xf32, #tpu.memory_space<hbm>> -> memref<10240xf32, #tpu.memory_space<hbm>>
      tpu.enqueue_dma source(%arg19 : memref<10240xf32, #tpu.memory_space<vmem>>) target(%dma_start3A_203 : memref<10240xf32, #tpu.memory_space<hbm>>) target_semaphore(%run_scoped3A : memref<!tpu.dma_semaphore, #tpu.memory_space<semaphore_mem>>)
      %dma_wait3A_204 = tpu.memref_slice %arg9[%mul3A_201] : memref<327680xf32, #tpu.memory_space<hbm>> -> memref<10240xf32, #tpu.memory_space<hbm>>
      %dma_wait3A_205 = tpu.memref_slice %arg9[%mul3A_201] : memref<327680xf32, #tpu.memory_space<hbm>> -> memref<10240xf32, #tpu.memory_space<hbm>>
      tpu.wait_dma2 semaphore(%run_scoped3A : memref<!tpu.dma_semaphore, #tpu.memory_space<semaphore_mem>>) src(%arg19 : memref<10240xf32, #tpu.memory_space<vmem>>) dst(%dma_wait3A_205 : memref<10240xf32, #tpu.memory_space<hbm>>)
      tpu.yield
    }) : () -> ()
    "tpu.trace_stop"() : () -> ()
    return
  }
}

module attributes {stable_mosaic.version = 14 : i64} {
  func.func @_tc_body(%arg0: i32, %arg1: memref<128x128xf32, #tpu.memory_space<vmem>>, %arg2: memref<128x128xf32, #tpu.memory_space<vmem>>, %arg3: memref<128x128xf32, #tpu.memory_space<vmem>>, %arg4: memref<128x128xf32, #tpu.memory_space<vmem>>, %arg5: memref<1x1xf32, #tpu.memory_space<vmem>>) attributes {dimension_semantics = [#tpu.dimension_semantics<arbitrary>], iteration_bounds = array<i64: 20>, scalar_prefetch = 0 : i64, scratch_operands = 0 : i64, tpu.core_type = #tpu.core_type<tc>, window_params = [{pipeline_mode = #tpu.pipeline_mode<synchronous>, transform_indices = @transform_0, window_bounds = array<i64: 128, 128>}, {pipeline_mode = #tpu.pipeline_mode<synchronous>, transform_indices = @transform_1, window_bounds = array<i64: 128, 128>}, {transform_indices = @transform_2, window_bounds = array<i64: 128, 128>}, {transform_indices = @transform_3, window_bounds = array<i64: 128, 128>}, {pipeline_mode = #tpu.pipeline_mode<synchronous>, transform_indices = @transform_4, window_bounds = array<i64: 1, 1>}]} {
    %get3A = arith.constant 0 : index
    %get3A_0 = arith.constant 0 : index
    %get3A_1 = vector.load %arg4[%get3A, %get3A_0] : memref<128x128xf32, #tpu.memory_space<vmem>>, vector<128x128xf32>
    %get3A_2 = arith.constant 0 : index
    %get3A_3 = arith.constant 0 : index
    %get3A_4 = vector.load %arg3[%get3A_2, %get3A_3] : memref<128x128xf32, #tpu.memory_space<vmem>>, vector<128x128xf32>
    %neg3A = arith.constant 0.000000e+00 : f32
    %neg3A_5 = vector.broadcast %neg3A : f32 to vector<128x128xf32>
    %neg3A_6 = arith.subf %neg3A_5, %get3A_4 : vector<128x128xf32>
    %min3A = arith.constant 0.000000e+00 : f32
    %min3A_7 = vector.broadcast %min3A : f32 to vector<128x128xf32>
    %min3A_8 = arith.minimumf %neg3A_6, %min3A_7 : vector<128x128xf32>
    %abs3A = math.absf %neg3A_6 : vector<128x128xf32>
    %neg3A_9 = arith.constant 0.000000e+00 : f32
    %neg3A_10 = vector.broadcast %neg3A_9 : f32 to vector<128x128xf32>
    %neg3A_11 = arith.subf %neg3A_10, %abs3A : vector<128x128xf32>
    %exp3A = math.exp %neg3A_11 : vector<128x128xf32>
    %log1p3A = math.log1p %exp3A : vector<128x128xf32>
    %sub3A = arith.subf %min3A_8, %log1p3A : vector<128x128xf32>
    %mul3A = arith.mulf %get3A_1, %sub3A : vector<128x128xf32>
    %reduce_sum3A = vector.shape_cast %mul3A : vector<128x128xf32> to vector<1x128x128xf32>
    %reduce_sum3A_12 = arith.constant dense<0.000000e+00> : vector<1xf32>
    %reduce_sum3A_13 = vector.multi_reduction <add>, %reduce_sum3A, %reduce_sum3A_12 [1, 2] : vector<1x128x128xf32> to vector<1xf32>
    %reduce_sum3A_14 = vector.shape_cast %reduce_sum3A_13 : vector<1xf32> to vector<1x1x1xf32>
    %reduce_sum3A_15 = vector.extract %reduce_sum3A_14[0, 0, 0] : f32 from vector<1x1x1xf32>
    %eq3A = arith.constant 0 : i32
    %eq3A_16 = arith.cmpi eq, %arg0, %eq3A : i32
    %convert_element_type3A = arith.extui %eq3A_16 : i1 to i32
    %cond3A = arith.constant 0 : i32
    %cond3A_17 = arith.cmpi ne, %convert_element_type3A, %cond3A : i32
    scf.if %cond3A_17 {
      %get3A_24 = arith.constant 0 : index
      %get3A_25 = arith.constant 0 : index
      %get3A_26 = vector.load %arg2[%get3A_24, %get3A_25] : memref<128x128xf32, #tpu.memory_space<vmem>>, vector<128x128xf32>
      %get3A_27 = arith.constant 0 : index
      %get3A_28 = arith.constant 0 : index
      %get3A_29 = vector.load %arg1[%get3A_27, %get3A_28] : memref<128x128xf32, #tpu.memory_space<vmem>>, vector<128x128xf32>
      %min3A_30 = arith.constant 0.000000e+00 : f32
      %min3A_31 = vector.broadcast %min3A_30 : f32 to vector<128x128xf32>
      %min3A_32 = arith.minimumf %get3A_29, %min3A_31 : vector<128x128xf32>
      %abs3A_33 = math.absf %get3A_29 : vector<128x128xf32>
      %neg3A_34 = arith.constant 0.000000e+00 : f32
      %neg3A_35 = vector.broadcast %neg3A_34 : f32 to vector<128x128xf32>
      %neg3A_36 = arith.subf %neg3A_35, %abs3A_33 : vector<128x128xf32>
      %exp3A_37 = math.exp %neg3A_36 : vector<128x128xf32>
      %log1p3A_38 = math.log1p %exp3A_37 : vector<128x128xf32>
      %sub3A_39 = arith.subf %min3A_32, %log1p3A_38 : vector<128x128xf32>
      %mul3A_40 = arith.mulf %get3A_26, %sub3A_39 : vector<128x128xf32>
      %reduce_sum3A_41 = vector.shape_cast %mul3A_40 : vector<128x128xf32> to vector<1x128x128xf32>
      %reduce_sum3A_42 = arith.constant dense<0.000000e+00> : vector<1xf32>
      %reduce_sum3A_43 = vector.multi_reduction <add>, %reduce_sum3A_41, %reduce_sum3A_42 [1, 2] : vector<1x128x128xf32> to vector<1xf32>
      %reduce_sum3A_44 = vector.shape_cast %reduce_sum3A_43 : vector<1xf32> to vector<1x1x1xf32>
      %reduce_sum3A_45 = vector.extract %reduce_sum3A_44[0, 0, 0] : f32 from vector<1x1x1xf32>
      %neg3A_46 = arith.constant 0.000000e+00 : f32
      %neg3A_47 = arith.subf %neg3A_46, %reduce_sum3A_45 : f32
      %reshape3A_48 = vector.broadcast %neg3A_47 : f32 to vector<1x1xf32>
      %swap3A_49 = arith.constant 0 : index
      %swap3A_50 = arith.constant 0 : index
      %swap3A_51 = vector.load %arg5[%swap3A_49, %swap3A_50] : memref<1x1xf32, #tpu.memory_space<vmem>>, vector<1x1xf32>
      tpu.vector_store %arg5[%swap3A_49, %swap3A_50], %reshape3A_48 {strides = array<i32>} : memref<1x1xf32, #tpu.memory_space<vmem>>, vector<1x1xf32>,
    } else {
    }
    %get3A_18 = arith.constant 0 : index
    %get3A_19 = arith.constant 0 : index
    %get3A_20 = vector.load %arg5[%get3A_18, %get3A_19] : memref<1x1xf32, #tpu.memory_space<vmem>>, vector<1x1xf32>
    %reshape3A = vector.broadcast %reduce_sum3A_15 : f32 to vector<1x1xf32>
    %sub3A_21 = arith.subf %get3A_20, %reshape3A : vector<1x1xf32>
    %swap3A = arith.constant 0 : index
    %swap3A_22 = arith.constant 0 : index
    %swap3A_23 = vector.load %arg5[%swap3A, %swap3A_22] : memref<1x1xf32, #tpu.memory_space<vmem>>, vector<1x1xf32>
    tpu.vector_store %arg5[%swap3A, %swap3A_22], %sub3A_21 {strides = array<i32>} : memref<1x1xf32, #tpu.memory_space<vmem>>, vector<1x1xf32>,
    return
  }
  func.func @transform_0(%arg0: i32) -> (i32, i32) {
    %c0_i32 = arith.constant 0 : i32
    %c0_i32_0 = arith.constant 0 : i32
    %c0_i32_1 = arith.constant 0 : i32
    return %c0_i32, %c0_i32_0 : i32, i32
  }
  func.func @transform_1(%arg0: i32) -> (i32, i32) {
    %c0_i32 = arith.constant 0 : i32
    %c0_i32_0 = arith.constant 0 : i32
    %c0_i32_1 = arith.constant 0 : i32
    return %c0_i32, %c0_i32_0 : i32, i32
  }
  func.func @transform_2(%arg0: i32) -> (i32, i32) {
    %c0_i32 = arith.constant 0 : i32
    %c0_i32_0 = arith.constant 0 : i32
    return %arg0, %c0_i32 : i32, i32
  }
  func.func @transform_3(%arg0: i32) -> (i32, i32) {
    %c0_i32 = arith.constant 0 : i32
    %c0_i32_0 = arith.constant 0 : i32
    return %arg0, %c0_i32 : i32, i32
  }
  func.func @transform_4(%arg0: i32) -> (i32, i32) {
    %c0_i32 = arith.constant 0 : i32
    %c0_i32_0 = arith.constant 0 : i32
    %c0_i32_1 = arith.constant 0 : i32
    return %c0_i32, %c0_i32_0 : i32, i32
  }
}

module attributes {stable_mosaic.version = 14 : i64} {
  func.func @_tr_body(%arg0: i32, %arg1: memref<64x16384xf32, #tpu.memory_space<vmem>>, %arg2: memref<4096x128xi32, #tpu.memory_space<vmem>>) attributes {dimension_semantics = [#tpu.dimension_semantics<arbitrary>], iteration_bounds = array<i64: 62>, scalar_prefetch = 0 : i64, scratch_operands = 0 : i64, tpu.core_type = #tpu.core_type<tc>, window_params = [{transform_indices = @transform_0, window_bounds = array<i64: 64, 16384>}, {transform_indices = @transform_1, window_bounds = array<i64: 4096, 128>}]} {
    %get3A = arith.constant 0 : index
    %get3A_0 = arith.constant 0 : index
    %get3A_1 = vector.load %arg1[%get3A, %get3A_0] : memref<64x16384xf32, #tpu.memory_space<vmem>>, vector<64x16384xf32>
    %convert_element_type3A = arith.truncf %get3A_1 : vector<64x16384xf32> to vector<64x16384xbf16>
    %iota3A = tpu.iota {dimensions = array<i32: 0>} : vector<64x64xi32>
    %iota3A_2 = tpu.iota {dimensions = array<i32: 1>} : vector<64x64xi32>
    %add3A = arith.constant 0 : i32
    %add3A_3 = vector.broadcast %add3A : i32 to vector<64x64xi32>
    %add3A_4 = arith.addi %iota3A, %add3A_3 : vector<64x64xi32>
    %eq3A = arith.cmpi eq, %add3A_4, %iota3A_2 : vector<64x64xi32>
    %convert_element_type3A_5 = arith.extui %eq3A : vector<64x64xi1> to vector<64x64xi32>
    %convert_element_type3A_6 = arith.sitofp %convert_element_type3A_5 : vector<64x64xi32> to vector<64x64xf32>
    %convert_element_type3A_7 = arith.truncf %convert_element_type3A_6 : vector<64x64xf32> to vector<64x64xbf16>
    %dot_general3A = arith.constant dense<0.000000e+00> : vector<16384x64xf32>
    %dot_general3A_8 = tpu.matmul %convert_element_type3A, %convert_element_type3A_7, %dot_general3A {dimension_numbers = #tpu.dot_dimension_numbers<[0], [0], [1], [1], [0, 1, 1, 1], [], []>, transpose_lhs_hint = false} : vector<64x16384xbf16>, vector<64x64xbf16>, vector<16384x64xf32> -> vector<16384x64xf32>
    %slice3A = vector.extract_strided_slice %dot_general3A_8 {offsets = [0, 0], sizes = [16384, 32], strides = [1, 1]} : vector<16384x64xf32> to vector<16384x32xf32>
    %bitcast_convert_type3A = tpu.bitcast %slice3A : vector<16384x32xf32> -> vector<16384x32xi32>
    %slice3A_9 = vector.extract_strided_slice %dot_general3A_8 {offsets = [0, 32], sizes = [16384, 32], strides = [1, 1]} : vector<16384x64xf32> to vector<16384x32xf32>
    %bitcast_convert_type3A_10 = tpu.bitcast %slice3A_9 : vector<16384x32xf32> -> vector<16384x32xi32>
    %shift_right_arithmetic3A = arith.constant 16 : i32
    %shift_right_arithmetic3A_11 = vector.broadcast %shift_right_arithmetic3A : i32 to vector<16384x32xi32>
    %shift_right_arithmetic3A_12 = arith.shrsi %bitcast_convert_type3A, %shift_right_arithmetic3A_11 : vector<16384x32xi32>
    %and3A = arith.constant 65535 : i32
    %and3A_13 = vector.broadcast %and3A : i32 to vector<16384x32xi32>
    %and3A_14 = arith.andi %shift_right_arithmetic3A_12, %and3A_13 : vector<16384x32xi32>
    %and3A_15 = arith.constant -65536 : i32
    %and3A_16 = vector.broadcast %and3A_15 : i32 to vector<16384x32xi32>
    %and3A_17 = arith.andi %bitcast_convert_type3A_10, %and3A_16 : vector<16384x32xi32>
    %or3A = arith.ori %and3A_14, %and3A_17 : vector<16384x32xi32>
    %slice3A_18 = vector.extract_strided_slice %or3A {offsets = [0, 0], sizes = [4096, 32], strides = [1, 1]} : vector<16384x32xi32> to vector<4096x32xi32>
    %slice3A_19 = vector.extract_strided_slice %or3A {offsets = [4096, 0], sizes = [4096, 32], strides = [1, 1]} : vector<16384x32xi32> to vector<4096x32xi32>
    %slice3A_20 = vector.extract_strided_slice %or3A {offsets = [8192, 0], sizes = [4096, 32], strides = [1, 1]} : vector<16384x32xi32> to vector<4096x32xi32>
    %slice3A_21 = vector.extract_strided_slice %or3A {offsets = [12288, 0], sizes = [4096, 32], strides = [1, 1]} : vector<16384x32xi32> to vector<4096x32xi32>
    %concatenate3A = tpu.concatenate %slice3A_18, %slice3A_19, %slice3A_20, %slice3A_21 in 1 : vector<4096x32xi32>, vector<4096x32xi32>, vector<4096x32xi32>, vector<4096x32xi32> -> vector<4096x128xi32>
    %swap3A = arith.constant 0 : index
    %swap3A_22 = arith.constant 0 : index
    %swap3A_23 = vector.load %arg2[%swap3A, %swap3A_22] : memref<4096x128xi32, #tpu.memory_space<vmem>>, vector<4096x128xi32>
    tpu.vector_store %arg2[%swap3A, %swap3A_22], %concatenate3A {strides = array<i32>} : memref<4096x128xi32, #tpu.memory_space<vmem>>, vector<4096x128xi32>,
    return
  }
  func.func @transform_0(%arg0: i32) -> (i32, i32) {
    %c0_i32 = arith.constant 0 : i32
    %c0_i32_0 = arith.constant 0 : i32
    return %c0_i32, %arg0 : i32, i32
  }
  func.func @transform_1(%arg0: i32) -> (i32, i32) {
    %c0_i32 = arith.constant 0 : i32
    %c0_i32_0 = arith.constant 0 : i32
    return %arg0, %c0_i32 : i32, i32
  }
}

</mosaic_0001>

<sc_bundles>
// kernel: kernel.5.cloned.1.call-start
scs
__scs_entry_jumppad:
0x0: {  	(pc) =	sbr.rel $0x88, $3  }
0x1: {  	(tag) =	ssettag $0x0;
	lr =	simm.s32 $0x1  }
0x2: {  	[smem:$0x3F9C] =	sst lr;
	_ =	strace $0xD0000000  }
0x3: {  	_ = 	snop  }
0x4: {  	_ = 	snop  }
0x5: {  	_ = 	snop  }
0x6: {  	_ = 	snop  }
0x7: {  	_ = 	snop  }
__scs_overlays_trampoline_lowered:
0x8: {  	[smem:$0x3FAB] =	sst s0  }
0x9: {  	[smem:$0x3FAC] =	sst s1  }
0xa: {  	[smem:$0x3FAD] =	sst s2  }
0xb: {  	[smem:$0x3FAE] =	sst s3  }
0xc: {  	[smem:$0x3FAF] =	sst s4  }
0xd: {  	[smem:$0x3FB0] =	sst s5  }
0xe: {  	[smem:$0x3FB1] =	sst s6  }
0xf: {  	[smem:$0x3FB2] =	sst s7  }
0x10: {  	[smem:$0x3FB3] =	sst s8  }
0x11: {  	[smem:$0x3FB4] =	sst s9;
	s0 =	simm.s32 @!p0 $0x0  }
0x12: {  	s1 =	sld [smem:$0x3F9A];
	s0 =	simm.s32 @p0 $0x1  }
0x13: {  	[smem:$0x3FB5] =	sst s0;
	s0 =	simm.s32 @!p1 $0x0  }
0x14: {  	s2 =	sld [smem:$0x3F99];
	s0 =	simm.s32 @p1 $0x1  }
0x15: {  	[smem:$0x3FB6] =	sst s0;
	s0 =	simm.s32 @!p2 $0x0  }
0x16: {  	s3 =	sld [smem:$0x3FDB];
	s0 =	simm.s32 @p2 $0x1  }
0x17: {  	s4 =	simm.s32 $0x1BF5;
	[smem:$0x3FB8] =	sst s0  }
0x18: {  	s0 =	sld [smem:$0x3F9B];
	_ =	swait.ge [sflag:s4], $0x0  }
0x19: {  	s7 =	sld [smem:$0x3F9C]  }
0x1a: {  	s8 =	sadd.s32 $0xFFFFE003, lr  }
0x1b: {  	s9 =	sadd.s32 $0xFFFFFEF7, lr;
	s5 =	simm.s32 $0xFFFFFFFF;
	p2 =	slt.u32 s8, $0xFFFFF086  }
0x1c: {  	p1 =	slt.u32 s9, $0xF7A;
	s5 =	simm.s32 @!p2 $0x0  }
0x1d: {  	s5 =	simm.s32 @p1 $0x1;
	p0 =	seq.s32 s7, s2  }
0x1e: {  	s7 =	smul.u32 @!p0 $0xF7A, s2;
	p2 =	seq.s32 @!p0 s5, $0x0  }
0x1f: {  	s9 =	smul.u32 $0xF7A, s1;
	s8 =	simm.s32 @!p0 $0x1BF5;
	p2 =	por !p2, p0  }
0x20: {  	[sflag:s8] =	ssyncset.s32 @!p0 $0xFFFFF086;
	s6 =	sadd.s32 @!p0 s3, s7;
	s7 =	simm.s32 @!p0 $0x108  }
0x21: {  	s3 =	sadd.s32 s3, s9;
	s6 =	sadd.s32 @!p0 $0x88, s6;
	s7 =	simm.s32 @p2 $0x1082  }
0x22: {  	[simem:s7], [sflag:s8] =	dma.local @!p0 [hbm:s6], $0xF7A  }
0x23: {  	s9 =	sor.u32 $0xD0000000, s2;
	s6 =	simm.s32 $0x108;
	_ =	swait.ge @!p0 [sflag:s8], $0x0  }
0x24: {  	s3 =	sadd.s32 $0x88, s3;
	s6 =	simm.s32 @!p1 $0x1082;
	[sflag:s4] =	ssyncset.s32 $0xFFFFF086  }
0x25: {  	[simem:s6], [sflag:s4] =	dma.local [hbm:s3], $0xF7A  }
0x26: {  	[smem:$0x3F9C] =	sst s1;
	(tag) =	ssettag s2;
	_ =	strace s9  }
0x27: {  	s1 =	sld [smem:$0x3FAC]  }
0x28: {  	s2 =	sld [smem:$0x3FAD]  }
0x29: {  	s4 =	sld [smem:$0x3FAF]  }
0x2a: {  	p0 =	seq.s32 s5, $0x0;
	s5 =	sld [smem:$0x3FB0]  }
0x2b: {  	s6 =	sld [smem:$0x3FB1]  }
0x2c: {  	s7 =	sld [smem:$0x3FB2]  }
0x2d: {  	s3 =	simm.s32 $0x108;
	s8 =	sld [smem:$0x3FB3]  }
0x2e: {  	s3 =	simm.s32 @!p0 $0x1082;
	s9 =	sld [smem:$0x3FB4]  }
0x2f: {  	lr =	sadd.s32 s0, s3;
	s0 =	sld [smem:$0x3FAB]  }
0x30: {  	s3 =	sld [smem:$0x3FAE]  }
0x31: {  	[smem:$0x3FB7] =	sst s10  }
0x32: {  	s10 =	sld [smem:$0x3FB5];
	_ =	sdelay $0x3  }
0x33: {  	p0 =	seq.s32 s10, $0x1;
	s10 =	sld [smem:$0x3FB7];
	_ =	sdelay $0x3  }
0x34: {  	[smem:$0x3FB7] =	sst s10  }
0x35: {  	s10 =	sld [smem:$0x3FB6];
	_ =	sdelay $0x3  }
0x36: {  	p1 =	seq.s32 s10, $0x1;
	s10 =	sld [smem:$0x3FB7];
	_ =	sdelay $0x3  }
0x37: {  	[smem:$0x3FB7] =	sst s10  }
0x38: {  	s10 =	sld [smem:$0x3FB8]  }
0x39: {  	_ = 	snop;
	(pc) =	sbr.ind lr, $3  }
0x3a: {  	_ = 	snop  }
0x3b: {  	_ = 	snop  }
0x3c: {  	p2 =	seq.s32 s10, $0x1;
	s10 =	sld [smem:$0x3FB7]  }
0x3d: {  	_ =	shalt  }
0x3e: {  	_ =	shalt  }
0x3f: {  	_ =	shalt  }
0x40: {  	_ =	shalt  }
0x41: {  	_ =	shalt  }
0x42: {  	_ =	shalt  }
0x43: {  	_ =	shalt  }
0x44: {  	_ =	shalt  }
0x45: {  	_ =	shalt  }
0x46: {  	_ =	shalt  }
0x47: {  	_ =	shalt  }
0x48: {  	_ =	shalt  }
0x49: {  	_ =	shalt  }
0x4a: {  	_ =	shalt  }
0x4b: {  	_ =	shalt  }
0x4c: {  	_ =	shalt  }
0x4d: {  	_ =	shalt  }
0x4e: {  	_ =	shalt  }
0x4f: {  	_ =	shalt  }
0x50: {  	_ =	shalt  }
0x51: {  	_ =	shalt  }
0x52: {  	_ =	shalt  }
0x53: {  	_ =	shalt  }
0x54: {  	_ =	shalt  }
0x55: {  	_ =	shalt  }
0x56: {  	_ =	shalt  }
0x57: {  	_ =	shalt  }
0x58: {  	_ =	shalt  }
0x59: {  	_ =	shalt  }
0x5a: {  	_ =	shalt  }
0x5b: {  	_ =	shalt  }
0x5c: {  	_ =	shalt  }
0x5d: {  	_ =	shalt  }
0x5e: {  	_ =	shalt  }
0x5f: {  	_ =	shalt  }
0x60: {  	_ =	shalt  }
0x61: {  	_ =	shalt  }
0x62: {  	_ =	shalt  }
0x63: {  	_ =	shalt  }
0x64: {  	_ =	shalt  }
0x65: {  	_ =	shalt  }
0x66: {  	_ =	shalt  }
0x67: {  	_ =	shalt  }
0x68: {  	_ =	shalt  }
0x69: {  	_ =	shalt  }
0x6a: {  	_ =	shalt  }
0x6b: {  	_ =	shalt  }
0x6c: {  	_ =	shalt  }
0x6d: {  	_ =	shalt  }
0x6e: {  	_ =	shalt  }
0x6f: {  	_ =	shalt  }
0x70: {  	_ =	shalt  }
0x71: {  	_ =	shalt  }
0x72: {  	_ =	shalt  }
0x73: {  	_ =	shalt  }
0x74: {  	_ =	shalt  }
0x75: {  	_ =	shalt  }
0x76: {  	_ =	shalt  }
0x77: {  	_ =	shalt  }
0x78: {  	_ =	shalt  }
0x79: {  	_ =	shalt  }
0x7a: {  	_ =	shalt  }
0x7b: {  	_ =	shalt  }
0x7c: {  	_ =	shalt  }
0x7d: {  	_ =	shalt  }
0x7e: {  	_ =	shalt  }
0x7f: {  	_ =	shalt  }
0x80: {  	_ =	shalt  }
0x81: {  	_ =	shalt  }
0x82: {  	_ =	shalt  }
0x83: {  	_ =	shalt  }
0x84: {  	_ =	shalt  }
0x85: {  	_ =	shalt  }
0x86: {  	_ =	shalt  }
0x87: {  	_ =	shalt  }
.Lfunc_end0:
.L_simem_size_0:
called_computation_lowered:
.L_overlay_start_0:
0x88: {  	s2 =	sld [smem:$0x3FD9]  }
0x89: {  	s3 =	sld [smem:$0x3FFE];
	_ =	sdelay $0x1  }
0x8a: {  	s1 =	srdreg.scid  }
0x8b: {  	s0 =	sand.u32 $0x1, s1  }
0x8c: {  	s17 =	sshll.u32 s0, $0xA;
	s2 =	sadd.s32 s3, s2  }
0x8d: {  	s2 =	sadd.s32 s2, s17  }
0x8e: {  	[smem:$0x3FC3] =	sst s2  }
0x8f: {  	_ = 	snop  }
0x90: {  	s2 =	sld [smem:$0x3FC9]  }
0x91: {  	s18 =	sld [smem:$0x3FC8]  }
0x92: {  	s4 =	sld [smem:$0x3FC6];
	(tm) =	ssettm $0x1  }
0x93: {  	s5 =	sld [smem:$0x3FFB];
	_ =	sdelay $0x3  }
0x94: {  	_ =	strace s5  }
0x95: {  	s5 =	sld [smem:$0x3FFC];
	_ =	sdelay $0x3  }
0x96: {  	_ =	strace s5  }
0x97: {  	s5 =	sld [smem:$0x3FFD];
	_ =	sdelay $0x3  }
0x98: {  	_ =	strace s5  }
0x99: {  	_ =	strace $0x8FFFFFFF  }
0x9a: {  	s19 =	sld [smem:$0x3FDB];
	_ =	sdelay $0x1  }
0x9b: {  	s6 =	simm.s32 $_scs_section_size  }
0x9c: {  	s7 =	simm.s32 $_size__tile_overlayer_lowered;
	s8 =	simm.s32 $_tile_overlayer_lowered  }
0x9d: {  	s22 =	simm.s32 $0x1BFF;
	s21 =	sshll.u32 s8, $0x1;
	s5 =	sadd.s32 s6, s19  }
0x9e: {  	s9 =	simm.s32 $0x0;
	s20 =	sshll.u32 s7, $0x1;
	s7 =	sadd.s32 s21, s5  }
0x9f: {  	[timem:s9], [sflag:s22] =	dma.local [hbm:s7], s20  }
0xa0: {  	_ =	swait.ge [sflag:s22], s20  }
0xa1: {  	s6 =	ssub.s32 $0x0, s20;
	[sflag:s22] =	ssyncset.done $0x0  }
0xa2: {  	[sflag:s22] =	ssyncadd.s32 s6;
	_ =	sdelay $0x1  }
0xa3: {  	s23 =	simm.s32 $0x1B8B  }
0xa4: {  	_ =	swait.ge [sflag:s23], $0x1  }
0xa5: {  	[sflag:s23] =	ssyncset.done $0x0  }
0xa6: {  	s25 =	simm.s32 $0x1B8E;
	s24 =	sld [smem:$0x3FFE];
	[sflag:s23] =	ssyncadd.s32 $0xFFFFFFFF  }
0xa7: {  	s26 =	simm.s32 $execute0_lowered;
	[smem:$0x3FD2] =	sst s25  }
0xa8: {  	s7 =	sshll.u32 s26, $0x1;
	_ =	strace $0x80000046;
	[dreg:$0x1] =	wrdreg $0xFFFFFFFF  }
0xa9: {  	s28 =	simm.s32 $_size_execute0_lowered;
	s5 =	sadd.s32 s5, s7;
	[dreg:$0x0] =	wrdreg $0x0  }
0xaa: {  	s7 =	sshll.u32 s28, $0x1;
	[dreg:$0x2] =	wrdreg s5  }
0xab: {  	[dreg:$0x3] =	wrdreg s7  }
0xac: {  	[dreg:$0x4] =	wrdreg $0xC0  }
0xad: {  	_ =	task [dreg:s9], $0x5FFFF  }
0xae: {  	[dreg:$0x1] =	wrdreg $0xFFFFFFFF  }
0xaf: {  	[dreg:$0x0] =	wrdreg $0x60  }
0xb0: {  	[dreg:$0x2] =	wrdreg s2  }
0xb1: {  	[dreg:$0x3] =	wrdreg s18  }
0xb2: {  	[dreg:$0x4] =	wrdreg s24  }
0xb3: {  	[dreg:$0x5] =	wrdreg s4  }
0xb4: {  	[dreg:$0x6] =	wrdreg $0x9  }
0xb5: {  	_ =	task.clear_ibuf [dreg:s9], $0x7FFFF;
	_ =	strace $0x90000046  }
0xb6: {  	s29 =	simm.s32 $0x9;
	_ =	strace $0x8000004F  }
0xb7: {  	_ =	swait.ge [sflag:s29], $0x1  }
0xb8: {  	[sflag:s29] =	ssyncadd.s32 $0xFFFFFFFF  }
0xb9: {  	_ =	strace $0x9000004F  }
0xba: {  	_ =	sfence  }
0xbb: {  	s30 =	sld [smem:$0x0];
	_ =	sdelay $0x2  }
0xbc: {  	s31 =	sshll.u32 s1, $0xD;
	s1 =	sshrl.u32 s1, $0x2  }
0xbd: {  	s3 =	sand.u32 $0x4000, s31;
	s1 =	sadd.s32 s1, s30  }
0xbe: {  	s0 =	sor.u32 s3, s0;
	s1 =	sshll.u32 s1, $0x11  }
0xbf: {  	s0 =	sor.u32 s1, s0  }
0xc0: {  	s0 =	sadd.s32 $0x8F2B, s0  }
0xc1: {  	[sflag:s0] =	ssyncadd.remote.s32 $0x1  }
0xc2: {  	_ =	sfence.sel $0xFFFF  }
0xc3: {  	[dreg:$0x0] =	wrdreg $0xFFFFFFFF;
	(pc) =	sbr.abs _section_cstart, $3  }
0xc4: {  	[dreg:$0x1] =	wrdreg $0xFFFFFFFF  }
0xc5: {  	_ =	task.clear_ibuf [dreg:s9], $0x2FFFF;
	_ =	strace $0x9FFFFFFF  }
0xc6: {  	(tm) =	ssettm $0x7FFFFFFF  }
0xc7: {  	_ =	shalt  }
tec
execute0_lowered:
.L_overlay_start_1:
0x0: {  	(tag) =	ssettag $0x1  }
0x1: {  	s0 =	rddreg [dreg:$0x0]  }
0x2: {  	s1 =	rddreg [dreg:$0x1]  }
0x3: {  	s2 =	rddreg [dreg:$0x2]  }
0x4: {  	s4 =	rddreg [dreg:$0x3]  }
0x5: {  	s3 =	srdreg.scid;
	s5 =	stileid.u32  }
0x6: {  	s10 =	simm.s32 $0x0;
	s16 =	simm.s32 $0x40;
	s17 =	simm.s32 $0x2E00  }
0x7: {  	s18 =	simm.s32 $0x3E00;
	s28 =	simm.s32 $0x4600;
	s29 =	simm.s32 $0xEE00  }
0x8: {  	s30 =	simm.s32 $0xFE00;
	s31 =	simm.s32 $0x10E00;
	s14 =	simm.s32 $0x13E00  }
0x9: {  	s12 =	simm.s32 $0x19000;
	s3 =	sand.u32 $0x1, s3;
	s5 =	sshll.u32 s5, $0x1  }
0xa: {  	s13 =	simm.s32 $0x1B800;
	[smem:$0x7FF] =	sst s10;
	s5 =	sor.u32 s3, s5  }
0xb: {  	_ =	strace $0x80000047;
	s7 =	ssub.s32 $0x2, s3;
	s3 =	sadd.s32 $0xB000, s2  }
0xc: {  	s6 =	smul.u32 $0x500, s5;
	s5 =	sshll.u32 s5, $0x6;
	s8 =	sshrl.u32 s7, $0x1  }
0xd: {  	s9 =	sadd.s32 s5, s2;
	s19 =	ssub.s32 s7, s8;
	s0 =	sadd.s32 s0, s5  }
0xe: {  	s20 =	sadd.s32 s1, s5;
	s22 =	sadd.s32 s4, s5;
	[dreg:$0x5] =	wrdreg s0  }
0xf: {  	s8 =	simm.s32 $0x200;
	s1 =	simm.s32 $0x12E00;
	[dreg:$0x6] =	wrdreg s20  }
0x10: {  	s4 =	simm.s32 $0x2;
	s2 =	sadd.s32 s6, s2;
	[dreg:$0x8] =	wrdreg s22  }
0x11: {  	s23 =	sadd.s32 $0x3FF000, s9;
	s26 =	smax.u32 s19, $0x1;
	s9 =	simm.s32 $0x400  }
0x12: {  	s19 =	simm.s32 $0x80;
	s20 =	simm.s32 $0x4E00;
	[dreg:$0x9] =	wrdreg s23  }
0x13: {  	s0 =	simm.s32 $0x11E00;
	s21 =	sadd.s32 $0x1000, s2;
	[dreg:$0xc] =	wrdreg s26  }
0x14: {  	s22 =	simm.s32 $0x15E00;
	s24 =	sadd.s32 $0x3EB000, s2;
	[dreg:$0x7] =	wrdreg s21  }
0x15: {  	s6 =	simm.s32 $0x0;
	s25 =	sadd.s32 $0x3F5000, s2;
	[dreg:$0xa] =	wrdreg s24  }
0x16: {  	s26 =	simm.s32 $0x3600;
	s23 =	simm.s32 $0x16E00;
	[dreg:$0xb] =	wrdreg s25  }
0x17: {  	v0 =	vlaneseq.u32;
	s21 =	simm.s32 $0x14E00;
	s24 =	simm.s32 $0x17E00;
	s25 =	simm.s32 $0x1  }
.LBB2_1:
0x18: {  	_ =	strace $0x80000048  }
0x19: {  	s2 =	rddreg [dreg:$0x5]  }
0x1a: {  	[tilespmem:s10], [sflag:$0x3] =	stream.linear.gather [hbm4b:s2+s10], $0x200, $0x200038;
	[tilespmem:$0x1E000] =	vst v63  }
0x1b: {  	s5 =	rddreg [dreg:$0x6]  }
0x1c: {  	[tilespmem:s8], [sflag:$0x3] =	stream.linear.gather [hbm4b:s5+s10], $0x200, $0x200038;
	[tilespmem:$0x1E000] =	vst v63  }
0x1d: {  	s7 =	rddreg [dreg:$0x7]  }
0x1e: {  	[tilespmem:s9], [sflag:$0x3] =	stream.linear.gather [hbm4b:s7+s10], $0x2800, $0x200038;
	[tilespmem:$0x1E000] =	vst v63  }
0x1f: {  	s15 =	simm.s32 $0x3;
	s11 =	rddreg [dreg:$0x8];
	s5 =	simm.s32 $0x2C00  }
0x20: {  	[tilespmem:s5], [sflag:$0x3] =	stream.linear.gather [hbm4b:s11+s10], $0x200, $0x200038;
	[tilespmem:$0x1E000] =	vst v63  }
0x21: {  	_ =	swait.ge [sflag:s15], $0x200  }
0x22: {  	[sflag:s15] =	ssyncset.done $0x0  }
0x23: {  	[sflag:s15] =	ssyncadd.s32 $0xFFFFFE00  }
0x24: {  	_ =	swait.ge [sflag:s15], $0x200  }
0x25: {  	[sflag:s15] =	ssyncset.done $0x0  }
0x26: {  	[sflag:s15] =	ssyncadd.s32 $0xFFFFFE00  }
0x27: {  	_ =	swait.ge [sflag:s15], $0x2800  }
0x28: {  	[sflag:s15] =	ssyncset.done $0x0  }
0x29: {  	[sflag:s15] =	ssyncadd.s32 $0xFFFFD800  }
0x2a: {  	_ =	swait.ge [sflag:s15], $0x200  }
0x2b: {  	[sflag:s15] =	ssyncset.done $0x0  }
0x2c: {  	[sflag:s15] =	ssyncadd.s32 $0xFFFFFE00  }
0x2d: {  	_ =	strace $0x90000048  }
0x2e: {  	s2 =	simm.s32 $0x0;
	s5 =	simm.s32 $0x40;
	_ =	strace $0x80000049  }
.LBB2_2:
0x2f: {  	p0 =	sne.s32 s5, $0x7C0;
	v1 =	vld [tilespmem:s2+$0x0];
	_ =	sdelay $0x4  }
.Ltmp0:
0x30: {  	v2 =	vshll.u32 v1, $0x2;
	(pc) =	sbr.rel @p0 .LBB2_2-.Ltmp0, $4  }
0x31: {  	v3 =	vand.u32 $0xFFFFC000, v1;
	v1 =	vshrl.u32 v1, $0xC;
	v2 =	vand.u32 $0x3FFC, v2  }
0x32: {  	v1 =	vand.u32 $0x3, v1;
	v2 =	vor.u32 v3, v2  }
0x33: {  	v1 =	vor.u32 v1, v2  }
0x34: {  	[tilespmem:s2+$0x0] =	vst v1;
	s2 =	sshra.s32 s5, $0x2;
	s5 =	sadd.s32 $0x40, s5  }
0x35: {  	v1 =	vld [tilespmem:s2+$0x0];
	_ =	sdelay $0x4  }
0x36: {  	v2 =	vshll.u32 v1, $0x2  }
0x37: {  	v3 =	vand.u32 $0xFFFFC000, v1;
	v1 =	vshrl.u32 v1, $0xC;
	v2 =	vand.u32 $0x3FFC, v2  }
0x38: {  	v1 =	vand.u32 $0x3, v1;
	v2 =	vor.u32 v3, v2  }
0x39: {  	v1 =	vor.u32 v1, v2  }
0x3a: {  	s5 =	simm.s32 $0x40;
	[tilespmem:s2+$0x0] =	vst v1;
	s2 =	simm.s32 $0x0  }
.LBB2_4:
0x3b: {  	p0 =	sne.s32 s5, $0x7C0;
	v1 =	vld [tilespmem:s2+$0x200];
	_ =	sdelay $0x4  }
.Ltmp1:
0x3c: {  	v2 =	vshll.u32 v1, $0x2;
	(pc) =	sbr.rel @p0 .LBB2_4-.Ltmp1, $4  }
0x3d: {  	v3 =	vand.u32 $0xFFFFC000, v1;
	v1 =	vshrl.u32 v1, $0xC;
	v2 =	vand.u32 $0x3FFC, v2  }
0x3e: {  	v1 =	vand.u32 $0x3, v1;
	v2 =	vor.u32 v3, v2  }
0x3f: {  	v1 =	vor.u32 v1, v2  }
0x40: {  	[tilespmem:s2+$0x200] =	vst v1;
	s2 =	sshra.s32 s5, $0x2;
	s5 =	sadd.s32 $0x40, s5  }
0x41: {  	v1 =	vld [tilespmem:s2+$0x200];
	_ =	sdelay $0x4  }
0x42: {  	v2 =	vshll.u32 v1, $0x2  }
0x43: {  	v3 =	vand.u32 $0xFFFFC000, v1;
	v1 =	vshrl.u32 v1, $0xC;
	v2 =	vand.u32 $0x3FFC, v2  }
0x44: {  	v1 =	vand.u32 $0x3, v1;
	v2 =	vor.u32 v3, v2  }
0x45: {  	v1 =	vor.u32 v1, v2  }
0x46: {  	s5 =	simm.s32 $0x40;
	[tilespmem:s2+$0x200] =	vst v1;
	s2 =	simm.s32 $0x0  }
.LBB2_6:
0x47: {  	p0 =	sne.s32 s5, $0x9FC0;
	v1 =	vld [tilespmem:s2+$0x400];
	_ =	sdelay $0x4  }
.Ltmp2:
0x48: {  	v2 =	vshll.u32 v1, $0x2;
	(pc) =	sbr.rel @p0 .LBB2_6-.Ltmp2, $4  }
0x49: {  	v3 =	vand.u32 $0xFFFFC000, v1;
	v1 =	vshrl.u32 v1, $0xC;
	v2 =	vand.u32 $0x3FFC, v2  }
0x4a: {  	v1 =	vand.u32 $0x3, v1;
	v2 =	vor.u32 v3, v2  }
0x4b: {  	v1 =	vor.u32 v1, v2  }
0x4c: {  	[tilespmem:s2+$0x400] =	vst v1;
	s2 =	sshra.s32 s5, $0x2;
	s5 =	sadd.s32 $0x40, s5  }
0x4d: {  	v1 =	vld [tilespmem:s2+$0x400];
	_ =	sdelay $0x4  }
0x4e: {  	v2 =	vshll.u32 v1, $0x2  }
0x4f: {  	v3 =	vand.u32 $0xFFFFC000, v1;
	v1 =	vshrl.u32 v1, $0xC;
	v2 =	vand.u32 $0x3FFC, v2  }
0x50: {  	v1 =	vand.u32 $0x3, v1;
	v2 =	vor.u32 v3, v2  }
0x51: {  	v1 =	vor.u32 v1, v2  }
0x52: {  	[tilespmem:s2+$0x400] =	vst v1  }
0x53: {  	s7 =	simm.s32 $0x0;
	_ =	strace $0x90000049  }
0x54: {  	[tilespmem:s17], [sflag:$0x1] =	stream.indirect.gather [hbm4b:s3+s16], $0x20, s7, s16, $0xb8;
	[tilespmem:$0x1E000] =	vst v63  }
0x55: {  	_ = 	snop  }
0x56: {  	[tilespmem:s18], [sflag:$0x1] =	stream.indirect.gather [hbm4b:s3+s16], $0x20, s8, s16, $0xb8;
	[tilespmem:$0x1E000] =	vst v63  }
0x57: {  	_ = 	snop  }
0x58: {  	[tilespmem:s20], [sflag:$0x1] =	stream.indirect.gather [hbm4b:s3+s19], $0x20, s9, s19, $0xb8;
	[tilespmem:$0x1E000] =	vst v63  }
0x59: {  	s5 =	simm.s32 $0x5E00;
	s8 =	simm.s32 $0x480  }
0x5a: {  	[tilespmem:s5], [sflag:$0x1] =	stream.indirect.gather [hbm4b:s3+s19], $0x20, s8, s19, $0xb8;
	[tilespmem:$0x1E000] =	vst v63  }
0x5b: {  	s10 =	simm.s32 $0x6E00;
	s9 =	simm.s32 $0x500  }
0x5c: {  	[tilespmem:s10], [sflag:$0x1] =	stream.indirect.gather [hbm4b:s3+s19], $0x20, s9, s19, $0xb8;
	[tilespmem:$0x1E000] =	vst v63  }
0x5d: {  	s11 =	simm.s32 $0x580;
	s15 =	simm.s32 $0x7E00  }
0x5e: {  	[tilespmem:s15], [sflag:$0x1] =	stream.indirect.gather [hbm4b:s3+s19], $0x20, s11, s19, $0xb8;
	[tilespmem:$0x1E000] =	vst v63  }
0x5f: {  	s5 =	simm.s32 $0x600;
	s8 =	simm.s32 $0x8E00  }
0x60: {  	[tilespmem:s8], [sflag:$0x1] =	stream.indirect.gather [hbm4b:s3+s19], $0x20, s5, s19, $0xb8;
	[tilespmem:$0x1E000] =	vst v63  }
0x61: {  	s9 =	simm.s32 $0x680;
	s10 =	simm.s32 $0x9E00  }
0x62: {  	[tilespmem:s10], [sflag:$0x1] =	stream.indirect.gather [hbm4b:s3+s19], $0x20, s9, s19, $0xb8;
	[tilespmem:$0x1E000] =	vst v63  }
0x63: {  	s11 =	simm.s32 $0x700;
	s15 =	simm.s32 $0xAE00  }
0x64: {  	[tilespmem:s15], [sflag:$0x1] =	stream.indirect.gather [hbm4b:s3+s19], $0x20, s11, s19, $0xb8;
	[tilespmem:$0x1E000] =	vst v63  }
0x65: {  	s5 =	simm.s32 $0x780;
	s8 =	simm.s32 $0xBE00  }
0x66: {  	[tilespmem:s8], [sflag:$0x1] =	stream.indirect.gather [hbm4b:s3+s19], $0x20, s5, s19, $0xb8;
	[tilespmem:$0x1E000] =	vst v63  }
0x67: {  	s9 =	simm.s32 $0x800;
	s10 =	simm.s32 $0xCE00  }
0x68: {  	[tilespmem:s10], [sflag:$0x1] =	stream.indirect.gather [hbm4b:s3+s19], $0x20, s9, s19, $0xb8;
	[tilespmem:$0x1E000] =	vst v63  }
0x69: {  	s11 =	simm.s32 $0x880;
	s15 =	simm.s32 $0xDE00  }
0x6a: {  	[tilespmem:s15], [sflag:$0x1] =	stream.indirect.gather [hbm4b:s3+s19], $0x20, s11, s19, $0xb8;
	[tilespmem:$0x1E000] =	vst v63  }
.LBB2_8:
0x6b: {  	s2 =	sshllo.u32 s7, $0x1  }
0x6c: {  	s8 =	sshll.u32 s2, $0x6  }
0x6d: {  	[tilespmem:s26], [sflag:$0x2] =	stream.indirect.gather [hbm4b:s3+s16], $0x20, s8, s16, $0xb8;
	[tilespmem:$0x1E000] =	vst v63  }
0x6e: {  	s9 =	smul.u32 $0x500, s2;
	s5 =	sadd.s32 $0x200, s8  }
0x6f: {  	[tilespmem:s28], [sflag:$0x2] =	stream.indirect.gather [hbm4b:s3+s16], $0x20, s5, s16, $0xb8;
	[tilespmem:$0x1E000] =	vst v63  }
0x70: {  	s2 =	sadd.s32 $0x400, s9  }
0x71: {  	[tilespmem:s29], [sflag:$0x2] =	stream.indirect.gather [hbm4b:s3+s19], $0x20, s2, s19, $0xb8;
	[tilespmem:$0x1E000] =	vst v63  }
0x72: {  	s10 =	sadd.s32 $0x480, s9  }
0x73: {  	[tilespmem:s30], [sflag:$0x2] =	stream.indirect.gather [hbm4b:s3+s19], $0x20, s10, s19, $0xb8;
	[tilespmem:$0x1E000] =	vst v63  }
0x74: {  	s11 =	sadd.s32 $0x500, s9  }
0x75: {  	[tilespmem:s31], [sflag:$0x2] =	stream.indirect.gather [hbm4b:s3+s19], $0x20, s11, s19, $0xb8;
	[tilespmem:$0x1E000] =	vst v63  }
0x76: {  	s15 =	sadd.s32 $0x580, s9  }
0x77: {  	[tilespmem:s0], [sflag:$0x2] =	stream.indirect.gather [hbm4b:s3+s19], $0x20, s15, s19, $0xb8;
	[tilespmem:$0x1E000] =	vst v63  }
0x78: {  	s5 =	sadd.s32 $0x600, s9  }
0x79: {  	[tilespmem:s1], [sflag:$0x2] =	stream.indirect.gather [hbm4b:s3+s19], $0x20, s5, s19, $0xb8;
	[tilespmem:$0x1E000] =	vst v63  }
0x7a: {  	s10 =	sadd.s32 $0x680, s9  }
0x7b: {  	[tilespmem:s14], [sflag:$0x2] =	stream.indirect.gather [hbm4b:s3+s19], $0x20, s10, s19, $0xb8;
	[tilespmem:$0x1E000] =	vst v63  }
0x7c: {  	s11 =	sadd.s32 $0x700, s9  }
0x7d: {  	[tilespmem:s21], [sflag:$0x2] =	stream.indirect.gather [hbm4b:s3+s19], $0x20, s11, s19, $0xb8;
	[tilespmem:$0x1E000] =	vst v63  }
0x7e: {  	s15 =	sadd.s32 $0x780, s9  }
0x7f: {  	[tilespmem:s22], [sflag:$0x2] =	stream.indirect.gather [hbm4b:s3+s19], $0x20, s15, s19, $0xb8;
	[tilespmem:$0x1E000] =	vst v63  }
0x80: {  	s5 =	sadd.s32 $0x800, s9  }
0x81: {  	[tilespmem:s23], [sflag:$0x2] =	stream.indirect.gather [hbm4b:s3+s19], $0x20, s5, s19, $0xb8;
	[tilespmem:$0x1E000] =	vst v63  }
0x82: {  	s10 =	sadd.s32 $0x880, s9  }
0x83: {  	[tilespmem:s24], [sflag:$0x2] =	stream.indirect.gather [hbm4b:s3+s19], $0x20, s10, s19, $0xb8;
	[tilespmem:$0x1E000] =	vst v63  }
0x84: {  	_ =	strace $0x8000004A  }
0x85: {  	_ =	swait.ge [sflag:s25], $0x800  }
0x86: {  	[sflag:s25] =	ssyncset.done $0x0  }
0x87: {  	[sflag:s25] =	ssyncadd.s32 $0xFFFFF800  }
0x88: {  	_ =	swait.ge [sflag:s25], $0x800  }
0x89: {  	[sflag:s25] =	ssyncset.done $0x0  }
0x8a: {  	[sflag:s25] =	ssyncadd.s32 $0xFFFFF800  }
0x8b: {  	_ =	swait.ge [sflag:s25], $0xA000  }
0x8c: {  	[sflag:s25] =	ssyncset.done $0x0  }
0x8d: {  	s11 =	smul.u32 $0xA00, s7;
	[sflag:s25] =	ssyncadd.s32 $0xFFFF6000  }
0x8e: {  	s15 =	sshll.u32 s7, $0x7;
	_ =	strace $0x9000004A  }
0x8f: {  	v1 =	vmov s11;
	s11 =	simm.s32 $0x0;
	v2 =	vmov s15;
	s10 =	sshll.u32 s7, $0x1;
	_ =	strace $0x8000004B  }
.LBB2_9:
0x90: {  	v25 =	vimm.f32 $0.0e+00  }
0x91: {  	v26 =	vimm.f32 $0.0e+00;
	v28 =	vimm.f32 $0.0e+00;
	v29 =	vimm.f32 $0.0e+00  }
0x92: {  	v27 =	vimm.f32 $0.0e+00;
	v31 =	vimm.f32 $0.0e+00;
	v30 =	vimm.f32 $0.0e+00  }
0x93: {  	v33 =	vimm.f32 $0.0e+00;
	v35 =	vimm.f32 $0.0e+00;
	v32 =	vimm.f32 $0.0e+00  }
0x94: {  	s2 =	sshll.u32 s11, $0x4;
	v34 =	vimm.f32 $0.0e+00;
	v37 =	vimm.f32 $0.0e+00;
	v36 =	vimm.f32 $0.0e+00  }
0x95: {  	v38 =	vimm.f32 $0.0e+00;
	v41 =	vimm.f32 $0.0e+00;
	v3 =	vor.u32 s2, v0  }
0x96: {  	v39 =	vimm.f32 $0.0e+00;
	v42 =	vimm.f32 $0.0e+00;
	v4 =	vmul.u32 $0x280, v3  }
0x97: {  	v40 =	vimm.f32 $0.0e+00;
	v43 =	vimm.f32 $0.0e+00;
	v44 =	vimm.f32 $0.0e+00  }
0x98: {  	v46 =	vimm.f32 $0.0e+00;
	v5 =	vshll.u32 v3, $0x5;
	v6 =	vor.u32 $0x20, v4  }
0x99: {  	v7 =	vor.u32 $0x40, v4;
	v8 =	vor.u32 $0x60, v4;
	v9 =	vadd.s32 $0x80, v4  }
0x9a: {  	v10 =	vadd.s32 $0xA0, v4;
	v11 =	vadd.s32 $0xC0, v4;
	v12 =	vadd.s32 $0xE0, v4  }
0x9b: {  	v13 =	vadd.s32 $0x100, v4;
	v14 =	vadd.s32 $0x120, v4;
	v15 =	vadd.s32 $0x140, v4  }
0x9c: {  	v16 =	vadd.s32 $0x160, v4;
	v17 =	vadd.s32 $0x180, v4;
	v18 =	vadd.s32 $0x1A0, v4  }
0x9d: {  	v19 =	vadd.s32 $0x1C0, v4;
	v20 =	vadd.s32 $0x1E0, v4;
	v21 =	vadd.s32 $0x200, v4  }
0x9e: {  	s5 =	simm.s32 $0x0;
	v22 =	vadd.s32 $0x220, v4;
	v23 =	vadd.s32 $0x240, v4;
	v24 =	vadd.s32 $0x260, v4  }
.LBB2_10:
0x9f: {  	v45 =	vadd.s32 s5, v0  }
0xa0: {  	v52 =	vand.u32 $0x1F, v45  }
0xa1: {  	v45 =	vor.u32 v5, v52;
	_ =	sdelay $0x1  }
0xa2: {  	v47 =	vor.u32 v4, v52  }
0xa3: {  	v49 =	vor.u32 v6, v52;
	_ =	sdelay $0x1  }
0xa4: {  	v53 =	vor.u32 v7, v52;
	v48 =	vld.idx.msk [tilespmem:v45+s17+$0x0], $0xffff  }
0xa5: {  	v54 =	vor.u32 v8, v52;
	v50 =	vld.idx.msk [tilespmem:v45+s18+$0x0], $0xffff  }
0xa6: {  	v51 =	vld.idx.msk [tilespmem:v47+s20+$0x0], $0xffff  }
0xa7: {  	v49 =	vld.idx.msk [tilespmem:v49+s20+$0x0], $0xffff;
	_ =	sdelay $0x1  }
0xa8: {  	v55 =	vor.u32 v9, v52;
	v53 =	vld.idx.msk [tilespmem:v53+s20+$0x0], $0xffff  }
0xa9: {  	v57 =	vor.u32 v10, v52;
	v63 =	vor.u32 v11, v52;
	v54 =	vld.idx.msk [tilespmem:v54+s20+$0x0], $0xffff  }
0xaa: {  	v47 =	vunpack.i.l.bf16.f32 v48;
	v45 =	vunpack.i.l.bf16.f32 v50;
	v58 =	vunpack.i.u.bf16.f32 v50  }
0xab: {  	v59 =	vunpack.i.l.bf16.f32 v51;
	v60 =	vunpack.i.l.bf16.f32 v49;
	v61 =	vunpack.i.u.bf16.f32 v51  }
0xac: {  	v49 =	vunpack.i.u.bf16.f32 v49;
	v51 =	vor.u32 v12, v52;
	v56 =	vmul.f32 v45, v47  }
0xad: {  	v55 =	vld.idx.msk [tilespmem:v55+s20+$0x0], $0xffff;
	v45 =	vunpack.i.u.bf16.f32 v48;
	v50 =	vmul.f32 v59, v47;
	v62 =	vmul.f32 v60, v47  }
0xae: {  	v59 =	vunpack.i.l.bf16.f32 v53;
	v60 =	vunpack.i.l.bf16.f32 v54;
	v53 =	vunpack.i.u.bf16.f32 v53  }
0xaf: {  	v54 =	vunpack.i.u.bf16.f32 v54;
	v48 =	vmul.f32 v58, v45;
	v46 =	vadd.f32 v56, v46  }
0xb0: {  	v49 =	vmul.f32 v49, v45;
	v53 =	vmul.f32 v53, v45;
	v43 =	vadd.f32 v62, v43  }
0xb1: {  	v44 =	vadd.f32 v50, v44;
	v56 =	vld.idx.msk [tilespmem:v57+s20+$0x0], $0xffff;
	v46 =	vadd.f32 v46, v48;
	v48 =	vmul.f32 v61, v45  }
0xb2: {  	v43 =	vadd.f32 v43, v49;
	v49 =	vmul.f32 v60, v47;
	v61 =	vunpack.i.l.bf16.f32 v55  }
0xb3: {  	v58 =	vor.u32 v14, v52;
	v57 =	vor.u32 v13, v52;
	v62 =	vmul.f32 v61, v47  }
0xb4: {  	v44 =	vadd.f32 v44, v48;
	v48 =	vmul.f32 v59, v47;
	v42 =	vadd.f32 v49, v42  }
0xb5: {  	v49 =	vld.idx.msk [tilespmem:v63+s20+$0x0], $0xffff;
	v63 =	vmul.f32 v54, v45;
	v59 =	vunpack.i.u.bf16.f32 v55;
	v39 =	vadd.f32 v62, v39  }
0xb6: {  	v54 =	vmul.f32 v59, v45;
	v60 =	vunpack.i.l.bf16.f32 v56;
	v40 =	vadd.f32 v48, v40  }
0xb7: {  	v62 =	vunpack.i.u.bf16.f32 v56;
	v48 =	vld.idx.msk [tilespmem:v51+s20+$0x0], $0xffff;
	v61 =	vmul.f32 v60, v47  }
0xb8: {  	v39 =	vadd.f32 v39, v54;
	v54 =	vld.idx.msk [tilespmem:v57+s20+$0x0], $0xffff;
	v51 =	vadd.f32 v40, v53;
	v53 =	vor.u32 v15, v52  }
0xb9: {  	v42 =	vadd.f32 v42, v63;
	v63 =	vmul.f32 v62, v45  }
0xba: {  	v57 =	vld.idx.msk [tilespmem:v58+s20+$0x0], $0xffff;
	v40 =	vadd.f32 v61, v41;
	v61 =	vor.u32 v16, v52;
	v59 =	vunpack.i.l.bf16.f32 v49  }
0xbb: {  	v58 =	vor.u32 v17, v52;
	v49 =	vunpack.i.u.bf16.f32 v49;
	v50 =	vmul.f32 v59, v47  }
0xbc: {  	v49 =	vmul.f32 v49, v45;
	v60 =	vunpack.i.l.bf16.f32 v48;
	v48 =	vunpack.i.u.bf16.f32 v48  }
0xbd: {  	v55 =	vmul.f32 v60, v47;
	v38 =	vadd.f32 v50, v38;
	v59 =	vunpack.i.l.bf16.f32 v54;
	v53 =	vld.idx.msk [tilespmem:v53+s20+$0x0], $0xffff  }
0xbe: {  	v62 =	vmul.f32 v48, v45;
	v50 =	vadd.f32 v40, v63;
	v63 =	vmul.f32 v59, v47  }
0xbf: {  	v59 =	vunpack.i.u.bf16.f32 v54;
	v41 =	vld.idx.msk [tilespmem:v61+s20+$0x0], $0xffff;
	v61 =	vunpack.i.l.bf16.f32 v57;
	v57 =	vunpack.i.u.bf16.f32 v57  }
0xc0: {  	v36 =	vadd.f32 v55, v36;
	v48 =	vadd.f32 v38, v49;
	v49 =	vor.u32 v18, v52  }
0xc1: {  	v54 =	vld.idx.msk [tilespmem:v58+s20+$0x0], $0xffff;
	v60 =	vmul.f32 v59, v45;
	v40 =	vmul.f32 v61, v47;
	v37 =	vadd.f32 v63, v37  }
0xc2: {  	v63 =	vor.u32 v19, v52;
	v36 =	vadd.f32 v36, v62;
	v62 =	vunpack.i.l.bf16.f32 v53  }
0xc3: {  	v38 =	vmul.f32 v57, v45;
	v55 =	vmul.f32 v62, v47  }
0xc4: {  	v57 =	vor.u32 v20, v52;
	v34 =	vadd.f32 v40, v34;
	v37 =	vadd.f32 v37, v60  }
0xc5: {  	v58 =	vunpack.i.u.bf16.f32 v53;
	v59 =	vunpack.i.l.bf16.f32 v41;
	v32 =	vadd.f32 v55, v32;
	v55 =	vld.idx.msk [tilespmem:v49+s20+$0x0], $0xffff  }
0xc6: {  	v61 =	vunpack.i.l.bf16.f32 v54;
	v62 =	vunpack.i.u.bf16.f32 v54;
	v54 =	vor.u32 v22, v52  }
0xc7: {  	v40 =	vmul.f32 v58, v45;
	v60 =	vmul.f32 v59, v47;
	v58 =	vor.u32 v21, v52;
	v56 =	vld.idx.msk [tilespmem:v63+s20+$0x0], $0xffff  }
0xc8: {  	v41 =	vunpack.i.u.bf16.f32 v41;
	v53 =	vmul.f32 v61, v47  }
0xc9: {  	v41 =	vmul.f32 v41, v45;
	v63 =	vmul.f32 v62, v45;
	v35 =	vadd.f32 v60, v35  }
0xca: {  	v33 =	vadd.f32 v53, v33;
	v53 =	vadd.f32 v34, v38;
	v38 =	vld.idx.msk [tilespmem:v57+s20+$0x0], $0xffff;
	v60 =	vunpack.i.l.bf16.f32 v55  }
0xcb: {  	v57 =	vor.u32 v23, v52;
	v49 =	vadd.f32 v32, v40;
	v40 =	vld.idx.msk [tilespmem:v54+s20+$0x0], $0xffff;
	v61 =	vmul.f32 v60, v47  }
0xcc: {  	v32 =	vadd.f32 v33, v63;
	v63 =	vunpack.i.l.bf16.f32 v56;
	v62 =	vunpack.i.u.bf16.f32 v55;
	v55 =	vld.idx.msk [tilespmem:v58+s20+$0x0], $0xffff  }
0xcd: {  	v52 =	vor.u32 v24, v52;
	v30 =	vadd.f32 v61, v30;
	v61 =	vmul.f32 v63, v47  }
0xce: {  	s15 =	sadd.s32 $0x1, s5;
	v34 =	vadd.f32 v35, v41;
	v60 =	vmul.f32 v62, v45;
	v62 =	vunpack.i.u.bf16.f32 v56  }
0xcf: {  	v56 =	vmul.f32 v62, v45;
	v63 =	vadd.s32 s15, v0;
	v35 =	vadd.f32 v61, v31  }
0xd0: {  	v31 =	vand.u32 $0x1F, v63;
	v41 =	vadd.f32 v30, v60;
	v30 =	vunpack.i.l.bf16.f32 v38  }
0xd1: {  	v60 =	vunpack.i.l.bf16.f32 v55;
	v61 =	vunpack.i.l.bf16.f32 v40;
	v33 =	vor.u32 v5, v31  }
0xd2: {  	v38 =	vunpack.i.u.bf16.f32 v38;
	v62 =	vunpack.i.u.bf16.f32 v55;
	v30 =	vmul.f32 v30, v47  }
0xd3: {  	v40 =	vunpack.i.u.bf16.f32 v40;
	v58 =	vor.u32 v4, v31;
	v35 =	vadd.f32 v35, v56;
	v56 =	vld.idx.msk [tilespmem:v57+s20+$0x0], $0xffff  }
0xd4: {  	v54 =	vmul.f32 v60, v47;
	v57 =	vld.idx.msk [tilespmem:v52+s20+$0x0], $0xffff;
	v27 =	vadd.f32 v30, v27;
	v30 =	vmul.f32 v61, v47  }
0xd5: {  	v38 =	vmul.f32 v38, v45;
	v63 =	vmul.f32 v62, v45;
	v59 =	vor.u32 v6, v31  }
0xd6: {  	v40 =	vmul.f32 v40, v45;
	v29 =	vadd.f32 v54, v29;
	v28 =	vadd.f32 v30, v28;
	v30 =	vld.idx.msk [tilespmem:v33+s17+$0x0], $0xffff  }
0xd7: {  	v55 =	vor.u32 v7, v31;
	v52 =	vadd.f32 v27, v38;
	v33 =	vld.idx.msk [tilespmem:v33+s18+$0x0], $0xffff  }
0xd8: {  	v29 =	vadd.f32 v29, v63;
	v54 =	vld.idx.msk [tilespmem:v58+s20+$0x0], $0xffff;
	v60 =	vunpack.i.l.bf16.f32 v56;
	v27 =	vadd.f32 v28, v40  }
0xd9: {  	v28 =	vunpack.i.l.bf16.f32 v57;
	v62 =	vunpack.i.u.bf16.f32 v56;
	v63 =	vunpack.i.u.bf16.f32 v57  }
0xda: {  	v57 =	vld.idx.msk [tilespmem:v59+s20+$0x0], $0xffff;
	v59 =	vor.u32 v10, v31;
	v61 =	vmul.f32 v60, v47;
	v28 =	vmul.f32 v28, v47  }
0xdb: {  	v47 =	vmul.f32 v62, v45;
	v60 =	vor.u32 v8, v31;
	v45 =	vmul.f32 v63, v45  }
0xdc: {  	v26 =	vadd.f32 v61, v26;
	v25 =	vadd.f32 v28, v25;
	v40 =	vunpack.i.l.bf16.f32 v30  }
0xdd: {  	v28 =	vunpack.i.l.bf16.f32 v33;
	v58 =	vunpack.i.l.bf16.f32 v54;
	v38 =	vunpack.i.u.bf16.f32 v30  }
0xde: {  	v30 =	vunpack.i.u.bf16.f32 v33;
	v28 =	vmul.f32 v28, v40;
	v61 =	vmul.f32 v58, v40;
	v58 =	vld.idx.msk [tilespmem:v55+s20+$0x0], $0xffff  }
0xdf: {  	v63 =	vor.u32 v12, v31;
	v54 =	vunpack.i.u.bf16.f32 v54;
	v30 =	vmul.f32 v30, v38  }
0xe0: {  	v28 =	vadd.f32 v28, v46;
	v46 =	vor.u32 v9, v31;
	v33 =	vadd.f32 v61, v44;
	v44 =	vld.idx.msk [tilespmem:v60+s20+$0x0], $0xffff  }
0xe1: {  	v54 =	vmul.f32 v54, v38;
	v60 =	vunpack.i.l.bf16.f32 v57;
	v61 =	vor.u32 v11, v31  }
0xe2: {  	v56 =	vadd.f32 v26, v47;
	v55 =	vadd.f32 v25, v45;
	v26 =	vmul.f32 v60, v40  }
0xe3: {  	v45 =	vadd.f32 v28, v30;
	v25 =	vadd.f32 v33, v54;
	v28 =	vunpack.i.l.bf16.f32 v58  }
0xe4: {  	v47 =	vld.idx.msk [tilespmem:v59+s20+$0x0], $0xffff;
	v30 =	vunpack.i.u.bf16.f32 v57;
	v26 =	vadd.f32 v26, v43;
	v28 =	vmul.f32 v28, v40  }
0xe5: {  	v30 =	vmul.f32 v30, v38;
	v60 =	vunpack.i.u.bf16.f32 v58;
	v46 =	vld.idx.msk [tilespmem:v46+s20+$0x0], $0xffff;
	v62 =	vunpack.i.l.bf16.f32 v44  }
0xe6: {  	v58 =	vor.u32 v16, v31;
	v28 =	vadd.f32 v28, v51;
	v33 =	vmul.f32 v62, v40;
	v51 =	vld.idx.msk [tilespmem:v61+s20+$0x0], $0xffff  }
0xe7: {  	v44 =	vunpack.i.u.bf16.f32 v44;
	v61 =	vmul.f32 v60, v38;
	v62 =	vor.u32 v13, v31  }
0xe8: {  	v54 =	vld.idx.msk [tilespmem:v63+s20+$0x0], $0xffff;
	v43 =	vadd.f32 v26, v30;
	v30 =	vmul.f32 v44, v38;
	v26 =	vadd.f32 v33, v42  }
0xe9: {  	v33 =	vadd.f32 v28, v61;
	v42 =	vor.u32 v14, v31;
	v61 =	vor.u32 v15, v31  }
0xea: {  	v28 =	vunpack.i.l.bf16.f32 v46;
	v30 =	vadd.f32 v26, v30;
	v63 =	vunpack.i.u.bf16.f32 v46  }
0xeb: {  	v26 =	vmul.f32 v28, v40;
	v28 =	vunpack.i.l.bf16.f32 v47;
	v59 =	vunpack.i.l.bf16.f32 v51  }
0xec: {  	v46 =	vld.idx.msk [tilespmem:v62+s20+$0x0], $0xffff;
	v44 =	vmul.f32 v63, v38;
	v47 =	vunpack.i.u.bf16.f32 v47;
	v62 =	vunpack.i.u.bf16.f32 v51  }
0xed: {  	v63 =	vunpack.i.l.bf16.f32 v54;
	v28 =	vmul.f32 v28, v40;
	v60 =	vmul.f32 v59, v40  }
0xee: {  	v51 =	vor.u32 v17, v31;
	v47 =	vmul.f32 v47, v38;
	v26 =	vadd.f32 v26, v39;
	v42 =	vld.idx.msk [tilespmem:v42+s20+$0x0], $0xffff  }
0xef: {  	v28 =	vadd.f32 v28, v50;
	v39 =	vadd.f32 v60, v48;
	v50 =	vmul.f32 v62, v38  }
0xf0: {  	v57 =	vld.idx.msk [tilespmem:v58+s20+$0x0], $0xffff;
	v58 =	vor.u32 v19, v31;
	v48 =	vadd.f32 v26, v44;
	v26 =	vmul.f32 v63, v40  }
0xf1: {  	v44 =	vadd.f32 v28, v47;
	v28 =	vadd.f32 v39, v50;
	v60 =	vunpack.i.l.bf16.f32 v46;
	v50 =	vld.idx.msk [tilespmem:v61+s20+$0x0], $0xffff  }
0xf2: {  	v61 =	vunpack.i.u.bf16.f32 v54;
	v54 =	vor.u32 v18, v31;
	v46 =	vunpack.i.u.bf16.f32 v46  }
0xf3: {  	v26 =	vadd.f32 v26, v36;
	v62 =	vmul.f32 v60, v40;
	v59 =	vunpack.i.l.bf16.f32 v42  }
0xf4: {  	v51 =	vld.idx.msk [tilespmem:v51+s20+$0x0], $0xffff;
	v63 =	vmul.f32 v61, v38;
	v42 =	vunpack.i.u.bf16.f32 v42;
	v60 =	vmul.f32 v59, v40  }
0xf5: {  	v46 =	vmul.f32 v46, v38;
	v36 =	vadd.f32 v62, v37;
	v61 =	vmul.f32 v42, v38  }
0xf6: {  	v47 =	vadd.f32 v26, v63;
	v37 =	vadd.f32 v60, v53;
	v62 =	vunpack.i.l.bf16.f32 v50  }
0xf7: {  	v42 =	vadd.f32 v36, v46;
	v59 =	vunpack.i.u.bf16.f32 v50;
	v46 =	vld.idx.msk [tilespmem:v54+s20+$0x0], $0xffff;
	v50 =	vor.u32 v20, v31  }
0xf8: {  	v60 =	vunpack.i.l.bf16.f32 v57;
	v54 =	vld.idx.msk [tilespmem:v58+s20+$0x0], $0xffff;
	v58 =	vor.u32 v21, v31;
	v63 =	vmul.f32 v62, v40  }
0xf9: {  	v53 =	vor.u32 v23, v31;
	v62 =	vunpack.i.l.bf16.f32 v51;
	v26 =	vadd.f32 v37, v61  }
0xfa: {  	v37 =	vmul.f32 v59, v38;
	v61 =	vmul.f32 v60, v40;
	v36 =	vadd.f32 v63, v49  }
0xfb: {  	v59 =	vunpack.i.u.bf16.f32 v51;
	v63 =	vunpack.i.u.bf16.f32 v57;
	v57 =	vmul.f32 v62, v40  }
0xfc: {  	v60 =	vmul.f32 v59, v38;
	v34 =	vadd.f32 v61, v34;
	v39 =	vadd.f32 v36, v37  }
0xfd: {  	v36 =	vmul.f32 v63, v38;
	v32 =	vadd.f32 v57, v32;
	v61 =	vunpack.i.l.bf16.f32 v46;
	v50 =	vld.idx.msk [tilespmem:v50+s20+$0x0], $0xffff  }
0xfe: {  	v63 =	vor.u32 v22, v31;
	v57 =	vunpack.i.l.bf16.f32 v54;
	v51 =	vld.idx.msk [tilespmem:v58+s20+$0x0], $0xffff;
	v46 =	vunpack.i.u.bf16.f32 v46  }
0xff: {  	s15 =	sadd.s32 $0x2, s5;
	v59 =	vunpack.i.u.bf16.f32 v54;
	v31 =	vor.u32 v24, v31;
	v62 =	vmul.f32 v61, v40  }
0x100: {  	v61 =	vadd.s32 s15, v0;
	v37 =	vadd.f32 v32, v60;
	v32 =	vmul.f32 v57, v40  }
0x101: {  	v36 =	vadd.f32 v34, v36;
	v34 =	vadd.f32 v62, v41;
	v41 =	vmul.f32 v46, v38  }
0x102: {  	v53 =	vld.idx.msk [tilespmem:v53+s20+$0x0], $0xffff;
	v46 =	vmul.f32 v59, v38;
	v35 =	vadd.f32 v32, v35;
	v32 =	vand.u32 $0x1F, v61  }
0x103: {  	v60 =	vunpack.i.l.bf16.f32 v50;
	v49 =	vld.idx.msk [tilespmem:v63+s20+$0x0], $0xffff;
	v50 =	vunpack.i.u.bf16.f32 v50;
	v63 =	vunpack.i.l.bf16.f32 v51  }
0x104: {  	v58 =	vor.u32 v5, v32;
	v54 =	vadd.f32 v34, v41;
	v62 =	vmul.f32 v60, v40  }
0x105: {  	v61 =	vunpack.i.u.bf16.f32 v51;
	v50 =	vmul.f32 v50, v38;
	v60 =	vmul.f32 v63, v40  }
0x106: {  	v31 =	vld.idx.msk [tilespmem:v31+s20+$0x0], $0xffff;
	v46 =	vadd.f32 v35, v46;
	v34 =	vmul.f32 v61, v38;
	v52 =	vadd.f32 v62, v52  }
0x107: {  	v63 =	vunpack.i.l.bf16.f32 v53;
	v53 =	vunpack.i.u.bf16.f32 v53;
	v29 =	vadd.f32 v60, v29  }
0x108: {  	v60 =	vor.u32 v6, v32;
	v35 =	vadd.f32 v52, v50;
	v50 =	vor.u32 v4, v32  }
0x109: {  	v62 =	vunpack.i.l.bf16.f32 v49;
	v57 =	vld.idx.msk [tilespmem:v58+s17+$0x0], $0xffff;
	v29 =	vadd.f32 v29, v34;
	v61 =	vunpack.i.u.bf16.f32 v49  }
0x10a: {  	v51 =	vld.idx.msk [tilespmem:v58+s18+$0x0], $0xffff;
	v58 =	vor.u32 v8, v32;
	v41 =	vmul.f32 v62, v40;
	v62 =	vmul.f32 v63, v40  }
0x10b: {  	v34 =	vmul.f32 v61, v38;
	v63 =	vunpack.i.l.bf16.f32 v31;
	v31 =	vunpack.i.u.bf16.f32 v31  }
0x10c: {  	v40 =	vmul.f32 v63, v40;
	v31 =	vmul.f32 v31, v38;
	v63 =	vor.u32 v10, v32  }
0x10d: {  	v27 =	vadd.f32 v41, v27;
	v49 =	vadd.f32 v62, v56;
	v41 =	vmul.f32 v53, v38;
	v50 =	vld.idx.msk [tilespmem:v50+s20+$0x0], $0xffff  }
0x10e: {  	v53 =	vor.u32 v7, v32;
	v56 =	vld.idx.msk [tilespmem:v60+s20+$0x0], $0xffff;
	v60 =	vor.u32 v9, v32;
	v40 =	vadd.f32 v40, v55  }
0x10f: {  	v38 =	vunpack.i.l.bf16.f32 v57;
	v59 =	vunpack.i.l.bf16.f32 v51;
	v55 =	vadd.f32 v27, v34  }
0x110: {  	v52 =	vadd.f32 v49, v41;
	v27 =	vunpack.i.u.bf16.f32 v57;
	v49 =	vmul.f32 v59, v38  }
0x111: {  	v57 =	vor.u32 v12, v32;
	v31 =	vadd.f32 v40, v31;
	v59 =	vunpack.i.u.bf16.f32 v51;
	v51 =	vld.idx.msk [tilespmem:v58+s20+$0x0], $0xffff  }
0x112: {  	v40 =	vmul.f32 v59, v27;
	v34 =	vadd.f32 v49, v45;
	v61 =	vunpack.i.l.bf16.f32 v50  }
0x113: {  	v45 =	vld.idx.msk [tilespmem:v53+s20+$0x0], $0xffff;
	v62 =	vunpack.i.l.bf16.f32 v56;
	v59 =	vunpack.i.u.bf16.f32 v56;
	v41 =	vmul.f32 v61, v38  }
0x114: {  	v49 =	vmul.f32 v62, v38;
	v58 =	vunpack.i.u.bf16.f32 v50;
	v50 =	vld.idx.msk [tilespmem:v60+s20+$0x0], $0xffff;
	v60 =	vor.u32 v11, v32  }
0x115: {  	v34 =	vadd.f32 v34, v40;
	v40 =	vmul.f32 v58, v27;
	v25 =	vadd.f32 v41, v25  }
0x116: {  	v49 =	vadd.f32 v49, v43;
	v61 =	vunpack.i.l.bf16.f32 v51;
	v41 =	vmul.f32 v59, v27  }
0x117: {  	v58 =	vor.u32 v13, v32;
	v51 =	vunpack.i.u.bf16.f32 v51;
	v43 =	vadd.f32 v25, v40  }
0x118: {  	v25 =	vunpack.i.l.bf16.f32 v45;
	v40 =	vadd.f32 v49, v41;
	v49 =	vld.idx.msk [tilespmem:v63+s20+$0x0], $0xffff;
	v45 =	vunpack.i.u.bf16.f32 v45  }
0x119: {  	v41 =	vmul.f32 v61, v38;
	v62 =	vunpack.i.l.bf16.f32 v50;
	v56 =	vld.idx.msk [tilespmem:v60+s20+$0x0], $0xffff;
	v60 =	vmul.f32 v51, v27  }
0x11a: {  	v50 =	vunpack.i.u.bf16.f32 v50;
	v25 =	vmul.f32 v25, v38;
	v63 =	vmul.f32 v62, v38  }
0x11b: {  	v45 =	vmul.f32 v45, v27;
	v50 =	vmul.f32 v50, v27;
	v30 =	vadd.f32 v41, v30  }
0x11c: {  	v62 =	vor.u32 v14, v32;
	v25 =	vadd.f32 v25, v33;
	v33 =	vadd.f32 v63, v48;
	v48 =	vld.idx.msk [tilespmem:v57+s20+$0x0], $0xffff  }
0x11d: {  	v57 =	vor.u32 v17, v32;
	v41 =	vadd.f32 v30, v60;
	v61 =	vunpack.i.l.bf16.f32 v49  }
0x11e: {  	v53 =	vadd.f32 v25, v45;
	v45 =	vor.u32 v15, v32;
	v63 =	vunpack.i.u.bf16.f32 v49;
	v49 =	vld.idx.msk [tilespmem:v58+s20+$0x0], $0xffff  }
0x11f: {  	v30 =	vadd.f32 v33, v50;
	v59 =	vunpack.i.l.bf16.f32 v56;
	v25 =	vmul.f32 v61, v38  }
0x120: {  	v58 =	vor.u32 v16, v32;
	v33 =	vmul.f32 v63, v27;
	v61 =	vunpack.i.u.bf16.f32 v56  }
0x121: {  	v56 =	vld.idx.msk [tilespmem:v62+s20+$0x0], $0xffff;
	v25 =	vadd.f32 v25, v44;
	v44 =	vmul.f32 v59, v38;
	v60 =	vunpack.i.l.bf16.f32 v48  }
0x122: {  	v62 =	vmul.f32 v61, v27;
	v48 =	vunpack.i.u.bf16.f32 v48;
	v50 =	vmul.f32 v60, v38  }
0x123: {  	v60 =	vmul.f32 v48, v27;
	v28 =	vadd.f32 v44, v28;
	v59 =	vld.idx.msk [tilespmem:v45+s20+$0x0], $0xffff;
	v61 =	vunpack.i.l.bf16.f32 v49  }
0x124: {  	v48 =	vld.idx.msk [tilespmem:v57+s20+$0x0], $0xffff;
	v51 =	vadd.f32 v25, v33;
	v63 =	vadd.f32 v50, v47;
	v25 =	vmul.f32 v61, v38  }
0x125: {  	v44 =	vld.idx.msk [tilespmem:v58+s20+$0x0], $0xffff;
	v47 =	vor.u32 v18, v32;
	v50 =	vadd.f32 v28, v62;
	v28 =	vunpack.i.u.bf16.f32 v49  }
0x126: {  	v62 =	vunpack.i.l.bf16.f32 v56;
	v25 =	vadd.f32 v25, v42;
	v28 =	vmul.f32 v28, v27  }
0x127: {  	v57 =	vor.u32 v19, v32;
	v33 =	vadd.f32 v63, v60;
	v42 =	vmul.f32 v62, v38  }
0x128: {  	v63 =	vunpack.i.l.bf16.f32 v59;
	v45 =	vadd.f32 v25, v28;
	v25 =	vunpack.i.u.bf16.f32 v56  }
0x129: {  	v26 =	vadd.f32 v42, v26;
	v42 =	vor.u32 v20, v32;
	v60 =	vunpack.i.u.bf16.f32 v59  }
0x12a: {  	v61 =	vunpack.i.l.bf16.f32 v44;
	v59 =	vunpack.i.u.bf16.f32 v48;
	v28 =	vmul.f32 v63, v38  }
0x12b: {  	v25 =	vmul.f32 v25, v27;
	v56 =	vld.idx.msk [tilespmem:v47+s20+$0x0], $0xffff;
	v62 =	vmul.f32 v60, v27;
	v63 =	vunpack.i.l.bf16.f32 v48  }
0x12c: {  	v60 =	vor.u32 v21, v32;
	v28 =	vadd.f32 v28, v39;
	v39 =	vmul.f32 v61, v38  }
0x12d: {  	v49 =	vadd.f32 v26, v25;
	v25 =	vunpack.i.u.bf16.f32 v44;
	v26 =	vmul.f32 v63, v38  }
0x12e: {  	v44 =	vld.idx.msk [tilespmem:v57+s20+$0x0], $0xffff;
	v63 =	vor.u32 v23, v32;
	v25 =	vmul.f32 v25, v27;
	v47 =	vadd.f32 v28, v62  }
0x12f: {  	v28 =	vadd.f32 v39, v36;
	v37 =	vadd.f32 v26, v37;
	v39 =	vld.idx.msk [tilespmem:v42+s20+$0x0], $0xffff;
	v36 =	vmul.f32 v59, v27  }
0x130: {  	v62 =	vor.u32 v22, v32;
	v32 =	vor.u32 v24, v32;
	v61 =	vunpack.i.l.bf16.f32 v56  }
0x131: {  	s15 =	sadd.s32 $0x3, s5;
	v56 =	vunpack.i.u.bf16.f32 v56;
	v26 =	vadd.f32 v28, v25;
	v28 =	vmul.f32 v61, v38  }
0x132: {  	v42 =	vld.idx.msk [tilespmem:v60+s20+$0x0], $0xffff;
	v25 =	vadd.f32 v37, v36;
	v36 =	vmul.f32 v56, v27;
	v61 =	vadd.s32 s15, v0  }
0x133: {  	v58 =	vunpack.i.l.bf16.f32 v44;
	v44 =	vunpack.i.u.bf16.f32 v44;
	v57 =	vld.idx.msk [tilespmem:v63+s20+$0x0], $0xffff;
	v28 =	vadd.f32 v28, v54  }
0x134: {  	v37 =	vmul.f32 v58, v38;
	v44 =	vmul.f32 v44, v27;
	v59 =	vunpack.i.l.bf16.f32 v39  }
0x135: {  	v54 =	vand.u32 $0x1F, v61;
	v56 =	vld.idx.msk [tilespmem:v62+s20+$0x0], $0xffff;
	v39 =	vunpack.i.u.bf16.f32 v39;
	v60 =	vmul.f32 v59, v38  }
0x136: {  	v62 =	vor.u32 v5, v54;
	v37 =	vadd.f32 v37, v46;
	v39 =	vmul.f32 v39, v27  }
0x137: {  	v32 =	vld.idx.msk [tilespmem:v32+s20+$0x0], $0xffff;
	v63 =	vunpack.i.u.bf16.f32 v42;
	v46 =	vadd.f32 v60, v35;
	v35 =	vadd.f32 v28, v36  }
0x138: {  	v48 =	vadd.f32 v37, v44;
	v60 =	vunpack.i.l.bf16.f32 v57;
	v36 =	vmul.f32 v63, v27  }
0x139: {  	v44 =	vmul.f32 v60, v38;
	v60 =	vor.u32 v7, v54;
	v28 =	vadd.f32 v46, v39  }
0x13a: {  	v46 =	vunpack.i.l.bf16.f32 v42;
	v59 =	vunpack.i.l.bf16.f32 v56;
	v42 =	vor.u32 v4, v54  }
0x13b: {  	v61 =	vunpack.i.u.bf16.f32 v56;
	v58 =	vld.idx.msk [tilespmem:v62+s18+$0x0], $0xffff;
	v37 =	vmul.f32 v46, v38;
	v46 =	vor.u32 v6, v54  }
0x13c: {  	v63 =	vunpack.i.l.bf16.f32 v32;
	v39 =	vmul.f32 v59, v38;
	v59 =	vld.idx.msk [tilespmem:v62+s17+$0x0], $0xffff;
	v62 =	vunpack.i.u.bf16.f32 v57  }
0x13d: {  	v44 =	vadd.f32 v44, v52;
	v38 =	vmul.f32 v63, v38;
	v29 =	vadd.f32 v37, v29  }
0x13e: {  	v56 =	vmul.f32 v62, v27;
	v39 =	vadd.f32 v39, v55;
	v37 =	vmul.f32 v61, v27  }
0x13f: {  	v31 =	vadd.f32 v38, v31;
	v38 =	vor.u32 v9, v54;
	v42 =	vld.idx.msk [tilespmem:v42+s20+$0x0], $0xffff;
	v52 =	vadd.f32 v29, v36  }
0x140: {  	v55 =	vadd.f32 v39, v37;
	v29 =	vunpack.i.u.bf16.f32 v32;
	v37 =	vor.u32 v8, v54;
	v36 =	vld.idx.msk [tilespmem:v46+s20+$0x0], $0xffff  }
0x141: {  	v61 =	vunpack.i.u.bf16.f32 v58;
	v57 =	vunpack.i.l.bf16.f32 v59;
	v46 =	vunpack.i.l.bf16.f32 v58  }
0x142: {  	v27 =	vmul.f32 v29, v27;
	v29 =	vunpack.i.u.bf16.f32 v59;
	v32 =	vmul.f32 v46, v57  }
0x143: {  	v56 =	vadd.f32 v44, v56;
	v59 =	vld.idx.msk [tilespmem:v60+s20+$0x0], $0xffff;
	v60 =	vor.u32 v10, v54;
	v39 =	vmul.f32 v61, v29  }
0x144: {  	v61 =	vor.u32 v11, v54;
	v32 =	vadd.f32 v32, v34;
	v62 =	vunpack.i.l.bf16.f32 v42  }
0x145: {  	v38 =	vld.idx.msk [tilespmem:v38+s20+$0x0], $0xffff;
	v42 =	vunpack.i.u.bf16.f32 v42;
	v63 =	vmul.f32 v62, v57;
	v58 =	vunpack.i.l.bf16.f32 v36  }
0x146: {  	v37 =	vld.idx.msk [tilespmem:v37+s20+$0x0], $0xffff;
	v42 =	vmul.f32 v42, v29;
	v36 =	vunpack.i.u.bf16.f32 v36;
	v62 =	vor.u32 v12, v54  }
0x147: {  	v44 =	vmul.f32 v58, v57;
	v36 =	vmul.f32 v36, v29;
	v58 =	vadd.f32 v31, v27  }
0x148: {  	v31 =	vunpack.i.u.bf16.f32 v59;
	v34 =	vadd.f32 v63, v43;
	v43 =	vunpack.i.l.bf16.f32 v59  }
0x149: {  	v46 =	vadd.f32 v32, v39;
	v31 =	vmul.f32 v31, v29;
	v27 =	vmul.f32 v43, v57  }
0x14a: {  	v63 =	vor.u32 v14, v54;
	v40 =	vadd.f32 v44, v40;
	v44 =	vadd.f32 v34, v42;
	v34 =	vld.idx.msk [tilespmem:v60+s20+$0x0], $0xffff  }
0x14b: {  	v59 =	vunpack.i.l.bf16.f32 v37;
	v60 =	vunpack.i.l.bf16.f32 v38;
	v27 =	vadd.f32 v27, v53;
	v53 =	vld.idx.msk [tilespmem:v61+s20+$0x0], $0xffff  }
0x14c: {  	v43 =	vadd.f32 v40, v36;
	v32 =	vmul.f32 v59, v57;
	v61 =	vor.u32 v13, v54;
	v36 =	vld.idx.msk [tilespmem:v62+s20+$0x0], $0xffff  }
0x14d: {  	v40 =	vadd.f32 v27, v31;
	v27 =	vunpack.i.u.bf16.f32 v37;
	v31 =	vmul.f32 v60, v57  }
0x14e: {  	v62 =	vunpack.i.u.bf16.f32 v38;
	v32 =	vadd.f32 v32, v41;
	v27 =	vmul.f32 v27, v29  }
0x14f: {  	v30 =	vadd.f32 v31, v30;
	v31 =	vmul.f32 v62, v29;
	v62 =	vor.u32 v16, v54  }
0x150: {  	v42 =	vadd.f32 v32, v27;
	v27 =	vunpack.i.l.bf16.f32 v34;
	v32 =	vor.u32 v15, v54  }
0x151: {  	v34 =	vunpack.i.u.bf16.f32 v34;
	v60 =	vunpack.i.l.bf16.f32 v36;
	v36 =	vunpack.i.u.bf16.f32 v36  }
0x152: {  	v39 =	vadd.f32 v30, v31;
	v27 =	vmul.f32 v27, v57;
	v30 =	vunpack.i.l.bf16.f32 v53  }
0x153: {  	v31 =	vld.idx.msk [tilespmem:v61+s20+$0x0], $0xffff;
	v34 =	vmul.f32 v34, v29;
	v38 =	vmul.f32 v60, v57;
	v61 =	vunpack.i.u.bf16.f32 v53  }
0x154: {  	v37 =	vld.idx.msk [tilespmem:v63+s20+$0x0], $0xffff;
	v36 =	vmul.f32 v36, v29;
	v60 =	vor.u32 v17, v54;
	v30 =	vmul.f32 v30, v57  }
0x155: {  	v53 =	vor.u32 v20, v54;
	v27 =	vadd.f32 v27, v51;
	v33 =	vadd.f32 v38, v33;
	v32 =	vld.idx.msk [tilespmem:v32+s20+$0x0], $0xffff  }
0x156: {  	v63 =	vmul.f32 v61, v29;
	v61 =	vor.u32 v18, v54;
	v30 =	vadd.f32 v30, v50  }
0x157: {  	v50 =	vor.u32 v23, v54;
	v41 =	vadd.f32 v27, v34;
	v36 =	vadd.f32 v33, v36  }
0x158: {  	v59 =	vunpack.i.l.bf16.f32 v31;
	v38 =	vadd.f32 v30, v63;
	v30 =	vunpack.i.u.bf16.f32 v31  }
0x159: {  	v33 =	vld.idx.msk [tilespmem:v62+s20+$0x0], $0xffff;
	v31 =	vunpack.i.l.bf16.f32 v37;
	v63 =	vor.u32 v19, v54;
	v27 =	vmul.f32 v59, v57  }
0x15a: {  	v37 =	vunpack.i.u.bf16.f32 v37;
	v51 =	vld.idx.msk [tilespmem:v60+s20+$0x0], $0xffff;
	v31 =	vmul.f32 v31, v57;
	v62 =	vunpack.i.l.bf16.f32 v32  }
0x15b: {  	v30 =	vmul.f32 v30, v29;
	v61 =	vld.idx.msk [tilespmem:v61+s20+$0x0], $0xffff;
	v27 =	vadd.f32 v27, v45;
	v45 =	vmul.f32 v62, v57  }
0x15c: {  	v60 =	vmul.f32 v37, v29;
	v31 =	vadd.f32 v31, v49;
	v32 =	vunpack.i.u.bf16.f32 v32  }
0x15d: {  	v37 =	vadd.f32 v27, v30;
	v30 =	vmul.f32 v32, v29;
	v27 =	vadd.f32 v45, v47  }
0x15e: {  	v49 =	vld.idx.msk [tilespmem:v53+s20+$0x0], $0xffff;
	v34 =	vadd.f32 v31, v60;
	v31 =	vunpack.i.l.bf16.f32 v33  }
0x15f: {  	v50 =	vld.idx.msk [tilespmem:v50+s20+$0x0], $0xffff;
	v62 =	vor.u32 v21, v54;
	v32 =	vadd.f32 v27, v30;
	v27 =	vmul.f32 v31, v57  }
0x160: {  	v33 =	vunpack.i.u.bf16.f32 v33;
	v60 =	vunpack.i.l.bf16.f32 v61;
	v31 =	vld.idx.msk [tilespmem:v63+s20+$0x0], $0xffff;
	v63 =	vunpack.i.l.bf16.f32 v51  }
0x161: {  	v30 =	vor.u32 v22, v54;
	v26 =	vadd.f32 v27, v26;
	v27 =	vmul.f32 v63, v57  }
0x162: {  	v33 =	vmul.f32 v33, v29;
	v47 =	vmul.f32 v60, v57;
	v51 =	vunpack.i.u.bf16.f32 v51  }
0x163: {  	v25 =	vadd.f32 v27, v25;
	v27 =	vmul.f32 v51, v29;
	v51 =	vor.u32 v24, v54  }
0x164: {  	v61 =	vunpack.i.u.bf16.f32 v61;
	v59 =	vunpack.i.l.bf16.f32 v50;
	v50 =	vunpack.i.u.bf16.f32 v50  }
0x165: {  	v60 =	vunpack.i.l.bf16.f32 v49;
	v47 =	vadd.f32 v47, v35;
	v50 =	vmul.f32 v50, v29;
	v45 =	vld.idx.msk [tilespmem:v62+s20+$0x0], $0xffff  }
0x166: {  	v35 =	vadd.f32 v26, v33;
	v54 =	vld.idx.msk [tilespmem:v30+s20+$0x0], $0xffff;
	v33 =	vadd.f32 v25, v27;
	v25 =	vmul.f32 v60, v57  }
0x167: {  	v62 =	vunpack.i.l.bf16.f32 v31;
	v30 =	vmul.f32 v61, v29;
	v26 =	vunpack.i.u.bf16.f32 v31  }
0x168: {  	v31 =	vunpack.i.u.bf16.f32 v49;
	v63 =	vmul.f32 v62, v57;
	v25 =	vadd.f32 v25, v28;
	v28 =	vld.idx.msk [tilespmem:v51+s20+$0x0], $0xffff  }
0x169: {  	v26 =	vmul.f32 v26, v29;
	v61 =	vmul.f32 v31, v29  }
0x16a: {  	v31 =	vunpack.i.l.bf16.f32 v45;
	v45 =	vunpack.i.u.bf16.f32 v45;
	v27 =	vadd.f32 v63, v48  }
0x16b: {  	v30 =	vadd.f32 v47, v30;
	v45 =	vmul.f32 v45, v29;
	v62 =	vunpack.i.l.bf16.f32 v54  }
0x16c: {  	v63 =	vmul.f32 v31, v57;
	v31 =	vadd.f32 v27, v26;
	v48 =	vmul.f32 v62, v57  }
0x16d: {  	p0 =	sne.s32 s5, $0x1C;
	v27 =	vadd.f32 v25, v61;
	v25 =	vmul.f32 v59, v57;
	v61 =	vunpack.i.l.bf16.f32 v28  }
.Ltmp3:
0x16e: {  	v62 =	vunpack.i.u.bf16.f32 v54;
	v60 =	vadd.f32 v48, v55;
	v48 =	vmul.f32 v61, v57;
	(pc) =	sbr.rel @p0 .LBB2_10-.Ltmp3, $4  }
0x16f: {  	v26 =	vadd.f32 v63, v52;
	v49 =	vmul.f32 v62, v29;
	v28 =	vunpack.i.u.bf16.f32 v28  }
0x170: {  	v25 =	vadd.f32 v25, v56;
	v63 =	vmul.f32 v28, v29;
	v48 =	vadd.f32 v48, v58  }
0x171: {  	v29 =	vadd.f32 v26, v45;
	v28 =	vadd.f32 v60, v49  }
0x172: {  	s5 =	sadd.s32 $0x4, s5;
	v26 =	vadd.f32 v25, v50;
	v25 =	vadd.f32 v48, v63  }
0x173: {  	v3 =	vmul.u32 $0x14, v3;
	_ =	sdelay $0x1  }
0x174: {  	v4 =	vadd.s32 v1, v3  }
0x175: {  	v3 =	vand.u32 $0x4, v3;
	v5 =	vand.u32 $0x7FFFFFF8, v4  }
0x176: {  	v3 =	vor.u32 v3, v5  }
0x177: {  	v49 =	vld.idx.msk [tilespmem:v2+s2+$0x2C00 ss:$0x1], $0xffff  }
0x178: {  	v6 =	vor.u32 $0x1, v3;
	_ =	sdelay $0x1  }
0x179: {  	[tilespmem:v2+s2+$0x18E00 ss:$0x1] =	vst.idx.msk $0xffff, v46;
	v7 =	vor.u32 $0x2, v3  }
0x17a: {  	[tilespmem:v3+s12+$0x0] =	vst.idx.msk $0xffff, v44  }
0x17b: {  	v8 =	vor.u32 $0x3, v3;
	[tilespmem:v3+s13+$0x0] =	vst.idx.msk $0xffff, v49  }
0x17c: {  	[tilespmem:v6+s12+$0x0] =	vst.idx.msk $0xffff, v43  }
0x17d: {  	v50 =	vadd.s32 $0x4, v4;
	[tilespmem:v6+s13+$0x0] =	vst.idx.msk $0xffff, v49  }
0x17e: {  	[tilespmem:v7+s12+$0x0] =	vst.idx.msk $0xffff, v40  }
0x17f: {  	v51 =	vadd.s32 $0x5, v4;
	[tilespmem:v7+s13+$0x0] =	vst.idx.msk $0xffff, v49  }
0x180: {  	[tilespmem:v8+s12+$0x0] =	vst.idx.msk $0xffff, v42  }
0x181: {  	v52 =	vadd.s32 $0x6, v4;
	[tilespmem:v8+s13+$0x0] =	vst.idx.msk $0xffff, v49  }
0x182: {  	[tilespmem:v50+s12+$0x0] =	vst.idx.msk $0xffff, v39  }
0x183: {  	v53 =	vadd.s32 $0x7, v4;
	[tilespmem:v50+s13+$0x0] =	vst.idx.msk $0xffff, v49  }
0x184: {  	[tilespmem:v51+s12+$0x0] =	vst.idx.msk $0xffff, v41  }
0x185: {  	v54 =	vadd.s32 $0x8, v3;
	[tilespmem:v51+s13+$0x0] =	vst.idx.msk $0xffff, v49  }
0x186: {  	[tilespmem:v52+s12+$0x0] =	vst.idx.msk $0xffff, v38  }
0x187: {  	v55 =	vadd.s32 $0x9, v4;
	[tilespmem:v52+s13+$0x0] =	vst.idx.msk $0xffff, v49  }
0x188: {  	[tilespmem:v53+s12+$0x0] =	vst.idx.msk $0xffff, v36  }
0x189: {  	v56 =	vadd.s32 $0xA, v4;
	[tilespmem:v53+s13+$0x0] =	vst.idx.msk $0xffff, v49  }
0x18a: {  	[tilespmem:v54+s12+$0x0] =	vst.idx.msk $0xffff, v37  }
0x18b: {  	v57 =	vadd.s32 $0xB, v4;
	[tilespmem:v54+s13+$0x0] =	vst.idx.msk $0xffff, v49  }
0x18c: {  	[tilespmem:v55+s12+$0x0] =	vst.idx.msk $0xffff, v34  }
0x18d: {  	v58 =	vadd.s32 $0xC, v4;
	[tilespmem:v55+s13+$0x0] =	vst.idx.msk $0xffff, v49  }
0x18e: {  	[tilespmem:v56+s12+$0x0] =	vst.idx.msk $0xffff, v32  }
0x18f: {  	v59 =	vadd.s32 $0xD, v4;
	[tilespmem:v56+s13+$0x0] =	vst.idx.msk $0xffff, v49  }
0x190: {  	[tilespmem:v57+s12+$0x0] =	vst.idx.msk $0xffff, v35  }
0x191: {  	v60 =	vadd.s32 $0xE, v4;
	[tilespmem:v57+s13+$0x0] =	vst.idx.msk $0xffff, v49  }
0x192: {  	[tilespmem:v58+s12+$0x0] =	vst.idx.msk $0xffff, v33  }
0x193: {  	v61 =	vadd.s32 $0xF, v4;
	[tilespmem:v58+s13+$0x0] =	vst.idx.msk $0xffff, v49  }
0x194: {  	[tilespmem:v59+s12+$0x0] =	vst.idx.msk $0xffff, v30  }
0x195: {  	v3 =	vadd.s32 $0x10, v3;
	[tilespmem:v59+s13+$0x0] =	vst.idx.msk $0xffff, v49  }
0x196: {  	[tilespmem:v60+s12+$0x0] =	vst.idx.msk $0xffff, v31  }
0x197: {  	v62 =	vadd.s32 $0x11, v4;
	[tilespmem:v60+s13+$0x0] =	vst.idx.msk $0xffff, v49  }
0x198: {  	[tilespmem:v61+s12+$0x0] =	vst.idx.msk $0xffff, v27  }
0x199: {  	v63 =	vadd.s32 $0x12, v4;
	[tilespmem:v61+s13+$0x0] =	vst.idx.msk $0xffff, v49  }
0x19a: {  	[tilespmem:v3+s12+$0x0] =	vst.idx.msk $0xffff, v29  }
0x19b: {  	s11 =	sadd.s32 $0x1, s11;
	[tilespmem:v3+s13+$0x0] =	vst.idx.msk $0xffff, v49;
	v3 =	vadd.s32 $0x13, v4  }
0x19c: {  	p0 =	sne.s32 s11, $0x4;
	[tilespmem:v62+s12+$0x0] =	vst.idx.msk $0xffff, v28  }
.Ltmp4:
0x19d: {  	[tilespmem:v62+s13+$0x0] =	vst.idx.msk $0xffff, v49;
	(pc) =	sbr.rel @p0 .LBB2_9-.Ltmp4, $4  }
0x19e: {  	[tilespmem:v63+s12+$0x0] =	vst.idx.msk $0xffff, v26  }
0x19f: {  	[tilespmem:v63+s13+$0x0] =	vst.idx.msk $0xffff, v49  }
0x1a0: {  	[tilespmem:v3+s12+$0x0] =	vst.idx.msk $0xffff, v25  }
0x1a1: {  	[tilespmem:v3+s13+$0x0] =	vst.idx.msk $0xffff, v49  }
0x1a2: {  	p0 =	seq.s32 s7, $0x3  }
0x1a3: {  	_ =	strace $0x9000004B;
	s2 =	sadd.s32 @!p0 $0x2, s10;
	s10 =	simm.s32 @!p0 $0x40  }
0x1a4: {  	s11 =	simm.s32 @!p0 $0x2E00;
	s5 =	sshll.u32 @!p0 s2, $0x6;
	s2 =	smul.u32 @!p0 $0x1400, s2  }
0x1a5: {  	[tilespmem:s11], [sflag:$0x1] =	stream.indirect.gather @!p0 [hbm4b:s3+s10], $0x20, s5, s10, $0xb8;
	[tilespmem:$0x1E000] =	vst v63  }
0x1a6: {  	s5 =	sadd.s32 @!p0 $0x200, s5;
	s11 =	simm.s32 @!p0 $0x3E00;
	s2 =	sshra.s32 @!p0 s2, $0x2  }
0x1a7: {  	[tilespmem:s11], [sflag:$0x1] =	stream.indirect.gather @!p0 [hbm4b:s3+s10], $0x20, s5, s10, $0xb8;
	[tilespmem:$0x1E000] =	vst v63  }
0x1a8: {  	s5 =	sadd.s32 @!p0 $0x400, s2;
	s10 =	simm.s32 @!p0 $0x80;
	s11 =	simm.s32 @!p0 $0x4E00  }
0x1a9: {  	[tilespmem:s11], [sflag:$0x1] =	stream.indirect.gather @!p0 [hbm4b:s3+s10], $0x20, s5, s10, $0xb8;
	[tilespmem:$0x1E000] =	vst v63  }
0x1aa: {  	s5 =	sadd.s32 @!p0 $0x480, s2;
	s11 =	simm.s32 @!p0 $0x5E00  }
0x1ab: {  	[tilespmem:s11], [sflag:$0x1] =	stream.indirect.gather @!p0 [hbm4b:s3+s10], $0x20, s5, s10, $0xb8;
	[tilespmem:$0x1E000] =	vst v63  }
0x1ac: {  	s5 =	sadd.s32 @!p0 $0x500, s2;
	s11 =	simm.s32 @!p0 $0x6E00  }
0x1ad: {  	[tilespmem:s11], [sflag:$0x1] =	stream.indirect.gather @!p0 [hbm4b:s3+s10], $0x20, s5, s10, $0xb8;
	[tilespmem:$0x1E000] =	vst v63  }
0x1ae: {  	s5 =	sadd.s32 @!p0 $0x580, s2;
	s11 =	simm.s32 @!p0 $0x7E00  }
0x1af: {  	[tilespmem:s11], [sflag:$0x1] =	stream.indirect.gather @!p0 [hbm4b:s3+s10], $0x20, s5, s10, $0xb8;
	[tilespmem:$0x1E000] =	vst v63  }
0x1b0: {  	s5 =	sadd.s32 @!p0 $0x600, s2;
	s11 =	simm.s32 @!p0 $0x8E00  }
0x1b1: {  	[tilespmem:s11], [sflag:$0x1] =	stream.indirect.gather @!p0 [hbm4b:s3+s10], $0x20, s5, s10, $0xb8;
	[tilespmem:$0x1E000] =	vst v63  }
0x1b2: {  	s5 =	sadd.s32 @!p0 $0x680, s2;
	s11 =	simm.s32 @!p0 $0x9E00  }
0x1b3: {  	[tilespmem:s11], [sflag:$0x1] =	stream.indirect.gather @!p0 [hbm4b:s3+s10], $0x20, s5, s10, $0xb8;
	[tilespmem:$0x1E000] =	vst v63  }
0x1b4: {  	s5 =	sadd.s32 @!p0 $0x700, s2;
	s11 =	simm.s32 @!p0 $0xAE00  }
0x1b5: {  	[tilespmem:s11], [sflag:$0x1] =	stream.indirect.gather @!p0 [hbm4b:s3+s10], $0x20, s5, s10, $0xb8;
	[tilespmem:$0x1E000] =	vst v63  }
0x1b6: {  	s5 =	sadd.s32 @!p0 $0x780, s2;
	s11 =	simm.s32 @!p0 $0xBE00  }
0x1b7: {  	[tilespmem:s11], [sflag:$0x1] =	stream.indirect.gather @!p0 [hbm4b:s3+s10], $0x20, s5, s10, $0xb8;
	[tilespmem:$0x1E000] =	vst v63  }
0x1b8: {  	s5 =	sadd.s32 @!p0 $0x800, s2;
	s11 =	simm.s32 @!p0 $0xCE00  }
0x1b9: {  	[tilespmem:s11], [sflag:$0x1] =	stream.indirect.gather @!p0 [hbm4b:s3+s10], $0x20, s5, s10, $0xb8;
	[tilespmem:$0x1E000] =	vst v63  }
0x1ba: {  	s2 =	sadd.s32 @!p0 $0x880, s2;
	s5 =	simm.s32 @!p0 $0xDE00  }
0x1bb: {  	[tilespmem:s5], [sflag:$0x1] =	stream.indirect.gather @!p0 [hbm4b:s3+s10], $0x20, s2, s10, $0xb8;
	[tilespmem:$0x1E000] =	vst v63  }
0x1bc: {  	_ =	strace $0x8000004C  }
0x1bd: {  	_ =	swait.ge [sflag:s4], $0x800  }
0x1be: {  	[sflag:s4] =	ssyncset.done $0x0  }
0x1bf: {  	[sflag:s4] =	ssyncadd.s32 $0xFFFFF800  }
0x1c0: {  	_ =	swait.ge [sflag:s4], $0x800  }
0x1c1: {  	[sflag:s4] =	ssyncset.done $0x0  }
0x1c2: {  	[sflag:s4] =	ssyncadd.s32 $0xFFFFF800  }
0x1c3: {  	_ =	swait.ge [sflag:s4], $0xA000  }
0x1c4: {  	[sflag:s4] =	ssyncset.done $0x0  }
0x1c5: {  	[sflag:s4] =	ssyncadd.s32 $0xFFFF6000  }
0x1c6: {  	_ =	strace $0x9000004C  }
0x1c7: {  	v1 =	vmov s9;
	s9 =	simm.s32 $0x0;
	_ =	strace $0x8000004D  }
.LBB2_13:
0x1c8: {  	v24 =	vimm.f32 $0.0e+00  }
0x1c9: {  	v25 =	vimm.f32 $0.0e+00;
	v27 =	vimm.f32 $0.0e+00;
	v28 =	vimm.f32 $0.0e+00  }
0x1ca: {  	v26 =	vimm.f32 $0.0e+00;
	v30 =	vimm.f32 $0.0e+00;
	v29 =	vimm.f32 $0.0e+00  }
0x1cb: {  	v32 =	vimm.f32 $0.0e+00;
	v34 =	vimm.f32 $0.0e+00;
	v31 =	vimm.f32 $0.0e+00  }
0x1cc: {  	s2 =	sshll.u32 s9, $0x4;
	v33 =	vimm.f32 $0.0e+00;
	v36 =	vimm.f32 $0.0e+00;
	v35 =	vimm.f32 $0.0e+00  }
0x1cd: {  	v37 =	vimm.f32 $0.0e+00;
	v40 =	vimm.f32 $0.0e+00;
	v2 =	vor.u32 s2, v0  }
0x1ce: {  	v38 =	vimm.f32 $0.0e+00;
	v41 =	vimm.f32 $0.0e+00;
	v3 =	vmul.u32 $0x280, v2  }
0x1cf: {  	v39 =	vimm.f32 $0.0e+00;
	v42 =	vimm.f32 $0.0e+00;
	v43 =	vimm.f32 $0.0e+00  }
0x1d0: {  	v45 =	vimm.f32 $0.0e+00;
	v4 =	vshll.u32 v2, $0x5;
	v5 =	vor.u32 $0x20, v3  }
0x1d1: {  	v6 =	vor.u32 $0x40, v3;
	v7 =	vor.u32 $0x60, v3;
	v8 =	vadd.s32 $0x80, v3  }
0x1d2: {  	v9 =	vadd.s32 $0xA0, v3;
	v10 =	vadd.s32 $0xC0, v3;
	v11 =	vadd.s32 $0xE0, v3  }
0x1d3: {  	v12 =	vadd.s32 $0x100, v3;
	v13 =	vadd.s32 $0x120, v3;
	v14 =	vadd.s32 $0x140, v3  }
0x1d4: {  	v15 =	vadd.s32 $0x160, v3;
	v16 =	vadd.s32 $0x180, v3;
	v17 =	vadd.s32 $0x1A0, v3  }
0x1d5: {  	v18 =	vadd.s32 $0x1C0, v3;
	v19 =	vadd.s32 $0x1E0, v3;
	v20 =	vadd.s32 $0x200, v3  }
0x1d6: {  	s5 =	simm.s32 $0x0;
	v21 =	vadd.s32 $0x220, v3;
	v22 =	vadd.s32 $0x240, v3;
	v23 =	vadd.s32 $0x260, v3  }
.LBB2_14:
0x1d7: {  	v44 =	vadd.s32 s5, v0  }
0x1d8: {  	v51 =	vand.u32 $0x1F, v44  }
0x1d9: {  	v44 =	vor.u32 v4, v51;
	_ =	sdelay $0x1  }
0x1da: {  	v46 =	vor.u32 v3, v51  }
0x1db: {  	v48 =	vor.u32 v5, v51;
	_ =	sdelay $0x1  }
0x1dc: {  	v53 =	vor.u32 v7, v51;
	v47 =	vld.idx.msk [tilespmem:v44+s26+$0x0], $0xffff  }
0x1dd: {  	v54 =	vor.u32 v8, v51;
	v49 =	vld.idx.msk [tilespmem:v44+s28+$0x0], $0xffff  }
0x1de: {  	v52 =	vor.u32 v6, v51;
	v50 =	vld.idx.msk [tilespmem:v46+s29+$0x0], $0xffff  }
0x1df: {  	v48 =	vld.idx.msk [tilespmem:v48+s29+$0x0], $0xffff;
	_ =	sdelay $0x1  }
0x1e0: {  	v53 =	vld.idx.msk [tilespmem:v53+s29+$0x0], $0xffff  }
0x1e1: {  	v56 =	vor.u32 v9, v51;
	v57 =	vor.u32 v13, v51;
	v54 =	vld.idx.msk [tilespmem:v54+s29+$0x0], $0xffff  }
0x1e2: {  	v52 =	vld.idx.msk [tilespmem:v52+s29+$0x0], $0xffff;
	v46 =	vunpack.i.l.bf16.f32 v47;
	v44 =	vunpack.i.l.bf16.f32 v49;
	v61 =	vunpack.i.u.bf16.f32 v49  }
0x1e3: {  	v62 =	vunpack.i.l.bf16.f32 v50;
	v63 =	vunpack.i.l.bf16.f32 v48;
	v59 =	vunpack.i.u.bf16.f32 v50  }
0x1e4: {  	v48 =	vunpack.i.u.bf16.f32 v48;
	v50 =	vor.u32 v11, v51;
	v55 =	vmul.f32 v44, v46  }
0x1e5: {  	v44 =	vunpack.i.u.bf16.f32 v47;
	v49 =	vmul.f32 v62, v46;
	v60 =	vmul.f32 v63, v46  }
0x1e6: {  	v62 =	vunpack.i.l.bf16.f32 v53;
	v63 =	vunpack.i.l.bf16.f32 v54;
	v53 =	vunpack.i.u.bf16.f32 v53  }
0x1e7: {  	v47 =	vmul.f32 v61, v44;
	v48 =	vmul.f32 v48, v44;
	v61 =	vunpack.i.l.bf16.f32 v52  }
0x1e8: {  	v45 =	vadd.f32 v55, v45;
	v43 =	vadd.f32 v49, v43;
	v49 =	vor.u32 v10, v51  }
0x1e9: {  	v52 =	vunpack.i.u.bf16.f32 v52;
	v42 =	vadd.f32 v60, v42;
	v55 =	vld.idx.msk [tilespmem:v56+s29+$0x0], $0xffff;
	v60 =	vmul.f32 v63, v46  }
0x1ea: {  	v56 =	vor.u32 v12, v51;
	v45 =	vadd.f32 v45, v47;
	v47 =	vmul.f32 v59, v44  }
0x1eb: {  	v52 =	vmul.f32 v52, v44;
	v42 =	vadd.f32 v42, v48;
	v48 =	vmul.f32 v62, v46  }
0x1ec: {  	v62 =	vunpack.i.u.bf16.f32 v54;
	v43 =	vadd.f32 v43, v47;
	v47 =	vmul.f32 v61, v46  }
0x1ed: {  	v38 =	vadd.f32 v60, v38;
	v41 =	vadd.f32 v48, v41;
	v61 =	vmul.f32 v53, v44;
	v48 =	vld.idx.msk [tilespmem:v49+s29+$0x0], $0xffff  }
0x1ee: {  	v53 =	vmul.f32 v62, v44;
	v63 =	vunpack.i.l.bf16.f32 v55;
	v39 =	vadd.f32 v47, v39  }
0x1ef: {  	v60 =	vunpack.i.u.bf16.f32 v55;
	v47 =	vld.idx.msk [tilespmem:v50+s29+$0x0], $0xffff;
	v59 =	vmul.f32 v63, v46  }
0x1f0: {  	v38 =	vadd.f32 v38, v53;
	v53 =	vld.idx.msk [tilespmem:v56+s29+$0x0], $0xffff;
	v50 =	vadd.f32 v39, v52;
	v52 =	vor.u32 v14, v51  }
0x1f1: {  	v55 =	vor.u32 v18, v51;
	v41 =	vadd.f32 v41, v61;
	v63 =	vor.u32 v15, v51;
	v56 =	vld.idx.msk [tilespmem:v57+s29+$0x0], $0xffff  }
0x1f2: {  	v57 =	vor.u32 v16, v51;
	v39 =	vadd.f32 v59, v40;
	v61 =	vunpack.i.l.bf16.f32 v48  }
0x1f3: {  	v40 =	vmul.f32 v60, v44;
	v48 =	vunpack.i.u.bf16.f32 v48;
	v49 =	vmul.f32 v61, v46  }
0x1f4: {  	v62 =	vunpack.i.l.bf16.f32 v47;
	v48 =	vmul.f32 v48, v44;
	v47 =	vunpack.i.u.bf16.f32 v47  }
0x1f5: {  	v58 =	vunpack.i.l.bf16.f32 v53;
	v54 =	vmul.f32 v62, v46;
	v60 =	vmul.f32 v47, v44;
	v52 =	vld.idx.msk [tilespmem:v52+s29+$0x0], $0xffff  }
0x1f6: {  	v61 =	vmul.f32 v58, v46;
	v58 =	vunpack.i.l.bf16.f32 v56;
	v37 =	vadd.f32 v49, v37  }
0x1f7: {  	v62 =	vunpack.i.u.bf16.f32 v53;
	v53 =	vld.idx.msk [tilespmem:v57+s29+$0x0], $0xffff;
	v49 =	vadd.f32 v39, v40;
	v39 =	vmul.f32 v58, v46  }
0x1f8: {  	v40 =	vld.idx.msk [tilespmem:v63+s29+$0x0], $0xffff;
	v35 =	vadd.f32 v54, v35;
	v47 =	vadd.f32 v37, v48;
	v48 =	vor.u32 v17, v51  }
0x1f9: {  	v57 =	vor.u32 v20, v51;
	v63 =	vmul.f32 v62, v44;
	v36 =	vadd.f32 v61, v36  }
0x1fa: {  	v33 =	vadd.f32 v39, v33;
	v35 =	vadd.f32 v35, v60;
	v59 =	vunpack.i.l.bf16.f32 v52  }
0x1fb: {  	v36 =	vadd.f32 v36, v63;
	v60 =	vunpack.i.u.bf16.f32 v56;
	v54 =	vmul.f32 v59, v46  }
0x1fc: {  	v55 =	vld.idx.msk [tilespmem:v55+s29+$0x0], $0xffff;
	v37 =	vmul.f32 v60, v44;
	v60 =	vunpack.i.l.bf16.f32 v53;
	v61 =	vunpack.i.u.bf16.f32 v52  }
0x1fd: {  	v62 =	vunpack.i.l.bf16.f32 v40;
	v52 =	vmul.f32 v60, v46;
	v31 =	vadd.f32 v54, v31;
	v54 =	vld.idx.msk [tilespmem:v48+s29+$0x0], $0xffff  }
0x1fe: {  	v39 =	vmul.f32 v61, v44;
	v63 =	vmul.f32 v62, v46;
	v61 =	vor.u32 v19, v51  }
0x1ff: {  	v40 =	vunpack.i.u.bf16.f32 v40;
	v62 =	vunpack.i.u.bf16.f32 v53;
	v53 =	vor.u32 v21, v51  }
0x200: {  	v40 =	vmul.f32 v40, v44;
	v32 =	vadd.f32 v52, v32;
	v34 =	vadd.f32 v63, v34  }
0x201: {  	v52 =	vadd.f32 v33, v37;
	v63 =	vmul.f32 v62, v44;
	v62 =	vunpack.i.l.bf16.f32 v55  }
0x202: {  	v48 =	vadd.f32 v31, v39;
	v33 =	vadd.f32 v34, v40;
	v59 =	vunpack.i.l.bf16.f32 v54  }
0x203: {  	v31 =	vadd.f32 v32, v63;
	v63 =	vor.u32 v22, v51;
	v37 =	vld.idx.msk [tilespmem:v61+s29+$0x0], $0xffff;
	v60 =	vmul.f32 v59, v46  }
0x204: {  	s10 =	sadd.s32 $0x1, s5;
	v51 =	vor.u32 v23, v51;
	v61 =	vunpack.i.u.bf16.f32 v54;
	v54 =	vld.idx.msk [tilespmem:v57+s29+$0x0], $0xffff;
	v59 =	vmul.f32 v62, v46  }
0x205: {  	v58 =	vmul.f32 v61, v44;
	v61 =	vadd.s32 s10, v0;
	v29 =	vadd.f32 v60, v29  }
0x206: {  	v39 =	vld.idx.msk [tilespmem:v53+s29+$0x0], $0xffff;
	v60 =	vunpack.i.u.bf16.f32 v55;
	v34 =	vadd.f32 v59, v30;
	v30 =	vand.u32 $0x1F, v61  }
0x207: {  	v55 =	vmul.f32 v60, v44;
	v32 =	vor.u32 v4, v30  }
0x208: {  	v57 =	vor.u32 v3, v30;
	v40 =	vadd.f32 v29, v58;
	v29 =	vunpack.i.l.bf16.f32 v37  }
0x209: {  	v62 =	vunpack.i.l.bf16.f32 v54;
	v37 =	vunpack.i.u.bf16.f32 v37;
	v60 =	vunpack.i.u.bf16.f32 v54  }
0x20a: {  	v56 =	vld.idx.msk [tilespmem:v51+s29+$0x0], $0xffff;
	v54 =	vor.u32 v6, v30;
	v58 =	vor.u32 v9, v30;
	v29 =	vmul.f32 v29, v46  }
0x20b: {  	v34 =	vadd.f32 v34, v55;
	v55 =	vld.idx.msk [tilespmem:v63+s29+$0x0], $0xffff;
	v53 =	vmul.f32 v62, v46;
	v63 =	vunpack.i.l.bf16.f32 v39  }
0x20c: {  	v37 =	vmul.f32 v37, v44;
	v26 =	vadd.f32 v29, v26;
	v29 =	vmul.f32 v63, v46  }
0x20d: {  	v61 =	vmul.f32 v60, v44;
	v39 =	vunpack.i.u.bf16.f32 v39;
	v28 =	vadd.f32 v53, v28;
	v53 =	vld.idx.msk [tilespmem:v57+s29+$0x0], $0xffff  }
0x20e: {  	v39 =	vmul.f32 v39, v44;
	v63 =	vor.u32 v5, v30;
	v27 =	vadd.f32 v29, v27;
	v29 =	vld.idx.msk [tilespmem:v32+s26+$0x0], $0xffff  }
0x20f: {  	v32 =	vld.idx.msk [tilespmem:v32+s28+$0x0], $0xffff;
	v51 =	vadd.f32 v26, v37;
	v28 =	vadd.f32 v28, v61;
	v61 =	vunpack.i.u.bf16.f32 v56  }
0x210: {  	v62 =	vunpack.i.l.bf16.f32 v55;
	v26 =	vadd.f32 v27, v39;
	v27 =	vunpack.i.l.bf16.f32 v56  }
0x211: {  	v60 =	vunpack.i.u.bf16.f32 v55;
	v59 =	vmul.f32 v62, v46;
	v27 =	vmul.f32 v27, v46  }
0x212: {  	v62 =	vor.u32 v7, v30;
	v46 =	vmul.f32 v60, v44;
	v44 =	vmul.f32 v61, v44  }
0x213: {  	v56 =	vld.idx.msk [tilespmem:v63+s29+$0x0], $0xffff;
	v60 =	vor.u32 v10, v30;
	v61 =	vor.u32 v11, v30;
	v57 =	vunpack.i.l.bf16.f32 v53  }
0x214: {  	v24 =	vadd.f32 v27, v24;
	v39 =	vunpack.i.l.bf16.f32 v29;
	v27 =	vunpack.i.l.bf16.f32 v32  }
0x215: {  	v25 =	vadd.f32 v59, v25;
	v27 =	vmul.f32 v27, v39;
	v63 =	vmul.f32 v57, v39;
	v57 =	vld.idx.msk [tilespmem:v54+s29+$0x0], $0xffff  }
0x216: {  	v53 =	vunpack.i.u.bf16.f32 v53;
	v37 =	vunpack.i.u.bf16.f32 v29;
	v29 =	vunpack.i.u.bf16.f32 v32  }
0x217: {  	v27 =	vadd.f32 v27, v45;
	v45 =	vor.u32 v8, v30;
	v32 =	vadd.f32 v63, v43;
	v43 =	vld.idx.msk [tilespmem:v62+s29+$0x0], $0xffff  }
0x218: {  	v29 =	vmul.f32 v29, v37;
	v53 =	vmul.f32 v53, v37;
	v59 =	vunpack.i.l.bf16.f32 v56  }
0x219: {  	v55 =	vadd.f32 v25, v46;
	v54 =	vadd.f32 v24, v44;
	v25 =	vmul.f32 v59, v39  }
0x21a: {  	v44 =	vadd.f32 v27, v29;
	v24 =	vadd.f32 v32, v53;
	v27 =	vunpack.i.l.bf16.f32 v57  }
0x21b: {  	v46 =	vld.idx.msk [tilespmem:v58+s29+$0x0], $0xffff;
	v29 =	vunpack.i.u.bf16.f32 v56;
	v56 =	vor.u32 v14, v30;
	v27 =	vmul.f32 v27, v39  }
0x21c: {  	v25 =	vadd.f32 v25, v42;
	v29 =	vmul.f32 v29, v37;
	v45 =	vld.idx.msk [tilespmem:v45+s29+$0x0], $0xffff;
	v59 =	vunpack.i.l.bf16.f32 v43  }
0x21d: {  	v62 =	vunpack.i.u.bf16.f32 v57;
	v27 =	vadd.f32 v27, v50;
	v32 =	vmul.f32 v59, v39;
	v50 =	vld.idx.msk [tilespmem:v60+s29+$0x0], $0xffff  }
0x21e: {  	v63 =	vmul.f32 v62, v37;
	v43 =	vunpack.i.u.bf16.f32 v43;
	v60 =	vor.u32 v12, v30  }
0x21f: {  	v53 =	vld.idx.msk [tilespmem:v61+s29+$0x0], $0xffff;
	v42 =	vadd.f32 v25, v29;
	v29 =	vmul.f32 v43, v37;
	v25 =	vadd.f32 v32, v41  }
0x220: {  	v57 =	vor.u32 v15, v30;
	v32 =	vadd.f32 v27, v63;
	v41 =	vor.u32 v13, v30  }
0x221: {  	v27 =	vunpack.i.l.bf16.f32 v45;
	v29 =	vadd.f32 v25, v29;
	v61 =	vunpack.i.u.bf16.f32 v45  }
0x222: {  	v25 =	vmul.f32 v27, v39;
	v27 =	vunpack.i.l.bf16.f32 v46;
	v62 =	vunpack.i.l.bf16.f32 v50  }
0x223: {  	v45 =	vld.idx.msk [tilespmem:v60+s29+$0x0], $0xffff;
	v43 =	vmul.f32 v61, v37;
	v46 =	vunpack.i.u.bf16.f32 v46;
	v60 =	vunpack.i.u.bf16.f32 v50  }
0x224: {  	v61 =	vunpack.i.l.bf16.f32 v53;
	v27 =	vmul.f32 v27, v39;
	v63 =	vmul.f32 v62, v39  }
0x225: {  	v46 =	vmul.f32 v46, v37;
	v62 =	vor.u32 v16, v30;
	v25 =	vadd.f32 v25, v38;
	v41 =	vld.idx.msk [tilespmem:v41+s29+$0x0], $0xffff  }
0x226: {  	v27 =	vadd.f32 v27, v49;
	v38 =	vadd.f32 v63, v47;
	v49 =	vmul.f32 v60, v37  }
0x227: {  	v60 =	vor.u32 v17, v30;
	v47 =	vadd.f32 v25, v43;
	v25 =	vmul.f32 v61, v39  }
0x228: {  	v43 =	vadd.f32 v27, v46;
	v27 =	vadd.f32 v38, v49;
	v63 =	vunpack.i.l.bf16.f32 v45;
	v49 =	vld.idx.msk [tilespmem:v56+s29+$0x0], $0xffff  }
0x229: {  	v56 =	vunpack.i.u.bf16.f32 v53;
	v45 =	vunpack.i.u.bf16.f32 v45;
	v58 =	vmul.f32 v63, v39  }
0x22a: {  	v38 =	vmul.f32 v56, v37;
	v56 =	vld.idx.msk [tilespmem:v57+s29+$0x0], $0xffff;
	v57 =	vor.u32 v18, v30;
	v59 =	vunpack.i.l.bf16.f32 v41  }
0x22b: {  	v25 =	vadd.f32 v25, v35;
	v41 =	vunpack.i.u.bf16.f32 v41;
	v61 =	vmul.f32 v59, v39  }
0x22c: {  	v45 =	vmul.f32 v45, v37;
	v50 =	vld.idx.msk [tilespmem:v62+s29+$0x0], $0xffff;
	v35 =	vadd.f32 v58, v36;
	v62 =	vmul.f32 v41, v37  }
0x22d: {  	v46 =	vadd.f32 v25, v38;
	v36 =	vadd.f32 v61, v52;
	v63 =	vunpack.i.l.bf16.f32 v49  }
0x22e: {  	v41 =	vadd.f32 v35, v45;
	v59 =	vunpack.i.u.bf16.f32 v49;
	v45 =	vld.idx.msk [tilespmem:v60+s29+$0x0], $0xffff;
	v49 =	vor.u32 v19, v30  }
0x22f: {  	v58 =	vmul.f32 v63, v39;
	v60 =	vunpack.i.l.bf16.f32 v56;
	v53 =	vld.idx.msk [tilespmem:v57+s29+$0x0], $0xffff;
	v57 =	vor.u32 v20, v30  }
0x230: {  	v63 =	vunpack.i.u.bf16.f32 v56;
	v25 =	vadd.f32 v36, v62;
	v36 =	vmul.f32 v59, v37  }
0x231: {  	v61 =	vmul.f32 v60, v39;
	v62 =	vunpack.i.l.bf16.f32 v50;
	v35 =	vadd.f32 v58, v48  }
0x232: {  	v56 =	vmul.f32 v62, v39;
	v58 =	vunpack.i.u.bf16.f32 v50;
	v62 =	vor.u32 v21, v30  }
0x233: {  	v33 =	vadd.f32 v61, v33;
	v59 =	vmul.f32 v58, v37;
	v38 =	vadd.f32 v35, v36  }
0x234: {  	v35 =	vmul.f32 v63, v37;
	v31 =	vadd.f32 v56, v31;
	v60 =	vunpack.i.l.bf16.f32 v45;
	v49 =	vld.idx.msk [tilespmem:v49+s29+$0x0], $0xffff  }
0x235: {  	v63 =	vor.u32 v22, v30;
	v45 =	vunpack.i.u.bf16.f32 v45;
	v30 =	vor.u32 v23, v30  }
0x236: {  	s11 =	sadd.s32 $0x2, s5;
	v61 =	vmul.f32 v60, v39;
	v50 =	vld.idx.msk [tilespmem:v57+s29+$0x0], $0xffff;
	v36 =	vadd.f32 v31, v59;
	v31 =	vunpack.i.l.bf16.f32 v53  }
0x237: {  	v60 =	vadd.s32 s11, v0;
	v35 =	vadd.f32 v33, v35;
	v31 =	vmul.f32 v31, v39  }
0x238: {  	v59 =	vunpack.i.u.bf16.f32 v53;
	v33 =	vadd.f32 v61, v40;
	v40 =	vmul.f32 v45, v37  }
0x239: {  	v45 =	vmul.f32 v59, v37;
	v48 =	vld.idx.msk [tilespmem:v62+s29+$0x0], $0xffff;
	v34 =	vadd.f32 v31, v34;
	v31 =	vunpack.i.l.bf16.f32 v49  }
0x23a: {  	v49 =	vunpack.i.u.bf16.f32 v49;
	v52 =	vld.idx.msk [tilespmem:v63+s29+$0x0], $0xffff;
	v53 =	vadd.f32 v33, v40;
	v61 =	vmul.f32 v31, v39  }
0x23b: {  	v30 =	vld.idx.msk [tilespmem:v30+s29+$0x0], $0xffff;
	v31 =	vand.u32 $0x1F, v60;
	v62 =	vunpack.i.l.bf16.f32 v50;
	v49 =	vmul.f32 v49, v37  }
0x23c: {  	v60 =	vunpack.i.u.bf16.f32 v50;
	v57 =	vor.u32 v4, v31;
	v63 =	vmul.f32 v62, v39  }
0x23d: {  	v45 =	vadd.f32 v34, v45;
	v33 =	vmul.f32 v60, v37;
	v51 =	vadd.f32 v61, v51  }
0x23e: {  	v61 =	vunpack.i.l.bf16.f32 v48;
	v58 =	vunpack.i.u.bf16.f32 v48;
	v28 =	vadd.f32 v63, v28  }
0x23f: {  	v40 =	vmul.f32 v61, v39;
	v63 =	vor.u32 v5, v31;
	v34 =	vadd.f32 v51, v49  }
0x240: {  	v49 =	vor.u32 v3, v31;
	v62 =	vunpack.i.l.bf16.f32 v52;
	v60 =	vunpack.i.l.bf16.f32 v30  }
0x241: {  	v52 =	vunpack.i.u.bf16.f32 v52;
	v30 =	vunpack.i.u.bf16.f32 v30;
	v28 =	vadd.f32 v28, v33;
	v56 =	vld.idx.msk [tilespmem:v57+s26+$0x0], $0xffff  }
0x242: {  	v59 =	vmul.f32 v62, v39;
	v26 =	vadd.f32 v40, v26;
	v39 =	vmul.f32 v60, v39;
	v50 =	vld.idx.msk [tilespmem:v57+s28+$0x0], $0xffff  }
0x243: {  	v33 =	vmul.f32 v58, v37;
	v61 =	vmul.f32 v52, v37;
	v57 =	vor.u32 v7, v31  }
0x244: {  	v30 =	vmul.f32 v30, v37;
	v48 =	vadd.f32 v59, v55;
	v39 =	vadd.f32 v39, v54;
	v55 =	vld.idx.msk [tilespmem:v63+s29+$0x0], $0xffff  }
0x245: {  	v62 =	vor.u32 v6, v31;
	v54 =	vadd.f32 v26, v33;
	v49 =	vld.idx.msk [tilespmem:v49+s29+$0x0], $0xffff  }
0x246: {  	v59 =	vor.u32 v8, v31;
	v51 =	vadd.f32 v48, v61;
	v30 =	vadd.f32 v39, v30  }
0x247: {  	v37 =	vunpack.i.l.bf16.f32 v56;
	v63 =	vunpack.i.l.bf16.f32 v50;
	v26 =	vunpack.i.u.bf16.f32 v56  }
0x248: {  	v60 =	vunpack.i.u.bf16.f32 v50;
	v50 =	vld.idx.msk [tilespmem:v57+s29+$0x0], $0xffff;
	v56 =	vor.u32 v11, v31;
	v58 =	vmul.f32 v63, v37  }
0x249: {  	v57 =	vor.u32 v15, v31;
	v39 =	vmul.f32 v60, v26;
	v63 =	vor.u32 v9, v31  }
0x24a: {  	v60 =	vunpack.i.u.bf16.f32 v55;
	v33 =	vadd.f32 v58, v44;
	v61 =	vunpack.i.l.bf16.f32 v49;
	v44 =	vld.idx.msk [tilespmem:v62+s29+$0x0], $0xffff  }
0x24b: {  	v62 =	vunpack.i.l.bf16.f32 v55;
	v58 =	vunpack.i.u.bf16.f32 v49;
	v40 =	vmul.f32 v61, v37  }
0x24c: {  	v49 =	vld.idx.msk [tilespmem:v59+s29+$0x0], $0xffff;
	v55 =	vor.u32 v10, v31;
	v48 =	vmul.f32 v62, v37;
	v33 =	vadd.f32 v33, v39  }
0x24d: {  	v39 =	vmul.f32 v58, v26;
	v61 =	vunpack.i.l.bf16.f32 v50;
	v24 =	vadd.f32 v40, v24  }
0x24e: {  	v50 =	vunpack.i.u.bf16.f32 v50;
	v48 =	vadd.f32 v48, v42;
	v40 =	vmul.f32 v60, v26  }
0x24f: {  	v60 =	vor.u32 v12, v31;
	v42 =	vadd.f32 v24, v39;
	v24 =	vunpack.i.l.bf16.f32 v44  }
0x250: {  	v39 =	vadd.f32 v48, v40;
	v48 =	vld.idx.msk [tilespmem:v63+s29+$0x0], $0xffff;
	v44 =	vunpack.i.u.bf16.f32 v44;
	v40 =	vmul.f32 v61, v37  }
0x251: {  	v62 =	vunpack.i.l.bf16.f32 v49;
	v61 =	vmul.f32 v50, v26;
	v24 =	vmul.f32 v24, v37  }
0x252: {  	v55 =	vld.idx.msk [tilespmem:v55+s29+$0x0], $0xffff;
	v49 =	vunpack.i.u.bf16.f32 v49;
	v63 =	vmul.f32 v62, v37;
	v44 =	vmul.f32 v44, v26  }
0x253: {  	v49 =	vmul.f32 v49, v26;
	v29 =	vadd.f32 v40, v29;
	v24 =	vadd.f32 v24, v32  }
0x254: {  	v32 =	vadd.f32 v63, v47;
	v47 =	vld.idx.msk [tilespmem:v56+s29+$0x0], $0xffff;
	v63 =	vor.u32 v13, v31;
	v56 =	vor.u32 v16, v31  }
0x255: {  	v62 =	vunpack.i.l.bf16.f32 v48;
	v52 =	vadd.f32 v24, v44;
	v44 =	vor.u32 v14, v31  }
0x256: {  	v40 =	vadd.f32 v29, v61;
	v59 =	vunpack.i.u.bf16.f32 v48;
	v48 =	vld.idx.msk [tilespmem:v60+s29+$0x0], $0xffff;
	v24 =	vmul.f32 v62, v37  }
0x257: {  	v29 =	vadd.f32 v32, v49;
	v60 =	vunpack.i.l.bf16.f32 v55;
	v32 =	vmul.f32 v59, v26  }
0x258: {  	v62 =	vunpack.i.u.bf16.f32 v55;
	v24 =	vadd.f32 v24, v43;
	v43 =	vmul.f32 v60, v37  }
0x259: {  	v61 =	vunpack.i.l.bf16.f32 v47;
	v55 =	vld.idx.msk [tilespmem:v63+s29+$0x0], $0xffff;
	v63 =	vmul.f32 v62, v26;
	v47 =	vunpack.i.u.bf16.f32 v47  }
0x25a: {  	v49 =	vmul.f32 v61, v37;
	v61 =	vmul.f32 v47, v26;
	v58 =	vld.idx.msk [tilespmem:v44+s29+$0x0], $0xffff  }
0x25b: {  	v47 =	vld.idx.msk [tilespmem:v56+s29+$0x0], $0xffff;
	v56 =	vor.u32 v18, v31;
	v27 =	vadd.f32 v43, v27;
	v62 =	vunpack.i.l.bf16.f32 v48  }
0x25c: {  	v50 =	vadd.f32 v24, v32;
	v43 =	vld.idx.msk [tilespmem:v57+s29+$0x0], $0xffff;
	v60 =	vadd.f32 v49, v46;
	v24 =	vmul.f32 v62, v37  }
0x25d: {  	v49 =	vadd.f32 v27, v63;
	v27 =	vunpack.i.u.bf16.f32 v48;
	v63 =	vor.u32 v17, v31  }
0x25e: {  	v24 =	vadd.f32 v24, v41;
	v27 =	vmul.f32 v27, v26;
	v59 =	vunpack.i.l.bf16.f32 v55  }
0x25f: {  	v32 =	vadd.f32 v60, v61;
	v41 =	vmul.f32 v59, v37;
	v60 =	vunpack.i.l.bf16.f32 v58  }
0x260: {  	v44 =	vadd.f32 v24, v27;
	v24 =	vunpack.i.u.bf16.f32 v55;
	v61 =	vunpack.i.u.bf16.f32 v58  }
0x261: {  	v62 =	vunpack.i.l.bf16.f32 v43;
	v58 =	vor.u32 v22, v31;
	v27 =	vmul.f32 v60, v37  }
0x262: {  	v25 =	vadd.f32 v41, v25;
	v24 =	vmul.f32 v24, v26;
	v41 =	vor.u32 v19, v31  }
0x263: {  	v60 =	vunpack.i.l.bf16.f32 v47;
	v55 =	vld.idx.msk [tilespmem:v63+s29+$0x0], $0xffff;
	v63 =	vmul.f32 v61, v26;
	v27 =	vadd.f32 v27, v38  }
0x264: {  	v38 =	vmul.f32 v62, v37;
	v48 =	vadd.f32 v25, v24;
	v24 =	vunpack.i.u.bf16.f32 v43;
	v43 =	vld.idx.msk [tilespmem:v56+s29+$0x0], $0xffff  }
0x265: {  	v61 =	vunpack.i.u.bf16.f32 v47;
	v25 =	vmul.f32 v60, v37;
	v24 =	vmul.f32 v24, v26  }
0x266: {  	v46 =	vadd.f32 v27, v63;
	v27 =	vadd.f32 v38, v35;
	v63 =	vor.u32 v21, v31  }
0x267: {  	v36 =	vadd.f32 v25, v36;
	v35 =	vmul.f32 v61, v26;
	v38 =	vld.idx.msk [tilespmem:v41+s29+$0x0], $0xffff;
	v41 =	vor.u32 v20, v31  }
0x268: {  	v31 =	vor.u32 v23, v31;
	v62 =	vunpack.i.l.bf16.f32 v55;
	v25 =	vadd.f32 v27, v24  }
0x269: {  	v56 =	vld.idx.msk [tilespmem:v58+s29+$0x0], $0xffff;
	v24 =	vadd.f32 v36, v35;
	v27 =	vmul.f32 v62, v37;
	v60 =	vunpack.i.l.bf16.f32 v43  }
0x26a: {  	v59 =	vunpack.i.u.bf16.f32 v55;
	v43 =	vunpack.i.u.bf16.f32 v43;
	v36 =	vmul.f32 v60, v37  }
0x26b: {  	s15 =	sadd.s32 $0x3, s5;
	v35 =	vmul.f32 v59, v26;
	v43 =	vmul.f32 v43, v26;
	v27 =	vadd.f32 v27, v53;
	v55 =	vld.idx.msk [tilespmem:v63+s29+$0x0], $0xffff  }
0x26c: {  	v63 =	vadd.s32 s15, v0;
	v61 =	vunpack.i.l.bf16.f32 v38;
	v41 =	vld.idx.msk [tilespmem:v41+s29+$0x0], $0xffff;
	v36 =	vadd.f32 v36, v45  }
0x26d: {  	v38 =	vunpack.i.u.bf16.f32 v38;
	v53 =	vand.u32 $0x1F, v63;
	v62 =	vmul.f32 v61, v37  }
0x26e: {  	v59 =	vunpack.i.u.bf16.f32 v56;
	v31 =	vld.idx.msk [tilespmem:v31+s29+$0x0], $0xffff;
	v38 =	vmul.f32 v38, v26;
	v57 =	vor.u32 v4, v53  }
0x26f: {  	v63 =	vor.u32 v5, v53;
	v47 =	vadd.f32 v36, v43;
	v45 =	vadd.f32 v62, v34  }
0x270: {  	v34 =	vadd.f32 v27, v35;
	v62 =	vunpack.i.l.bf16.f32 v56;
	v61 =	vunpack.i.l.bf16.f32 v55  }
0x271: {  	v35 =	vunpack.i.u.bf16.f32 v41;
	v60 =	vunpack.i.l.bf16.f32 v41;
	v41 =	vor.u32 v3, v53  }
0x272: {  	v55 =	vunpack.i.u.bf16.f32 v55;
	v43 =	vmul.f32 v62, v37;
	v27 =	vadd.f32 v45, v38  }
0x273: {  	v38 =	vmul.f32 v61, v37;
	v36 =	vmul.f32 v60, v37;
	v58 =	vld.idx.msk [tilespmem:v57+s26+$0x0], $0xffff;
	v60 =	vunpack.i.l.bf16.f32 v31  }
0x274: {  	v62 =	vor.u32 v6, v53;
	v35 =	vmul.f32 v35, v26;
	v57 =	vld.idx.msk [tilespmem:v57+s28+$0x0], $0xffff;
	v37 =	vmul.f32 v60, v37  }
0x275: {  	v38 =	vadd.f32 v38, v54;
	v28 =	vadd.f32 v36, v28;
	v36 =	vmul.f32 v55, v26  }
0x276: {  	v61 =	vmul.f32 v59, v26;
	v43 =	vadd.f32 v43, v51;
	v30 =	vadd.f32 v37, v30;
	v41 =	vld.idx.msk [tilespmem:v41+s29+$0x0], $0xffff  }
0x277: {  	v59 =	vor.u32 v9, v53;
	v51 =	vadd.f32 v28, v35;
	v54 =	vadd.f32 v38, v36;
	v35 =	vld.idx.msk [tilespmem:v63+s29+$0x0], $0xffff  }
0x278: {  	v28 =	vunpack.i.u.bf16.f32 v31;
	v36 =	vor.u32 v7, v53;
	v63 =	vor.u32 v8, v53  }
0x279: {  	v56 =	vunpack.i.l.bf16.f32 v58;
	v31 =	vunpack.i.l.bf16.f32 v57;
	v26 =	vmul.f32 v28, v26  }
0x27a: {  	v28 =	vunpack.i.u.bf16.f32 v58;
	v45 =	vunpack.i.u.bf16.f32 v57;
	v58 =	vld.idx.msk [tilespmem:v62+s29+$0x0], $0xffff;
	v31 =	vmul.f32 v31, v56  }
0x27b: {  	v55 =	vadd.f32 v43, v61;
	v38 =	vmul.f32 v45, v28;
	v57 =	vadd.f32 v30, v26  }
0x27c: {  	v31 =	vadd.f32 v31, v33;
	v60 =	vunpack.i.l.bf16.f32 v41;
	v62 =	vunpack.i.l.bf16.f32 v35  }
0x27d: {  	v41 =	vunpack.i.u.bf16.f32 v41;
	v36 =	vld.idx.msk [tilespmem:v36+s29+$0x0], $0xffff;
	v35 =	vunpack.i.u.bf16.f32 v35;
	v61 =	vmul.f32 v60, v56  }
0x27e: {  	v37 =	vld.idx.msk [tilespmem:v63+s29+$0x0], $0xffff;
	v43 =	vmul.f32 v62, v56;
	v41 =	vmul.f32 v41, v28;
	v60 =	vor.u32 v10, v53  }
0x27f: {  	v35 =	vmul.f32 v35, v28;
	v45 =	vadd.f32 v31, v38;
	v30 =	vunpack.i.u.bf16.f32 v58  }
0x280: {  	v33 =	vadd.f32 v61, v42;
	v39 =	vadd.f32 v43, v39;
	v42 =	vunpack.i.l.bf16.f32 v58  }
0x281: {  	v30 =	vmul.f32 v30, v28;
	v61 =	vor.u32 v11, v53;
	v26 =	vmul.f32 v42, v56  }
0x282: {  	v58 =	vor.u32 v16, v53;
	v43 =	vadd.f32 v33, v41;
	v42 =	vadd.f32 v39, v35  }
0x283: {  	v31 =	vunpack.i.l.bf16.f32 v36;
	v33 =	vld.idx.msk [tilespmem:v59+s29+$0x0], $0xffff;
	v63 =	vunpack.i.l.bf16.f32 v37;
	v26 =	vadd.f32 v26, v52  }
0x284: {  	v62 =	vunpack.i.u.bf16.f32 v37;
	v31 =	vmul.f32 v31, v56;
	v52 =	vld.idx.msk [tilespmem:v60+s29+$0x0], $0xffff;
	v60 =	vor.u32 v12, v53  }
0x285: {  	v39 =	vadd.f32 v26, v30;
	v26 =	vunpack.i.u.bf16.f32 v36;
	v30 =	vmul.f32 v63, v56  }
0x286: {  	v35 =	vld.idx.msk [tilespmem:v61+s29+$0x0], $0xffff;
	v31 =	vadd.f32 v31, v40;
	v63 =	vor.u32 v13, v53;
	v26 =	vmul.f32 v26, v28  }
0x287: {  	v61 =	vor.u32 v15, v53;
	v29 =	vadd.f32 v30, v29;
	v30 =	vmul.f32 v62, v28  }
0x288: {  	v41 =	vadd.f32 v31, v26;
	v26 =	vunpack.i.l.bf16.f32 v33;
	v31 =	vor.u32 v14, v53  }
0x289: {  	v33 =	vunpack.i.u.bf16.f32 v33;
	v38 =	vadd.f32 v29, v30;
	v26 =	vmul.f32 v26, v56;
	v30 =	vld.idx.msk [tilespmem:v60+s29+$0x0], $0xffff  }
0x28a: {  	v29 =	vunpack.i.l.bf16.f32 v52;
	v33 =	vmul.f32 v33, v28;
	v60 =	vunpack.i.u.bf16.f32 v52  }
0x28b: {  	v29 =	vmul.f32 v29, v56;
	v59 =	vunpack.i.l.bf16.f32 v35;
	v62 =	vmul.f32 v60, v28  }
0x28c: {  	v36 =	vld.idx.msk [tilespmem:v63+s29+$0x0], $0xffff;
	v35 =	vunpack.i.u.bf16.f32 v35;
	v26 =	vadd.f32 v26, v50;
	v37 =	vmul.f32 v59, v56  }
0x28d: {  	v35 =	vmul.f32 v35, v28;
	v59 =	vor.u32 v17, v53;
	v29 =	vadd.f32 v29, v49;
	v31 =	vld.idx.msk [tilespmem:v31+s29+$0x0], $0xffff  }
0x28e: {  	v32 =	vadd.f32 v37, v32;
	v40 =	vadd.f32 v26, v33;
	v63 =	vunpack.i.l.bf16.f32 v30  }
0x28f: {  	v37 =	vadd.f32 v29, v62;
	v29 =	vunpack.i.u.bf16.f32 v30;
	v62 =	vor.u32 v19, v53  }
0x290: {  	v26 =	vmul.f32 v63, v56;
	v35 =	vadd.f32 v32, v35;
	v29 =	vmul.f32 v29, v28  }
0x291: {  	v30 =	vunpack.i.l.bf16.f32 v36;
	v32 =	vld.idx.msk [tilespmem:v61+s29+$0x0], $0xffff;
	v61 =	vor.u32 v18, v53;
	v36 =	vunpack.i.u.bf16.f32 v36  }
0x292: {  	v50 =	vld.idx.msk [tilespmem:v58+s29+$0x0], $0xffff;
	v30 =	vmul.f32 v30, v56;
	v26 =	vadd.f32 v26, v44;
	v60 =	vunpack.i.l.bf16.f32 v31  }
0x293: {  	v49 =	vor.u32 v22, v53;
	v63 =	vmul.f32 v36, v28;
	v58 =	vld.idx.msk [tilespmem:v59+s29+$0x0], $0xffff;
	v44 =	vmul.f32 v60, v56  }
0x294: {  	v30 =	vadd.f32 v30, v48;
	v31 =	vunpack.i.u.bf16.f32 v31;
	v36 =	vadd.f32 v26, v29  }
0x295: {  	v29 =	vmul.f32 v31, v28;
	v60 =	vor.u32 v20, v53;
	v26 =	vadd.f32 v44, v46  }
0x296: {  	v48 =	vld.idx.msk [tilespmem:v62+s29+$0x0], $0xffff;
	v33 =	vadd.f32 v30, v63;
	v30 =	vunpack.i.l.bf16.f32 v32;
	v32 =	vunpack.i.u.bf16.f32 v32  }
0x297: {  	v63 =	vor.u32 v23, v53;
	v31 =	vadd.f32 v26, v29;
	v26 =	vmul.f32 v30, v56;
	v30 =	vld.idx.msk [tilespmem:v61+s29+$0x0], $0xffff  }
0x298: {  	v62 =	vunpack.i.l.bf16.f32 v58;
	v29 =	vor.u32 v21, v53;
	v61 =	vunpack.i.l.bf16.f32 v50  }
0x299: {  	v49 =	vld.idx.msk [tilespmem:v49+s29+$0x0], $0xffff;
	v46 =	vmul.f32 v62, v56;
	v25 =	vadd.f32 v26, v25;
	v26 =	vmul.f32 v61, v56  }
0x29a: {  	v32 =	vmul.f32 v32, v28;
	v59 =	vunpack.i.u.bf16.f32 v58;
	v50 =	vunpack.i.u.bf16.f32 v50  }
0x29b: {  	v46 =	vadd.f32 v46, v34;
	v24 =	vadd.f32 v26, v24;
	v26 =	vmul.f32 v50, v28  }
0x29c: {  	v44 =	vld.idx.msk [tilespmem:v60+s29+$0x0], $0xffff;
	v62 =	vunpack.i.l.bf16.f32 v48;
	v34 =	vadd.f32 v25, v32;
	v60 =	vunpack.i.l.bf16.f32 v30  }
0x29d: {  	v53 =	vld.idx.msk [tilespmem:v29+s29+$0x0], $0xffff;
	v29 =	vmul.f32 v59, v28;
	v32 =	vadd.f32 v24, v26;
	v24 =	vmul.f32 v62, v56  }
0x29e: {  	v25 =	vunpack.i.u.bf16.f32 v30;
	v30 =	vunpack.i.u.bf16.f32 v48;
	v59 =	vunpack.i.l.bf16.f32 v49  }
0x29f: {  	v49 =	vunpack.i.u.bf16.f32 v49;
	v61 =	vmul.f32 v60, v56;
	v24 =	vadd.f32 v24, v27;
	v27 =	vld.idx.msk [tilespmem:v63+s29+$0x0], $0xffff  }
0x2a0: {  	v25 =	vmul.f32 v25, v28;
	v49 =	vmul.f32 v49, v28;
	v29 =	vadd.f32 v46, v29  }
0x2a1: {  	v26 =	vadd.f32 v61, v47;
	v63 =	vmul.f32 v30, v28;
	v30 =	vunpack.i.l.bf16.f32 v44  }
0x2a2: {  	v44 =	vunpack.i.u.bf16.f32 v44;
	v58 =	vmul.f32 v30, v56;
	v52 =	vunpack.i.l.bf16.f32 v53  }
0x2a3: {  	v44 =	vmul.f32 v44, v28;
	v30 =	vadd.f32 v26, v25;
	v47 =	vmul.f32 v52, v56  }
0x2a4: {  	p0 =	sne.s32 s5, $0x1C;
	v26 =	vadd.f32 v24, v63;
	v24 =	vmul.f32 v59, v56;
	v61 =	vunpack.i.l.bf16.f32 v27  }
.Ltmp5:
0x2a5: {  	v62 =	vunpack.i.u.bf16.f32 v53;
	v60 =	vadd.f32 v47, v54;
	v47 =	vmul.f32 v61, v56;
	(pc) =	sbr.rel @p0 .LBB2_14-.Ltmp5, $4  }
0x2a6: {  	v25 =	vadd.f32 v58, v51;
	v24 =	vadd.f32 v24, v55;
	v27 =	vunpack.i.u.bf16.f32 v27  }
0x2a7: {  	v48 =	vmul.f32 v62, v28;
	v63 =	vmul.f32 v27, v28;
	v47 =	vadd.f32 v47, v57  }
0x2a8: {  	v28 =	vadd.f32 v25, v44;
	v25 =	vadd.f32 v24, v49  }
0x2a9: {  	s5 =	sadd.s32 $0x4, s5;
	v27 =	vadd.f32 v60, v48;
	v24 =	vadd.f32 v47, v63  }
0x2aa: {  	v2 =	vmul.u32 $0x14, v2;
	_ =	sdelay $0x1  }
0x2ab: {  	v3 =	vadd.s32 v1, v2  }
0x2ac: {  	v2 =	vand.u32 $0x4, v2;
	v4 =	vand.u32 $0x7FFFFFF8, v3  }
0x2ad: {  	s2 =	sor.u32 s8, s2;
	v2 =	vor.u32 v2, v4  }
0x2ae: {  	v49 =	vld [tilespmem:s2+$0x2C00]  }
0x2af: {  	v5 =	vor.u32 $0x1, v2;
	_ =	sdelay $0x1  }
0x2b0: {  	[tilespmem:s2+$0x18E00] =	vst v45;
	v6 =	vor.u32 $0x2, v2  }
0x2b1: {  	[tilespmem:v2+s12+$0x0] =	vst.idx.msk $0xffff, v43  }
0x2b2: {  	v7 =	vor.u32 $0x3, v2;
	[tilespmem:v2+s13+$0x0] =	vst.idx.msk $0xffff, v49  }
0x2b3: {  	[tilespmem:v5+s12+$0x0] =	vst.idx.msk $0xffff, v42  }
0x2b4: {  	v50 =	vadd.s32 $0x4, v3;
	[tilespmem:v5+s13+$0x0] =	vst.idx.msk $0xffff, v49  }
0x2b5: {  	[tilespmem:v6+s12+$0x0] =	vst.idx.msk $0xffff, v39  }
0x2b6: {  	v51 =	vadd.s32 $0x5, v3;
	[tilespmem:v6+s13+$0x0] =	vst.idx.msk $0xffff, v49  }
0x2b7: {  	[tilespmem:v7+s12+$0x0] =	vst.idx.msk $0xffff, v41  }
0x2b8: {  	v52 =	vadd.s32 $0x6, v3;
	[tilespmem:v7+s13+$0x0] =	vst.idx.msk $0xffff, v49  }
0x2b9: {  	[tilespmem:v50+s12+$0x0] =	vst.idx.msk $0xffff, v38  }
0x2ba: {  	v53 =	vadd.s32 $0x7, v3;
	[tilespmem:v50+s13+$0x0] =	vst.idx.msk $0xffff, v49  }
0x2bb: {  	[tilespmem:v51+s12+$0x0] =	vst.idx.msk $0xffff, v40  }
0x2bc: {  	v54 =	vadd.s32 $0x8, v2;
	[tilespmem:v51+s13+$0x0] =	vst.idx.msk $0xffff, v49  }
0x2bd: {  	[tilespmem:v52+s12+$0x0] =	vst.idx.msk $0xffff, v37  }
0x2be: {  	v55 =	vadd.s32 $0x9, v3;
	[tilespmem:v52+s13+$0x0] =	vst.idx.msk $0xffff, v49  }
0x2bf: {  	[tilespmem:v53+s12+$0x0] =	vst.idx.msk $0xffff, v35  }
0x2c0: {  	v56 =	vadd.s32 $0xA, v3;
	[tilespmem:v53+s13+$0x0] =	vst.idx.msk $0xffff, v49  }
0x2c1: {  	[tilespmem:v54+s12+$0x0] =	vst.idx.msk $0xffff, v36  }
0x2c2: {  	v57 =	vadd.s32 $0xB, v3;
	[tilespmem:v54+s13+$0x0] =	vst.idx.msk $0xffff, v49  }
0x2c3: {  	[tilespmem:v55+s12+$0x0] =	vst.idx.msk $0xffff, v33  }
0x2c4: {  	v58 =	vadd.s32 $0xC, v3;
	[tilespmem:v55+s13+$0x0] =	vst.idx.msk $0xffff, v49  }
0x2c5: {  	[tilespmem:v56+s12+$0x0] =	vst.idx.msk $0xffff, v31  }
0x2c6: {  	v59 =	vadd.s32 $0xD, v3;
	[tilespmem:v56+s13+$0x0] =	vst.idx.msk $0xffff, v49  }
0x2c7: {  	[tilespmem:v57+s12+$0x0] =	vst.idx.msk $0xffff, v34  }
0x2c8: {  	v60 =	vadd.s32 $0xE, v3;
	[tilespmem:v57+s13+$0x0] =	vst.idx.msk $0xffff, v49  }
0x2c9: {  	[tilespmem:v58+s12+$0x0] =	vst.idx.msk $0xffff, v32  }
0x2ca: {  	v61 =	vadd.s32 $0xF, v3;
	[tilespmem:v58+s13+$0x0] =	vst.idx.msk $0xffff, v49  }
0x2cb: {  	[tilespmem:v59+s12+$0x0] =	vst.idx.msk $0xffff, v29  }
0x2cc: {  	v2 =	vadd.s32 $0x10, v2;
	[tilespmem:v59+s13+$0x0] =	vst.idx.msk $0xffff, v49  }
0x2cd: {  	[tilespmem:v60+s12+$0x0] =	vst.idx.msk $0xffff, v30  }
0x2ce: {  	v62 =	vadd.s32 $0x11, v3;
	[tilespmem:v60+s13+$0x0] =	vst.idx.msk $0xffff, v49  }
0x2cf: {  	[tilespmem:v61+s12+$0x0] =	vst.idx.msk $0xffff, v26  }
0x2d0: {  	v63 =	vadd.s32 $0x12, v3;
	[tilespmem:v61+s13+$0x0] =	vst.idx.msk $0xffff, v49  }
0x2d1: {  	[tilespmem:v2+s12+$0x0] =	vst.idx.msk $0xffff, v28  }
0x2d2: {  	s9 =	sadd.s32 $0x1, s9;
	[tilespmem:v2+s13+$0x0] =	vst.idx.msk $0xffff, v49;
	v2 =	vadd.s32 $0x13, v3  }
0x2d3: {  	p0 =	sne.s32 s9, $0x4;
	[tilespmem:v62+s12+$0x0] =	vst.idx.msk $0xffff, v27  }
.Ltmp6:
0x2d4: {  	[tilespmem:v62+s13+$0x0] =	vst.idx.msk $0xffff, v49;
	(pc) =	sbr.rel @p0 .LBB2_13-.Ltmp6, $4  }
0x2d5: {  	[tilespmem:v63+s12+$0x0] =	vst.idx.msk $0xffff, v25  }
0x2d6: {  	[tilespmem:v63+s13+$0x0] =	vst.idx.msk $0xffff, v49  }
0x2d7: {  	[tilespmem:v2+s12+$0x0] =	vst.idx.msk $0xffff, v24  }
0x2d8: {  	[tilespmem:v2+s13+$0x0] =	vst.idx.msk $0xffff, v49  }
0x2d9: {  	s7 =	sadd.s32 $0x1, s7  }
0x2da: {  	p0 =	sne.s32 s7, $0x4  }
.Ltmp7:
0x2db: {  	_ = 	snop;
	(pc) =	sbr.rel @p0 .LBB2_8-.Ltmp7, $2  }
0x2dc: {  	_ =	sdelay $0x2  }
0x2dd: {  	_ =	strace $0x9000004D  }
0x2de: {  	_ =	strace $0x8000004E;
	s10 =	simm.s32 $0x0  }
0x2df: {  	s5 =	simm.s32 $0x18E00;
	s8 =	simm.s32 $0x4;
	s2 =	rddreg [dreg:$0x9]  }
0x2e0: {  	[hbm4b:s2+s10] =	stream.linear.scatter [tilespmem:s5], [sflag:$0x4], $0x200, $0x200038;
	[tilespmem:$0x1E000] =	vst v63  }
0x2e1: {  	_ =	swait.ge [sflag:s8], $0x200  }
0x2e2: {  	[sflag:s8] =	ssyncset.done $0x0  }
0x2e3: {  	s9 =	rddreg [dreg:$0xa];
	[sflag:s8] =	ssyncadd.s32 $0xFFFFFE00  }
0x2e4: {  	[hbm4b:s9+s10] =	stream.linear.scatter [tilespmem:s12], [sflag:$0x4], $0x2800, $0x200038;
	[tilespmem:$0x1E000] =	vst v63  }
0x2e5: {  	_ =	swait.ge [sflag:s8], $0x2800  }
0x2e6: {  	[sflag:s8] =	ssyncset.done $0x0  }
0x2e7: {  	s11 =	rddreg [dreg:$0xb];
	[sflag:s8] =	ssyncadd.s32 $0xFFFFD800  }
0x2e8: {  	[hbm4b:s11+s10] =	stream.linear.scatter [tilespmem:s13], [sflag:$0x4], $0x2800, $0x200038;
	[tilespmem:$0x1E000] =	vst v63  }
0x2e9: {  	_ =	swait.ge [sflag:s8], $0x2800  }
0x2ea: {  	s6 =	sadd.s32 $0x1, s6;
	s15 =	rddreg [dreg:$0xc]  }
0x2eb: {  	p0 =	sne.s32 s6, s15  }
.Ltmp8:
0x2ec: {  	_ = 	snop;
	(pc) =	sbr.rel @p0 .LBB2_1-.Ltmp8, $4  }
0x2ed: {  	_ = 	snop  }
0x2ee: {  	[sflag:s8] =	ssyncset.done $0x0  }
0x2ef: {  	[sflag:s8] =	ssyncadd.s32 $0xFFFFD800  }
0x2f0: {  	s9 =	simm.s32 $0x400;
	s8 =	simm.s32 $0x200;
	_ =	strace $0x9000004E  }
0x2f1: {  	_ =	sfence.sel $0x180000  }
0x2f2: {  	[bflag:$0x0] =	sbarrier.arrive $0xFFFF  }
0x2f3: {  	_ =	strace $0x90000047  }
0x2f4: {  	s0 =	stileid.u32;
	[bflag:$0x2] =	sbarrier.arrive $0xFFFF  }
0x2f5: {  	p0 =	sne.s32 s0, $0x0;
	s0 =	rddreg [dreg:$0x4]  }
0x2f6: {  	s0 =	sadd.s32 @!p0 $0x100000, s0  }
0x2f7: {  	[sflag:s0] =	ssyncadd.tile.s32 @!p0 $0x1;
	_ =	shalt  }
.Lfunc_end2:
_tile_overlayer_lowered:
.L_overlay_start_2:
0x2f8: {  	(tag) =	ssettag $0x2  }
0x2f9: {  	s0 =	rddreg [dreg:$0x0];
	s2 =	stileid.u32  }
0x2fa: {  	s1 =	rddreg [dreg:$0x1];
	p0 =	sne.s32 s2, $0x0  }
0x2fb: {  	s3 =	rddreg [dreg:$0x2];
	[bflag:$0x3] =	sbarrier.arrive $0xFFFF;
	s2 =	simm.s32 @!p0 $0x1C04  }
0x2fc: {  	[timem:s3], [sflag:s2] =	dma.local @!p0 [hbm:s0], s1  }
0x2fd: {  	s0 =	simm.s32 @!p0 $0x4  }
0x2fe: {  	_ =	swait.ge @!p0 [sflag:s0], s1  }
0x2ff: {  	s1 =	ssub.s32 @!p0 $0x0, s1;
	[sflag:s0] =	ssyncset.done @!p0 $0x0  }
0x300: {  	[sflag:s0] =	ssyncadd.s32 @!p0 s1  }
0x301: {  	[bflag:$0x3] =	sbarrier.arrive $0xFFFF  }
0x302: {  	_ =	shalt  }

</sc_bundles>
